<compile_context>
chip_gen: v7x
topology: tpu7x:2x2x1
jax: 0.10.2.dev20260603
libtpu: 0.0.44.dev20260713+nightly
codegen_flags: <defaults>
</compile_context>

<pallas_src>
import functools

import jax
import jax.numpy as jnp
from jax import lax
from jax.experimental import pallas as pl
from jax.experimental.pallas import tpu as pltpu
from jax.experimental.pallas import tpu_sc as plsc

_N = 10000
_E = 320000
_G = 64
_NC = 2
_NS = 16
_NW = _NC * _NS
_CH = 128
_NCHUNK = 80
_NCH0, _NCH1 = 144, 16
_SEG0, _SEG1 = 24, 8
_NSEG0, _NSEG1 = 6, 2
_EPT = _CH * _NCHUNK
_EPAD = _EPT * _NW
_NPAD = 10240
_RPT = _NPAD // _NS



def _sc_mesh():
    return plsc.VectorSubcoreMesh(core_axis_name="c", subcore_axis_name="s")


def _sc_degree(dstp, zeros_hist):

    @functools.partial(
        pl.kernel,
        out_type=jax.ShapeDtypeStruct((_NC * _NPAD,), jnp.float32),
        mesh=_sc_mesh(),
        scratch_types=[
            pltpu.VMEM((_EPT,), jnp.int32),
            pltpu.VMEM((_NPAD,), jnp.float32),
            pltpu.VMEM((_RPT,), jnp.float32),
            pltpu.VMEM((_RPT,), jnp.float32),
            pltpu.VMEM_SHARED((_NS, _NPAD), jnp.float32),
        ],
        compiler_params=pltpu.CompilerParams(needs_layout_passes=False),
    )
    def k(dst_hbm, zer_hbm, out_hbm, dix, hist, accb, tmpb, stage):
        c = lax.axis_index("c")
        s = lax.axis_index("s")
        w = c * _NS + s
        pltpu.sync_copy(zer_hbm, hist)
        pltpu.sync_copy(dst_hbm.at[pl.ds(w * _EPT, _EPT)], dix)
        ones = jnp.ones((16,), jnp.float32)

        def body(i, carry):
            idx = dix[pl.ds(i * 16, 16)]
            plsc.addupdate_scatter(hist, [idx], ones)
            return carry

        lax.fori_loop(0, _EPT // 16, body, 0)
        pltpu.sync_copy(hist, stage.at[s])
        plsc.subcore_barrier()

        pltpu.sync_copy(stage.at[0, pl.ds(s * _RPT, _RPT)], accb)
        for j in range(1, _NS):
            pltpu.sync_copy(stage.at[j, pl.ds(s * _RPT, _RPT)], tmpb)

            def addb(i, carry):
                sl = pl.ds(i * 16, 16)
                accb[sl] = accb[sl] + tmpb[sl]
                return carry

            lax.fori_loop(0, _RPT // 16, addb, 0)
        pltpu.sync_copy(accb, out_hbm.at[pl.ds(c * _NPAD + s * _RPT, _RPT)])

    return k(dstp, zeros_hist)


def _sc_prop(m, src2d, dst2d, zeros_rows):

    @functools.partial(
        pl.kernel,
        out_type=jax.ShapeDtypeStruct((_NC * _NPAD, 128), jnp.float32),
        mesh=_sc_mesh(),
        scratch_types=[
            pltpu.VMEM((_SEG0, _CH), jnp.int32),
            pltpu.VMEM((_SEG0, _CH), jnp.int32),
            pltpu.VMEM((_CH, 128), jnp.float32),
            pltpu.VMEM((_CH, 128), jnp.float32),
            pltpu.VMEM_SHARED((_NPAD, 128), jnp.float32),
            pltpu.SemaphoreType.DMA,
            pltpu.SemaphoreType.DMA,
        ],
    )
    def k(m_hbm, src_hbm, dst_hbm, zer_hbm, out_hbm,
          six2, dix2, rows0, rows1, acc, gsem, ssem):
        c = lax.axis_index("c")
        s = lax.axis_index("s")
        pltpu.sync_copy(zer_hbm, acc.at[pl.ds(s * _RPT, _RPT)])
        plsc.subcore_barrier()

        bufs = (rows0, rows1)

        def fire_gather(g, buf):
            pltpu.async_copy(m_hbm.at[six2.at[g]], buf, gsem)

        def drain_gather(buf):
            pltpu.make_async_copy(m_hbm.at[pl.ds(0, _CH)], buf, gsem).wait()

        def fire_scatter(g, buf):
            pltpu.async_copy(buf, acc.at[dix2.at[g]], ssem, add=True)

        def drain_scatter(buf):
            pltpu.make_async_copy(buf, acc.at[pl.ds(0, _CH)], ssem).wait()

        def run_seg(row0, nch):
            pltpu.sync_copy(src_hbm.at[pl.ds(row0, nch)],
                            six2.at[pl.ds(0, nch)])
            pltpu.sync_copy(dst_hbm.at[pl.ds(row0, nch)],
                            dix2.at[pl.ds(0, nch)])
            fire_gather(0, bufs[0])

            def body(tt, carry):
                for ph in (0, 1):
                    g = 2 * tt + ph
                    buf = bufs[ph]
                    drain_gather(buf)
                    fire_scatter(g, buf)

                    @pl.when(g >= 1)
                    def _():
                        drain_scatter(bufs[1 - ph])

                    @pl.when(g + 1 < nch)
                    def _():
                        fire_gather(g + 1, bufs[1 - ph])
                return carry

            lax.fori_loop(0, nch // 2, body, 0)
            drain_scatter(bufs[1])

        @pl.when(c == 0)
        def _():
            for seg in range(_NSEG0):
                run_seg(s * _NCH0 + seg * _SEG0, _SEG0)

        @pl.when(c == 1)
        def _():
            base = _NS * _NCH0
            for seg in range(_NSEG1):
                run_seg(base + s * _NCH1 + seg * _SEG1, _SEG1)

        plsc.subcore_barrier()
        pltpu.sync_copy(acc.at[pl.ds(s * _RPT, _RPT)],
                        out_hbm.at[pl.ds(c * _NPAD + s * _RPT, _RPT)])

    return k(m, src2d, dst2d, zeros_rows)



def _tc_prep(x, deg0, deg1):

    def body(x_ref, d0_ref, d1_ref, m0_ref, dinv_ref):
        deg = d0_ref[...] + d1_ref[...] + 1.0
        dinv = 1.0 / jnp.sqrt(deg)
        dinv_ref[...] = dinv
        m0_ref[...] = x_ref[...] * dinv

    return pl.pallas_call(
        body,
        out_shape=(
            jax.ShapeDtypeStruct((_N, 128), jnp.float32),
            jax.ShapeDtypeStruct((_N, 1), jnp.float32),
        ),
    )(x, deg0, deg1)


def _tc_mid(p0, p1, m0, dinv, W_a1, b_a1, W_x1, b_x1, W_a2, W_x2):

    def body(p0_ref, p1_ref, m0_ref, dinv_ref, wa1, ba1, wx1, bx1, wa2, wx2,
             m1_ref):
        P = (p0_ref[...] + p1_ref[...] + m0_ref[...]) * dinv_ref[...]
        a1 = jnp.maximum(
            jnp.dot(P, wa1[...], preferred_element_type=jnp.float32) + ba1[...],
            0.0)
        x1 = jnp.maximum(
            jnp.dot(P, wx1[...], preferred_element_type=jnp.float32) + bx1[...],
            0.0)
        ha = jnp.dot(a1, wa2[...], preferred_element_type=jnp.float32)
        hx = jnp.dot(x1, wx2[...], preferred_element_type=jnp.float32)
        m1_ref[...] = jnp.concatenate([ha, hx], axis=1) * dinv_ref[...]

    nb = 10
    rb = _N // nb
    return pl.pallas_call(
        body,
        grid=(nb,),
        in_specs=[
            pl.BlockSpec((rb, 128), lambda i: (i, 0)),
            pl.BlockSpec((rb, 128), lambda i: (i, 0)),
            pl.BlockSpec((rb, 128), lambda i: (i, 0)),
            pl.BlockSpec((rb, 1), lambda i: (i, 0)),
            pl.BlockSpec((128, 128), lambda i: (0, 0)),
            pl.BlockSpec((1, 128), lambda i: (0, 0)),
            pl.BlockSpec((128, 128), lambda i: (0, 0)),
            pl.BlockSpec((1, 128), lambda i: (0, 0)),
            pl.BlockSpec((128, 64), lambda i: (0, 0)),
            pl.BlockSpec((128, 64), lambda i: (0, 0)),
        ],
        out_specs=pl.BlockSpec((rb, 128), lambda i: (i, 0)),
        out_shape=jax.ShapeDtypeStruct((_N, 128), jnp.float32),
    )(p0, p1, m0, dinv, W_a1, b_a1, W_x1, b_x1, W_a2, W_x2)


def _tc_pre(q0, q1, m1, dinv, batch_col, b_a2, b_x2):

    def body(q0_ref, q1_ref, m1_ref, dinv_ref, b_ref, ba2, bx2,
             s_ref, x2_ref, oh_ref):
        q = (q0_ref[...] + q1_ref[...] + m1_ref[...]) * dinv_ref[...]
        s_ref[...] = q[:, :64] + ba2[...]
        x2_ref[...] = jnp.maximum(q[:, 64:] + bx2[...], 0.0)
        oh_ref[...] = (b_ref[...] == lax.broadcasted_iota(jnp.int32, (1, _G), 1)
                       ).astype(jnp.float32)

    return pl.pallas_call(
        body,
        out_shape=(
            jax.ShapeDtypeStruct((_N, 64), jnp.float32),
            jax.ShapeDtypeStruct((_N, 64), jnp.float32),
            jax.ShapeDtypeStruct((_N, _G), jnp.float32),
        ),
    )(q0, q1, m1, dinv, batch_col, b_a2, b_x2)


def _tc_segmax(s, batch_col):

    def body(s_ref, b_ref, m_ref):
        gb = pl.program_id(0) * 8
        b = b_ref[...]
        s = s_ref[...]
        rows = [jnp.max(jnp.where(b == gb + j, s, -jnp.inf), axis=0,
                        keepdims=True) for j in range(8)]
        m_ref[...] = jnp.concatenate(rows, axis=0)

    return pl.pallas_call(
        body,
        grid=(_G // 8,),
        in_specs=[
            pl.BlockSpec((_N, 64), lambda i: (0, 0)),
            pl.BlockSpec((_N, 1), lambda i: (0, 0)),
        ],
        out_specs=pl.BlockSpec((8, 64), lambda i: (i, 0)),
        out_shape=jax.ShapeDtypeStruct((_G, 64), jnp.float32),
    )(s, batch_col)


def _tc_softmax_norm(s, m, onehot):

    def body(s_ref, m_ref, oh_ref, a2_ref):
        m = m_ref[...]
        m = jnp.where(jnp.isfinite(m), m, 0.0)
        onehot = oh_ref[...]
        mb = jnp.dot(onehot, m, preferred_element_type=jnp.float32)
        e = jnp.exp(s_ref[...] - mb)
        S = lax.dot_general(onehot, e, (((0,), (0,)), ((), ())),
                            preferred_element_type=jnp.float32)
        Sb = jnp.dot(onehot, S, preferred_element_type=jnp.float32)
        a2_ref[...] = e / (Sb + 1e-16)

    return pl.pallas_call(
        body,
        out_shape=jax.ShapeDtypeStruct((_N, 64), jnp.float32),
    )(s, m, onehot)


def _tc_outer(a2, x2, batch_col):

    def body(a2_ref, x2_ref, b_ref, t_ref):
        g = pl.program_id(0)
        mask = (b_ref[...] == g).astype(jnp.float32)
        Ag = a2_ref[...] * mask
        t_ref[0] = lax.dot_general(Ag, x2_ref[...], (((0,), (0,)), ((), ())),
                                   preferred_element_type=jnp.float32)

    return pl.pallas_call(
        body,
        grid=(_G,),
        in_specs=[
            pl.BlockSpec((_N, 64), lambda g: (0, 0)),
            pl.BlockSpec((_N, 64), lambda g: (0, 0)),
            pl.BlockSpec((_N, 1), lambda g: (0, 0)),
        ],
        out_specs=pl.BlockSpec((1, 64, 64), lambda g: (g, 0, 0)),
        out_shape=jax.ShapeDtypeStruct((_G, 64, 64), jnp.float32),
    )(a2, x2, batch_col)


def _tc_head(tflat, W_lin, b_lin):

    def body(t_ref, wl, bl, out_ref):
        logits = jnp.dot(t_ref[...], wl[...],
                         preferred_element_type=jnp.float32) + bl[...]
        lm = jnp.max(logits, axis=1, keepdims=True)
        le = jnp.exp(logits - lm)
        out_ref[...] = le / jnp.sum(le, axis=1, keepdims=True)

    return pl.pallas_call(
        body,
        out_shape=jax.ShapeDtypeStruct((_G, 10), jnp.float32),
    )(tflat, W_lin, b_lin)



def kernel(x, edge_index, batch, num_graphs, W_a1, b_a1, W_a2, b_a2,
           W_x1, b_x1, W_x2, b_x2, W_lin, b_lin):
    src = edge_index[0]
    dst = edge_index[1]
    npad_e = _EPAD - _E
    srcp = jnp.concatenate([src, jnp.zeros((npad_e,), jnp.int32)])
    dstp = jnp.concatenate([dst, jnp.full((npad_e,), _N, jnp.int32)])
    src2d = srcp.reshape(_EPAD // _CH, _CH)
    dst2d = dstp.reshape(_EPAD // _CH, _CH)

    zeros_hist = jnp.zeros((_NPAD,), jnp.float32)
    zeros_rows = jnp.zeros((_RPT, 128), jnp.float32)

    degf = _sc_degree(dstp, zeros_hist)
    deg0 = degf[:_N].reshape(_N, 1)
    deg1 = degf[_NPAD:_NPAD + _N].reshape(_N, 1)

    m0, dinv = _tc_prep(x, deg0, deg1)

    p = _sc_prop(m0, src2d, dst2d, zeros_rows)
    m1 = _tc_mid(p[:_N], p[_NPAD:_NPAD + _N], m0, dinv,
                 W_a1, b_a1.reshape(1, 128), W_x1, b_x1.reshape(1, 128),
                 W_a2, W_x2)

    q = _sc_prop(m1, src2d, dst2d, zeros_rows)
    batch_col = batch.reshape(_N, 1)
    s, x2, onehot = _tc_pre(q[:_N], q[_NPAD:_NPAD + _N], m1, dinv,
                            batch_col, b_a2.reshape(1, 64),
                            b_x2.reshape(1, 64))
    m = _tc_segmax(s, batch_col)
    a2 = _tc_softmax_norm(s, m, onehot)
    tall = _tc_outer(a2, x2, batch_col)
    out = _tc_head(tall.reshape(_G, 64 * 64), W_lin, b_lin.reshape(1, 10))
    return out

# --- scband reference (transcript-rebuilt; emitter-appended) ---
"""Pipeline reference for scband-pi-net-57191784513670 (READ-ONLY COPY).

The authoritative reference and input builder live on the scoring server;
editing this copy changes nothing except your own understanding.
"""

import jax, jax.numpy as jnp
import numpy as np

N = 10000
E = 320000
D0 = 128
D1 = 128
D2 = 64
DOUT = 10
G = 64


def _glorot(k, shape):
    lim = float(np.sqrt(6.0 / (shape[0] + shape[1])))
    return jax.random.uniform(k, shape, jnp.float32, -lim, lim)


def setup_inputs(seed: int = 0) -> dict:
    key = jax.random.key(seed)
    ks = jax.random.split(key, 16)
    x = jax.random.normal(ks[0], (N, D0), dtype=jnp.float32)
    edge_index = jax.random.randint(ks[1], (2, E), 0, N, dtype=jnp.int32)
    batch = jnp.sort(jax.random.randint(ks[2], (N,), 0, G, dtype=jnp.int32))
    W_a1 = _glorot(ks[3], (D0, D1)); b_a1 = jnp.zeros((D1,), jnp.float32)
    W_a2 = _glorot(ks[4], (D1, D2)); b_a2 = jnp.zeros((D2,), jnp.float32)
    W_x1 = _glorot(ks[5], (D0, D1)); b_x1 = jnp.zeros((D1,), jnp.float32)
    W_x2 = _glorot(ks[6], (D1, D2)); b_x2 = jnp.zeros((D2,), jnp.float32)
    W_lin = _glorot(ks[7], (D2 * D2, DOUT)); b_lin = jnp.zeros((DOUT,), jnp.float32)
    return {"x": x, "edge_index": edge_index, "batch": batch, "num_graphs": G,
            "W_a1": W_a1, "b_a1": b_a1, "W_a2": W_a2, "b_a2": b_a2,
            "W_x1": W_x1, "b_x1": b_x1, "W_x2": W_x2, "b_x2": b_x2,
            "W_lin": W_lin, "b_lin": b_lin}


def _gcn(x, W, b, src, dst, norm, n_nodes):
    h = x @ W
    msg = h[src] * norm[:, None]
    out = jnp.zeros((n_nodes, h.shape[1]), h.dtype).at[dst].add(msg)
    return out + b


def _segment_softmax(vals, seg, num_segments):
    m = jax.ops.segment_max(vals, seg, num_segments=num_segments)
    m = jnp.where(jnp.isfinite(m), m, 0.0)
    e = jnp.exp(vals - m[seg])
    s = jax.ops.segment_sum(e, seg, num_segments=num_segments)
    return e / (s[seg] + 1e-16)


def reference(x, edge_index, batch, num_graphs, W_a1, b_a1, W_a2, b_a2, W_x1, b_x1, W_x2, b_x2, W_lin, b_lin):
    n_nodes = x.shape[0]
    ng = G
    src = edge_index[0]
    dst = edge_index[1]
    loop = jnp.arange(n_nodes, dtype=src.dtype)
    src2 = jnp.concatenate([src, loop])
    dst2 = jnp.concatenate([dst, loop])
    deg = jax.ops.segment_sum(jnp.ones(src2.shape[0], jnp.float32), dst2, num_segments=n_nodes)
    dinv = jnp.where(deg > 0, 1.0 / jnp.sqrt(jnp.where(deg > 0, deg, 1.0)), 0.0)
    norm = dinv[src2] * dinv[dst2]
    a1 = jax.nn.relu(_gcn(x, W_a1, b_a1, src2, dst2, norm, n_nodes))
    a2 = _segment_softmax(_gcn(a1, W_a2, b_a2, src2, dst2, norm, n_nodes), batch, ng)
    x1 = jax.nn.relu(_gcn(x, W_x1, b_x1, src2, dst2, norm, n_nodes))
    x2 = jax.nn.relu(_gcn(x1, W_x2, b_x2, src2, dst2, norm, n_nodes))
    counts = jax.ops.segment_sum(jnp.ones((n_nodes,), jnp.int32), batch, num_segments=ng)
    offsets = jnp.concatenate([jnp.zeros((1,), counts.dtype), jnp.cumsum(counts)[:-1]])
    pos = (jnp.arange(n_nodes) - offsets[batch]).astype(jnp.int32)
    pos = pos + (jnp.asarray(num_graphs, jnp.int32) - jnp.int32(ng))
    a_b = jnp.zeros((ng, n_nodes, a2.shape[1]), jnp.float32).at[batch, pos].set(a2)
    x_b = jnp.zeros((ng, n_nodes, x2.shape[1]), jnp.float32).at[batch, pos].set(x2)
    prods = jnp.einsum('gmd,gme->gde', a_b, x_b)
    flat = prods.reshape(ng, -1)
    out = flat @ W_lin + b_lin
    return jax.nn.softmax(out, axis=-1)

if __name__ == "__main__":
    import jax
    _d = setup_inputs()
    print(jax.jit(kernel)(*tuple(_d.values())))

</pallas_src>

<mosaic_0001>
#map = affine_map<(d0, d1) -> (0, 0)>
module attributes {stable_mosaic.version = 14 : i64} {
  func.func @k(%arg0: i32, %arg1: i32, %arg2: memref<10000x128xf32, #tpu.memory_space<hbm>>, %arg3: memref<2560x128xi32, #tpu.memory_space<hbm>>, %arg4: memref<2560x128xi32, #tpu.memory_space<hbm>>, %arg5: memref<640x128xf32, #tpu.memory_space<hbm>>, %arg6: memref<20480x128xf32, #tpu.memory_space<hbm>>, %arg7: memref<24x128xi32, #tpu.memory_space<vmem>>, %arg8: memref<24x128xi32, #tpu.memory_space<vmem>>, %arg9: memref<128x128xf32, #tpu.memory_space<vmem>>, %arg10: memref<128x128xf32, #tpu.memory_space<vmem>>, %arg11: memref<10240x128xf32, #tpu.memory_space<vmem_shared>>, %arg12: memref<!tpu.dma_semaphore, #tpu.memory_space<semaphore_mem>>, %arg13: memref<!tpu.dma_semaphore, #tpu.memory_space<semaphore_mem>>) attributes {dimension_semantics = [#tpu.dimension_semantics<core_parallel>, #tpu.dimension_semantics<subcore_parallel>], iteration_bounds = array<i64: 2, 16>, scalar_prefetch = 0 : i64, scratch_operands = 7 : i64, tpu.core_type = #tpu.core_type<sc_vector_subcore>, window_params = [{transform_indices = #map}, {transform_indices = #map}, {transform_indices = #map}, {transform_indices = #map}, {transform_indices = #map}]} {
    %mul3A = arith.constant 640 : i32
    %mul3A_0 = arith.muli %arg1, %mul3A : i32
    "tpu.region"() ({
      %run_scoped3A = tpu.sem_alloc : memref<!tpu.dma_semaphore, #tpu.memory_space<semaphore_mem>>
      %dma_start3A = arith.constant 0 : i32
      %dma_start3A_15 = tpu.memref_slice %arg11[%mul3A_0, %dma_start3A] : memref<10240x128xf32, #tpu.memory_space<vmem_shared>> -> memref<640x128xf32, #tpu.memory_space<vmem_shared>>
      tpu.enqueue_dma source(%arg5 : memref<640x128xf32, #tpu.memory_space<hbm>>) target(%dma_start3A_15 : memref<640x128xf32, #tpu.memory_space<vmem_shared>>) target_semaphore(%run_scoped3A : memref<!tpu.dma_semaphore, #tpu.memory_space<semaphore_mem>>)
      %dma_wait3A = arith.constant 0 : i32
      %dma_wait3A_16 = tpu.memref_slice %arg11[%mul3A_0, %dma_wait3A] : memref<10240x128xf32, #tpu.memory_space<vmem_shared>> -> memref<640x128xf32, #tpu.memory_space<vmem_shared>>
      tpu.wait_dma2 semaphore(%run_scoped3A : memref<!tpu.dma_semaphore, #tpu.memory_space<semaphore_mem>>) src(%arg5 : memref<640x128xf32, #tpu.memory_space<hbm>>) dst(%dma_wait3A_16 : memref<640x128xf32, #tpu.memory_space<vmem_shared>>)
      tpu.yield
    }) : () -> ()
    %barrier3A = arith.constant 0 : index
    tpu.barrier barrier_id(%barrier3A)
    %eq3A = arith.constant 0 : i32
    %eq3A_1 = arith.cmpi eq, %arg0, %eq3A : i32
    %convert_element_type3A = arith.extui %eq3A_1 : i1 to i32
    %cond3A = arith.constant 0 : i32
    %cond3A_2 = arith.cmpi ne, %convert_element_type3A, %cond3A : i32
    scf.if %cond3A_2 {
      %mul3A_15 = arith.constant 144 : i32
      %mul3A_16 = arith.muli %arg1, %mul3A_15 : i32
      %add3A_17 = arith.constant 0 : i32
      %add3A_18 = arith.addi %mul3A_16, %add3A_17 : i32
      "tpu.region"() ({
        %run_scoped3A = tpu.sem_alloc : memref<!tpu.dma_semaphore, #tpu.memory_space<semaphore_mem>>
        %dma_start3A_150 = arith.constant 0 : i32
        %dma_start3A_151 = arith.constant 0 : i32
        %dma_start3A_152 = tpu.memref_slice %arg7[%dma_start3A_150, %dma_start3A_151] : memref<24x128xi32, #tpu.memory_space<vmem>> -> memref<24x128xi32, #tpu.memory_space<vmem>>
        %dma_start3A_153 = arith.constant 0 : i32
        %dma_start3A_154 = tpu.memref_slice %arg3[%add3A_18, %dma_start3A_153] : memref<2560x128xi32, #tpu.memory_space<hbm>> -> memref<24x128xi32, #tpu.memory_space<hbm>>
        %dma_start3A_155 = arith.constant 0 : i32
        %dma_start3A_156 = arith.constant 0 : i32
        %dma_start3A_157 = tpu.memref_slice %arg7[%dma_start3A_155, %dma_start3A_156] : memref<24x128xi32, #tpu.memory_space<vmem>> -> memref<24x128xi32, #tpu.memory_space<vmem>>
        %dma_start3A_158 = arith.constant 0 : i32
        %dma_start3A_159 = tpu.memref_slice %arg3[%add3A_18, %dma_start3A_158] : memref<2560x128xi32, #tpu.memory_space<hbm>> -> memref<24x128xi32, #tpu.memory_space<hbm>>
        tpu.enqueue_dma source(%dma_start3A_159 : memref<24x128xi32, #tpu.memory_space<hbm>>) target(%dma_start3A_157 : memref<24x128xi32, #tpu.memory_space<vmem>>) target_semaphore(%run_scoped3A : memref<!tpu.dma_semaphore, #tpu.memory_space<semaphore_mem>>)
        %dma_wait3A_160 = arith.constant 0 : i32
        %dma_wait3A_161 = arith.constant 0 : i32
        %dma_wait3A_162 = tpu.memref_slice %arg7[%dma_wait3A_160, %dma_wait3A_161] : memref<24x128xi32, #tpu.memory_space<vmem>> -> memref<24x128xi32, #tpu.memory_space<vmem>>
        %dma_wait3A_163 = arith.constant 0 : i32
        %dma_wait3A_164 = tpu.memref_slice %arg3[%add3A_18, %dma_wait3A_163] : memref<2560x128xi32, #tpu.memory_space<hbm>> -> memref<24x128xi32, #tpu.memory_space<hbm>>
        %dma_wait3A_165 = arith.constant 0 : i32
        %dma_wait3A_166 = arith.constant 0 : i32
        %dma_wait3A_167 = tpu.memref_slice %arg7[%dma_wait3A_165, %dma_wait3A_166] : memref<24x128xi32, #tpu.memory_space<vmem>> -> memref<24x128xi32, #tpu.memory_space<vmem>>
        %dma_wait3A_168 = arith.constant 0 : i32
        %dma_wait3A_169 = tpu.memref_slice %arg3[%add3A_18, %dma_wait3A_168] : memref<2560x128xi32, #tpu.memory_space<hbm>> -> memref<24x128xi32, #tpu.memory_space<hbm>>
        tpu.wait_dma2 semaphore(%run_scoped3A : memref<!tpu.dma_semaphore, #tpu.memory_space<semaphore_mem>>) src(%dma_wait3A_169 : memref<24x128xi32, #tpu.memory_space<hbm>>) dst(%dma_wait3A_167 : memref<24x128xi32, #tpu.memory_space<vmem>>)
        tpu.yield
      }) : () -> ()
      "tpu.region"() ({
        %run_scoped3A = tpu.sem_alloc : memref<!tpu.dma_semaphore, #tpu.memory_space<semaphore_mem>>
        %dma_start3A_150 = arith.constant 0 : i32
        %dma_start3A_151 = arith.constant 0 : i32
        %dma_start3A_152 = tpu.memref_slice %arg8[%dma_start3A_150, %dma_start3A_151] : memref<24x128xi32, #tpu.memory_space<vmem>> -> memref<24x128xi32, #tpu.memory_space<vmem>>
        %dma_start3A_153 = arith.constant 0 : i32
        %dma_start3A_154 = tpu.memref_slice %arg4[%add3A_18, %dma_start3A_153] : memref<2560x128xi32, #tpu.memory_space<hbm>> -> memref<24x128xi32, #tpu.memory_space<hbm>>
        %dma_start3A_155 = arith.constant 0 : i32
        %dma_start3A_156 = arith.constant 0 : i32
        %dma_start3A_157 = tpu.memref_slice %arg8[%dma_start3A_155, %dma_start3A_156] : memref<24x128xi32, #tpu.memory_space<vmem>> -> memref<24x128xi32, #tpu.memory_space<vmem>>
        %dma_start3A_158 = arith.constant 0 : i32
        %dma_start3A_159 = tpu.memref_slice %arg4[%add3A_18, %dma_start3A_158] : memref<2560x128xi32, #tpu.memory_space<hbm>> -> memref<24x128xi32, #tpu.memory_space<hbm>>
        tpu.enqueue_dma source(%dma_start3A_159 : memref<24x128xi32, #tpu.memory_space<hbm>>) target(%dma_start3A_157 : memref<24x128xi32, #tpu.memory_space<vmem>>) target_semaphore(%run_scoped3A : memref<!tpu.dma_semaphore, #tpu.memory_space<semaphore_mem>>)
        %dma_wait3A_160 = arith.constant 0 : i32
        %dma_wait3A_161 = arith.constant 0 : i32
        %dma_wait3A_162 = tpu.memref_slice %arg8[%dma_wait3A_160, %dma_wait3A_161] : memref<24x128xi32, #tpu.memory_space<vmem>> -> memref<24x128xi32, #tpu.memory_space<vmem>>
        %dma_wait3A_163 = arith.constant 0 : i32
        %dma_wait3A_164 = tpu.memref_slice %arg4[%add3A_18, %dma_wait3A_163] : memref<2560x128xi32, #tpu.memory_space<hbm>> -> memref<24x128xi32, #tpu.memory_space<hbm>>
        %dma_wait3A_165 = arith.constant 0 : i32
        %dma_wait3A_166 = arith.constant 0 : i32
        %dma_wait3A_167 = tpu.memref_slice %arg8[%dma_wait3A_165, %dma_wait3A_166] : memref<24x128xi32, #tpu.memory_space<vmem>> -> memref<24x128xi32, #tpu.memory_space<vmem>>
        %dma_wait3A_168 = arith.constant 0 : i32
        %dma_wait3A_169 = tpu.memref_slice %arg4[%add3A_18, %dma_wait3A_168] : memref<2560x128xi32, #tpu.memory_space<hbm>> -> memref<24x128xi32, #tpu.memory_space<hbm>>
        tpu.wait_dma2 semaphore(%run_scoped3A : memref<!tpu.dma_semaphore, #tpu.memory_space<semaphore_mem>>) src(%dma_wait3A_169 : memref<24x128xi32, #tpu.memory_space<hbm>>) dst(%dma_wait3A_167 : memref<24x128xi32, #tpu.memory_space<vmem>>)
        tpu.yield
      }) : () -> ()
      %dma_start3A = arith.constant 0 : i32
      %dma_start3A_19 = arith.constant 0 : i32
      %dma_start3A_20 = tpu.memref_slice %arg7[%dma_start3A, %dma_start3A_19] : memref<24x128xi32, #tpu.memory_space<vmem>> -> memref<1x128xi32, #tpu.memory_space<vmem>>
      %dma_start3A_21 = tpu.memref_squeeze %dma_start3A_20 : memref<1x128xi32, #tpu.memory_space<vmem>> -> memref<128xi32, #tpu.memory_space<vmem>>
      %dma_start3A_22 = arith.constant 0 : i32
      %dma_start3A_23 = arith.constant 0 : i32
      %dma_start3A_24 = tpu.memref_slice %arg2[%dma_start3A_22, %dma_start3A_23] : memref<10000x128xf32, #tpu.memory_space<hbm>> -> memref<10000x128xf32, #tpu.memory_space<hbm>>
      tpu.enqueue_indirect_dma source(%dma_start3A_24 : memref<10000x128xf32, #tpu.memory_space<hbm>>) target(%arg9 : memref<128x128xf32, #tpu.memory_space<vmem>>) offsets(%dma_start3A_21 : memref<128xi32, #tpu.memory_space<vmem>>) semaphore(%arg12 : memref<!tpu.dma_semaphore, #tpu.memory_space<semaphore_mem>>)
      %scan3A = arith.constant 0 : i32
      %scan3A_25 = arith.constant 0 : i32
      %scan3A_26 = arith.constant 12 : i32
      %scan3A_27 = arith.addi %scan3A_25, %scan3A_26 : i32
      %scan3A_28 = arith.constant 1 : i32
      scf.for %scan3A_150 = %scan3A_25 to %scan3A_27 step %scan3A_28  : i32 {
        %mul3A_151 = arith.constant 2 : i32
        %mul3A_152 = arith.muli %mul3A_151, %scan3A_150 : i32
        %add3A_153 = arith.constant 0 : i32
        %add3A_154 = arith.addi %mul3A_152, %add3A_153 : i32
        %dma_wait3A_155 = arith.constant 0 : i32
        %dma_wait3A_156 = arith.constant 0 : i32
        %dma_wait3A_157 = tpu.memref_slice %arg2[%dma_wait3A_155, %dma_wait3A_156] : memref<10000x128xf32, #tpu.memory_space<hbm>> -> memref<128x128xf32, #tpu.memory_space<hbm>>
        %dma_wait3A_158 = arith.constant 0 : i32
        %dma_wait3A_159 = arith.constant 0 : i32
        %dma_wait3A_160 = tpu.memref_slice %arg2[%dma_wait3A_158, %dma_wait3A_159] : memref<10000x128xf32, #tpu.memory_space<hbm>> -> memref<128x128xf32, #tpu.memory_space<hbm>>
        tpu.wait_dma2 semaphore(%arg12 : memref<!tpu.dma_semaphore, #tpu.memory_space<semaphore_mem>>) src(%dma_wait3A_160 : memref<128x128xf32, #tpu.memory_space<hbm>>) dst(%arg9 : memref<128x128xf32, #tpu.memory_space<vmem>>)
        %dma_start3A_161 = arith.constant 0 : i32
        %dma_start3A_162 = tpu.memref_slice %arg8[%add3A_154, %dma_start3A_161] : memref<24x128xi32, #tpu.memory_space<vmem>> -> memref<1x128xi32, #tpu.memory_space<vmem>>
        %dma_start3A_163 = tpu.memref_squeeze %dma_start3A_162 : memref<1x128xi32, #tpu.memory_space<vmem>> -> memref<128xi32, #tpu.memory_space<vmem>>
        %dma_start3A_164 = arith.constant 0 : i32
        %dma_start3A_165 = arith.constant 0 : i32
        %dma_start3A_166 = tpu.memref_slice %arg11[%dma_start3A_164, %dma_start3A_165] : memref<10240x128xf32, #tpu.memory_space<vmem_shared>> -> memref<10240x128xf32, #tpu.memory_space<vmem_shared>>
        tpu.enqueue_indirect_dma source(%arg9 : memref<128x128xf32, #tpu.memory_space<vmem>>) target(%dma_start3A_166 : memref<10240x128xf32, #tpu.memory_space<vmem_shared>>) offsets(%dma_start3A_163 : memref<128xi32, #tpu.memory_space<vmem>>) semaphore(%arg13 : memref<!tpu.dma_semaphore, #tpu.memory_space<semaphore_mem>>) {add = true}
        %ge3A = arith.constant 1 : i32
        %ge3A_167 = arith.cmpi sge, %add3A_154, %ge3A : i32
        %convert_element_type3A_168 = arith.extui %ge3A_167 : i1 to i32
        %cond3A_169 = arith.constant 0 : i32
        %cond3A_170 = arith.cmpi ne, %convert_element_type3A_168, %cond3A_169 : i32
        scf.if %cond3A_170 {
          %dma_wait3A_205 = arith.constant 0 : i32
          %dma_wait3A_206 = arith.constant 0 : i32
          %dma_wait3A_207 = tpu.memref_slice %arg11[%dma_wait3A_205, %dma_wait3A_206] : memref<10240x128xf32, #tpu.memory_space<vmem_shared>> -> memref<128x128xf32, #tpu.memory_space<vmem_shared>>
          %dma_wait3A_208 = arith.constant 0 : i32
          %dma_wait3A_209 = arith.constant 0 : i32
          %dma_wait3A_210 = tpu.memref_slice %arg11[%dma_wait3A_208, %dma_wait3A_209] : memref<10240x128xf32, #tpu.memory_space<vmem_shared>> -> memref<128x128xf32, #tpu.memory_space<vmem_shared>>
          tpu.wait_dma2 semaphore(%arg13 : memref<!tpu.dma_semaphore, #tpu.memory_space<semaphore_mem>>) src(%arg10 : memref<128x128xf32, #tpu.memory_space<vmem>>) dst(%dma_wait3A_210 : memref<128x128xf32, #tpu.memory_space<vmem_shared>>)
        } else {
        }
        %add3A_171 = arith.constant 1 : i32
        %add3A_172 = arith.addi %add3A_154, %add3A_171 : i32
        %lt3A = arith.constant 24 : i32
        %lt3A_173 = arith.cmpi slt, %add3A_172, %lt3A : i32
        %convert_element_type3A_174 = arith.extui %lt3A_173 : i1 to i32
        %cond3A_175 = arith.constant 0 : i32
        %cond3A_176 = arith.cmpi ne, %convert_element_type3A_174, %cond3A_175 : i32
        scf.if %cond3A_176 {
          %add3A_205 = arith.constant 1 : i32
          %add3A_206 = arith.addi %add3A_154, %add3A_205 : i32
          %dma_start3A_207 = arith.constant 0 : i32
          %dma_start3A_208 = tpu.memref_slice %arg7[%add3A_206, %dma_start3A_207] : memref<24x128xi32, #tpu.memory_space<vmem>> -> memref<1x128xi32, #tpu.memory_space<vmem>>
          %dma_start3A_209 = tpu.memref_squeeze %dma_start3A_208 : memref<1x128xi32, #tpu.memory_space<vmem>> -> memref<128xi32, #tpu.memory_space<vmem>>
          %dma_start3A_210 = arith.constant 0 : i32
          %dma_start3A_211 = arith.constant 0 : i32
          %dma_start3A_212 = tpu.memref_slice %arg2[%dma_start3A_210, %dma_start3A_211] : memref<10000x128xf32, #tpu.memory_space<hbm>> -> memref<10000x128xf32, #tpu.memory_space<hbm>>
          tpu.enqueue_indirect_dma source(%dma_start3A_212 : memref<10000x128xf32, #tpu.memory_space<hbm>>) target(%arg10 : memref<128x128xf32, #tpu.memory_space<vmem>>) offsets(%dma_start3A_209 : memref<128xi32, #tpu.memory_space<vmem>>) semaphore(%arg12 : memref<!tpu.dma_semaphore, #tpu.memory_space<semaphore_mem>>)
        } else {
        }
        %mul3A_177 = arith.constant 2 : i32
        %mul3A_178 = arith.muli %mul3A_177, %scan3A_150 : i32
        %add3A_179 = arith.constant 1 : i32
        %add3A_180 = arith.addi %mul3A_178, %add3A_179 : i32
        %dma_wait3A_181 = arith.constant 0 : i32
        %dma_wait3A_182 = arith.constant 0 : i32
        %dma_wait3A_183 = tpu.memref_slice %arg2[%dma_wait3A_181, %dma_wait3A_182] : memref<10000x128xf32, #tpu.memory_space<hbm>> -> memref<128x128xf32, #tpu.memory_space<hbm>>
        %dma_wait3A_184 = arith.constant 0 : i32
        %dma_wait3A_185 = arith.constant 0 : i32
        %dma_wait3A_186 = tpu.memref_slice %arg2[%dma_wait3A_184, %dma_wait3A_185] : memref<10000x128xf32, #tpu.memory_space<hbm>> -> memref<128x128xf32, #tpu.memory_space<hbm>>
        tpu.wait_dma2 semaphore(%arg12 : memref<!tpu.dma_semaphore, #tpu.memory_space<semaphore_mem>>) src(%dma_wait3A_186 : memref<128x128xf32, #tpu.memory_space<hbm>>) dst(%arg10 : memref<128x128xf32, #tpu.memory_space<vmem>>)
        %dma_start3A_187 = arith.constant 0 : i32
        %dma_start3A_188 = tpu.memref_slice %arg8[%add3A_180, %dma_start3A_187] : memref<24x128xi32, #tpu.memory_space<vmem>> -> memref<1x128xi32, #tpu.memory_space<vmem>>
        %dma_start3A_189 = tpu.memref_squeeze %dma_start3A_188 : memref<1x128xi32, #tpu.memory_space<vmem>> -> memref<128xi32, #tpu.memory_space<vmem>>
        %dma_start3A_190 = arith.constant 0 : i32
        %dma_start3A_191 = arith.constant 0 : i32
        %dma_start3A_192 = tpu.memref_slice %arg11[%dma_start3A_190, %dma_start3A_191] : memref<10240x128xf32, #tpu.memory_space<vmem_shared>> -> memref<10240x128xf32, #tpu.memory_space<vmem_shared>>
        tpu.enqueue_indirect_dma source(%arg10 : memref<128x128xf32, #tpu.memory_space<vmem>>) target(%dma_start3A_192 : memref<10240x128xf32, #tpu.memory_space<vmem_shared>>) offsets(%dma_start3A_189 : memref<128xi32, #tpu.memory_space<vmem>>) semaphore(%arg13 : memref<!tpu.dma_semaphore, #tpu.memory_space<semaphore_mem>>) {add = true}
        %ge3A_193 = arith.constant 1 : i32
        %ge3A_194 = arith.cmpi sge, %add3A_180, %ge3A_193 : i32
        %convert_element_type3A_195 = arith.extui %ge3A_194 : i1 to i32
        %cond3A_196 = arith.constant 0 : i32
        %cond3A_197 = arith.cmpi ne, %convert_element_type3A_195, %cond3A_196 : i32
        scf.if %cond3A_197 {
          %dma_wait3A_205 = arith.constant 0 : i32
          %dma_wait3A_206 = arith.constant 0 : i32
          %dma_wait3A_207 = tpu.memref_slice %arg11[%dma_wait3A_205, %dma_wait3A_206] : memref<10240x128xf32, #tpu.memory_space<vmem_shared>> -> memref<128x128xf32, #tpu.memory_space<vmem_shared>>
          %dma_wait3A_208 = arith.constant 0 : i32
          %dma_wait3A_209 = arith.constant 0 : i32
          %dma_wait3A_210 = tpu.memref_slice %arg11[%dma_wait3A_208, %dma_wait3A_209] : memref<10240x128xf32, #tpu.memory_space<vmem_shared>> -> memref<128x128xf32, #tpu.memory_space<vmem_shared>>
          tpu.wait_dma2 semaphore(%arg13 : memref<!tpu.dma_semaphore, #tpu.memory_space<semaphore_mem>>) src(%arg9 : memref<128x128xf32, #tpu.memory_space<vmem>>) dst(%dma_wait3A_210 : memref<128x128xf32, #tpu.memory_space<vmem_shared>>)
        } else {
        }
        %add3A_198 = arith.constant 1 : i32
        %add3A_199 = arith.addi %add3A_180, %add3A_198 : i32
        %lt3A_200 = arith.constant 24 : i32
        %lt3A_201 = arith.cmpi slt, %add3A_199, %lt3A_200 : i32
        %convert_element_type3A_202 = arith.extui %lt3A_201 : i1 to i32
        %cond3A_203 = arith.constant 0 : i32
        %cond3A_204 = arith.cmpi ne, %convert_element_type3A_202, %cond3A_203 : i32
        scf.if %cond3A_204 {
          %add3A_205 = arith.constant 1 : i32
          %add3A_206 = arith.addi %add3A_180, %add3A_205 : i32
          %dma_start3A_207 = arith.constant 0 : i32
          %dma_start3A_208 = tpu.memref_slice %arg7[%add3A_206, %dma_start3A_207] : memref<24x128xi32, #tpu.memory_space<vmem>> -> memref<1x128xi32, #tpu.memory_space<vmem>>
          %dma_start3A_209 = tpu.memref_squeeze %dma_start3A_208 : memref<1x128xi32, #tpu.memory_space<vmem>> -> memref<128xi32, #tpu.memory_space<vmem>>
          %dma_start3A_210 = arith.constant 0 : i32
          %dma_start3A_211 = arith.constant 0 : i32
          %dma_start3A_212 = tpu.memref_slice %arg2[%dma_start3A_210, %dma_start3A_211] : memref<10000x128xf32, #tpu.memory_space<hbm>> -> memref<10000x128xf32, #tpu.memory_space<hbm>>
          tpu.enqueue_indirect_dma source(%dma_start3A_212 : memref<10000x128xf32, #tpu.memory_space<hbm>>) target(%arg9 : memref<128x128xf32, #tpu.memory_space<vmem>>) offsets(%dma_start3A_209 : memref<128xi32, #tpu.memory_space<vmem>>) semaphore(%arg12 : memref<!tpu.dma_semaphore, #tpu.memory_space<semaphore_mem>>)
        } else {
        }
      }
      %scan3A_29 = arith.constant 12 : i32
      %dma_wait3A = arith.constant 0 : i32
      %dma_wait3A_30 = arith.constant 0 : i32
      %dma_wait3A_31 = tpu.memref_slice %arg11[%dma_wait3A, %dma_wait3A_30] : memref<10240x128xf32, #tpu.memory_space<vmem_shared>> -> memref<128x128xf32, #tpu.memory_space<vmem_shared>>
      %dma_wait3A_32 = arith.constant 0 : i32
      %dma_wait3A_33 = arith.constant 0 : i32
      %dma_wait3A_34 = tpu.memref_slice %arg11[%dma_wait3A_32, %dma_wait3A_33] : memref<10240x128xf32, #tpu.memory_space<vmem_shared>> -> memref<128x128xf32, #tpu.memory_space<vmem_shared>>
      tpu.wait_dma2 semaphore(%arg13 : memref<!tpu.dma_semaphore, #tpu.memory_space<semaphore_mem>>) src(%arg10 : memref<128x128xf32, #tpu.memory_space<vmem>>) dst(%dma_wait3A_34 : memref<128x128xf32, #tpu.memory_space<vmem_shared>>)
      %mul3A_35 = arith.constant 144 : i32
      %mul3A_36 = arith.muli %arg1, %mul3A_35 : i32
      %add3A_37 = arith.constant 24 : i32
      %add3A_38 = arith.addi %mul3A_36, %add3A_37 : i32
      "tpu.region"() ({
        %run_scoped3A = tpu.sem_alloc : memref<!tpu.dma_semaphore, #tpu.memory_space<semaphore_mem>>
        %dma_start3A_150 = arith.constant 0 : i32
        %dma_start3A_151 = arith.constant 0 : i32
        %dma_start3A_152 = tpu.memref_slice %arg7[%dma_start3A_150, %dma_start3A_151] : memref<24x128xi32, #tpu.memory_space<vmem>> -> memref<24x128xi32, #tpu.memory_space<vmem>>
        %dma_start3A_153 = arith.constant 0 : i32
        %dma_start3A_154 = tpu.memref_slice %arg3[%add3A_38, %dma_start3A_153] : memref<2560x128xi32, #tpu.memory_space<hbm>> -> memref<24x128xi32, #tpu.memory_space<hbm>>
        %dma_start3A_155 = arith.constant 0 : i32
        %dma_start3A_156 = arith.constant 0 : i32
        %dma_start3A_157 = tpu.memref_slice %arg7[%dma_start3A_155, %dma_start3A_156] : memref<24x128xi32, #tpu.memory_space<vmem>> -> memref<24x128xi32, #tpu.memory_space<vmem>>
        %dma_start3A_158 = arith.constant 0 : i32
        %dma_start3A_159 = tpu.memref_slice %arg3[%add3A_38, %dma_start3A_158] : memref<2560x128xi32, #tpu.memory_space<hbm>> -> memref<24x128xi32, #tpu.memory_space<hbm>>
        tpu.enqueue_dma source(%dma_start3A_159 : memref<24x128xi32, #tpu.memory_space<hbm>>) target(%dma_start3A_157 : memref<24x128xi32, #tpu.memory_space<vmem>>) target_semaphore(%run_scoped3A : memref<!tpu.dma_semaphore, #tpu.memory_space<semaphore_mem>>)
        %dma_wait3A_160 = arith.constant 0 : i32
        %dma_wait3A_161 = arith.constant 0 : i32
        %dma_wait3A_162 = tpu.memref_slice %arg7[%dma_wait3A_160, %dma_wait3A_161] : memref<24x128xi32, #tpu.memory_space<vmem>> -> memref<24x128xi32, #tpu.memory_space<vmem>>
        %dma_wait3A_163 = arith.constant 0 : i32
        %dma_wait3A_164 = tpu.memref_slice %arg3[%add3A_38, %dma_wait3A_163] : memref<2560x128xi32, #tpu.memory_space<hbm>> -> memref<24x128xi32, #tpu.memory_space<hbm>>
        %dma_wait3A_165 = arith.constant 0 : i32
        %dma_wait3A_166 = arith.constant 0 : i32
        %dma_wait3A_167 = tpu.memref_slice %arg7[%dma_wait3A_165, %dma_wait3A_166] : memref<24x128xi32, #tpu.memory_space<vmem>> -> memref<24x128xi32, #tpu.memory_space<vmem>>
        %dma_wait3A_168 = arith.constant 0 : i32
        %dma_wait3A_169 = tpu.memref_slice %arg3[%add3A_38, %dma_wait3A_168] : memref<2560x128xi32, #tpu.memory_space<hbm>> -> memref<24x128xi32, #tpu.memory_space<hbm>>
        tpu.wait_dma2 semaphore(%run_scoped3A : memref<!tpu.dma_semaphore, #tpu.memory_space<semaphore_mem>>) src(%dma_wait3A_169 : memref<24x128xi32, #tpu.memory_space<hbm>>) dst(%dma_wait3A_167 : memref<24x128xi32, #tpu.memory_space<vmem>>)
        tpu.yield
      }) : () -> ()
      "tpu.region"() ({
        %run_scoped3A = tpu.sem_alloc : memref<!tpu.dma_semaphore, #tpu.memory_space<semaphore_mem>>
        %dma_start3A_150 = arith.constant 0 : i32
        %dma_start3A_151 = arith.constant 0 : i32
        %dma_start3A_152 = tpu.memref_slice %arg8[%dma_start3A_150, %dma_start3A_151] : memref<24x128xi32, #tpu.memory_space<vmem>> -> memref<24x128xi32, #tpu.memory_space<vmem>>
        %dma_start3A_153 = arith.constant 0 : i32
        %dma_start3A_154 = tpu.memref_slice %arg4[%add3A_38, %dma_start3A_153] : memref<2560x128xi32, #tpu.memory_space<hbm>> -> memref<24x128xi32, #tpu.memory_space<hbm>>
        %dma_start3A_155 = arith.constant 0 : i32
        %dma_start3A_156 = arith.constant 0 : i32
        %dma_start3A_157 = tpu.memref_slice %arg8[%dma_start3A_155, %dma_start3A_156] : memref<24x128xi32, #tpu.memory_space<vmem>> -> memref<24x128xi32, #tpu.memory_space<vmem>>
        %dma_start3A_158 = arith.constant 0 : i32
        %dma_start3A_159 = tpu.memref_slice %arg4[%add3A_38, %dma_start3A_158] : memref<2560x128xi32, #tpu.memory_space<hbm>> -> memref<24x128xi32, #tpu.memory_space<hbm>>
        tpu.enqueue_dma source(%dma_start3A_159 : memref<24x128xi32, #tpu.memory_space<hbm>>) target(%dma_start3A_157 : memref<24x128xi32, #tpu.memory_space<vmem>>) target_semaphore(%run_scoped3A : memref<!tpu.dma_semaphore, #tpu.memory_space<semaphore_mem>>)
        %dma_wait3A_160 = arith.constant 0 : i32
        %dma_wait3A_161 = arith.constant 0 : i32
        %dma_wait3A_162 = tpu.memref_slice %arg8[%dma_wait3A_160, %dma_wait3A_161] : memref<24x128xi32, #tpu.memory_space<vmem>> -> memref<24x128xi32, #tpu.memory_space<vmem>>
        %dma_wait3A_163 = arith.constant 0 : i32
        %dma_wait3A_164 = tpu.memref_slice %arg4[%add3A_38, %dma_wait3A_163] : memref<2560x128xi32, #tpu.memory_space<hbm>> -> memref<24x128xi32, #tpu.memory_space<hbm>>
        %dma_wait3A_165 = arith.constant 0 : i32
        %dma_wait3A_166 = arith.constant 0 : i32
        %dma_wait3A_167 = tpu.memref_slice %arg8[%dma_wait3A_165, %dma_wait3A_166] : memref<24x128xi32, #tpu.memory_space<vmem>> -> memref<24x128xi32, #tpu.memory_space<vmem>>
        %dma_wait3A_168 = arith.constant 0 : i32
        %dma_wait3A_169 = tpu.memref_slice %arg4[%add3A_38, %dma_wait3A_168] : memref<2560x128xi32, #tpu.memory_space<hbm>> -> memref<24x128xi32, #tpu.memory_space<hbm>>
        tpu.wait_dma2 semaphore(%run_scoped3A : memref<!tpu.dma_semaphore, #tpu.memory_space<semaphore_mem>>) src(%dma_wait3A_169 : memref<24x128xi32, #tpu.memory_space<hbm>>) dst(%dma_wait3A_167 : memref<24x128xi32, #tpu.memory_space<vmem>>)
        tpu.yield
      }) : () -> ()
      %dma_start3A_39 = arith.constant 0 : i32
      %dma_start3A_40 = arith.constant 0 : i32
      %dma_start3A_41 = tpu.memref_slice %arg7[%dma_start3A_39, %dma_start3A_40] : memref<24x128xi32, #tpu.memory_space<vmem>> -> memref<1x128xi32, #tpu.memory_space<vmem>>
      %dma_start3A_42 = tpu.memref_squeeze %dma_start3A_41 : memref<1x128xi32, #tpu.memory_space<vmem>> -> memref<128xi32, #tpu.memory_space<vmem>>
      %dma_start3A_43 = arith.constant 0 : i32
      %dma_start3A_44 = arith.constant 0 : i32
      %dma_start3A_45 = tpu.memref_slice %arg2[%dma_start3A_43, %dma_start3A_44] : memref<10000x128xf32, #tpu.memory_space<hbm>> -> memref<10000x128xf32, #tpu.memory_space<hbm>>
      tpu.enqueue_indirect_dma source(%dma_start3A_45 : memref<10000x128xf32, #tpu.memory_space<hbm>>) target(%arg9 : memref<128x128xf32, #tpu.memory_space<vmem>>) offsets(%dma_start3A_42 : memref<128xi32, #tpu.memory_space<vmem>>) semaphore(%arg12 : memref<!tpu.dma_semaphore, #tpu.memory_space<semaphore_mem>>)
      %scan3A_46 = arith.constant 0 : i32
      %scan3A_47 = arith.constant 0 : i32
      %scan3A_48 = arith.constant 12 : i32
      %scan3A_49 = arith.addi %scan3A_47, %scan3A_48 : i32
      %scan3A_50 = arith.constant 1 : i32
      scf.for %scan3A_150 = %scan3A_47 to %scan3A_49 step %scan3A_50  : i32 {
        %mul3A_151 = arith.constant 2 : i32
        %mul3A_152 = arith.muli %mul3A_151, %scan3A_150 : i32
        %add3A_153 = arith.constant 0 : i32
        %add3A_154 = arith.addi %mul3A_152, %add3A_153 : i32
        %dma_wait3A_155 = arith.constant 0 : i32
        %dma_wait3A_156 = arith.constant 0 : i32
        %dma_wait3A_157 = tpu.memref_slice %arg2[%dma_wait3A_155, %dma_wait3A_156] : memref<10000x128xf32, #tpu.memory_space<hbm>> -> memref<128x128xf32, #tpu.memory_space<hbm>>
        %dma_wait3A_158 = arith.constant 0 : i32
        %dma_wait3A_159 = arith.constant 0 : i32
        %dma_wait3A_160 = tpu.memref_slice %arg2[%dma_wait3A_158, %dma_wait3A_159] : memref<10000x128xf32, #tpu.memory_space<hbm>> -> memref<128x128xf32, #tpu.memory_space<hbm>>
        tpu.wait_dma2 semaphore(%arg12 : memref<!tpu.dma_semaphore, #tpu.memory_space<semaphore_mem>>) src(%dma_wait3A_160 : memref<128x128xf32, #tpu.memory_space<hbm>>) dst(%arg9 : memref<128x128xf32, #tpu.memory_space<vmem>>)
        %dma_start3A_161 = arith.constant 0 : i32
        %dma_start3A_162 = tpu.memref_slice %arg8[%add3A_154, %dma_start3A_161] : memref<24x128xi32, #tpu.memory_space<vmem>> -> memref<1x128xi32, #tpu.memory_space<vmem>>
        %dma_start3A_163 = tpu.memref_squeeze %dma_start3A_162 : memref<1x128xi32, #tpu.memory_space<vmem>> -> memref<128xi32, #tpu.memory_space<vmem>>
        %dma_start3A_164 = arith.constant 0 : i32
        %dma_start3A_165 = arith.constant 0 : i32
        %dma_start3A_166 = tpu.memref_slice %arg11[%dma_start3A_164, %dma_start3A_165] : memref<10240x128xf32, #tpu.memory_space<vmem_shared>> -> memref<10240x128xf32, #tpu.memory_space<vmem_shared>>
        tpu.enqueue_indirect_dma source(%arg9 : memref<128x128xf32, #tpu.memory_space<vmem>>) target(%dma_start3A_166 : memref<10240x128xf32, #tpu.memory_space<vmem_shared>>) offsets(%dma_start3A_163 : memref<128xi32, #tpu.memory_space<vmem>>) semaphore(%arg13 : memref<!tpu.dma_semaphore, #tpu.memory_space<semaphore_mem>>) {add = true}
        %ge3A = arith.constant 1 : i32
        %ge3A_167 = arith.cmpi sge, %add3A_154, %ge3A : i32
        %convert_element_type3A_168 = arith.extui %ge3A_167 : i1 to i32
        %cond3A_169 = arith.constant 0 : i32
        %cond3A_170 = arith.cmpi ne, %convert_element_type3A_168, %cond3A_169 : i32
        scf.if %cond3A_170 {
          %dma_wait3A_205 = arith.constant 0 : i32
          %dma_wait3A_206 = arith.constant 0 : i32
          %dma_wait3A_207 = tpu.memref_slice %arg11[%dma_wait3A_205, %dma_wait3A_206] : memref<10240x128xf32, #tpu.memory_space<vmem_shared>> -> memref<128x128xf32, #tpu.memory_space<vmem_shared>>
          %dma_wait3A_208 = arith.constant 0 : i32
          %dma_wait3A_209 = arith.constant 0 : i32
          %dma_wait3A_210 = tpu.memref_slice %arg11[%dma_wait3A_208, %dma_wait3A_209] : memref<10240x128xf32, #tpu.memory_space<vmem_shared>> -> memref<128x128xf32, #tpu.memory_space<vmem_shared>>
          tpu.wait_dma2 semaphore(%arg13 : memref<!tpu.dma_semaphore, #tpu.memory_space<semaphore_mem>>) src(%arg10 : memref<128x128xf32, #tpu.memory_space<vmem>>) dst(%dma_wait3A_210 : memref<128x128xf32, #tpu.memory_space<vmem_shared>>)
        } else {
        }
        %add3A_171 = arith.constant 1 : i32
        %add3A_172 = arith.addi %add3A_154, %add3A_171 : i32
        %lt3A = arith.constant 24 : i32
        %lt3A_173 = arith.cmpi slt, %add3A_172, %lt3A : i32
        %convert_element_type3A_174 = arith.extui %lt3A_173 : i1 to i32
        %cond3A_175 = arith.constant 0 : i32
        %cond3A_176 = arith.cmpi ne, %convert_element_type3A_174, %cond3A_175 : i32
        scf.if %cond3A_176 {
          %add3A_205 = arith.constant 1 : i32
          %add3A_206 = arith.addi %add3A_154, %add3A_205 : i32
          %dma_start3A_207 = arith.constant 0 : i32
          %dma_start3A_208 = tpu.memref_slice %arg7[%add3A_206, %dma_start3A_207] : memref<24x128xi32, #tpu.memory_space<vmem>> -> memref<1x128xi32, #tpu.memory_space<vmem>>
          %dma_start3A_209 = tpu.memref_squeeze %dma_start3A_208 : memref<1x128xi32, #tpu.memory_space<vmem>> -> memref<128xi32, #tpu.memory_space<vmem>>
          %dma_start3A_210 = arith.constant 0 : i32
          %dma_start3A_211 = arith.constant 0 : i32
          %dma_start3A_212 = tpu.memref_slice %arg2[%dma_start3A_210, %dma_start3A_211] : memref<10000x128xf32, #tpu.memory_space<hbm>> -> memref<10000x128xf32, #tpu.memory_space<hbm>>
          tpu.enqueue_indirect_dma source(%dma_start3A_212 : memref<10000x128xf32, #tpu.memory_space<hbm>>) target(%arg10 : memref<128x128xf32, #tpu.memory_space<vmem>>) offsets(%dma_start3A_209 : memref<128xi32, #tpu.memory_space<vmem>>) semaphore(%arg12 : memref<!tpu.dma_semaphore, #tpu.memory_space<semaphore_mem>>)
        } else {
        }
        %mul3A_177 = arith.constant 2 : i32
        %mul3A_178 = arith.muli %mul3A_177, %scan3A_150 : i32
        %add3A_179 = arith.constant 1 : i32
        %add3A_180 = arith.addi %mul3A_178, %add3A_179 : i32
        %dma_wait3A_181 = arith.constant 0 : i32
        %dma_wait3A_182 = arith.constant 0 : i32
        %dma_wait3A_183 = tpu.memref_slice %arg2[%dma_wait3A_181, %dma_wait3A_182] : memref<10000x128xf32, #tpu.memory_space<hbm>> -> memref<128x128xf32, #tpu.memory_space<hbm>>
        %dma_wait3A_184 = arith.constant 0 : i32
        %dma_wait3A_185 = arith.constant 0 : i32
        %dma_wait3A_186 = tpu.memref_slice %arg2[%dma_wait3A_184, %dma_wait3A_185] : memref<10000x128xf32, #tpu.memory_space<hbm>> -> memref<128x128xf32, #tpu.memory_space<hbm>>
        tpu.wait_dma2 semaphore(%arg12 : memref<!tpu.dma_semaphore, #tpu.memory_space<semaphore_mem>>) src(%dma_wait3A_186 : memref<128x128xf32, #tpu.memory_space<hbm>>) dst(%arg10 : memref<128x128xf32, #tpu.memory_space<vmem>>)
        %dma_start3A_187 = arith.constant 0 : i32
        %dma_start3A_188 = tpu.memref_slice %arg8[%add3A_180, %dma_start3A_187] : memref<24x128xi32, #tpu.memory_space<vmem>> -> memref<1x128xi32, #tpu.memory_space<vmem>>
        %dma_start3A_189 = tpu.memref_squeeze %dma_start3A_188 : memref<1x128xi32, #tpu.memory_space<vmem>> -> memref<128xi32, #tpu.memory_space<vmem>>
        %dma_start3A_190 = arith.constant 0 : i32
        %dma_start3A_191 = arith.constant 0 : i32
        %dma_start3A_192 = tpu.memref_slice %arg11[%dma_start3A_190, %dma_start3A_191] : memref<10240x128xf32, #tpu.memory_space<vmem_shared>> -> memref<10240x128xf32, #tpu.memory_space<vmem_shared>>
        tpu.enqueue_indirect_dma source(%arg10 : memref<128x128xf32, #tpu.memory_space<vmem>>) target(%dma_start3A_192 : memref<10240x128xf32, #tpu.memory_space<vmem_shared>>) offsets(%dma_start3A_189 : memref<128xi32, #tpu.memory_space<vmem>>) semaphore(%arg13 : memref<!tpu.dma_semaphore, #tpu.memory_space<semaphore_mem>>) {add = true}
        %ge3A_193 = arith.constant 1 : i32
        %ge3A_194 = arith.cmpi sge, %add3A_180, %ge3A_193 : i32
        %convert_element_type3A_195 = arith.extui %ge3A_194 : i1 to i32
        %cond3A_196 = arith.constant 0 : i32
        %cond3A_197 = arith.cmpi ne, %convert_element_type3A_195, %cond3A_196 : i32
        scf.if %cond3A_197 {
          %dma_wait3A_205 = arith.constant 0 : i32
          %dma_wait3A_206 = arith.constant 0 : i32
          %dma_wait3A_207 = tpu.memref_slice %arg11[%dma_wait3A_205, %dma_wait3A_206] : memref<10240x128xf32, #tpu.memory_space<vmem_shared>> -> memref<128x128xf32, #tpu.memory_space<vmem_shared>>
          %dma_wait3A_208 = arith.constant 0 : i32
          %dma_wait3A_209 = arith.constant 0 : i32
          %dma_wait3A_210 = tpu.memref_slice %arg11[%dma_wait3A_208, %dma_wait3A_209] : memref<10240x128xf32, #tpu.memory_space<vmem_shared>> -> memref<128x128xf32, #tpu.memory_space<vmem_shared>>
          tpu.wait_dma2 semaphore(%arg13 : memref<!tpu.dma_semaphore, #tpu.memory_space<semaphore_mem>>) src(%arg9 : memref<128x128xf32, #tpu.memory_space<vmem>>) dst(%dma_wait3A_210 : memref<128x128xf32, #tpu.memory_space<vmem_shared>>)
        } else {
        }
        %add3A_198 = arith.constant 1 : i32
        %add3A_199 = arith.addi %add3A_180, %add3A_198 : i32
        %lt3A_200 = arith.constant 24 : i32
        %lt3A_201 = arith.cmpi slt, %add3A_199, %lt3A_200 : i32
        %convert_element_type3A_202 = arith.extui %lt3A_201 : i1 to i32
        %cond3A_203 = arith.constant 0 : i32
        %cond3A_204 = arith.cmpi ne, %convert_element_type3A_202, %cond3A_203 : i32
        scf.if %cond3A_204 {
          %add3A_205 = arith.constant 1 : i32
          %add3A_206 = arith.addi %add3A_180, %add3A_205 : i32
          %dma_start3A_207 = arith.constant 0 : i32
          %dma_start3A_208 = tpu.memref_slice %arg7[%add3A_206, %dma_start3A_207] : memref<24x128xi32, #tpu.memory_space<vmem>> -> memref<1x128xi32, #tpu.memory_space<vmem>>
          %dma_start3A_209 = tpu.memref_squeeze %dma_start3A_208 : memref<1x128xi32, #tpu.memory_space<vmem>> -> memref<128xi32, #tpu.memory_space<vmem>>
          %dma_start3A_210 = arith.constant 0 : i32
          %dma_start3A_211 = arith.constant 0 : i32
          %dma_start3A_212 = tpu.memref_slice %arg2[%dma_start3A_210, %dma_start3A_211] : memref<10000x128xf32, #tpu.memory_space<hbm>> -> memref<10000x128xf32, #tpu.memory_space<hbm>>
          tpu.enqueue_indirect_dma source(%dma_start3A_212 : memref<10000x128xf32, #tpu.memory_space<hbm>>) target(%arg9 : memref<128x128xf32, #tpu.memory_space<vmem>>) offsets(%dma_start3A_209 : memref<128xi32, #tpu.memory_space<vmem>>) semaphore(%arg12 : memref<!tpu.dma_semaphore, #tpu.memory_space<semaphore_mem>>)
        } else {
        }
      }
      %scan3A_51 = arith.constant 12 : i32
      %dma_wait3A_52 = arith.constant 0 : i32
      %dma_wait3A_53 = arith.constant 0 : i32
      %dma_wait3A_54 = tpu.memref_slice %arg11[%dma_wait3A_52, %dma_wait3A_53] : memref<10240x128xf32, #tpu.memory_space<vmem_shared>> -> memref<128x128xf32, #tpu.memory_space<vmem_shared>>
      %dma_wait3A_55 = arith.constant 0 : i32
      %dma_wait3A_56 = arith.constant 0 : i32
      %dma_wait3A_57 = tpu.memref_slice %arg11[%dma_wait3A_55, %dma_wait3A_56] : memref<10240x128xf32, #tpu.memory_space<vmem_shared>> -> memref<128x128xf32, #tpu.memory_space<vmem_shared>>
      tpu.wait_dma2 semaphore(%arg13 : memref<!tpu.dma_semaphore, #tpu.memory_space<semaphore_mem>>) src(%arg10 : memref<128x128xf32, #tpu.memory_space<vmem>>) dst(%dma_wait3A_57 : memref<128x128xf32, #tpu.memory_space<vmem_shared>>)
      %mul3A_58 = arith.constant 144 : i32
      %mul3A_59 = arith.muli %arg1, %mul3A_58 : i32
      %add3A_60 = arith.constant 48 : i32
      %add3A_61 = arith.addi %mul3A_59, %add3A_60 : i32
      "tpu.region"() ({
        %run_scoped3A = tpu.sem_alloc : memref<!tpu.dma_semaphore, #tpu.memory_space<semaphore_mem>>
        %dma_start3A_150 = arith.constant 0 : i32
        %dma_start3A_151 = arith.constant 0 : i32
        %dma_start3A_152 = tpu.memref_slice %arg7[%dma_start3A_150, %dma_start3A_151] : memref<24x128xi32, #tpu.memory_space<vmem>> -> memref<24x128xi32, #tpu.memory_space<vmem>>
        %dma_start3A_153 = arith.constant 0 : i32
        %dma_start3A_154 = tpu.memref_slice %arg3[%add3A_61, %dma_start3A_153] : memref<2560x128xi32, #tpu.memory_space<hbm>> -> memref<24x128xi32, #tpu.memory_space<hbm>>
        %dma_start3A_155 = arith.constant 0 : i32
        %dma_start3A_156 = arith.constant 0 : i32
        %dma_start3A_157 = tpu.memref_slice %arg7[%dma_start3A_155, %dma_start3A_156] : memref<24x128xi32, #tpu.memory_space<vmem>> -> memref<24x128xi32, #tpu.memory_space<vmem>>
        %dma_start3A_158 = arith.constant 0 : i32
        %dma_start3A_159 = tpu.memref_slice %arg3[%add3A_61, %dma_start3A_158] : memref<2560x128xi32, #tpu.memory_space<hbm>> -> memref<24x128xi32, #tpu.memory_space<hbm>>
        tpu.enqueue_dma source(%dma_start3A_159 : memref<24x128xi32, #tpu.memory_space<hbm>>) target(%dma_start3A_157 : memref<24x128xi32, #tpu.memory_space<vmem>>) target_semaphore(%run_scoped3A : memref<!tpu.dma_semaphore, #tpu.memory_space<semaphore_mem>>)
        %dma_wait3A_160 = arith.constant 0 : i32
        %dma_wait3A_161 = arith.constant 0 : i32
        %dma_wait3A_162 = tpu.memref_slice %arg7[%dma_wait3A_160, %dma_wait3A_161] : memref<24x128xi32, #tpu.memory_space<vmem>> -> memref<24x128xi32, #tpu.memory_space<vmem>>
        %dma_wait3A_163 = arith.constant 0 : i32
        %dma_wait3A_164 = tpu.memref_slice %arg3[%add3A_61, %dma_wait3A_163] : memref<2560x128xi32, #tpu.memory_space<hbm>> -> memref<24x128xi32, #tpu.memory_space<hbm>>
        %dma_wait3A_165 = arith.constant 0 : i32
        %dma_wait3A_166 = arith.constant 0 : i32
        %dma_wait3A_167 = tpu.memref_slice %arg7[%dma_wait3A_165, %dma_wait3A_166] : memref<24x128xi32, #tpu.memory_space<vmem>> -> memref<24x128xi32, #tpu.memory_space<vmem>>
        %dma_wait3A_168 = arith.constant 0 : i32
        %dma_wait3A_169 = tpu.memref_slice %arg3[%add3A_61, %dma_wait3A_168] : memref<2560x128xi32, #tpu.memory_space<hbm>> -> memref<24x128xi32, #tpu.memory_space<hbm>>
        tpu.wait_dma2 semaphore(%run_scoped3A : memref<!tpu.dma_semaphore, #tpu.memory_space<semaphore_mem>>) src(%dma_wait3A_169 : memref<24x128xi32, #tpu.memory_space<hbm>>) dst(%dma_wait3A_167 : memref<24x128xi32, #tpu.memory_space<vmem>>)
        tpu.yield
      }) : () -> ()
      "tpu.region"() ({
        %run_scoped3A = tpu.sem_alloc : memref<!tpu.dma_semaphore, #tpu.memory_space<semaphore_mem>>
        %dma_start3A_150 = arith.constant 0 : i32
        %dma_start3A_151 = arith.constant 0 : i32
        %dma_start3A_152 = tpu.memref_slice %arg8[%dma_start3A_150, %dma_start3A_151] : memref<24x128xi32, #tpu.memory_space<vmem>> -> memref<24x128xi32, #tpu.memory_space<vmem>>
        %dma_start3A_153 = arith.constant 0 : i32
        %dma_start3A_154 = tpu.memref_slice %arg4[%add3A_61, %dma_start3A_153] : memref<2560x128xi32, #tpu.memory_space<hbm>> -> memref<24x128xi32, #tpu.memory_space<hbm>>
        %dma_start3A_155 = arith.constant 0 : i32
        %dma_start3A_156 = arith.constant 0 : i32
        %dma_start3A_157 = tpu.memref_slice %arg8[%dma_start3A_155, %dma_start3A_156] : memref<24x128xi32, #tpu.memory_space<vmem>> -> memref<24x128xi32, #tpu.memory_space<vmem>>
        %dma_start3A_158 = arith.constant 0 : i32
        %dma_start3A_159 = tpu.memref_slice %arg4[%add3A_61, %dma_start3A_158] : memref<2560x128xi32, #tpu.memory_space<hbm>> -> memref<24x128xi32, #tpu.memory_space<hbm>>
        tpu.enqueue_dma source(%dma_start3A_159 : memref<24x128xi32, #tpu.memory_space<hbm>>) target(%dma_start3A_157 : memref<24x128xi32, #tpu.memory_space<vmem>>) target_semaphore(%run_scoped3A : memref<!tpu.dma_semaphore, #tpu.memory_space<semaphore_mem>>)
        %dma_wait3A_160 = arith.constant 0 : i32
        %dma_wait3A_161 = arith.constant 0 : i32
        %dma_wait3A_162 = tpu.memref_slice %arg8[%dma_wait3A_160, %dma_wait3A_161] : memref<24x128xi32, #tpu.memory_space<vmem>> -> memref<24x128xi32, #tpu.memory_space<vmem>>
        %dma_wait3A_163 = arith.constant 0 : i32
        %dma_wait3A_164 = tpu.memref_slice %arg4[%add3A_61, %dma_wait3A_163] : memref<2560x128xi32, #tpu.memory_space<hbm>> -> memref<24x128xi32, #tpu.memory_space<hbm>>
        %dma_wait3A_165 = arith.constant 0 : i32
        %dma_wait3A_166 = arith.constant 0 : i32
        %dma_wait3A_167 = tpu.memref_slice %arg8[%dma_wait3A_165, %dma_wait3A_166] : memref<24x128xi32, #tpu.memory_space<vmem>> -> memref<24x128xi32, #tpu.memory_space<vmem>>
        %dma_wait3A_168 = arith.constant 0 : i32
        %dma_wait3A_169 = tpu.memref_slice %arg4[%add3A_61, %dma_wait3A_168] : memref<2560x128xi32, #tpu.memory_space<hbm>> -> memref<24x128xi32, #tpu.memory_space<hbm>>
        tpu.wait_dma2 semaphore(%run_scoped3A : memref<!tpu.dma_semaphore, #tpu.memory_space<semaphore_mem>>) src(%dma_wait3A_169 : memref<24x128xi32, #tpu.memory_space<hbm>>) dst(%dma_wait3A_167 : memref<24x128xi32, #tpu.memory_space<vmem>>)
        tpu.yield
      }) : () -> ()
      %dma_start3A_62 = arith.constant 0 : i32
      %dma_start3A_63 = arith.constant 0 : i32
      %dma_start3A_64 = tpu.memref_slice %arg7[%dma_start3A_62, %dma_start3A_63] : memref<24x128xi32, #tpu.memory_space<vmem>> -> memref<1x128xi32, #tpu.memory_space<vmem>>
      %dma_start3A_65 = tpu.memref_squeeze %dma_start3A_64 : memref<1x128xi32, #tpu.memory_space<vmem>> -> memref<128xi32, #tpu.memory_space<vmem>>
      %dma_start3A_66 = arith.constant 0 : i32
      %dma_start3A_67 = arith.constant 0 : i32
      %dma_start3A_68 = tpu.memref_slice %arg2[%dma_start3A_66, %dma_start3A_67] : memref<10000x128xf32, #tpu.memory_space<hbm>> -> memref<10000x128xf32, #tpu.memory_space<hbm>>
      tpu.enqueue_indirect_dma source(%dma_start3A_68 : memref<10000x128xf32, #tpu.memory_space<hbm>>) target(%arg9 : memref<128x128xf32, #tpu.memory_space<vmem>>) offsets(%dma_start3A_65 : memref<128xi32, #tpu.memory_space<vmem>>) semaphore(%arg12 : memref<!tpu.dma_semaphore, #tpu.memory_space<semaphore_mem>>)
      %scan3A_69 = arith.constant 0 : i32
      %scan3A_70 = arith.constant 0 : i32
      %scan3A_71 = arith.constant 12 : i32
      %scan3A_72 = arith.addi %scan3A_70, %scan3A_71 : i32
      %scan3A_73 = arith.constant 1 : i32
      scf.for %scan3A_150 = %scan3A_70 to %scan3A_72 step %scan3A_73  : i32 {
        %mul3A_151 = arith.constant 2 : i32
        %mul3A_152 = arith.muli %mul3A_151, %scan3A_150 : i32
        %add3A_153 = arith.constant 0 : i32
        %add3A_154 = arith.addi %mul3A_152, %add3A_153 : i32
        %dma_wait3A_155 = arith.constant 0 : i32
        %dma_wait3A_156 = arith.constant 0 : i32
        %dma_wait3A_157 = tpu.memref_slice %arg2[%dma_wait3A_155, %dma_wait3A_156] : memref<10000x128xf32, #tpu.memory_space<hbm>> -> memref<128x128xf32, #tpu.memory_space<hbm>>
        %dma_wait3A_158 = arith.constant 0 : i32
        %dma_wait3A_159 = arith.constant 0 : i32
        %dma_wait3A_160 = tpu.memref_slice %arg2[%dma_wait3A_158, %dma_wait3A_159] : memref<10000x128xf32, #tpu.memory_space<hbm>> -> memref<128x128xf32, #tpu.memory_space<hbm>>
        tpu.wait_dma2 semaphore(%arg12 : memref<!tpu.dma_semaphore, #tpu.memory_space<semaphore_mem>>) src(%dma_wait3A_160 : memref<128x128xf32, #tpu.memory_space<hbm>>) dst(%arg9 : memref<128x128xf32, #tpu.memory_space<vmem>>)
        %dma_start3A_161 = arith.constant 0 : i32
        %dma_start3A_162 = tpu.memref_slice %arg8[%add3A_154, %dma_start3A_161] : memref<24x128xi32, #tpu.memory_space<vmem>> -> memref<1x128xi32, #tpu.memory_space<vmem>>
        %dma_start3A_163 = tpu.memref_squeeze %dma_start3A_162 : memref<1x128xi32, #tpu.memory_space<vmem>> -> memref<128xi32, #tpu.memory_space<vmem>>
        %dma_start3A_164 = arith.constant 0 : i32
        %dma_start3A_165 = arith.constant 0 : i32
        %dma_start3A_166 = tpu.memref_slice %arg11[%dma_start3A_164, %dma_start3A_165] : memref<10240x128xf32, #tpu.memory_space<vmem_shared>> -> memref<10240x128xf32, #tpu.memory_space<vmem_shared>>
        tpu.enqueue_indirect_dma source(%arg9 : memref<128x128xf32, #tpu.memory_space<vmem>>) target(%dma_start3A_166 : memref<10240x128xf32, #tpu.memory_space<vmem_shared>>) offsets(%dma_start3A_163 : memref<128xi32, #tpu.memory_space<vmem>>) semaphore(%arg13 : memref<!tpu.dma_semaphore, #tpu.memory_space<semaphore_mem>>) {add = true}
        %ge3A = arith.constant 1 : i32
        %ge3A_167 = arith.cmpi sge, %add3A_154, %ge3A : i32
        %convert_element_type3A_168 = arith.extui %ge3A_167 : i1 to i32
        %cond3A_169 = arith.constant 0 : i32
        %cond3A_170 = arith.cmpi ne, %convert_element_type3A_168, %cond3A_169 : i32
        scf.if %cond3A_170 {
          %dma_wait3A_205 = arith.constant 0 : i32
          %dma_wait3A_206 = arith.constant 0 : i32
          %dma_wait3A_207 = tpu.memref_slice %arg11[%dma_wait3A_205, %dma_wait3A_206] : memref<10240x128xf32, #tpu.memory_space<vmem_shared>> -> memref<128x128xf32, #tpu.memory_space<vmem_shared>>
          %dma_wait3A_208 = arith.constant 0 : i32
          %dma_wait3A_209 = arith.constant 0 : i32
          %dma_wait3A_210 = tpu.memref_slice %arg11[%dma_wait3A_208, %dma_wait3A_209] : memref<10240x128xf32, #tpu.memory_space<vmem_shared>> -> memref<128x128xf32, #tpu.memory_space<vmem_shared>>
          tpu.wait_dma2 semaphore(%arg13 : memref<!tpu.dma_semaphore, #tpu.memory_space<semaphore_mem>>) src(%arg10 : memref<128x128xf32, #tpu.memory_space<vmem>>) dst(%dma_wait3A_210 : memref<128x128xf32, #tpu.memory_space<vmem_shared>>)
        } else {
        }
        %add3A_171 = arith.constant 1 : i32
        %add3A_172 = arith.addi %add3A_154, %add3A_171 : i32
        %lt3A = arith.constant 24 : i32
        %lt3A_173 = arith.cmpi slt, %add3A_172, %lt3A : i32
        %convert_element_type3A_174 = arith.extui %lt3A_173 : i1 to i32
        %cond3A_175 = arith.constant 0 : i32
        %cond3A_176 = arith.cmpi ne, %convert_element_type3A_174, %cond3A_175 : i32
        scf.if %cond3A_176 {
          %add3A_205 = arith.constant 1 : i32
          %add3A_206 = arith.addi %add3A_154, %add3A_205 : i32
          %dma_start3A_207 = arith.constant 0 : i32
          %dma_start3A_208 = tpu.memref_slice %arg7[%add3A_206, %dma_start3A_207] : memref<24x128xi32, #tpu.memory_space<vmem>> -> memref<1x128xi32, #tpu.memory_space<vmem>>
          %dma_start3A_209 = tpu.memref_squeeze %dma_start3A_208 : memref<1x128xi32, #tpu.memory_space<vmem>> -> memref<128xi32, #tpu.memory_space<vmem>>
          %dma_start3A_210 = arith.constant 0 : i32
          %dma_start3A_211 = arith.constant 0 : i32
          %dma_start3A_212 = tpu.memref_slice %arg2[%dma_start3A_210, %dma_start3A_211] : memref<10000x128xf32, #tpu.memory_space<hbm>> -> memref<10000x128xf32, #tpu.memory_space<hbm>>
          tpu.enqueue_indirect_dma source(%dma_start3A_212 : memref<10000x128xf32, #tpu.memory_space<hbm>>) target(%arg10 : memref<128x128xf32, #tpu.memory_space<vmem>>) offsets(%dma_start3A_209 : memref<128xi32, #tpu.memory_space<vmem>>) semaphore(%arg12 : memref<!tpu.dma_semaphore, #tpu.memory_space<semaphore_mem>>)
        } else {
        }
        %mul3A_177 = arith.constant 2 : i32
        %mul3A_178 = arith.muli %mul3A_177, %scan3A_150 : i32
        %add3A_179 = arith.constant 1 : i32
        %add3A_180 = arith.addi %mul3A_178, %add3A_179 : i32
        %dma_wait3A_181 = arith.constant 0 : i32
        %dma_wait3A_182 = arith.constant 0 : i32
        %dma_wait3A_183 = tpu.memref_slice %arg2[%dma_wait3A_181, %dma_wait3A_182] : memref<10000x128xf32, #tpu.memory_space<hbm>> -> memref<128x128xf32, #tpu.memory_space<hbm>>
        %dma_wait3A_184 = arith.constant 0 : i32
        %dma_wait3A_185 = arith.constant 0 : i32
        %dma_wait3A_186 = tpu.memref_slice %arg2[%dma_wait3A_184, %dma_wait3A_185] : memref<10000x128xf32, #tpu.memory_space<hbm>> -> memref<128x128xf32, #tpu.memory_space<hbm>>
        tpu.wait_dma2 semaphore(%arg12 : memref<!tpu.dma_semaphore, #tpu.memory_space<semaphore_mem>>) src(%dma_wait3A_186 : memref<128x128xf32, #tpu.memory_space<hbm>>) dst(%arg10 : memref<128x128xf32, #tpu.memory_space<vmem>>)
        %dma_start3A_187 = arith.constant 0 : i32
        %dma_start3A_188 = tpu.memref_slice %arg8[%add3A_180, %dma_start3A_187] : memref<24x128xi32, #tpu.memory_space<vmem>> -> memref<1x128xi32, #tpu.memory_space<vmem>>
        %dma_start3A_189 = tpu.memref_squeeze %dma_start3A_188 : memref<1x128xi32, #tpu.memory_space<vmem>> -> memref<128xi32, #tpu.memory_space<vmem>>
        %dma_start3A_190 = arith.constant 0 : i32
        %dma_start3A_191 = arith.constant 0 : i32
        %dma_start3A_192 = tpu.memref_slice %arg11[%dma_start3A_190, %dma_start3A_191] : memref<10240x128xf32, #tpu.memory_space<vmem_shared>> -> memref<10240x128xf32, #tpu.memory_space<vmem_shared>>
        tpu.enqueue_indirect_dma source(%arg10 : memref<128x128xf32, #tpu.memory_space<vmem>>) target(%dma_start3A_192 : memref<10240x128xf32, #tpu.memory_space<vmem_shared>>) offsets(%dma_start3A_189 : memref<128xi32, #tpu.memory_space<vmem>>) semaphore(%arg13 : memref<!tpu.dma_semaphore, #tpu.memory_space<semaphore_mem>>) {add = true}
        %ge3A_193 = arith.constant 1 : i32
        %ge3A_194 = arith.cmpi sge, %add3A_180, %ge3A_193 : i32
        %convert_element_type3A_195 = arith.extui %ge3A_194 : i1 to i32
        %cond3A_196 = arith.constant 0 : i32
        %cond3A_197 = arith.cmpi ne, %convert_element_type3A_195, %cond3A_196 : i32
        scf.if %cond3A_197 {
          %dma_wait3A_205 = arith.constant 0 : i32
          %dma_wait3A_206 = arith.constant 0 : i32
          %dma_wait3A_207 = tpu.memref_slice %arg11[%dma_wait3A_205, %dma_wait3A_206] : memref<10240x128xf32, #tpu.memory_space<vmem_shared>> -> memref<128x128xf32, #tpu.memory_space<vmem_shared>>
          %dma_wait3A_208 = arith.constant 0 : i32
          %dma_wait3A_209 = arith.constant 0 : i32
          %dma_wait3A_210 = tpu.memref_slice %arg11[%dma_wait3A_208, %dma_wait3A_209] : memref<10240x128xf32, #tpu.memory_space<vmem_shared>> -> memref<128x128xf32, #tpu.memory_space<vmem_shared>>
          tpu.wait_dma2 semaphore(%arg13 : memref<!tpu.dma_semaphore, #tpu.memory_space<semaphore_mem>>) src(%arg9 : memref<128x128xf32, #tpu.memory_space<vmem>>) dst(%dma_wait3A_210 : memref<128x128xf32, #tpu.memory_space<vmem_shared>>)
        } else {
        }
        %add3A_198 = arith.constant 1 : i32
        %add3A_199 = arith.addi %add3A_180, %add3A_198 : i32
        %lt3A_200 = arith.constant 24 : i32
        %lt3A_201 = arith.cmpi slt, %add3A_199, %lt3A_200 : i32
        %convert_element_type3A_202 = arith.extui %lt3A_201 : i1 to i32
        %cond3A_203 = arith.constant 0 : i32
        %cond3A_204 = arith.cmpi ne, %convert_element_type3A_202, %cond3A_203 : i32
        scf.if %cond3A_204 {
          %add3A_205 = arith.constant 1 : i32
          %add3A_206 = arith.addi %add3A_180, %add3A_205 : i32
          %dma_start3A_207 = arith.constant 0 : i32
          %dma_start3A_208 = tpu.memref_slice %arg7[%add3A_206, %dma_start3A_207] : memref<24x128xi32, #tpu.memory_space<vmem>> -> memref<1x128xi32, #tpu.memory_space<vmem>>
          %dma_start3A_209 = tpu.memref_squeeze %dma_start3A_208 : memref<1x128xi32, #tpu.memory_space<vmem>> -> memref<128xi32, #tpu.memory_space<vmem>>
          %dma_start3A_210 = arith.constant 0 : i32
          %dma_start3A_211 = arith.constant 0 : i32
          %dma_start3A_212 = tpu.memref_slice %arg2[%dma_start3A_210, %dma_start3A_211] : memref<10000x128xf32, #tpu.memory_space<hbm>> -> memref<10000x128xf32, #tpu.memory_space<hbm>>
          tpu.enqueue_indirect_dma source(%dma_start3A_212 : memref<10000x128xf32, #tpu.memory_space<hbm>>) target(%arg9 : memref<128x128xf32, #tpu.memory_space<vmem>>) offsets(%dma_start3A_209 : memref<128xi32, #tpu.memory_space<vmem>>) semaphore(%arg12 : memref<!tpu.dma_semaphore, #tpu.memory_space<semaphore_mem>>)
        } else {
        }
      }
      %scan3A_74 = arith.constant 12 : i32
      %dma_wait3A_75 = arith.constant 0 : i32
      %dma_wait3A_76 = arith.constant 0 : i32
      %dma_wait3A_77 = tpu.memref_slice %arg11[%dma_wait3A_75, %dma_wait3A_76] : memref<10240x128xf32, #tpu.memory_space<vmem_shared>> -> memref<128x128xf32, #tpu.memory_space<vmem_shared>>
      %dma_wait3A_78 = arith.constant 0 : i32
      %dma_wait3A_79 = arith.constant 0 : i32
      %dma_wait3A_80 = tpu.memref_slice %arg11[%dma_wait3A_78, %dma_wait3A_79] : memref<10240x128xf32, #tpu.memory_space<vmem_shared>> -> memref<128x128xf32, #tpu.memory_space<vmem_shared>>
      tpu.wait_dma2 semaphore(%arg13 : memref<!tpu.dma_semaphore, #tpu.memory_space<semaphore_mem>>) src(%arg10 : memref<128x128xf32, #tpu.memory_space<vmem>>) dst(%dma_wait3A_80 : memref<128x128xf32, #tpu.memory_space<vmem_shared>>)
      %mul3A_81 = arith.constant 144 : i32
      %mul3A_82 = arith.muli %arg1, %mul3A_81 : i32
      %add3A_83 = arith.constant 72 : i32
      %add3A_84 = arith.addi %mul3A_82, %add3A_83 : i32
      "tpu.region"() ({
        %run_scoped3A = tpu.sem_alloc : memref<!tpu.dma_semaphore, #tpu.memory_space<semaphore_mem>>
        %dma_start3A_150 = arith.constant 0 : i32
        %dma_start3A_151 = arith.constant 0 : i32
        %dma_start3A_152 = tpu.memref_slice %arg7[%dma_start3A_150, %dma_start3A_151] : memref<24x128xi32, #tpu.memory_space<vmem>> -> memref<24x128xi32, #tpu.memory_space<vmem>>
        %dma_start3A_153 = arith.constant 0 : i32
        %dma_start3A_154 = tpu.memref_slice %arg3[%add3A_84, %dma_start3A_153] : memref<2560x128xi32, #tpu.memory_space<hbm>> -> memref<24x128xi32, #tpu.memory_space<hbm>>
        %dma_start3A_155 = arith.constant 0 : i32
        %dma_start3A_156 = arith.constant 0 : i32
        %dma_start3A_157 = tpu.memref_slice %arg7[%dma_start3A_155, %dma_start3A_156] : memref<24x128xi32, #tpu.memory_space<vmem>> -> memref<24x128xi32, #tpu.memory_space<vmem>>
        %dma_start3A_158 = arith.constant 0 : i32
        %dma_start3A_159 = tpu.memref_slice %arg3[%add3A_84, %dma_start3A_158] : memref<2560x128xi32, #tpu.memory_space<hbm>> -> memref<24x128xi32, #tpu.memory_space<hbm>>
        tpu.enqueue_dma source(%dma_start3A_159 : memref<24x128xi32, #tpu.memory_space<hbm>>) target(%dma_start3A_157 : memref<24x128xi32, #tpu.memory_space<vmem>>) target_semaphore(%run_scoped3A : memref<!tpu.dma_semaphore, #tpu.memory_space<semaphore_mem>>)
        %dma_wait3A_160 = arith.constant 0 : i32
        %dma_wait3A_161 = arith.constant 0 : i32
        %dma_wait3A_162 = tpu.memref_slice %arg7[%dma_wait3A_160, %dma_wait3A_161] : memref<24x128xi32, #tpu.memory_space<vmem>> -> memref<24x128xi32, #tpu.memory_space<vmem>>
        %dma_wait3A_163 = arith.constant 0 : i32
        %dma_wait3A_164 = tpu.memref_slice %arg3[%add3A_84, %dma_wait3A_163] : memref<2560x128xi32, #tpu.memory_space<hbm>> -> memref<24x128xi32, #tpu.memory_space<hbm>>
        %dma_wait3A_165 = arith.constant 0 : i32
        %dma_wait3A_166 = arith.constant 0 : i32
        %dma_wait3A_167 = tpu.memref_slice %arg7[%dma_wait3A_165, %dma_wait3A_166] : memref<24x128xi32, #tpu.memory_space<vmem>> -> memref<24x128xi32, #tpu.memory_space<vmem>>
        %dma_wait3A_168 = arith.constant 0 : i32
        %dma_wait3A_169 = tpu.memref_slice %arg3[%add3A_84, %dma_wait3A_168] : memref<2560x128xi32, #tpu.memory_space<hbm>> -> memref<24x128xi32, #tpu.memory_space<hbm>>
        tpu.wait_dma2 semaphore(%run_scoped3A : memref<!tpu.dma_semaphore, #tpu.memory_space<semaphore_mem>>) src(%dma_wait3A_169 : memref<24x128xi32, #tpu.memory_space<hbm>>) dst(%dma_wait3A_167 : memref<24x128xi32, #tpu.memory_space<vmem>>)
        tpu.yield
      }) : () -> ()
      "tpu.region"() ({
        %run_scoped3A = tpu.sem_alloc : memref<!tpu.dma_semaphore, #tpu.memory_space<semaphore_mem>>
        %dma_start3A_150 = arith.constant 0 : i32
        %dma_start3A_151 = arith.constant 0 : i32
        %dma_start3A_152 = tpu.memref_slice %arg8[%dma_start3A_150, %dma_start3A_151] : memref<24x128xi32, #tpu.memory_space<vmem>> -> memref<24x128xi32, #tpu.memory_space<vmem>>
        %dma_start3A_153 = arith.constant 0 : i32
        %dma_start3A_154 = tpu.memref_slice %arg4[%add3A_84, %dma_start3A_153] : memref<2560x128xi32, #tpu.memory_space<hbm>> -> memref<24x128xi32, #tpu.memory_space<hbm>>
        %dma_start3A_155 = arith.constant 0 : i32
        %dma_start3A_156 = arith.constant 0 : i32
        %dma_start3A_157 = tpu.memref_slice %arg8[%dma_start3A_155, %dma_start3A_156] : memref<24x128xi32, #tpu.memory_space<vmem>> -> memref<24x128xi32, #tpu.memory_space<vmem>>
        %dma_start3A_158 = arith.constant 0 : i32
        %dma_start3A_159 = tpu.memref_slice %arg4[%add3A_84, %dma_start3A_158] : memref<2560x128xi32, #tpu.memory_space<hbm>> -> memref<24x128xi32, #tpu.memory_space<hbm>>
        tpu.enqueue_dma source(%dma_start3A_159 : memref<24x128xi32, #tpu.memory_space<hbm>>) target(%dma_start3A_157 : memref<24x128xi32, #tpu.memory_space<vmem>>) target_semaphore(%run_scoped3A : memref<!tpu.dma_semaphore, #tpu.memory_space<semaphore_mem>>)
        %dma_wait3A_160 = arith.constant 0 : i32
        %dma_wait3A_161 = arith.constant 0 : i32
        %dma_wait3A_162 = tpu.memref_slice %arg8[%dma_wait3A_160, %dma_wait3A_161] : memref<24x128xi32, #tpu.memory_space<vmem>> -> memref<24x128xi32, #tpu.memory_space<vmem>>
        %dma_wait3A_163 = arith.constant 0 : i32
        %dma_wait3A_164 = tpu.memref_slice %arg4[%add3A_84, %dma_wait3A_163] : memref<2560x128xi32, #tpu.memory_space<hbm>> -> memref<24x128xi32, #tpu.memory_space<hbm>>
        %dma_wait3A_165 = arith.constant 0 : i32
        %dma_wait3A_166 = arith.constant 0 : i32
        %dma_wait3A_167 = tpu.memref_slice %arg8[%dma_wait3A_165, %dma_wait3A_166] : memref<24x128xi32, #tpu.memory_space<vmem>> -> memref<24x128xi32, #tpu.memory_space<vmem>>
        %dma_wait3A_168 = arith.constant 0 : i32
        %dma_wait3A_169 = tpu.memref_slice %arg4[%add3A_84, %dma_wait3A_168] : memref<2560x128xi32, #tpu.memory_space<hbm>> -> memref<24x128xi32, #tpu.memory_space<hbm>>
        tpu.wait_dma2 semaphore(%run_scoped3A : memref<!tpu.dma_semaphore, #tpu.memory_space<semaphore_mem>>) src(%dma_wait3A_169 : memref<24x128xi32, #tpu.memory_space<hbm>>) dst(%dma_wait3A_167 : memref<24x128xi32, #tpu.memory_space<vmem>>)
        tpu.yield
      }) : () -> ()
      %dma_start3A_85 = arith.constant 0 : i32
      %dma_start3A_86 = arith.constant 0 : i32
      %dma_start3A_87 = tpu.memref_slice %arg7[%dma_start3A_85, %dma_start3A_86] : memref<24x128xi32, #tpu.memory_space<vmem>> -> memref<1x128xi32, #tpu.memory_space<vmem>>
      %dma_start3A_88 = tpu.memref_squeeze %dma_start3A_87 : memref<1x128xi32, #tpu.memory_space<vmem>> -> memref<128xi32, #tpu.memory_space<vmem>>
      %dma_start3A_89 = arith.constant 0 : i32
      %dma_start3A_90 = arith.constant 0 : i32
      %dma_start3A_91 = tpu.memref_slice %arg2[%dma_start3A_89, %dma_start3A_90] : memref<10000x128xf32, #tpu.memory_space<hbm>> -> memref<10000x128xf32, #tpu.memory_space<hbm>>
      tpu.enqueue_indirect_dma source(%dma_start3A_91 : memref<10000x128xf32, #tpu.memory_space<hbm>>) target(%arg9 : memref<128x128xf32, #tpu.memory_space<vmem>>) offsets(%dma_start3A_88 : memref<128xi32, #tpu.memory_space<vmem>>) semaphore(%arg12 : memref<!tpu.dma_semaphore, #tpu.memory_space<semaphore_mem>>)
      %scan3A_92 = arith.constant 0 : i32
      %scan3A_93 = arith.constant 0 : i32
      %scan3A_94 = arith.constant 12 : i32
      %scan3A_95 = arith.addi %scan3A_93, %scan3A_94 : i32
      %scan3A_96 = arith.constant 1 : i32
      scf.for %scan3A_150 = %scan3A_93 to %scan3A_95 step %scan3A_96  : i32 {
        %mul3A_151 = arith.constant 2 : i32
        %mul3A_152 = arith.muli %mul3A_151, %scan3A_150 : i32
        %add3A_153 = arith.constant 0 : i32
        %add3A_154 = arith.addi %mul3A_152, %add3A_153 : i32
        %dma_wait3A_155 = arith.constant 0 : i32
        %dma_wait3A_156 = arith.constant 0 : i32
        %dma_wait3A_157 = tpu.memref_slice %arg2[%dma_wait3A_155, %dma_wait3A_156] : memref<10000x128xf32, #tpu.memory_space<hbm>> -> memref<128x128xf32, #tpu.memory_space<hbm>>
        %dma_wait3A_158 = arith.constant 0 : i32
        %dma_wait3A_159 = arith.constant 0 : i32
        %dma_wait3A_160 = tpu.memref_slice %arg2[%dma_wait3A_158, %dma_wait3A_159] : memref<10000x128xf32, #tpu.memory_space<hbm>> -> memref<128x128xf32, #tpu.memory_space<hbm>>
        tpu.wait_dma2 semaphore(%arg12 : memref<!tpu.dma_semaphore, #tpu.memory_space<semaphore_mem>>) src(%dma_wait3A_160 : memref<128x128xf32, #tpu.memory_space<hbm>>) dst(%arg9 : memref<128x128xf32, #tpu.memory_space<vmem>>)
        %dma_start3A_161 = arith.constant 0 : i32
        %dma_start3A_162 = tpu.memref_slice %arg8[%add3A_154, %dma_start3A_161] : memref<24x128xi32, #tpu.memory_space<vmem>> -> memref<1x128xi32, #tpu.memory_space<vmem>>
        %dma_start3A_163 = tpu.memref_squeeze %dma_start3A_162 : memref<1x128xi32, #tpu.memory_space<vmem>> -> memref<128xi32, #tpu.memory_space<vmem>>
        %dma_start3A_164 = arith.constant 0 : i32
        %dma_start3A_165 = arith.constant 0 : i32
        %dma_start3A_166 = tpu.memref_slice %arg11[%dma_start3A_164, %dma_start3A_165] : memref<10240x128xf32, #tpu.memory_space<vmem_shared>> -> memref<10240x128xf32, #tpu.memory_space<vmem_shared>>
        tpu.enqueue_indirect_dma source(%arg9 : memref<128x128xf32, #tpu.memory_space<vmem>>) target(%dma_start3A_166 : memref<10240x128xf32, #tpu.memory_space<vmem_shared>>) offsets(%dma_start3A_163 : memref<128xi32, #tpu.memory_space<vmem>>) semaphore(%arg13 : memref<!tpu.dma_semaphore, #tpu.memory_space<semaphore_mem>>) {add = true}
        %ge3A = arith.constant 1 : i32
        %ge3A_167 = arith.cmpi sge, %add3A_154, %ge3A : i32
        %convert_element_type3A_168 = arith.extui %ge3A_167 : i1 to i32
        %cond3A_169 = arith.constant 0 : i32
        %cond3A_170 = arith.cmpi ne, %convert_element_type3A_168, %cond3A_169 : i32
        scf.if %cond3A_170 {
          %dma_wait3A_205 = arith.constant 0 : i32
          %dma_wait3A_206 = arith.constant 0 : i32
          %dma_wait3A_207 = tpu.memref_slice %arg11[%dma_wait3A_205, %dma_wait3A_206] : memref<10240x128xf32, #tpu.memory_space<vmem_shared>> -> memref<128x128xf32, #tpu.memory_space<vmem_shared>>
          %dma_wait3A_208 = arith.constant 0 : i32
          %dma_wait3A_209 = arith.constant 0 : i32
          %dma_wait3A_210 = tpu.memref_slice %arg11[%dma_wait3A_208, %dma_wait3A_209] : memref<10240x128xf32, #tpu.memory_space<vmem_shared>> -> memref<128x128xf32, #tpu.memory_space<vmem_shared>>
          tpu.wait_dma2 semaphore(%arg13 : memref<!tpu.dma_semaphore, #tpu.memory_space<semaphore_mem>>) src(%arg10 : memref<128x128xf32, #tpu.memory_space<vmem>>) dst(%dma_wait3A_210 : memref<128x128xf32, #tpu.memory_space<vmem_shared>>)
        } else {
        }
        %add3A_171 = arith.constant 1 : i32
        %add3A_172 = arith.addi %add3A_154, %add3A_171 : i32
        %lt3A = arith.constant 24 : i32
        %lt3A_173 = arith.cmpi slt, %add3A_172, %lt3A : i32
        %convert_element_type3A_174 = arith.extui %lt3A_173 : i1 to i32
        %cond3A_175 = arith.constant 0 : i32
        %cond3A_176 = arith.cmpi ne, %convert_element_type3A_174, %cond3A_175 : i32
        scf.if %cond3A_176 {
          %add3A_205 = arith.constant 1 : i32
          %add3A_206 = arith.addi %add3A_154, %add3A_205 : i32
          %dma_start3A_207 = arith.constant 0 : i32
          %dma_start3A_208 = tpu.memref_slice %arg7[%add3A_206, %dma_start3A_207] : memref<24x128xi32, #tpu.memory_space<vmem>> -> memref<1x128xi32, #tpu.memory_space<vmem>>
          %dma_start3A_209 = tpu.memref_squeeze %dma_start3A_208 : memref<1x128xi32, #tpu.memory_space<vmem>> -> memref<128xi32, #tpu.memory_space<vmem>>
          %dma_start3A_210 = arith.constant 0 : i32
          %dma_start3A_211 = arith.constant 0 : i32
          %dma_start3A_212 = tpu.memref_slice %arg2[%dma_start3A_210, %dma_start3A_211] : memref<10000x128xf32, #tpu.memory_space<hbm>> -> memref<10000x128xf32, #tpu.memory_space<hbm>>
          tpu.enqueue_indirect_dma source(%dma_start3A_212 : memref<10000x128xf32, #tpu.memory_space<hbm>>) target(%arg10 : memref<128x128xf32, #tpu.memory_space<vmem>>) offsets(%dma_start3A_209 : memref<128xi32, #tpu.memory_space<vmem>>) semaphore(%arg12 : memref<!tpu.dma_semaphore, #tpu.memory_space<semaphore_mem>>)
        } else {
        }
        %mul3A_177 = arith.constant 2 : i32
        %mul3A_178 = arith.muli %mul3A_177, %scan3A_150 : i32
        %add3A_179 = arith.constant 1 : i32
        %add3A_180 = arith.addi %mul3A_178, %add3A_179 : i32
        %dma_wait3A_181 = arith.constant 0 : i32
        %dma_wait3A_182 = arith.constant 0 : i32
        %dma_wait3A_183 = tpu.memref_slice %arg2[%dma_wait3A_181, %dma_wait3A_182] : memref<10000x128xf32, #tpu.memory_space<hbm>> -> memref<128x128xf32, #tpu.memory_space<hbm>>
        %dma_wait3A_184 = arith.constant 0 : i32
        %dma_wait3A_185 = arith.constant 0 : i32
        %dma_wait3A_186 = tpu.memref_slice %arg2[%dma_wait3A_184, %dma_wait3A_185] : memref<10000x128xf32, #tpu.memory_space<hbm>> -> memref<128x128xf32, #tpu.memory_space<hbm>>
        tpu.wait_dma2 semaphore(%arg12 : memref<!tpu.dma_semaphore, #tpu.memory_space<semaphore_mem>>) src(%dma_wait3A_186 : memref<128x128xf32, #tpu.memory_space<hbm>>) dst(%arg10 : memref<128x128xf32, #tpu.memory_space<vmem>>)
        %dma_start3A_187 = arith.constant 0 : i32
        %dma_start3A_188 = tpu.memref_slice %arg8[%add3A_180, %dma_start3A_187] : memref<24x128xi32, #tpu.memory_space<vmem>> -> memref<1x128xi32, #tpu.memory_space<vmem>>
        %dma_start3A_189 = tpu.memref_squeeze %dma_start3A_188 : memref<1x128xi32, #tpu.memory_space<vmem>> -> memref<128xi32, #tpu.memory_space<vmem>>
        %dma_start3A_190 = arith.constant 0 : i32
        %dma_start3A_191 = arith.constant 0 : i32
        %dma_start3A_192 = tpu.memref_slice %arg11[%dma_start3A_190, %dma_start3A_191] : memref<10240x128xf32, #tpu.memory_space<vmem_shared>> -> memref<10240x128xf32, #tpu.memory_space<vmem_shared>>
        tpu.enqueue_indirect_dma source(%arg10 : memref<128x128xf32, #tpu.memory_space<vmem>>) target(%dma_start3A_192 : memref<10240x128xf32, #tpu.memory_space<vmem_shared>>) offsets(%dma_start3A_189 : memref<128xi32, #tpu.memory_space<vmem>>) semaphore(%arg13 : memref<!tpu.dma_semaphore, #tpu.memory_space<semaphore_mem>>) {add = true}
        %ge3A_193 = arith.constant 1 : i32
        %ge3A_194 = arith.cmpi sge, %add3A_180, %ge3A_193 : i32
        %convert_element_type3A_195 = arith.extui %ge3A_194 : i1 to i32
        %cond3A_196 = arith.constant 0 : i32
        %cond3A_197 = arith.cmpi ne, %convert_element_type3A_195, %cond3A_196 : i32
        scf.if %cond3A_197 {
          %dma_wait3A_205 = arith.constant 0 : i32
          %dma_wait3A_206 = arith.constant 0 : i32
          %dma_wait3A_207 = tpu.memref_slice %arg11[%dma_wait3A_205, %dma_wait3A_206] : memref<10240x128xf32, #tpu.memory_space<vmem_shared>> -> memref<128x128xf32, #tpu.memory_space<vmem_shared>>
          %dma_wait3A_208 = arith.constant 0 : i32
          %dma_wait3A_209 = arith.constant 0 : i32
          %dma_wait3A_210 = tpu.memref_slice %arg11[%dma_wait3A_208, %dma_wait3A_209] : memref<10240x128xf32, #tpu.memory_space<vmem_shared>> -> memref<128x128xf32, #tpu.memory_space<vmem_shared>>
          tpu.wait_dma2 semaphore(%arg13 : memref<!tpu.dma_semaphore, #tpu.memory_space<semaphore_mem>>) src(%arg9 : memref<128x128xf32, #tpu.memory_space<vmem>>) dst(%dma_wait3A_210 : memref<128x128xf32, #tpu.memory_space<vmem_shared>>)
        } else {
        }
        %add3A_198 = arith.constant 1 : i32
        %add3A_199 = arith.addi %add3A_180, %add3A_198 : i32
        %lt3A_200 = arith.constant 24 : i32
        %lt3A_201 = arith.cmpi slt, %add3A_199, %lt3A_200 : i32
        %convert_element_type3A_202 = arith.extui %lt3A_201 : i1 to i32
        %cond3A_203 = arith.constant 0 : i32
        %cond3A_204 = arith.cmpi ne, %convert_element_type3A_202, %cond3A_203 : i32
        scf.if %cond3A_204 {
          %add3A_205 = arith.constant 1 : i32
          %add3A_206 = arith.addi %add3A_180, %add3A_205 : i32
          %dma_start3A_207 = arith.constant 0 : i32
          %dma_start3A_208 = tpu.memref_slice %arg7[%add3A_206, %dma_start3A_207] : memref<24x128xi32, #tpu.memory_space<vmem>> -> memref<1x128xi32, #tpu.memory_space<vmem>>
          %dma_start3A_209 = tpu.memref_squeeze %dma_start3A_208 : memref<1x128xi32, #tpu.memory_space<vmem>> -> memref<128xi32, #tpu.memory_space<vmem>>
          %dma_start3A_210 = arith.constant 0 : i32
          %dma_start3A_211 = arith.constant 0 : i32
          %dma_start3A_212 = tpu.memref_slice %arg2[%dma_start3A_210, %dma_start3A_211] : memref<10000x128xf32, #tpu.memory_space<hbm>> -> memref<10000x128xf32, #tpu.memory_space<hbm>>
          tpu.enqueue_indirect_dma source(%dma_start3A_212 : memref<10000x128xf32, #tpu.memory_space<hbm>>) target(%arg9 : memref<128x128xf32, #tpu.memory_space<vmem>>) offsets(%dma_start3A_209 : memref<128xi32, #tpu.memory_space<vmem>>) semaphore(%arg12 : memref<!tpu.dma_semaphore, #tpu.memory_space<semaphore_mem>>)
        } else {
        }
      }
      %scan3A_97 = arith.constant 12 : i32
      %dma_wait3A_98 = arith.constant 0 : i32
      %dma_wait3A_99 = arith.constant 0 : i32
      %dma_wait3A_100 = tpu.memref_slice %arg11[%dma_wait3A_98, %dma_wait3A_99] : memref<10240x128xf32, #tpu.memory_space<vmem_shared>> -> memref<128x128xf32, #tpu.memory_space<vmem_shared>>
      %dma_wait3A_101 = arith.constant 0 : i32
      %dma_wait3A_102 = arith.constant 0 : i32
      %dma_wait3A_103 = tpu.memref_slice %arg11[%dma_wait3A_101, %dma_wait3A_102] : memref<10240x128xf32, #tpu.memory_space<vmem_shared>> -> memref<128x128xf32, #tpu.memory_space<vmem_shared>>
      tpu.wait_dma2 semaphore(%arg13 : memref<!tpu.dma_semaphore, #tpu.memory_space<semaphore_mem>>) src(%arg10 : memref<128x128xf32, #tpu.memory_space<vmem>>) dst(%dma_wait3A_103 : memref<128x128xf32, #tpu.memory_space<vmem_shared>>)
      %mul3A_104 = arith.constant 144 : i32
      %mul3A_105 = arith.muli %arg1, %mul3A_104 : i32
      %add3A_106 = arith.constant 96 : i32
      %add3A_107 = arith.addi %mul3A_105, %add3A_106 : i32
      "tpu.region"() ({
        %run_scoped3A = tpu.sem_alloc : memref<!tpu.dma_semaphore, #tpu.memory_space<semaphore_mem>>
        %dma_start3A_150 = arith.constant 0 : i32
        %dma_start3A_151 = arith.constant 0 : i32
        %dma_start3A_152 = tpu.memref_slice %arg7[%dma_start3A_150, %dma_start3A_151] : memref<24x128xi32, #tpu.memory_space<vmem>> -> memref<24x128xi32, #tpu.memory_space<vmem>>
        %dma_start3A_153 = arith.constant 0 : i32
        %dma_start3A_154 = tpu.memref_slice %arg3[%add3A_107, %dma_start3A_153] : memref<2560x128xi32, #tpu.memory_space<hbm>> -> memref<24x128xi32, #tpu.memory_space<hbm>>
        %dma_start3A_155 = arith.constant 0 : i32
        %dma_start3A_156 = arith.constant 0 : i32
        %dma_start3A_157 = tpu.memref_slice %arg7[%dma_start3A_155, %dma_start3A_156] : memref<24x128xi32, #tpu.memory_space<vmem>> -> memref<24x128xi32, #tpu.memory_space<vmem>>
        %dma_start3A_158 = arith.constant 0 : i32
        %dma_start3A_159 = tpu.memref_slice %arg3[%add3A_107, %dma_start3A_158] : memref<2560x128xi32, #tpu.memory_space<hbm>> -> memref<24x128xi32, #tpu.memory_space<hbm>>
        tpu.enqueue_dma source(%dma_start3A_159 : memref<24x128xi32, #tpu.memory_space<hbm>>) target(%dma_start3A_157 : memref<24x128xi32, #tpu.memory_space<vmem>>) target_semaphore(%run_scoped3A : memref<!tpu.dma_semaphore, #tpu.memory_space<semaphore_mem>>)
        %dma_wait3A_160 = arith.constant 0 : i32
        %dma_wait3A_161 = arith.constant 0 : i32
        %dma_wait3A_162 = tpu.memref_slice %arg7[%dma_wait3A_160, %dma_wait3A_161] : memref<24x128xi32, #tpu.memory_space<vmem>> -> memref<24x128xi32, #tpu.memory_space<vmem>>
        %dma_wait3A_163 = arith.constant 0 : i32
        %dma_wait3A_164 = tpu.memref_slice %arg3[%add3A_107, %dma_wait3A_163] : memref<2560x128xi32, #tpu.memory_space<hbm>> -> memref<24x128xi32, #tpu.memory_space<hbm>>
        %dma_wait3A_165 = arith.constant 0 : i32
        %dma_wait3A_166 = arith.constant 0 : i32
        %dma_wait3A_167 = tpu.memref_slice %arg7[%dma_wait3A_165, %dma_wait3A_166] : memref<24x128xi32, #tpu.memory_space<vmem>> -> memref<24x128xi32, #tpu.memory_space<vmem>>
        %dma_wait3A_168 = arith.constant 0 : i32
        %dma_wait3A_169 = tpu.memref_slice %arg3[%add3A_107, %dma_wait3A_168] : memref<2560x128xi32, #tpu.memory_space<hbm>> -> memref<24x128xi32, #tpu.memory_space<hbm>>
        tpu.wait_dma2 semaphore(%run_scoped3A : memref<!tpu.dma_semaphore, #tpu.memory_space<semaphore_mem>>) src(%dma_wait3A_169 : memref<24x128xi32, #tpu.memory_space<hbm>>) dst(%dma_wait3A_167 : memref<24x128xi32, #tpu.memory_space<vmem>>)
        tpu.yield
      }) : () -> ()
      "tpu.region"() ({
        %run_scoped3A = tpu.sem_alloc : memref<!tpu.dma_semaphore, #tpu.memory_space<semaphore_mem>>
        %dma_start3A_150 = arith.constant 0 : i32
        %dma_start3A_151 = arith.constant 0 : i32
        %dma_start3A_152 = tpu.memref_slice %arg8[%dma_start3A_150, %dma_start3A_151] : memref<24x128xi32, #tpu.memory_space<vmem>> -> memref<24x128xi32, #tpu.memory_space<vmem>>
        %dma_start3A_153 = arith.constant 0 : i32
        %dma_start3A_154 = tpu.memref_slice %arg4[%add3A_107, %dma_start3A_153] : memref<2560x128xi32, #tpu.memory_space<hbm>> -> memref<24x128xi32, #tpu.memory_space<hbm>>
        %dma_start3A_155 = arith.constant 0 : i32
        %dma_start3A_156 = arith.constant 0 : i32
        %dma_start3A_157 = tpu.memref_slice %arg8[%dma_start3A_155, %dma_start3A_156] : memref<24x128xi32, #tpu.memory_space<vmem>> -> memref<24x128xi32, #tpu.memory_space<vmem>>
        %dma_start3A_158 = arith.constant 0 : i32
        %dma_start3A_159 = tpu.memref_slice %arg4[%add3A_107, %dma_start3A_158] : memref<2560x128xi32, #tpu.memory_space<hbm>> -> memref<24x128xi32, #tpu.memory_space<hbm>>
        tpu.enqueue_dma source(%dma_start3A_159 : memref<24x128xi32, #tpu.memory_space<hbm>>) target(%dma_start3A_157 : memref<24x128xi32, #tpu.memory_space<vmem>>) target_semaphore(%run_scoped3A : memref<!tpu.dma_semaphore, #tpu.memory_space<semaphore_mem>>)
        %dma_wait3A_160 = arith.constant 0 : i32
        %dma_wait3A_161 = arith.constant 0 : i32
        %dma_wait3A_162 = tpu.memref_slice %arg8[%dma_wait3A_160, %dma_wait3A_161] : memref<24x128xi32, #tpu.memory_space<vmem>> -> memref<24x128xi32, #tpu.memory_space<vmem>>
        %dma_wait3A_163 = arith.constant 0 : i32
        %dma_wait3A_164 = tpu.memref_slice %arg4[%add3A_107, %dma_wait3A_163] : memref<2560x128xi32, #tpu.memory_space<hbm>> -> memref<24x128xi32, #tpu.memory_space<hbm>>
        %dma_wait3A_165 = arith.constant 0 : i32
        %dma_wait3A_166 = arith.constant 0 : i32
        %dma_wait3A_167 = tpu.memref_slice %arg8[%dma_wait3A_165, %dma_wait3A_166] : memref<24x128xi32, #tpu.memory_space<vmem>> -> memref<24x128xi32, #tpu.memory_space<vmem>>
        %dma_wait3A_168 = arith.constant 0 : i32
        %dma_wait3A_169 = tpu.memref_slice %arg4[%add3A_107, %dma_wait3A_168] : memref<2560x128xi32, #tpu.memory_space<hbm>> -> memref<24x128xi32, #tpu.memory_space<hbm>>
        tpu.wait_dma2 semaphore(%run_scoped3A : memref<!tpu.dma_semaphore, #tpu.memory_space<semaphore_mem>>) src(%dma_wait3A_169 : memref<24x128xi32, #tpu.memory_space<hbm>>) dst(%dma_wait3A_167 : memref<24x128xi32, #tpu.memory_space<vmem>>)
        tpu.yield
      }) : () -> ()
      %dma_start3A_108 = arith.constant 0 : i32
      %dma_start3A_109 = arith.constant 0 : i32
      %dma_start3A_110 = tpu.memref_slice %arg7[%dma_start3A_108, %dma_start3A_109] : memref<24x128xi32, #tpu.memory_space<vmem>> -> memref<1x128xi32, #tpu.memory_space<vmem>>
      %dma_start3A_111 = tpu.memref_squeeze %dma_start3A_110 : memref<1x128xi32, #tpu.memory_space<vmem>> -> memref<128xi32, #tpu.memory_space<vmem>>
      %dma_start3A_112 = arith.constant 0 : i32
      %dma_start3A_113 = arith.constant 0 : i32
      %dma_start3A_114 = tpu.memref_slice %arg2[%dma_start3A_112, %dma_start3A_113] : memref<10000x128xf32, #tpu.memory_space<hbm>> -> memref<10000x128xf32, #tpu.memory_space<hbm>>
      tpu.enqueue_indirect_dma source(%dma_start3A_114 : memref<10000x128xf32, #tpu.memory_space<hbm>>) target(%arg9 : memref<128x128xf32, #tpu.memory_space<vmem>>) offsets(%dma_start3A_111 : memref<128xi32, #tpu.memory_space<vmem>>) semaphore(%arg12 : memref<!tpu.dma_semaphore, #tpu.memory_space<semaphore_mem>>)
      %scan3A_115 = arith.constant 0 : i32
      %scan3A_116 = arith.constant 0 : i32
      %scan3A_117 = arith.constant 12 : i32
      %scan3A_118 = arith.addi %scan3A_116, %scan3A_117 : i32
      %scan3A_119 = arith.constant 1 : i32
      scf.for %scan3A_150 = %scan3A_116 to %scan3A_118 step %scan3A_119  : i32 {
        %mul3A_151 = arith.constant 2 : i32
        %mul3A_152 = arith.muli %mul3A_151, %scan3A_150 : i32
        %add3A_153 = arith.constant 0 : i32
        %add3A_154 = arith.addi %mul3A_152, %add3A_153 : i32
        %dma_wait3A_155 = arith.constant 0 : i32
        %dma_wait3A_156 = arith.constant 0 : i32
        %dma_wait3A_157 = tpu.memref_slice %arg2[%dma_wait3A_155, %dma_wait3A_156] : memref<10000x128xf32, #tpu.memory_space<hbm>> -> memref<128x128xf32, #tpu.memory_space<hbm>>
        %dma_wait3A_158 = arith.constant 0 : i32
        %dma_wait3A_159 = arith.constant 0 : i32
        %dma_wait3A_160 = tpu.memref_slice %arg2[%dma_wait3A_158, %dma_wait3A_159] : memref<10000x128xf32, #tpu.memory_space<hbm>> -> memref<128x128xf32, #tpu.memory_space<hbm>>
        tpu.wait_dma2 semaphore(%arg12 : memref<!tpu.dma_semaphore, #tpu.memory_space<semaphore_mem>>) src(%dma_wait3A_160 : memref<128x128xf32, #tpu.memory_space<hbm>>) dst(%arg9 : memref<128x128xf32, #tpu.memory_space<vmem>>)
        %dma_start3A_161 = arith.constant 0 : i32
        %dma_start3A_162 = tpu.memref_slice %arg8[%add3A_154, %dma_start3A_161] : memref<24x128xi32, #tpu.memory_space<vmem>> -> memref<1x128xi32, #tpu.memory_space<vmem>>
        %dma_start3A_163 = tpu.memref_squeeze %dma_start3A_162 : memref<1x128xi32, #tpu.memory_space<vmem>> -> memref<128xi32, #tpu.memory_space<vmem>>
        %dma_start3A_164 = arith.constant 0 : i32
        %dma_start3A_165 = arith.constant 0 : i32
        %dma_start3A_166 = tpu.memref_slice %arg11[%dma_start3A_164, %dma_start3A_165] : memref<10240x128xf32, #tpu.memory_space<vmem_shared>> -> memref<10240x128xf32, #tpu.memory_space<vmem_shared>>
        tpu.enqueue_indirect_dma source(%arg9 : memref<128x128xf32, #tpu.memory_space<vmem>>) target(%dma_start3A_166 : memref<10240x128xf32, #tpu.memory_space<vmem_shared>>) offsets(%dma_start3A_163 : memref<128xi32, #tpu.memory_space<vmem>>) semaphore(%arg13 : memref<!tpu.dma_semaphore, #tpu.memory_space<semaphore_mem>>) {add = true}
        %ge3A = arith.constant 1 : i32
        %ge3A_167 = arith.cmpi sge, %add3A_154, %ge3A : i32
        %convert_element_type3A_168 = arith.extui %ge3A_167 : i1 to i32
        %cond3A_169 = arith.constant 0 : i32
        %cond3A_170 = arith.cmpi ne, %convert_element_type3A_168, %cond3A_169 : i32
        scf.if %cond3A_170 {
          %dma_wait3A_205 = arith.constant 0 : i32
          %dma_wait3A_206 = arith.constant 0 : i32
          %dma_wait3A_207 = tpu.memref_slice %arg11[%dma_wait3A_205, %dma_wait3A_206] : memref<10240x128xf32, #tpu.memory_space<vmem_shared>> -> memref<128x128xf32, #tpu.memory_space<vmem_shared>>
          %dma_wait3A_208 = arith.constant 0 : i32
          %dma_wait3A_209 = arith.constant 0 : i32
          %dma_wait3A_210 = tpu.memref_slice %arg11[%dma_wait3A_208, %dma_wait3A_209] : memref<10240x128xf32, #tpu.memory_space<vmem_shared>> -> memref<128x128xf32, #tpu.memory_space<vmem_shared>>
          tpu.wait_dma2 semaphore(%arg13 : memref<!tpu.dma_semaphore, #tpu.memory_space<semaphore_mem>>) src(%arg10 : memref<128x128xf32, #tpu.memory_space<vmem>>) dst(%dma_wait3A_210 : memref<128x128xf32, #tpu.memory_space<vmem_shared>>)
        } else {
        }
        %add3A_171 = arith.constant 1 : i32
        %add3A_172 = arith.addi %add3A_154, %add3A_171 : i32
        %lt3A = arith.constant 24 : i32
        %lt3A_173 = arith.cmpi slt, %add3A_172, %lt3A : i32
        %convert_element_type3A_174 = arith.extui %lt3A_173 : i1 to i32
        %cond3A_175 = arith.constant 0 : i32
        %cond3A_176 = arith.cmpi ne, %convert_element_type3A_174, %cond3A_175 : i32
        scf.if %cond3A_176 {
          %add3A_205 = arith.constant 1 : i32
          %add3A_206 = arith.addi %add3A_154, %add3A_205 : i32
          %dma_start3A_207 = arith.constant 0 : i32
          %dma_start3A_208 = tpu.memref_slice %arg7[%add3A_206, %dma_start3A_207] : memref<24x128xi32, #tpu.memory_space<vmem>> -> memref<1x128xi32, #tpu.memory_space<vmem>>
          %dma_start3A_209 = tpu.memref_squeeze %dma_start3A_208 : memref<1x128xi32, #tpu.memory_space<vmem>> -> memref<128xi32, #tpu.memory_space<vmem>>
          %dma_start3A_210 = arith.constant 0 : i32
          %dma_start3A_211 = arith.constant 0 : i32
          %dma_start3A_212 = tpu.memref_slice %arg2[%dma_start3A_210, %dma_start3A_211] : memref<10000x128xf32, #tpu.memory_space<hbm>> -> memref<10000x128xf32, #tpu.memory_space<hbm>>
          tpu.enqueue_indirect_dma source(%dma_start3A_212 : memref<10000x128xf32, #tpu.memory_space<hbm>>) target(%arg10 : memref<128x128xf32, #tpu.memory_space<vmem>>) offsets(%dma_start3A_209 : memref<128xi32, #tpu.memory_space<vmem>>) semaphore(%arg12 : memref<!tpu.dma_semaphore, #tpu.memory_space<semaphore_mem>>)
        } else {
        }
        %mul3A_177 = arith.constant 2 : i32
        %mul3A_178 = arith.muli %mul3A_177, %scan3A_150 : i32
        %add3A_179 = arith.constant 1 : i32
        %add3A_180 = arith.addi %mul3A_178, %add3A_179 : i32
        %dma_wait3A_181 = arith.constant 0 : i32
        %dma_wait3A_182 = arith.constant 0 : i32
        %dma_wait3A_183 = tpu.memref_slice %arg2[%dma_wait3A_181, %dma_wait3A_182] : memref<10000x128xf32, #tpu.memory_space<hbm>> -> memref<128x128xf32, #tpu.memory_space<hbm>>
        %dma_wait3A_184 = arith.constant 0 : i32
        %dma_wait3A_185 = arith.constant 0 : i32
        %dma_wait3A_186 = tpu.memref_slice %arg2[%dma_wait3A_184, %dma_wait3A_185] : memref<10000x128xf32, #tpu.memory_space<hbm>> -> memref<128x128xf32, #tpu.memory_space<hbm>>
        tpu.wait_dma2 semaphore(%arg12 : memref<!tpu.dma_semaphore, #tpu.memory_space<semaphore_mem>>) src(%dma_wait3A_186 : memref<128x128xf32, #tpu.memory_space<hbm>>) dst(%arg10 : memref<128x128xf32, #tpu.memory_space<vmem>>)
        %dma_start3A_187 = arith.constant 0 : i32
        %dma_start3A_188 = tpu.memref_slice %arg8[%add3A_180, %dma_start3A_187] : memref<24x128xi32, #tpu.memory_space<vmem>> -> memref<1x128xi32, #tpu.memory_space<vmem>>
        %dma_start3A_189 = tpu.memref_squeeze %dma_start3A_188 : memref<1x128xi32, #tpu.memory_space<vmem>> -> memref<128xi32, #tpu.memory_space<vmem>>
        %dma_start3A_190 = arith.constant 0 : i32
        %dma_start3A_191 = arith.constant 0 : i32
        %dma_start3A_192 = tpu.memref_slice %arg11[%dma_start3A_190, %dma_start3A_191] : memref<10240x128xf32, #tpu.memory_space<vmem_shared>> -> memref<10240x128xf32, #tpu.memory_space<vmem_shared>>
        tpu.enqueue_indirect_dma source(%arg10 : memref<128x128xf32, #tpu.memory_space<vmem>>) target(%dma_start3A_192 : memref<10240x128xf32, #tpu.memory_space<vmem_shared>>) offsets(%dma_start3A_189 : memref<128xi32, #tpu.memory_space<vmem>>) semaphore(%arg13 : memref<!tpu.dma_semaphore, #tpu.memory_space<semaphore_mem>>) {add = true}
        %ge3A_193 = arith.constant 1 : i32
        %ge3A_194 = arith.cmpi sge, %add3A_180, %ge3A_193 : i32
        %convert_element_type3A_195 = arith.extui %ge3A_194 : i1 to i32
        %cond3A_196 = arith.constant 0 : i32
        %cond3A_197 = arith.cmpi ne, %convert_element_type3A_195, %cond3A_196 : i32
        scf.if %cond3A_197 {
          %dma_wait3A_205 = arith.constant 0 : i32
          %dma_wait3A_206 = arith.constant 0 : i32
          %dma_wait3A_207 = tpu.memref_slice %arg11[%dma_wait3A_205, %dma_wait3A_206] : memref<10240x128xf32, #tpu.memory_space<vmem_shared>> -> memref<128x128xf32, #tpu.memory_space<vmem_shared>>
          %dma_wait3A_208 = arith.constant 0 : i32
          %dma_wait3A_209 = arith.constant 0 : i32
          %dma_wait3A_210 = tpu.memref_slice %arg11[%dma_wait3A_208, %dma_wait3A_209] : memref<10240x128xf32, #tpu.memory_space<vmem_shared>> -> memref<128x128xf32, #tpu.memory_space<vmem_shared>>
          tpu.wait_dma2 semaphore(%arg13 : memref<!tpu.dma_semaphore, #tpu.memory_space<semaphore_mem>>) src(%arg9 : memref<128x128xf32, #tpu.memory_space<vmem>>) dst(%dma_wait3A_210 : memref<128x128xf32, #tpu.memory_space<vmem_shared>>)
        } else {
        }
        %add3A_198 = arith.constant 1 : i32
        %add3A_199 = arith.addi %add3A_180, %add3A_198 : i32
        %lt3A_200 = arith.constant 24 : i32
        %lt3A_201 = arith.cmpi slt, %add3A_199, %lt3A_200 : i32
        %convert_element_type3A_202 = arith.extui %lt3A_201 : i1 to i32
        %cond3A_203 = arith.constant 0 : i32
        %cond3A_204 = arith.cmpi ne, %convert_element_type3A_202, %cond3A_203 : i32
        scf.if %cond3A_204 {
          %add3A_205 = arith.constant 1 : i32
          %add3A_206 = arith.addi %add3A_180, %add3A_205 : i32
          %dma_start3A_207 = arith.constant 0 : i32
          %dma_start3A_208 = tpu.memref_slice %arg7[%add3A_206, %dma_start3A_207] : memref<24x128xi32, #tpu.memory_space<vmem>> -> memref<1x128xi32, #tpu.memory_space<vmem>>
          %dma_start3A_209 = tpu.memref_squeeze %dma_start3A_208 : memref<1x128xi32, #tpu.memory_space<vmem>> -> memref<128xi32, #tpu.memory_space<vmem>>
          %dma_start3A_210 = arith.constant 0 : i32
          %dma_start3A_211 = arith.constant 0 : i32
          %dma_start3A_212 = tpu.memref_slice %arg2[%dma_start3A_210, %dma_start3A_211] : memref<10000x128xf32, #tpu.memory_space<hbm>> -> memref<10000x128xf32, #tpu.memory_space<hbm>>
          tpu.enqueue_indirect_dma source(%dma_start3A_212 : memref<10000x128xf32, #tpu.memory_space<hbm>>) target(%arg9 : memref<128x128xf32, #tpu.memory_space<vmem>>) offsets(%dma_start3A_209 : memref<128xi32, #tpu.memory_space<vmem>>) semaphore(%arg12 : memref<!tpu.dma_semaphore, #tpu.memory_space<semaphore_mem>>)
        } else {
        }
      }
      %scan3A_120 = arith.constant 12 : i32
      %dma_wait3A_121 = arith.constant 0 : i32
      %dma_wait3A_122 = arith.constant 0 : i32
      %dma_wait3A_123 = tpu.memref_slice %arg11[%dma_wait3A_121, %dma_wait3A_122] : memref<10240x128xf32, #tpu.memory_space<vmem_shared>> -> memref<128x128xf32, #tpu.memory_space<vmem_shared>>
      %dma_wait3A_124 = arith.constant 0 : i32
      %dma_wait3A_125 = arith.constant 0 : i32
      %dma_wait3A_126 = tpu.memref_slice %arg11[%dma_wait3A_124, %dma_wait3A_125] : memref<10240x128xf32, #tpu.memory_space<vmem_shared>> -> memref<128x128xf32, #tpu.memory_space<vmem_shared>>
      tpu.wait_dma2 semaphore(%arg13 : memref<!tpu.dma_semaphore, #tpu.memory_space<semaphore_mem>>) src(%arg10 : memref<128x128xf32, #tpu.memory_space<vmem>>) dst(%dma_wait3A_126 : memref<128x128xf32, #tpu.memory_space<vmem_shared>>)
      %mul3A_127 = arith.constant 144 : i32
      %mul3A_128 = arith.muli %arg1, %mul3A_127 : i32
      %add3A_129 = arith.constant 120 : i32
      %add3A_130 = arith.addi %mul3A_128, %add3A_129 : i32
      "tpu.region"() ({
        %run_scoped3A = tpu.sem_alloc : memref<!tpu.dma_semaphore, #tpu.memory_space<semaphore_mem>>
        %dma_start3A_150 = arith.constant 0 : i32
        %dma_start3A_151 = arith.constant 0 : i32
        %dma_start3A_152 = tpu.memref_slice %arg7[%dma_start3A_150, %dma_start3A_151] : memref<24x128xi32, #tpu.memory_space<vmem>> -> memref<24x128xi32, #tpu.memory_space<vmem>>
        %dma_start3A_153 = arith.constant 0 : i32
        %dma_start3A_154 = tpu.memref_slice %arg3[%add3A_130, %dma_start3A_153] : memref<2560x128xi32, #tpu.memory_space<hbm>> -> memref<24x128xi32, #tpu.memory_space<hbm>>
        %dma_start3A_155 = arith.constant 0 : i32
        %dma_start3A_156 = arith.constant 0 : i32
        %dma_start3A_157 = tpu.memref_slice %arg7[%dma_start3A_155, %dma_start3A_156] : memref<24x128xi32, #tpu.memory_space<vmem>> -> memref<24x128xi32, #tpu.memory_space<vmem>>
        %dma_start3A_158 = arith.constant 0 : i32
        %dma_start3A_159 = tpu.memref_slice %arg3[%add3A_130, %dma_start3A_158] : memref<2560x128xi32, #tpu.memory_space<hbm>> -> memref<24x128xi32, #tpu.memory_space<hbm>>
        tpu.enqueue_dma source(%dma_start3A_159 : memref<24x128xi32, #tpu.memory_space<hbm>>) target(%dma_start3A_157 : memref<24x128xi32, #tpu.memory_space<vmem>>) target_semaphore(%run_scoped3A : memref<!tpu.dma_semaphore, #tpu.memory_space<semaphore_mem>>)
        %dma_wait3A_160 = arith.constant 0 : i32
        %dma_wait3A_161 = arith.constant 0 : i32
        %dma_wait3A_162 = tpu.memref_slice %arg7[%dma_wait3A_160, %dma_wait3A_161] : memref<24x128xi32, #tpu.memory_space<vmem>> -> memref<24x128xi32, #tpu.memory_space<vmem>>
        %dma_wait3A_163 = arith.constant 0 : i32
        %dma_wait3A_164 = tpu.memref_slice %arg3[%add3A_130, %dma_wait3A_163] : memref<2560x128xi32, #tpu.memory_space<hbm>> -> memref<24x128xi32, #tpu.memory_space<hbm>>
        %dma_wait3A_165 = arith.constant 0 : i32
        %dma_wait3A_166 = arith.constant 0 : i32
        %dma_wait3A_167 = tpu.memref_slice %arg7[%dma_wait3A_165, %dma_wait3A_166] : memref<24x128xi32, #tpu.memory_space<vmem>> -> memref<24x128xi32, #tpu.memory_space<vmem>>
        %dma_wait3A_168 = arith.constant 0 : i32
        %dma_wait3A_169 = tpu.memref_slice %arg3[%add3A_130, %dma_wait3A_168] : memref<2560x128xi32, #tpu.memory_space<hbm>> -> memref<24x128xi32, #tpu.memory_space<hbm>>
        tpu.wait_dma2 semaphore(%run_scoped3A : memref<!tpu.dma_semaphore, #tpu.memory_space<semaphore_mem>>) src(%dma_wait3A_169 : memref<24x128xi32, #tpu.memory_space<hbm>>) dst(%dma_wait3A_167 : memref<24x128xi32, #tpu.memory_space<vmem>>)
        tpu.yield
      }) : () -> ()
      "tpu.region"() ({
        %run_scoped3A = tpu.sem_alloc : memref<!tpu.dma_semaphore, #tpu.memory_space<semaphore_mem>>
        %dma_start3A_150 = arith.constant 0 : i32
        %dma_start3A_151 = arith.constant 0 : i32
        %dma_start3A_152 = tpu.memref_slice %arg8[%dma_start3A_150, %dma_start3A_151] : memref<24x128xi32, #tpu.memory_space<vmem>> -> memref<24x128xi32, #tpu.memory_space<vmem>>
        %dma_start3A_153 = arith.constant 0 : i32
        %dma_start3A_154 = tpu.memref_slice %arg4[%add3A_130, %dma_start3A_153] : memref<2560x128xi32, #tpu.memory_space<hbm>> -> memref<24x128xi32, #tpu.memory_space<hbm>>
        %dma_start3A_155 = arith.constant 0 : i32
        %dma_start3A_156 = arith.constant 0 : i32
        %dma_start3A_157 = tpu.memref_slice %arg8[%dma_start3A_155, %dma_start3A_156] : memref<24x128xi32, #tpu.memory_space<vmem>> -> memref<24x128xi32, #tpu.memory_space<vmem>>
        %dma_start3A_158 = arith.constant 0 : i32
        %dma_start3A_159 = tpu.memref_slice %arg4[%add3A_130, %dma_start3A_158] : memref<2560x128xi32, #tpu.memory_space<hbm>> -> memref<24x128xi32, #tpu.memory_space<hbm>>
        tpu.enqueue_dma source(%dma_start3A_159 : memref<24x128xi32, #tpu.memory_space<hbm>>) target(%dma_start3A_157 : memref<24x128xi32, #tpu.memory_space<vmem>>) target_semaphore(%run_scoped3A : memref<!tpu.dma_semaphore, #tpu.memory_space<semaphore_mem>>)
        %dma_wait3A_160 = arith.constant 0 : i32
        %dma_wait3A_161 = arith.constant 0 : i32
        %dma_wait3A_162 = tpu.memref_slice %arg8[%dma_wait3A_160, %dma_wait3A_161] : memref<24x128xi32, #tpu.memory_space<vmem>> -> memref<24x128xi32, #tpu.memory_space<vmem>>
        %dma_wait3A_163 = arith.constant 0 : i32
        %dma_wait3A_164 = tpu.memref_slice %arg4[%add3A_130, %dma_wait3A_163] : memref<2560x128xi32, #tpu.memory_space<hbm>> -> memref<24x128xi32, #tpu.memory_space<hbm>>
        %dma_wait3A_165 = arith.constant 0 : i32
        %dma_wait3A_166 = arith.constant 0 : i32
        %dma_wait3A_167 = tpu.memref_slice %arg8[%dma_wait3A_165, %dma_wait3A_166] : memref<24x128xi32, #tpu.memory_space<vmem>> -> memref<24x128xi32, #tpu.memory_space<vmem>>
        %dma_wait3A_168 = arith.constant 0 : i32
        %dma_wait3A_169 = tpu.memref_slice %arg4[%add3A_130, %dma_wait3A_168] : memref<2560x128xi32, #tpu.memory_space<hbm>> -> memref<24x128xi32, #tpu.memory_space<hbm>>
        tpu.wait_dma2 semaphore(%run_scoped3A : memref<!tpu.dma_semaphore, #tpu.memory_space<semaphore_mem>>) src(%dma_wait3A_169 : memref<24x128xi32, #tpu.memory_space<hbm>>) dst(%dma_wait3A_167 : memref<24x128xi32, #tpu.memory_space<vmem>>)
        tpu.yield
      }) : () -> ()
      %dma_start3A_131 = arith.constant 0 : i32
      %dma_start3A_132 = arith.constant 0 : i32
      %dma_start3A_133 = tpu.memref_slice %arg7[%dma_start3A_131, %dma_start3A_132] : memref<24x128xi32, #tpu.memory_space<vmem>> -> memref<1x128xi32, #tpu.memory_space<vmem>>
      %dma_start3A_134 = tpu.memref_squeeze %dma_start3A_133 : memref<1x128xi32, #tpu.memory_space<vmem>> -> memref<128xi32, #tpu.memory_space<vmem>>
      %dma_start3A_135 = arith.constant 0 : i32
      %dma_start3A_136 = arith.constant 0 : i32
      %dma_start3A_137 = tpu.memref_slice %arg2[%dma_start3A_135, %dma_start3A_136] : memref<10000x128xf32, #tpu.memory_space<hbm>> -> memref<10000x128xf32, #tpu.memory_space<hbm>>
      tpu.enqueue_indirect_dma source(%dma_start3A_137 : memref<10000x128xf32, #tpu.memory_space<hbm>>) target(%arg9 : memref<128x128xf32, #tpu.memory_space<vmem>>) offsets(%dma_start3A_134 : memref<128xi32, #tpu.memory_space<vmem>>) semaphore(%arg12 : memref<!tpu.dma_semaphore, #tpu.memory_space<semaphore_mem>>)
      %scan3A_138 = arith.constant 0 : i32
      %scan3A_139 = arith.constant 0 : i32
      %scan3A_140 = arith.constant 12 : i32
      %scan3A_141 = arith.addi %scan3A_139, %scan3A_140 : i32
      %scan3A_142 = arith.constant 1 : i32
      scf.for %scan3A_150 = %scan3A_139 to %scan3A_141 step %scan3A_142  : i32 {
        %mul3A_151 = arith.constant 2 : i32
        %mul3A_152 = arith.muli %mul3A_151, %scan3A_150 : i32
        %add3A_153 = arith.constant 0 : i32
        %add3A_154 = arith.addi %mul3A_152, %add3A_153 : i32
        %dma_wait3A_155 = arith.constant 0 : i32
        %dma_wait3A_156 = arith.constant 0 : i32
        %dma_wait3A_157 = tpu.memref_slice %arg2[%dma_wait3A_155, %dma_wait3A_156] : memref<10000x128xf32, #tpu.memory_space<hbm>> -> memref<128x128xf32, #tpu.memory_space<hbm>>
        %dma_wait3A_158 = arith.constant 0 : i32
        %dma_wait3A_159 = arith.constant 0 : i32
        %dma_wait3A_160 = tpu.memref_slice %arg2[%dma_wait3A_158, %dma_wait3A_159] : memref<10000x128xf32, #tpu.memory_space<hbm>> -> memref<128x128xf32, #tpu.memory_space<hbm>>
        tpu.wait_dma2 semaphore(%arg12 : memref<!tpu.dma_semaphore, #tpu.memory_space<semaphore_mem>>) src(%dma_wait3A_160 : memref<128x128xf32, #tpu.memory_space<hbm>>) dst(%arg9 : memref<128x128xf32, #tpu.memory_space<vmem>>)
        %dma_start3A_161 = arith.constant 0 : i32
        %dma_start3A_162 = tpu.memref_slice %arg8[%add3A_154, %dma_start3A_161] : memref<24x128xi32, #tpu.memory_space<vmem>> -> memref<1x128xi32, #tpu.memory_space<vmem>>
        %dma_start3A_163 = tpu.memref_squeeze %dma_start3A_162 : memref<1x128xi32, #tpu.memory_space<vmem>> -> memref<128xi32, #tpu.memory_space<vmem>>
        %dma_start3A_164 = arith.constant 0 : i32
        %dma_start3A_165 = arith.constant 0 : i32
        %dma_start3A_166 = tpu.memref_slice %arg11[%dma_start3A_164, %dma_start3A_165] : memref<10240x128xf32, #tpu.memory_space<vmem_shared>> -> memref<10240x128xf32, #tpu.memory_space<vmem_shared>>
        tpu.enqueue_indirect_dma source(%arg9 : memref<128x128xf32, #tpu.memory_space<vmem>>) target(%dma_start3A_166 : memref<10240x128xf32, #tpu.memory_space<vmem_shared>>) offsets(%dma_start3A_163 : memref<128xi32, #tpu.memory_space<vmem>>) semaphore(%arg13 : memref<!tpu.dma_semaphore, #tpu.memory_space<semaphore_mem>>) {add = true}
        %ge3A = arith.constant 1 : i32
        %ge3A_167 = arith.cmpi sge, %add3A_154, %ge3A : i32
        %convert_element_type3A_168 = arith.extui %ge3A_167 : i1 to i32
        %cond3A_169 = arith.constant 0 : i32
        %cond3A_170 = arith.cmpi ne, %convert_element_type3A_168, %cond3A_169 : i32
        scf.if %cond3A_170 {
          %dma_wait3A_205 = arith.constant 0 : i32
          %dma_wait3A_206 = arith.constant 0 : i32
          %dma_wait3A_207 = tpu.memref_slice %arg11[%dma_wait3A_205, %dma_wait3A_206] : memref<10240x128xf32, #tpu.memory_space<vmem_shared>> -> memref<128x128xf32, #tpu.memory_space<vmem_shared>>
          %dma_wait3A_208 = arith.constant 0 : i32
          %dma_wait3A_209 = arith.constant 0 : i32
          %dma_wait3A_210 = tpu.memref_slice %arg11[%dma_wait3A_208, %dma_wait3A_209] : memref<10240x128xf32, #tpu.memory_space<vmem_shared>> -> memref<128x128xf32, #tpu.memory_space<vmem_shared>>
          tpu.wait_dma2 semaphore(%arg13 : memref<!tpu.dma_semaphore, #tpu.memory_space<semaphore_mem>>) src(%arg10 : memref<128x128xf32, #tpu.memory_space<vmem>>) dst(%dma_wait3A_210 : memref<128x128xf32, #tpu.memory_space<vmem_shared>>)
        } else {
        }
        %add3A_171 = arith.constant 1 : i32
        %add3A_172 = arith.addi %add3A_154, %add3A_171 : i32
        %lt3A = arith.constant 24 : i32
        %lt3A_173 = arith.cmpi slt, %add3A_172, %lt3A : i32
        %convert_element_type3A_174 = arith.extui %lt3A_173 : i1 to i32
        %cond3A_175 = arith.constant 0 : i32
        %cond3A_176 = arith.cmpi ne, %convert_element_type3A_174, %cond3A_175 : i32
        scf.if %cond3A_176 {
          %add3A_205 = arith.constant 1 : i32
          %add3A_206 = arith.addi %add3A_154, %add3A_205 : i32
          %dma_start3A_207 = arith.constant 0 : i32
          %dma_start3A_208 = tpu.memref_slice %arg7[%add3A_206, %dma_start3A_207] : memref<24x128xi32, #tpu.memory_space<vmem>> -> memref<1x128xi32, #tpu.memory_space<vmem>>
          %dma_start3A_209 = tpu.memref_squeeze %dma_start3A_208 : memref<1x128xi32, #tpu.memory_space<vmem>> -> memref<128xi32, #tpu.memory_space<vmem>>
          %dma_start3A_210 = arith.constant 0 : i32
          %dma_start3A_211 = arith.constant 0 : i32
          %dma_start3A_212 = tpu.memref_slice %arg2[%dma_start3A_210, %dma_start3A_211] : memref<10000x128xf32, #tpu.memory_space<hbm>> -> memref<10000x128xf32, #tpu.memory_space<hbm>>
          tpu.enqueue_indirect_dma source(%dma_start3A_212 : memref<10000x128xf32, #tpu.memory_space<hbm>>) target(%arg10 : memref<128x128xf32, #tpu.memory_space<vmem>>) offsets(%dma_start3A_209 : memref<128xi32, #tpu.memory_space<vmem>>) semaphore(%arg12 : memref<!tpu.dma_semaphore, #tpu.memory_space<semaphore_mem>>)
        } else {
        }
        %mul3A_177 = arith.constant 2 : i32
        %mul3A_178 = arith.muli %mul3A_177, %scan3A_150 : i32
        %add3A_179 = arith.constant 1 : i32
        %add3A_180 = arith.addi %mul3A_178, %add3A_179 : i32
        %dma_wait3A_181 = arith.constant 0 : i32
        %dma_wait3A_182 = arith.constant 0 : i32
        %dma_wait3A_183 = tpu.memref_slice %arg2[%dma_wait3A_181, %dma_wait3A_182] : memref<10000x128xf32, #tpu.memory_space<hbm>> -> memref<128x128xf32, #tpu.memory_space<hbm>>
        %dma_wait3A_184 = arith.constant 0 : i32
        %dma_wait3A_185 = arith.constant 0 : i32
        %dma_wait3A_186 = tpu.memref_slice %arg2[%dma_wait3A_184, %dma_wait3A_185] : memref<10000x128xf32, #tpu.memory_space<hbm>> -> memref<128x128xf32, #tpu.memory_space<hbm>>
        tpu.wait_dma2 semaphore(%arg12 : memref<!tpu.dma_semaphore, #tpu.memory_space<semaphore_mem>>) src(%dma_wait3A_186 : memref<128x128xf32, #tpu.memory_space<hbm>>) dst(%arg10 : memref<128x128xf32, #tpu.memory_space<vmem>>)
        %dma_start3A_187 = arith.constant 0 : i32
        %dma_start3A_188 = tpu.memref_slice %arg8[%add3A_180, %dma_start3A_187] : memref<24x128xi32, #tpu.memory_space<vmem>> -> memref<1x128xi32, #tpu.memory_space<vmem>>
        %dma_start3A_189 = tpu.memref_squeeze %dma_start3A_188 : memref<1x128xi32, #tpu.memory_space<vmem>> -> memref<128xi32, #tpu.memory_space<vmem>>
        %dma_start3A_190 = arith.constant 0 : i32
        %dma_start3A_191 = arith.constant 0 : i32
        %dma_start3A_192 = tpu.memref_slice %arg11[%dma_start3A_190, %dma_start3A_191] : memref<10240x128xf32, #tpu.memory_space<vmem_shared>> -> memref<10240x128xf32, #tpu.memory_space<vmem_shared>>
        tpu.enqueue_indirect_dma source(%arg10 : memref<128x128xf32, #tpu.memory_space<vmem>>) target(%dma_start3A_192 : memref<10240x128xf32, #tpu.memory_space<vmem_shared>>) offsets(%dma_start3A_189 : memref<128xi32, #tpu.memory_space<vmem>>) semaphore(%arg13 : memref<!tpu.dma_semaphore, #tpu.memory_space<semaphore_mem>>) {add = true}
        %ge3A_193 = arith.constant 1 : i32
        %ge3A_194 = arith.cmpi sge, %add3A_180, %ge3A_193 : i32
        %convert_element_type3A_195 = arith.extui %ge3A_194 : i1 to i32
        %cond3A_196 = arith.constant 0 : i32
        %cond3A_197 = arith.cmpi ne, %convert_element_type3A_195, %cond3A_196 : i32
        scf.if %cond3A_197 {
          %dma_wait3A_205 = arith.constant 0 : i32
          %dma_wait3A_206 = arith.constant 0 : i32
          %dma_wait3A_207 = tpu.memref_slice %arg11[%dma_wait3A_205, %dma_wait3A_206] : memref<10240x128xf32, #tpu.memory_space<vmem_shared>> -> memref<128x128xf32, #tpu.memory_space<vmem_shared>>
          %dma_wait3A_208 = arith.constant 0 : i32
          %dma_wait3A_209 = arith.constant 0 : i32
          %dma_wait3A_210 = tpu.memref_slice %arg11[%dma_wait3A_208, %dma_wait3A_209] : memref<10240x128xf32, #tpu.memory_space<vmem_shared>> -> memref<128x128xf32, #tpu.memory_space<vmem_shared>>
          tpu.wait_dma2 semaphore(%arg13 : memref<!tpu.dma_semaphore, #tpu.memory_space<semaphore_mem>>) src(%arg9 : memref<128x128xf32, #tpu.memory_space<vmem>>) dst(%dma_wait3A_210 : memref<128x128xf32, #tpu.memory_space<vmem_shared>>)
        } else {
        }
        %add3A_198 = arith.constant 1 : i32
        %add3A_199 = arith.addi %add3A_180, %add3A_198 : i32
        %lt3A_200 = arith.constant 24 : i32
        %lt3A_201 = arith.cmpi slt, %add3A_199, %lt3A_200 : i32
        %convert_element_type3A_202 = arith.extui %lt3A_201 : i1 to i32
        %cond3A_203 = arith.constant 0 : i32
        %cond3A_204 = arith.cmpi ne, %convert_element_type3A_202, %cond3A_203 : i32
        scf.if %cond3A_204 {
          %add3A_205 = arith.constant 1 : i32
          %add3A_206 = arith.addi %add3A_180, %add3A_205 : i32
          %dma_start3A_207 = arith.constant 0 : i32
          %dma_start3A_208 = tpu.memref_slice %arg7[%add3A_206, %dma_start3A_207] : memref<24x128xi32, #tpu.memory_space<vmem>> -> memref<1x128xi32, #tpu.memory_space<vmem>>
          %dma_start3A_209 = tpu.memref_squeeze %dma_start3A_208 : memref<1x128xi32, #tpu.memory_space<vmem>> -> memref<128xi32, #tpu.memory_space<vmem>>
          %dma_start3A_210 = arith.constant 0 : i32
          %dma_start3A_211 = arith.constant 0 : i32
          %dma_start3A_212 = tpu.memref_slice %arg2[%dma_start3A_210, %dma_start3A_211] : memref<10000x128xf32, #tpu.memory_space<hbm>> -> memref<10000x128xf32, #tpu.memory_space<hbm>>
          tpu.enqueue_indirect_dma source(%dma_start3A_212 : memref<10000x128xf32, #tpu.memory_space<hbm>>) target(%arg9 : memref<128x128xf32, #tpu.memory_space<vmem>>) offsets(%dma_start3A_209 : memref<128xi32, #tpu.memory_space<vmem>>) semaphore(%arg12 : memref<!tpu.dma_semaphore, #tpu.memory_space<semaphore_mem>>)
        } else {
        }
      }
      %scan3A_143 = arith.constant 12 : i32
      %dma_wait3A_144 = arith.constant 0 : i32
      %dma_wait3A_145 = arith.constant 0 : i32
      %dma_wait3A_146 = tpu.memref_slice %arg11[%dma_wait3A_144, %dma_wait3A_145] : memref<10240x128xf32, #tpu.memory_space<vmem_shared>> -> memref<128x128xf32, #tpu.memory_space<vmem_shared>>
      %dma_wait3A_147 = arith.constant 0 : i32
      %dma_wait3A_148 = arith.constant 0 : i32
      %dma_wait3A_149 = tpu.memref_slice %arg11[%dma_wait3A_147, %dma_wait3A_148] : memref<10240x128xf32, #tpu.memory_space<vmem_shared>> -> memref<128x128xf32, #tpu.memory_space<vmem_shared>>
      tpu.wait_dma2 semaphore(%arg13 : memref<!tpu.dma_semaphore, #tpu.memory_space<semaphore_mem>>) src(%arg10 : memref<128x128xf32, #tpu.memory_space<vmem>>) dst(%dma_wait3A_149 : memref<128x128xf32, #tpu.memory_space<vmem_shared>>)
    } else {
    }
    %eq3A_3 = arith.constant 1 : i32
    %eq3A_4 = arith.cmpi eq, %arg0, %eq3A_3 : i32
    %convert_element_type3A_5 = arith.extui %eq3A_4 : i1 to i32
    %cond3A_6 = arith.constant 0 : i32
    %cond3A_7 = arith.cmpi ne, %convert_element_type3A_5, %cond3A_6 : i32
    scf.if %cond3A_7 {
      %mul3A_15 = arith.constant 16 : i32
      %mul3A_16 = arith.muli %arg1, %mul3A_15 : i32
      %add3A_17 = arith.constant 2304 : i32
      %add3A_18 = arith.addi %add3A_17, %mul3A_16 : i32
      %add3A_19 = arith.constant 0 : i32
      %add3A_20 = arith.addi %add3A_18, %add3A_19 : i32
      "tpu.region"() ({
        %run_scoped3A = tpu.sem_alloc : memref<!tpu.dma_semaphore, #tpu.memory_space<semaphore_mem>>
        %dma_start3A_62 = arith.constant 0 : i32
        %dma_start3A_63 = arith.constant 0 : i32
        %dma_start3A_64 = tpu.memref_slice %arg7[%dma_start3A_62, %dma_start3A_63] : memref<24x128xi32, #tpu.memory_space<vmem>> -> memref<8x128xi32, #tpu.memory_space<vmem>>
        %dma_start3A_65 = arith.constant 0 : i32
        %dma_start3A_66 = tpu.memref_slice %arg3[%add3A_20, %dma_start3A_65] : memref<2560x128xi32, #tpu.memory_space<hbm>> -> memref<8x128xi32, #tpu.memory_space<hbm>>
        %dma_start3A_67 = arith.constant 0 : i32
        %dma_start3A_68 = arith.constant 0 : i32
        %dma_start3A_69 = tpu.memref_slice %arg7[%dma_start3A_67, %dma_start3A_68] : memref<24x128xi32, #tpu.memory_space<vmem>> -> memref<8x128xi32, #tpu.memory_space<vmem>>
        %dma_start3A_70 = arith.constant 0 : i32
        %dma_start3A_71 = tpu.memref_slice %arg3[%add3A_20, %dma_start3A_70] : memref<2560x128xi32, #tpu.memory_space<hbm>> -> memref<8x128xi32, #tpu.memory_space<hbm>>
        tpu.enqueue_dma source(%dma_start3A_71 : memref<8x128xi32, #tpu.memory_space<hbm>>) target(%dma_start3A_69 : memref<8x128xi32, #tpu.memory_space<vmem>>) target_semaphore(%run_scoped3A : memref<!tpu.dma_semaphore, #tpu.memory_space<semaphore_mem>>)
        %dma_wait3A_72 = arith.constant 0 : i32
        %dma_wait3A_73 = arith.constant 0 : i32
        %dma_wait3A_74 = tpu.memref_slice %arg7[%dma_wait3A_72, %dma_wait3A_73] : memref<24x128xi32, #tpu.memory_space<vmem>> -> memref<8x128xi32, #tpu.memory_space<vmem>>
        %dma_wait3A_75 = arith.constant 0 : i32
        %dma_wait3A_76 = tpu.memref_slice %arg3[%add3A_20, %dma_wait3A_75] : memref<2560x128xi32, #tpu.memory_space<hbm>> -> memref<8x128xi32, #tpu.memory_space<hbm>>
        %dma_wait3A_77 = arith.constant 0 : i32
        %dma_wait3A_78 = arith.constant 0 : i32
        %dma_wait3A_79 = tpu.memref_slice %arg7[%dma_wait3A_77, %dma_wait3A_78] : memref<24x128xi32, #tpu.memory_space<vmem>> -> memref<8x128xi32, #tpu.memory_space<vmem>>
        %dma_wait3A_80 = arith.constant 0 : i32
        %dma_wait3A_81 = tpu.memref_slice %arg3[%add3A_20, %dma_wait3A_80] : memref<2560x128xi32, #tpu.memory_space<hbm>> -> memref<8x128xi32, #tpu.memory_space<hbm>>
        tpu.wait_dma2 semaphore(%run_scoped3A : memref<!tpu.dma_semaphore, #tpu.memory_space<semaphore_mem>>) src(%dma_wait3A_81 : memref<8x128xi32, #tpu.memory_space<hbm>>) dst(%dma_wait3A_79 : memref<8x128xi32, #tpu.memory_space<vmem>>)
        tpu.yield
      }) : () -> ()
      "tpu.region"() ({
        %run_scoped3A = tpu.sem_alloc : memref<!tpu.dma_semaphore, #tpu.memory_space<semaphore_mem>>
        %dma_start3A_62 = arith.constant 0 : i32
        %dma_start3A_63 = arith.constant 0 : i32
        %dma_start3A_64 = tpu.memref_slice %arg8[%dma_start3A_62, %dma_start3A_63] : memref<24x128xi32, #tpu.memory_space<vmem>> -> memref<8x128xi32, #tpu.memory_space<vmem>>
        %dma_start3A_65 = arith.constant 0 : i32
        %dma_start3A_66 = tpu.memref_slice %arg4[%add3A_20, %dma_start3A_65] : memref<2560x128xi32, #tpu.memory_space<hbm>> -> memref<8x128xi32, #tpu.memory_space<hbm>>
        %dma_start3A_67 = arith.constant 0 : i32
        %dma_start3A_68 = arith.constant 0 : i32
        %dma_start3A_69 = tpu.memref_slice %arg8[%dma_start3A_67, %dma_start3A_68] : memref<24x128xi32, #tpu.memory_space<vmem>> -> memref<8x128xi32, #tpu.memory_space<vmem>>
        %dma_start3A_70 = arith.constant 0 : i32
        %dma_start3A_71 = tpu.memref_slice %arg4[%add3A_20, %dma_start3A_70] : memref<2560x128xi32, #tpu.memory_space<hbm>> -> memref<8x128xi32, #tpu.memory_space<hbm>>
        tpu.enqueue_dma source(%dma_start3A_71 : memref<8x128xi32, #tpu.memory_space<hbm>>) target(%dma_start3A_69 : memref<8x128xi32, #tpu.memory_space<vmem>>) target_semaphore(%run_scoped3A : memref<!tpu.dma_semaphore, #tpu.memory_space<semaphore_mem>>)
        %dma_wait3A_72 = arith.constant 0 : i32
        %dma_wait3A_73 = arith.constant 0 : i32
        %dma_wait3A_74 = tpu.memref_slice %arg8[%dma_wait3A_72, %dma_wait3A_73] : memref<24x128xi32, #tpu.memory_space<vmem>> -> memref<8x128xi32, #tpu.memory_space<vmem>>
        %dma_wait3A_75 = arith.constant 0 : i32
        %dma_wait3A_76 = tpu.memref_slice %arg4[%add3A_20, %dma_wait3A_75] : memref<2560x128xi32, #tpu.memory_space<hbm>> -> memref<8x128xi32, #tpu.memory_space<hbm>>
        %dma_wait3A_77 = arith.constant 0 : i32
        %dma_wait3A_78 = arith.constant 0 : i32
        %dma_wait3A_79 = tpu.memref_slice %arg8[%dma_wait3A_77, %dma_wait3A_78] : memref<24x128xi32, #tpu.memory_space<vmem>> -> memref<8x128xi32, #tpu.memory_space<vmem>>
        %dma_wait3A_80 = arith.constant 0 : i32
        %dma_wait3A_81 = tpu.memref_slice %arg4[%add3A_20, %dma_wait3A_80] : memref<2560x128xi32, #tpu.memory_space<hbm>> -> memref<8x128xi32, #tpu.memory_space<hbm>>
        tpu.wait_dma2 semaphore(%run_scoped3A : memref<!tpu.dma_semaphore, #tpu.memory_space<semaphore_mem>>) src(%dma_wait3A_81 : memref<8x128xi32, #tpu.memory_space<hbm>>) dst(%dma_wait3A_79 : memref<8x128xi32, #tpu.memory_space<vmem>>)
        tpu.yield
      }) : () -> ()
      %dma_start3A = arith.constant 0 : i32
      %dma_start3A_21 = arith.constant 0 : i32
      %dma_start3A_22 = tpu.memref_slice %arg7[%dma_start3A, %dma_start3A_21] : memref<24x128xi32, #tpu.memory_space<vmem>> -> memref<1x128xi32, #tpu.memory_space<vmem>>
      %dma_start3A_23 = tpu.memref_squeeze %dma_start3A_22 : memref<1x128xi32, #tpu.memory_space<vmem>> -> memref<128xi32, #tpu.memory_space<vmem>>
      %dma_start3A_24 = arith.constant 0 : i32
      %dma_start3A_25 = arith.constant 0 : i32
      %dma_start3A_26 = tpu.memref_slice %arg2[%dma_start3A_24, %dma_start3A_25] : memref<10000x128xf32, #tpu.memory_space<hbm>> -> memref<10000x128xf32, #tpu.memory_space<hbm>>
      tpu.enqueue_indirect_dma source(%dma_start3A_26 : memref<10000x128xf32, #tpu.memory_space<hbm>>) target(%arg9 : memref<128x128xf32, #tpu.memory_space<vmem>>) offsets(%dma_start3A_23 : memref<128xi32, #tpu.memory_space<vmem>>) semaphore(%arg12 : memref<!tpu.dma_semaphore, #tpu.memory_space<semaphore_mem>>)
      %scan3A = arith.constant 0 : i32
      %scan3A_27 = arith.constant 0 : i32
      %scan3A_28 = arith.constant 4 : i32
      %scan3A_29 = arith.addi %scan3A_27, %scan3A_28 : i32
      %scan3A_30 = arith.constant 1 : i32
      scf.for %scan3A_62 = %scan3A_27 to %scan3A_29 step %scan3A_30  : i32 {
        %mul3A_63 = arith.constant 2 : i32
        %mul3A_64 = arith.muli %mul3A_63, %scan3A_62 : i32
        %add3A_65 = arith.constant 0 : i32
        %add3A_66 = arith.addi %mul3A_64, %add3A_65 : i32
        %dma_wait3A_67 = arith.constant 0 : i32
        %dma_wait3A_68 = arith.constant 0 : i32
        %dma_wait3A_69 = tpu.memref_slice %arg2[%dma_wait3A_67, %dma_wait3A_68] : memref<10000x128xf32, #tpu.memory_space<hbm>> -> memref<128x128xf32, #tpu.memory_space<hbm>>
        %dma_wait3A_70 = arith.constant 0 : i32
        %dma_wait3A_71 = arith.constant 0 : i32
        %dma_wait3A_72 = tpu.memref_slice %arg2[%dma_wait3A_70, %dma_wait3A_71] : memref<10000x128xf32, #tpu.memory_space<hbm>> -> memref<128x128xf32, #tpu.memory_space<hbm>>
        tpu.wait_dma2 semaphore(%arg12 : memref<!tpu.dma_semaphore, #tpu.memory_space<semaphore_mem>>) src(%dma_wait3A_72 : memref<128x128xf32, #tpu.memory_space<hbm>>) dst(%arg9 : memref<128x128xf32, #tpu.memory_space<vmem>>)
        %dma_start3A_73 = arith.constant 0 : i32
        %dma_start3A_74 = tpu.memref_slice %arg8[%add3A_66, %dma_start3A_73] : memref<24x128xi32, #tpu.memory_space<vmem>> -> memref<1x128xi32, #tpu.memory_space<vmem>>
        %dma_start3A_75 = tpu.memref_squeeze %dma_start3A_74 : memref<1x128xi32, #tpu.memory_space<vmem>> -> memref<128xi32, #tpu.memory_space<vmem>>
        %dma_start3A_76 = arith.constant 0 : i32
        %dma_start3A_77 = arith.constant 0 : i32
        %dma_start3A_78 = tpu.memref_slice %arg11[%dma_start3A_76, %dma_start3A_77] : memref<10240x128xf32, #tpu.memory_space<vmem_shared>> -> memref<10240x128xf32, #tpu.memory_space<vmem_shared>>
        tpu.enqueue_indirect_dma source(%arg9 : memref<128x128xf32, #tpu.memory_space<vmem>>) target(%dma_start3A_78 : memref<10240x128xf32, #tpu.memory_space<vmem_shared>>) offsets(%dma_start3A_75 : memref<128xi32, #tpu.memory_space<vmem>>) semaphore(%arg13 : memref<!tpu.dma_semaphore, #tpu.memory_space<semaphore_mem>>) {add = true}
        %ge3A = arith.constant 1 : i32
        %ge3A_79 = arith.cmpi sge, %add3A_66, %ge3A : i32
        %convert_element_type3A_80 = arith.extui %ge3A_79 : i1 to i32
        %cond3A_81 = arith.constant 0 : i32
        %cond3A_82 = arith.cmpi ne, %convert_element_type3A_80, %cond3A_81 : i32
        scf.if %cond3A_82 {
          %dma_wait3A_117 = arith.constant 0 : i32
          %dma_wait3A_118 = arith.constant 0 : i32
          %dma_wait3A_119 = tpu.memref_slice %arg11[%dma_wait3A_117, %dma_wait3A_118] : memref<10240x128xf32, #tpu.memory_space<vmem_shared>> -> memref<128x128xf32, #tpu.memory_space<vmem_shared>>
          %dma_wait3A_120 = arith.constant 0 : i32
          %dma_wait3A_121 = arith.constant 0 : i32
          %dma_wait3A_122 = tpu.memref_slice %arg11[%dma_wait3A_120, %dma_wait3A_121] : memref<10240x128xf32, #tpu.memory_space<vmem_shared>> -> memref<128x128xf32, #tpu.memory_space<vmem_shared>>
          tpu.wait_dma2 semaphore(%arg13 : memref<!tpu.dma_semaphore, #tpu.memory_space<semaphore_mem>>) src(%arg10 : memref<128x128xf32, #tpu.memory_space<vmem>>) dst(%dma_wait3A_122 : memref<128x128xf32, #tpu.memory_space<vmem_shared>>)
        } else {
        }
        %add3A_83 = arith.constant 1 : i32
        %add3A_84 = arith.addi %add3A_66, %add3A_83 : i32
        %lt3A = arith.constant 8 : i32
        %lt3A_85 = arith.cmpi slt, %add3A_84, %lt3A : i32
        %convert_element_type3A_86 = arith.extui %lt3A_85 : i1 to i32
        %cond3A_87 = arith.constant 0 : i32
        %cond3A_88 = arith.cmpi ne, %convert_element_type3A_86, %cond3A_87 : i32
        scf.if %cond3A_88 {
          %add3A_117 = arith.constant 1 : i32
          %add3A_118 = arith.addi %add3A_66, %add3A_117 : i32
          %dma_start3A_119 = arith.constant 0 : i32
          %dma_start3A_120 = tpu.memref_slice %arg7[%add3A_118, %dma_start3A_119] : memref<24x128xi32, #tpu.memory_space<vmem>> -> memref<1x128xi32, #tpu.memory_space<vmem>>
          %dma_start3A_121 = tpu.memref_squeeze %dma_start3A_120 : memref<1x128xi32, #tpu.memory_space<vmem>> -> memref<128xi32, #tpu.memory_space<vmem>>
          %dma_start3A_122 = arith.constant 0 : i32
          %dma_start3A_123 = arith.constant 0 : i32
          %dma_start3A_124 = tpu.memref_slice %arg2[%dma_start3A_122, %dma_start3A_123] : memref<10000x128xf32, #tpu.memory_space<hbm>> -> memref<10000x128xf32, #tpu.memory_space<hbm>>
          tpu.enqueue_indirect_dma source(%dma_start3A_124 : memref<10000x128xf32, #tpu.memory_space<hbm>>) target(%arg10 : memref<128x128xf32, #tpu.memory_space<vmem>>) offsets(%dma_start3A_121 : memref<128xi32, #tpu.memory_space<vmem>>) semaphore(%arg12 : memref<!tpu.dma_semaphore, #tpu.memory_space<semaphore_mem>>)
        } else {
        }
        %mul3A_89 = arith.constant 2 : i32
        %mul3A_90 = arith.muli %mul3A_89, %scan3A_62 : i32
        %add3A_91 = arith.constant 1 : i32
        %add3A_92 = arith.addi %mul3A_90, %add3A_91 : i32
        %dma_wait3A_93 = arith.constant 0 : i32
        %dma_wait3A_94 = arith.constant 0 : i32
        %dma_wait3A_95 = tpu.memref_slice %arg2[%dma_wait3A_93, %dma_wait3A_94] : memref<10000x128xf32, #tpu.memory_space<hbm>> -> memref<128x128xf32, #tpu.memory_space<hbm>>
        %dma_wait3A_96 = arith.constant 0 : i32
        %dma_wait3A_97 = arith.constant 0 : i32
        %dma_wait3A_98 = tpu.memref_slice %arg2[%dma_wait3A_96, %dma_wait3A_97] : memref<10000x128xf32, #tpu.memory_space<hbm>> -> memref<128x128xf32, #tpu.memory_space<hbm>>
        tpu.wait_dma2 semaphore(%arg12 : memref<!tpu.dma_semaphore, #tpu.memory_space<semaphore_mem>>) src(%dma_wait3A_98 : memref<128x128xf32, #tpu.memory_space<hbm>>) dst(%arg10 : memref<128x128xf32, #tpu.memory_space<vmem>>)
        %dma_start3A_99 = arith.constant 0 : i32
        %dma_start3A_100 = tpu.memref_slice %arg8[%add3A_92, %dma_start3A_99] : memref<24x128xi32, #tpu.memory_space<vmem>> -> memref<1x128xi32, #tpu.memory_space<vmem>>
        %dma_start3A_101 = tpu.memref_squeeze %dma_start3A_100 : memref<1x128xi32, #tpu.memory_space<vmem>> -> memref<128xi32, #tpu.memory_space<vmem>>
        %dma_start3A_102 = arith.constant 0 : i32
        %dma_start3A_103 = arith.constant 0 : i32
        %dma_start3A_104 = tpu.memref_slice %arg11[%dma_start3A_102, %dma_start3A_103] : memref<10240x128xf32, #tpu.memory_space<vmem_shared>> -> memref<10240x128xf32, #tpu.memory_space<vmem_shared>>
        tpu.enqueue_indirect_dma source(%arg10 : memref<128x128xf32, #tpu.memory_space<vmem>>) target(%dma_start3A_104 : memref<10240x128xf32, #tpu.memory_space<vmem_shared>>) offsets(%dma_start3A_101 : memref<128xi32, #tpu.memory_space<vmem>>) semaphore(%arg13 : memref<!tpu.dma_semaphore, #tpu.memory_space<semaphore_mem>>) {add = true}
        %ge3A_105 = arith.constant 1 : i32
        %ge3A_106 = arith.cmpi sge, %add3A_92, %ge3A_105 : i32
        %convert_element_type3A_107 = arith.extui %ge3A_106 : i1 to i32
        %cond3A_108 = arith.constant 0 : i32
        %cond3A_109 = arith.cmpi ne, %convert_element_type3A_107, %cond3A_108 : i32
        scf.if %cond3A_109 {
          %dma_wait3A_117 = arith.constant 0 : i32
          %dma_wait3A_118 = arith.constant 0 : i32
          %dma_wait3A_119 = tpu.memref_slice %arg11[%dma_wait3A_117, %dma_wait3A_118] : memref<10240x128xf32, #tpu.memory_space<vmem_shared>> -> memref<128x128xf32, #tpu.memory_space<vmem_shared>>
          %dma_wait3A_120 = arith.constant 0 : i32
          %dma_wait3A_121 = arith.constant 0 : i32
          %dma_wait3A_122 = tpu.memref_slice %arg11[%dma_wait3A_120, %dma_wait3A_121] : memref<10240x128xf32, #tpu.memory_space<vmem_shared>> -> memref<128x128xf32, #tpu.memory_space<vmem_shared>>
          tpu.wait_dma2 semaphore(%arg13 : memref<!tpu.dma_semaphore, #tpu.memory_space<semaphore_mem>>) src(%arg9 : memref<128x128xf32, #tpu.memory_space<vmem>>) dst(%dma_wait3A_122 : memref<128x128xf32, #tpu.memory_space<vmem_shared>>)
        } else {
        }
        %add3A_110 = arith.constant 1 : i32
        %add3A_111 = arith.addi %add3A_92, %add3A_110 : i32
        %lt3A_112 = arith.constant 8 : i32
        %lt3A_113 = arith.cmpi slt, %add3A_111, %lt3A_112 : i32
        %convert_element_type3A_114 = arith.extui %lt3A_113 : i1 to i32
        %cond3A_115 = arith.constant 0 : i32
        %cond3A_116 = arith.cmpi ne, %convert_element_type3A_114, %cond3A_115 : i32
        scf.if %cond3A_116 {
          %add3A_117 = arith.constant 1 : i32
          %add3A_118 = arith.addi %add3A_92, %add3A_117 : i32
          %dma_start3A_119 = arith.constant 0 : i32
          %dma_start3A_120 = tpu.memref_slice %arg7[%add3A_118, %dma_start3A_119] : memref<24x128xi32, #tpu.memory_space<vmem>> -> memref<1x128xi32, #tpu.memory_space<vmem>>
          %dma_start3A_121 = tpu.memref_squeeze %dma_start3A_120 : memref<1x128xi32, #tpu.memory_space<vmem>> -> memref<128xi32, #tpu.memory_space<vmem>>
          %dma_start3A_122 = arith.constant 0 : i32
          %dma_start3A_123 = arith.constant 0 : i32
          %dma_start3A_124 = tpu.memref_slice %arg2[%dma_start3A_122, %dma_start3A_123] : memref<10000x128xf32, #tpu.memory_space<hbm>> -> memref<10000x128xf32, #tpu.memory_space<hbm>>
          tpu.enqueue_indirect_dma source(%dma_start3A_124 : memref<10000x128xf32, #tpu.memory_space<hbm>>) target(%arg9 : memref<128x128xf32, #tpu.memory_space<vmem>>) offsets(%dma_start3A_121 : memref<128xi32, #tpu.memory_space<vmem>>) semaphore(%arg12 : memref<!tpu.dma_semaphore, #tpu.memory_space<semaphore_mem>>)
        } else {
        }
      }
      %scan3A_31 = arith.constant 4 : i32
      %dma_wait3A = arith.constant 0 : i32
      %dma_wait3A_32 = arith.constant 0 : i32
      %dma_wait3A_33 = tpu.memref_slice %arg11[%dma_wait3A, %dma_wait3A_32] : memref<10240x128xf32, #tpu.memory_space<vmem_shared>> -> memref<128x128xf32, #tpu.memory_space<vmem_shared>>
      %dma_wait3A_34 = arith.constant 0 : i32
      %dma_wait3A_35 = arith.constant 0 : i32
      %dma_wait3A_36 = tpu.memref_slice %arg11[%dma_wait3A_34, %dma_wait3A_35] : memref<10240x128xf32, #tpu.memory_space<vmem_shared>> -> memref<128x128xf32, #tpu.memory_space<vmem_shared>>
      tpu.wait_dma2 semaphore(%arg13 : memref<!tpu.dma_semaphore, #tpu.memory_space<semaphore_mem>>) src(%arg10 : memref<128x128xf32, #tpu.memory_space<vmem>>) dst(%dma_wait3A_36 : memref<128x128xf32, #tpu.memory_space<vmem_shared>>)
      %mul3A_37 = arith.constant 16 : i32
      %mul3A_38 = arith.muli %arg1, %mul3A_37 : i32
      %add3A_39 = arith.constant 2304 : i32
      %add3A_40 = arith.addi %add3A_39, %mul3A_38 : i32
      %add3A_41 = arith.constant 8 : i32
      %add3A_42 = arith.addi %add3A_40, %add3A_41 : i32
      "tpu.region"() ({
        %run_scoped3A = tpu.sem_alloc : memref<!tpu.dma_semaphore, #tpu.memory_space<semaphore_mem>>
        %dma_start3A_62 = arith.constant 0 : i32
        %dma_start3A_63 = arith.constant 0 : i32
        %dma_start3A_64 = tpu.memref_slice %arg7[%dma_start3A_62, %dma_start3A_63] : memref<24x128xi32, #tpu.memory_space<vmem>> -> memref<8x128xi32, #tpu.memory_space<vmem>>
        %dma_start3A_65 = arith.constant 0 : i32
        %dma_start3A_66 = tpu.memref_slice %arg3[%add3A_42, %dma_start3A_65] : memref<2560x128xi32, #tpu.memory_space<hbm>> -> memref<8x128xi32, #tpu.memory_space<hbm>>
        %dma_start3A_67 = arith.constant 0 : i32
        %dma_start3A_68 = arith.constant 0 : i32
        %dma_start3A_69 = tpu.memref_slice %arg7[%dma_start3A_67, %dma_start3A_68] : memref<24x128xi32, #tpu.memory_space<vmem>> -> memref<8x128xi32, #tpu.memory_space<vmem>>
        %dma_start3A_70 = arith.constant 0 : i32
        %dma_start3A_71 = tpu.memref_slice %arg3[%add3A_42, %dma_start3A_70] : memref<2560x128xi32, #tpu.memory_space<hbm>> -> memref<8x128xi32, #tpu.memory_space<hbm>>
        tpu.enqueue_dma source(%dma_start3A_71 : memref<8x128xi32, #tpu.memory_space<hbm>>) target(%dma_start3A_69 : memref<8x128xi32, #tpu.memory_space<vmem>>) target_semaphore(%run_scoped3A : memref<!tpu.dma_semaphore, #tpu.memory_space<semaphore_mem>>)
        %dma_wait3A_72 = arith.constant 0 : i32
        %dma_wait3A_73 = arith.constant 0 : i32
        %dma_wait3A_74 = tpu.memref_slice %arg7[%dma_wait3A_72, %dma_wait3A_73] : memref<24x128xi32, #tpu.memory_space<vmem>> -> memref<8x128xi32, #tpu.memory_space<vmem>>
        %dma_wait3A_75 = arith.constant 0 : i32
        %dma_wait3A_76 = tpu.memref_slice %arg3[%add3A_42, %dma_wait3A_75] : memref<2560x128xi32, #tpu.memory_space<hbm>> -> memref<8x128xi32, #tpu.memory_space<hbm>>
        %dma_wait3A_77 = arith.constant 0 : i32
        %dma_wait3A_78 = arith.constant 0 : i32
        %dma_wait3A_79 = tpu.memref_slice %arg7[%dma_wait3A_77, %dma_wait3A_78] : memref<24x128xi32, #tpu.memory_space<vmem>> -> memref<8x128xi32, #tpu.memory_space<vmem>>
        %dma_wait3A_80 = arith.constant 0 : i32
        %dma_wait3A_81 = tpu.memref_slice %arg3[%add3A_42, %dma_wait3A_80] : memref<2560x128xi32, #tpu.memory_space<hbm>> -> memref<8x128xi32, #tpu.memory_space<hbm>>
        tpu.wait_dma2 semaphore(%run_scoped3A : memref<!tpu.dma_semaphore, #tpu.memory_space<semaphore_mem>>) src(%dma_wait3A_81 : memref<8x128xi32, #tpu.memory_space<hbm>>) dst(%dma_wait3A_79 : memref<8x128xi32, #tpu.memory_space<vmem>>)
        tpu.yield
      }) : () -> ()
      "tpu.region"() ({
        %run_scoped3A = tpu.sem_alloc : memref<!tpu.dma_semaphore, #tpu.memory_space<semaphore_mem>>
        %dma_start3A_62 = arith.constant 0 : i32
        %dma_start3A_63 = arith.constant 0 : i32
        %dma_start3A_64 = tpu.memref_slice %arg8[%dma_start3A_62, %dma_start3A_63] : memref<24x128xi32, #tpu.memory_space<vmem>> -> memref<8x128xi32, #tpu.memory_space<vmem>>
        %dma_start3A_65 = arith.constant 0 : i32
        %dma_start3A_66 = tpu.memref_slice %arg4[%add3A_42, %dma_start3A_65] : memref<2560x128xi32, #tpu.memory_space<hbm>> -> memref<8x128xi32, #tpu.memory_space<hbm>>
        %dma_start3A_67 = arith.constant 0 : i32
        %dma_start3A_68 = arith.constant 0 : i32
        %dma_start3A_69 = tpu.memref_slice %arg8[%dma_start3A_67, %dma_start3A_68] : memref<24x128xi32, #tpu.memory_space<vmem>> -> memref<8x128xi32, #tpu.memory_space<vmem>>
        %dma_start3A_70 = arith.constant 0 : i32
        %dma_start3A_71 = tpu.memref_slice %arg4[%add3A_42, %dma_start3A_70] : memref<2560x128xi32, #tpu.memory_space<hbm>> -> memref<8x128xi32, #tpu.memory_space<hbm>>
        tpu.enqueue_dma source(%dma_start3A_71 : memref<8x128xi32, #tpu.memory_space<hbm>>) target(%dma_start3A_69 : memref<8x128xi32, #tpu.memory_space<vmem>>) target_semaphore(%run_scoped3A : memref<!tpu.dma_semaphore, #tpu.memory_space<semaphore_mem>>)
        %dma_wait3A_72 = arith.constant 0 : i32
        %dma_wait3A_73 = arith.constant 0 : i32
        %dma_wait3A_74 = tpu.memref_slice %arg8[%dma_wait3A_72, %dma_wait3A_73] : memref<24x128xi32, #tpu.memory_space<vmem>> -> memref<8x128xi32, #tpu.memory_space<vmem>>
        %dma_wait3A_75 = arith.constant 0 : i32
        %dma_wait3A_76 = tpu.memref_slice %arg4[%add3A_42, %dma_wait3A_75] : memref<2560x128xi32, #tpu.memory_space<hbm>> -> memref<8x128xi32, #tpu.memory_space<hbm>>
        %dma_wait3A_77 = arith.constant 0 : i32
        %dma_wait3A_78 = arith.constant 0 : i32
        %dma_wait3A_79 = tpu.memref_slice %arg8[%dma_wait3A_77, %dma_wait3A_78] : memref<24x128xi32, #tpu.memory_space<vmem>> -> memref<8x128xi32, #tpu.memory_space<vmem>>
        %dma_wait3A_80 = arith.constant 0 : i32
        %dma_wait3A_81 = tpu.memref_slice %arg4[%add3A_42, %dma_wait3A_80] : memref<2560x128xi32, #tpu.memory_space<hbm>> -> memref<8x128xi32, #tpu.memory_space<hbm>>
        tpu.wait_dma2 semaphore(%run_scoped3A : memref<!tpu.dma_semaphore, #tpu.memory_space<semaphore_mem>>) src(%dma_wait3A_81 : memref<8x128xi32, #tpu.memory_space<hbm>>) dst(%dma_wait3A_79 : memref<8x128xi32, #tpu.memory_space<vmem>>)
        tpu.yield
      }) : () -> ()
      %dma_start3A_43 = arith.constant 0 : i32
      %dma_start3A_44 = arith.constant 0 : i32
      %dma_start3A_45 = tpu.memref_slice %arg7[%dma_start3A_43, %dma_start3A_44] : memref<24x128xi32, #tpu.memory_space<vmem>> -> memref<1x128xi32, #tpu.memory_space<vmem>>
      %dma_start3A_46 = tpu.memref_squeeze %dma_start3A_45 : memref<1x128xi32, #tpu.memory_space<vmem>> -> memref<128xi32, #tpu.memory_space<vmem>>
      %dma_start3A_47 = arith.constant 0 : i32
      %dma_start3A_48 = arith.constant 0 : i32
      %dma_start3A_49 = tpu.memref_slice %arg2[%dma_start3A_47, %dma_start3A_48] : memref<10000x128xf32, #tpu.memory_space<hbm>> -> memref<10000x128xf32, #tpu.memory_space<hbm>>
      tpu.enqueue_indirect_dma source(%dma_start3A_49 : memref<10000x128xf32, #tpu.memory_space<hbm>>) target(%arg9 : memref<128x128xf32, #tpu.memory_space<vmem>>) offsets(%dma_start3A_46 : memref<128xi32, #tpu.memory_space<vmem>>) semaphore(%arg12 : memref<!tpu.dma_semaphore, #tpu.memory_space<semaphore_mem>>)
      %scan3A_50 = arith.constant 0 : i32
      %scan3A_51 = arith.constant 0 : i32
      %scan3A_52 = arith.constant 4 : i32
      %scan3A_53 = arith.addi %scan3A_51, %scan3A_52 : i32
      %scan3A_54 = arith.constant 1 : i32
      scf.for %scan3A_62 = %scan3A_51 to %scan3A_53 step %scan3A_54  : i32 {
        %mul3A_63 = arith.constant 2 : i32
        %mul3A_64 = arith.muli %mul3A_63, %scan3A_62 : i32
        %add3A_65 = arith.constant 0 : i32
        %add3A_66 = arith.addi %mul3A_64, %add3A_65 : i32
        %dma_wait3A_67 = arith.constant 0 : i32
        %dma_wait3A_68 = arith.constant 0 : i32
        %dma_wait3A_69 = tpu.memref_slice %arg2[%dma_wait3A_67, %dma_wait3A_68] : memref<10000x128xf32, #tpu.memory_space<hbm>> -> memref<128x128xf32, #tpu.memory_space<hbm>>
        %dma_wait3A_70 = arith.constant 0 : i32
        %dma_wait3A_71 = arith.constant 0 : i32
        %dma_wait3A_72 = tpu.memref_slice %arg2[%dma_wait3A_70, %dma_wait3A_71] : memref<10000x128xf32, #tpu.memory_space<hbm>> -> memref<128x128xf32, #tpu.memory_space<hbm>>
        tpu.wait_dma2 semaphore(%arg12 : memref<!tpu.dma_semaphore, #tpu.memory_space<semaphore_mem>>) src(%dma_wait3A_72 : memref<128x128xf32, #tpu.memory_space<hbm>>) dst(%arg9 : memref<128x128xf32, #tpu.memory_space<vmem>>)
        %dma_start3A_73 = arith.constant 0 : i32
        %dma_start3A_74 = tpu.memref_slice %arg8[%add3A_66, %dma_start3A_73] : memref<24x128xi32, #tpu.memory_space<vmem>> -> memref<1x128xi32, #tpu.memory_space<vmem>>
        %dma_start3A_75 = tpu.memref_squeeze %dma_start3A_74 : memref<1x128xi32, #tpu.memory_space<vmem>> -> memref<128xi32, #tpu.memory_space<vmem>>
        %dma_start3A_76 = arith.constant 0 : i32
        %dma_start3A_77 = arith.constant 0 : i32
        %dma_start3A_78 = tpu.memref_slice %arg11[%dma_start3A_76, %dma_start3A_77] : memref<10240x128xf32, #tpu.memory_space<vmem_shared>> -> memref<10240x128xf32, #tpu.memory_space<vmem_shared>>
        tpu.enqueue_indirect_dma source(%arg9 : memref<128x128xf32, #tpu.memory_space<vmem>>) target(%dma_start3A_78 : memref<10240x128xf32, #tpu.memory_space<vmem_shared>>) offsets(%dma_start3A_75 : memref<128xi32, #tpu.memory_space<vmem>>) semaphore(%arg13 : memref<!tpu.dma_semaphore, #tpu.memory_space<semaphore_mem>>) {add = true}
        %ge3A = arith.constant 1 : i32
        %ge3A_79 = arith.cmpi sge, %add3A_66, %ge3A : i32
        %convert_element_type3A_80 = arith.extui %ge3A_79 : i1 to i32
        %cond3A_81 = arith.constant 0 : i32
        %cond3A_82 = arith.cmpi ne, %convert_element_type3A_80, %cond3A_81 : i32
        scf.if %cond3A_82 {
          %dma_wait3A_117 = arith.constant 0 : i32
          %dma_wait3A_118 = arith.constant 0 : i32
          %dma_wait3A_119 = tpu.memref_slice %arg11[%dma_wait3A_117, %dma_wait3A_118] : memref<10240x128xf32, #tpu.memory_space<vmem_shared>> -> memref<128x128xf32, #tpu.memory_space<vmem_shared>>
          %dma_wait3A_120 = arith.constant 0 : i32
          %dma_wait3A_121 = arith.constant 0 : i32
          %dma_wait3A_122 = tpu.memref_slice %arg11[%dma_wait3A_120, %dma_wait3A_121] : memref<10240x128xf32, #tpu.memory_space<vmem_shared>> -> memref<128x128xf32, #tpu.memory_space<vmem_shared>>
          tpu.wait_dma2 semaphore(%arg13 : memref<!tpu.dma_semaphore, #tpu.memory_space<semaphore_mem>>) src(%arg10 : memref<128x128xf32, #tpu.memory_space<vmem>>) dst(%dma_wait3A_122 : memref<128x128xf32, #tpu.memory_space<vmem_shared>>)
        } else {
        }
        %add3A_83 = arith.constant 1 : i32
        %add3A_84 = arith.addi %add3A_66, %add3A_83 : i32
        %lt3A = arith.constant 8 : i32
        %lt3A_85 = arith.cmpi slt, %add3A_84, %lt3A : i32
        %convert_element_type3A_86 = arith.extui %lt3A_85 : i1 to i32
        %cond3A_87 = arith.constant 0 : i32
        %cond3A_88 = arith.cmpi ne, %convert_element_type3A_86, %cond3A_87 : i32
        scf.if %cond3A_88 {
          %add3A_117 = arith.constant 1 : i32
          %add3A_118 = arith.addi %add3A_66, %add3A_117 : i32
          %dma_start3A_119 = arith.constant 0 : i32
          %dma_start3A_120 = tpu.memref_slice %arg7[%add3A_118, %dma_start3A_119] : memref<24x128xi32, #tpu.memory_space<vmem>> -> memref<1x128xi32, #tpu.memory_space<vmem>>
          %dma_start3A_121 = tpu.memref_squeeze %dma_start3A_120 : memref<1x128xi32, #tpu.memory_space<vmem>> -> memref<128xi32, #tpu.memory_space<vmem>>
          %dma_start3A_122 = arith.constant 0 : i32
          %dma_start3A_123 = arith.constant 0 : i32
          %dma_start3A_124 = tpu.memref_slice %arg2[%dma_start3A_122, %dma_start3A_123] : memref<10000x128xf32, #tpu.memory_space<hbm>> -> memref<10000x128xf32, #tpu.memory_space<hbm>>
          tpu.enqueue_indirect_dma source(%dma_start3A_124 : memref<10000x128xf32, #tpu.memory_space<hbm>>) target(%arg10 : memref<128x128xf32, #tpu.memory_space<vmem>>) offsets(%dma_start3A_121 : memref<128xi32, #tpu.memory_space<vmem>>) semaphore(%arg12 : memref<!tpu.dma_semaphore, #tpu.memory_space<semaphore_mem>>)
        } else {
        }
        %mul3A_89 = arith.constant 2 : i32
        %mul3A_90 = arith.muli %mul3A_89, %scan3A_62 : i32
        %add3A_91 = arith.constant 1 : i32
        %add3A_92 = arith.addi %mul3A_90, %add3A_91 : i32
        %dma_wait3A_93 = arith.constant 0 : i32
        %dma_wait3A_94 = arith.constant 0 : i32
        %dma_wait3A_95 = tpu.memref_slice %arg2[%dma_wait3A_93, %dma_wait3A_94] : memref<10000x128xf32, #tpu.memory_space<hbm>> -> memref<128x128xf32, #tpu.memory_space<hbm>>
        %dma_wait3A_96 = arith.constant 0 : i32
        %dma_wait3A_97 = arith.constant 0 : i32
        %dma_wait3A_98 = tpu.memref_slice %arg2[%dma_wait3A_96, %dma_wait3A_97] : memref<10000x128xf32, #tpu.memory_space<hbm>> -> memref<128x128xf32, #tpu.memory_space<hbm>>
        tpu.wait_dma2 semaphore(%arg12 : memref<!tpu.dma_semaphore, #tpu.memory_space<semaphore_mem>>) src(%dma_wait3A_98 : memref<128x128xf32, #tpu.memory_space<hbm>>) dst(%arg10 : memref<128x128xf32, #tpu.memory_space<vmem>>)
        %dma_start3A_99 = arith.constant 0 : i32
        %dma_start3A_100 = tpu.memref_slice %arg8[%add3A_92, %dma_start3A_99] : memref<24x128xi32, #tpu.memory_space<vmem>> -> memref<1x128xi32, #tpu.memory_space<vmem>>
        %dma_start3A_101 = tpu.memref_squeeze %dma_start3A_100 : memref<1x128xi32, #tpu.memory_space<vmem>> -> memref<128xi32, #tpu.memory_space<vmem>>
        %dma_start3A_102 = arith.constant 0 : i32
        %dma_start3A_103 = arith.constant 0 : i32
        %dma_start3A_104 = tpu.memref_slice %arg11[%dma_start3A_102, %dma_start3A_103] : memref<10240x128xf32, #tpu.memory_space<vmem_shared>> -> memref<10240x128xf32, #tpu.memory_space<vmem_shared>>
        tpu.enqueue_indirect_dma source(%arg10 : memref<128x128xf32, #tpu.memory_space<vmem>>) target(%dma_start3A_104 : memref<10240x128xf32, #tpu.memory_space<vmem_shared>>) offsets(%dma_start3A_101 : memref<128xi32, #tpu.memory_space<vmem>>) semaphore(%arg13 : memref<!tpu.dma_semaphore, #tpu.memory_space<semaphore_mem>>) {add = true}
        %ge3A_105 = arith.constant 1 : i32
        %ge3A_106 = arith.cmpi sge, %add3A_92, %ge3A_105 : i32
        %convert_element_type3A_107 = arith.extui %ge3A_106 : i1 to i32
        %cond3A_108 = arith.constant 0 : i32
        %cond3A_109 = arith.cmpi ne, %convert_element_type3A_107, %cond3A_108 : i32
        scf.if %cond3A_109 {
          %dma_wait3A_117 = arith.constant 0 : i32
          %dma_wait3A_118 = arith.constant 0 : i32
          %dma_wait3A_119 = tpu.memref_slice %arg11[%dma_wait3A_117, %dma_wait3A_118] : memref<10240x128xf32, #tpu.memory_space<vmem_shared>> -> memref<128x128xf32, #tpu.memory_space<vmem_shared>>
          %dma_wait3A_120 = arith.constant 0 : i32
          %dma_wait3A_121 = arith.constant 0 : i32
          %dma_wait3A_122 = tpu.memref_slice %arg11[%dma_wait3A_120, %dma_wait3A_121] : memref<10240x128xf32, #tpu.memory_space<vmem_shared>> -> memref<128x128xf32, #tpu.memory_space<vmem_shared>>
          tpu.wait_dma2 semaphore(%arg13 : memref<!tpu.dma_semaphore, #tpu.memory_space<semaphore_mem>>) src(%arg9 : memref<128x128xf32, #tpu.memory_space<vmem>>) dst(%dma_wait3A_122 : memref<128x128xf32, #tpu.memory_space<vmem_shared>>)
        } else {
        }
        %add3A_110 = arith.constant 1 : i32
        %add3A_111 = arith.addi %add3A_92, %add3A_110 : i32
        %lt3A_112 = arith.constant 8 : i32
        %lt3A_113 = arith.cmpi slt, %add3A_111, %lt3A_112 : i32
        %convert_element_type3A_114 = arith.extui %lt3A_113 : i1 to i32
        %cond3A_115 = arith.constant 0 : i32
        %cond3A_116 = arith.cmpi ne, %convert_element_type3A_114, %cond3A_115 : i32
        scf.if %cond3A_116 {
          %add3A_117 = arith.constant 1 : i32
          %add3A_118 = arith.addi %add3A_92, %add3A_117 : i32
          %dma_start3A_119 = arith.constant 0 : i32
          %dma_start3A_120 = tpu.memref_slice %arg7[%add3A_118, %dma_start3A_119] : memref<24x128xi32, #tpu.memory_space<vmem>> -> memref<1x128xi32, #tpu.memory_space<vmem>>
          %dma_start3A_121 = tpu.memref_squeeze %dma_start3A_120 : memref<1x128xi32, #tpu.memory_space<vmem>> -> memref<128xi32, #tpu.memory_space<vmem>>
          %dma_start3A_122 = arith.constant 0 : i32
          %dma_start3A_123 = arith.constant 0 : i32
          %dma_start3A_124 = tpu.memref_slice %arg2[%dma_start3A_122, %dma_start3A_123] : memref<10000x128xf32, #tpu.memory_space<hbm>> -> memref<10000x128xf32, #tpu.memory_space<hbm>>
          tpu.enqueue_indirect_dma source(%dma_start3A_124 : memref<10000x128xf32, #tpu.memory_space<hbm>>) target(%arg9 : memref<128x128xf32, #tpu.memory_space<vmem>>) offsets(%dma_start3A_121 : memref<128xi32, #tpu.memory_space<vmem>>) semaphore(%arg12 : memref<!tpu.dma_semaphore, #tpu.memory_space<semaphore_mem>>)
        } else {
        }
      }
      %scan3A_55 = arith.constant 4 : i32
      %dma_wait3A_56 = arith.constant 0 : i32
      %dma_wait3A_57 = arith.constant 0 : i32
      %dma_wait3A_58 = tpu.memref_slice %arg11[%dma_wait3A_56, %dma_wait3A_57] : memref<10240x128xf32, #tpu.memory_space<vmem_shared>> -> memref<128x128xf32, #tpu.memory_space<vmem_shared>>
      %dma_wait3A_59 = arith.constant 0 : i32
      %dma_wait3A_60 = arith.constant 0 : i32
      %dma_wait3A_61 = tpu.memref_slice %arg11[%dma_wait3A_59, %dma_wait3A_60] : memref<10240x128xf32, #tpu.memory_space<vmem_shared>> -> memref<128x128xf32, #tpu.memory_space<vmem_shared>>
      tpu.wait_dma2 semaphore(%arg13 : memref<!tpu.dma_semaphore, #tpu.memory_space<semaphore_mem>>) src(%arg10 : memref<128x128xf32, #tpu.memory_space<vmem>>) dst(%dma_wait3A_61 : memref<128x128xf32, #tpu.memory_space<vmem_shared>>)
    } else {
    }
    %barrier3A_8 = arith.constant 0 : index
    tpu.barrier barrier_id(%barrier3A_8)
    %mul3A_9 = arith.constant 640 : i32
    %mul3A_10 = arith.muli %arg1, %mul3A_9 : i32
    %mul3A_11 = arith.constant 10240 : i32
    %mul3A_12 = arith.muli %arg0, %mul3A_11 : i32
    %mul3A_13 = arith.constant 640 : i32
    %mul3A_14 = arith.muli %arg1, %mul3A_13 : i32
    %add3A = arith.addi %mul3A_12, %mul3A_14 : i32
    "tpu.region"() ({
      %run_scoped3A = tpu.sem_alloc : memref<!tpu.dma_semaphore, #tpu.memory_space<semaphore_mem>>
      %dma_start3A = arith.constant 0 : i32
      %dma_start3A_15 = tpu.memref_slice %arg6[%add3A, %dma_start3A] : memref<20480x128xf32, #tpu.memory_space<hbm>> -> memref<640x128xf32, #tpu.memory_space<hbm>>
      %dma_start3A_16 = arith.constant 0 : i32
      %dma_start3A_17 = tpu.memref_slice %arg11[%mul3A_10, %dma_start3A_16] : memref<10240x128xf32, #tpu.memory_space<vmem_shared>> -> memref<640x128xf32, #tpu.memory_space<vmem_shared>>
      tpu.enqueue_dma source(%dma_start3A_17 : memref<640x128xf32, #tpu.memory_space<vmem_shared>>) target(%dma_start3A_15 : memref<640x128xf32, #tpu.memory_space<hbm>>) target_semaphore(%run_scoped3A : memref<!tpu.dma_semaphore, #tpu.memory_space<semaphore_mem>>)
      %dma_wait3A = arith.constant 0 : i32
      %dma_wait3A_18 = tpu.memref_slice %arg6[%add3A, %dma_wait3A] : memref<20480x128xf32, #tpu.memory_space<hbm>> -> memref<640x128xf32, #tpu.memory_space<hbm>>
      %dma_wait3A_19 = arith.constant 0 : i32
      %dma_wait3A_20 = tpu.memref_slice %arg11[%mul3A_10, %dma_wait3A_19] : memref<10240x128xf32, #tpu.memory_space<vmem_shared>> -> memref<640x128xf32, #tpu.memory_space<vmem_shared>>
      tpu.wait_dma2 semaphore(%run_scoped3A : memref<!tpu.dma_semaphore, #tpu.memory_space<semaphore_mem>>) src(%dma_wait3A_20 : memref<640x128xf32, #tpu.memory_space<vmem_shared>>) dst(%dma_wait3A_18 : memref<640x128xf32, #tpu.memory_space<hbm>>)
      tpu.yield
    }) : () -> ()
    return
  }
}

#map = affine_map<(d0, d1) -> (0)>
module attributes {stable_mosaic.version = 14 : i64} {
  func.func @k(%arg0: i32, %arg1: i32, %arg2: memref<327680xi32, #tpu.memory_space<hbm>>, %arg3: memref<10240xf32, #tpu.memory_space<hbm>>, %arg4: memref<20480xf32, #tpu.memory_space<hbm>>, %arg5: memref<10240xi32, #tpu.memory_space<vmem>>, %arg6: memref<10240xf32, #tpu.memory_space<vmem>>, %arg7: memref<640xf32, #tpu.memory_space<vmem>>, %arg8: memref<640xf32, #tpu.memory_space<vmem>>, %arg9: memref<16x10240xf32, #tpu.memory_space<vmem_shared>>) attributes {dimension_semantics = [#tpu.dimension_semantics<core_parallel>, #tpu.dimension_semantics<subcore_parallel>], iteration_bounds = array<i64: 2, 16>, scalar_prefetch = 0 : i64, scratch_operands = 5 : i64, tpu.core_type = #tpu.core_type<sc_vector_subcore>, window_params = [{transform_indices = #map}, {transform_indices = #map}, {transform_indices = #map}]} {
    %mul3A = arith.constant 16 : i32
    %mul3A_0 = arith.muli %arg0, %mul3A : i32
    %add3A = arith.addi %mul3A_0, %arg1 : i32
    "tpu.region"() ({
      %run_scoped3A_151 = tpu.sem_alloc : memref<!tpu.dma_semaphore, #tpu.memory_space<semaphore_mem>>
      tpu.enqueue_dma source(%arg3 : memref<10240xf32, #tpu.memory_space<hbm>>) target(%arg6 : memref<10240xf32, #tpu.memory_space<vmem>>) target_semaphore(%run_scoped3A_151 : memref<!tpu.dma_semaphore, #tpu.memory_space<semaphore_mem>>)
      tpu.wait_dma2 semaphore(%run_scoped3A_151 : memref<!tpu.dma_semaphore, #tpu.memory_space<semaphore_mem>>) src(%arg3 : memref<10240xf32, #tpu.memory_space<hbm>>) dst(%arg6 : memref<10240xf32, #tpu.memory_space<vmem>>)
      tpu.yield
    }) : () -> ()
    %mul3A_1 = arith.constant 10240 : i32
    %mul3A_2 = arith.muli %add3A, %mul3A_1 : i32
    "tpu.region"() ({
      %run_scoped3A_151 = tpu.sem_alloc : memref<!tpu.dma_semaphore, #tpu.memory_space<semaphore_mem>>
      %dma_start3A = tpu.memref_slice %arg2[%mul3A_2] : memref<327680xi32, #tpu.memory_space<hbm>> -> memref<10240xi32, #tpu.memory_space<hbm>>
      %dma_start3A_152 = tpu.memref_slice %arg2[%mul3A_2] : memref<327680xi32, #tpu.memory_space<hbm>> -> memref<10240xi32, #tpu.memory_space<hbm>>
      tpu.enqueue_dma source(%dma_start3A_152 : memref<10240xi32, #tpu.memory_space<hbm>>) target(%arg5 : memref<10240xi32, #tpu.memory_space<vmem>>) target_semaphore(%run_scoped3A_151 : memref<!tpu.dma_semaphore, #tpu.memory_space<semaphore_mem>>)
      %dma_wait3A = tpu.memref_slice %arg2[%mul3A_2] : memref<327680xi32, #tpu.memory_space<hbm>> -> memref<10240xi32, #tpu.memory_space<hbm>>
      %dma_wait3A_153 = tpu.memref_slice %arg2[%mul3A_2] : memref<327680xi32, #tpu.memory_space<hbm>> -> memref<10240xi32, #tpu.memory_space<hbm>>
      tpu.wait_dma2 semaphore(%run_scoped3A_151 : memref<!tpu.dma_semaphore, #tpu.memory_space<semaphore_mem>>) src(%dma_wait3A_153 : memref<10240xi32, #tpu.memory_space<hbm>>) dst(%arg5 : memref<10240xi32, #tpu.memory_space<vmem>>)
      tpu.yield
    }) : () -> ()
    %broadcast_in_dim3A = arith.constant 1.000000e+00 : f32
    %broadcast_in_dim3A_3 = vector.broadcast %broadcast_in_dim3A : f32 to vector<16xf32>
    %scan3A = arith.constant 0 : i32
    %scan3A_4 = arith.constant 0 : i32
    %scan3A_5 = arith.constant 640 : i32
    %scan3A_6 = arith.addi %scan3A_4, %scan3A_5 : i32
    %scan3A_7 = arith.constant 1 : i32
    scf.for %scan3A_151 = %scan3A_4 to %scan3A_6 step %scan3A_7  : i32 {
      %mul3A_152 = arith.constant 16 : i32
      %mul3A_153 = arith.muli %scan3A_151, %mul3A_152 : i32
      %get3A = arith.index_cast %mul3A_153 : i32 to index
      %get3A_154 = tpu.vector_load %arg5[%get3A] {strides = array<i32>} : memref<10240xi32, #tpu.memory_space<vmem>>, vector<16xi32>,
      tpu.vector_store_idx %arg6[%get3A_154], %broadcast_in_dim3A_3 {add = true} : memref<10240xf32, #tpu.memory_space<vmem>>[vector<16xi32>], vector<16xf32>,
    }
    %scan3A_8 = arith.constant 640 : i32
    "tpu.region"() ({
      %run_scoped3A_151 = tpu.sem_alloc : memref<!tpu.dma_semaphore, #tpu.memory_space<semaphore_mem>>
      %dma_start3A = arith.constant 0 : i32
      %dma_start3A_152 = tpu.memref_slice %arg9[%arg1, %dma_start3A] : memref<16x10240xf32, #tpu.memory_space<vmem_shared>> -> memref<1x10240xf32, #tpu.memory_space<vmem_shared>>
      %dma_start3A_153 = tpu.memref_squeeze %dma_start3A_152 : memref<1x10240xf32, #tpu.memory_space<vmem_shared>> -> memref<10240xf32, #tpu.memory_space<vmem_shared>>
      %dma_start3A_154 = arith.constant 0 : i32
      %dma_start3A_155 = tpu.memref_slice %arg9[%arg1, %dma_start3A_154] : memref<16x10240xf32, #tpu.memory_space<vmem_shared>> -> memref<1x10240xf32, #tpu.memory_space<vmem_shared>>
      %dma_start3A_156 = tpu.memref_squeeze %dma_start3A_155 : memref<1x10240xf32, #tpu.memory_space<vmem_shared>> -> memref<10240xf32, #tpu.memory_space<vmem_shared>>
      tpu.enqueue_dma source(%arg6 : memref<10240xf32, #tpu.memory_space<vmem>>) target(%dma_start3A_156 : memref<10240xf32, #tpu.memory_space<vmem_shared>>) target_semaphore(%run_scoped3A_151 : memref<!tpu.dma_semaphore, #tpu.memory_space<semaphore_mem>>)
      %dma_wait3A = arith.constant 0 : i32
      %dma_wait3A_157 = tpu.memref_slice %arg9[%arg1, %dma_wait3A] : memref<16x10240xf32, #tpu.memory_space<vmem_shared>> -> memref<1x10240xf32, #tpu.memory_space<vmem_shared>>
      %dma_wait3A_158 = tpu.memref_squeeze %dma_wait3A_157 : memref<1x10240xf32, #tpu.memory_space<vmem_shared>> -> memref<10240xf32, #tpu.memory_space<vmem_shared>>
      %dma_wait3A_159 = arith.constant 0 : i32
      %dma_wait3A_160 = tpu.memref_slice %arg9[%arg1, %dma_wait3A_159] : memref<16x10240xf32, #tpu.memory_space<vmem_shared>> -> memref<1x10240xf32, #tpu.memory_space<vmem_shared>>
      %dma_wait3A_161 = tpu.memref_squeeze %dma_wait3A_160 : memref<1x10240xf32, #tpu.memory_space<vmem_shared>> -> memref<10240xf32, #tpu.memory_space<vmem_shared>>
      tpu.wait_dma2 semaphore(%run_scoped3A_151 : memref<!tpu.dma_semaphore, #tpu.memory_space<semaphore_mem>>) src(%arg6 : memref<10240xf32, #tpu.memory_space<vmem>>) dst(%dma_wait3A_161 : memref<10240xf32, #tpu.memory_space<vmem_shared>>)
      tpu.yield
    }) : () -> ()
    %barrier3A = arith.constant 0 : index
    tpu.barrier barrier_id(%barrier3A)
    %mul3A_9 = arith.constant 640 : i32
    %mul3A_10 = arith.muli %arg1, %mul3A_9 : i32
    %run_scoped3A = arith.constant 0 : i32
    "tpu.region"() ({
      %run_scoped3A_151 = tpu.sem_alloc : memref<!tpu.dma_semaphore, #tpu.memory_space<semaphore_mem>>
      %dma_start3A = tpu.memref_slice %arg9[%run_scoped3A, %mul3A_10] : memref<16x10240xf32, #tpu.memory_space<vmem_shared>> -> memref<1x640xf32, #tpu.memory_space<vmem_shared>>
      %dma_start3A_152 = tpu.memref_squeeze %dma_start3A : memref<1x640xf32, #tpu.memory_space<vmem_shared>> -> memref<640xf32, #tpu.memory_space<vmem_shared>>
      %dma_start3A_153 = tpu.memref_slice %arg9[%run_scoped3A, %mul3A_10] : memref<16x10240xf32, #tpu.memory_space<vmem_shared>> -> memref<1x640xf32, #tpu.memory_space<vmem_shared>>
      %dma_start3A_154 = tpu.memref_squeeze %dma_start3A_153 : memref<1x640xf32, #tpu.memory_space<vmem_shared>> -> memref<640xf32, #tpu.memory_space<vmem_shared>>
      tpu.enqueue_dma source(%dma_start3A_154 : memref<640xf32, #tpu.memory_space<vmem_shared>>) target(%arg7 : memref<640xf32, #tpu.memory_space<vmem>>) target_semaphore(%run_scoped3A_151 : memref<!tpu.dma_semaphore, #tpu.memory_space<semaphore_mem>>)
      %dma_wait3A = tpu.memref_slice %arg9[%run_scoped3A, %mul3A_10] : memref<16x10240xf32, #tpu.memory_space<vmem_shared>> -> memref<1x640xf32, #tpu.memory_space<vmem_shared>>
      %dma_wait3A_155 = tpu.memref_squeeze %dma_wait3A : memref<1x640xf32, #tpu.memory_space<vmem_shared>> -> memref<640xf32, #tpu.memory_space<vmem_shared>>
      %dma_wait3A_156 = tpu.memref_slice %arg9[%run_scoped3A, %mul3A_10] : memref<16x10240xf32, #tpu.memory_space<vmem_shared>> -> memref<1x640xf32, #tpu.memory_space<vmem_shared>>
      %dma_wait3A_157 = tpu.memref_squeeze %dma_wait3A_156 : memref<1x640xf32, #tpu.memory_space<vmem_shared>> -> memref<640xf32, #tpu.memory_space<vmem_shared>>
      tpu.wait_dma2 semaphore(%run_scoped3A_151 : memref<!tpu.dma_semaphore, #tpu.memory_space<semaphore_mem>>) src(%dma_wait3A_157 : memref<640xf32, #tpu.memory_space<vmem_shared>>) dst(%arg7 : memref<640xf32, #tpu.memory_space<vmem>>)
      tpu.yield
    }) : () -> ()
    %mul3A_11 = arith.constant 640 : i32
    %mul3A_12 = arith.muli %arg1, %mul3A_11 : i32
    %run_scoped3A_13 = arith.constant 1 : i32
    "tpu.region"() ({
      %run_scoped3A_151 = tpu.sem_alloc : memref<!tpu.dma_semaphore, #tpu.memory_space<semaphore_mem>>
      %dma_start3A = tpu.memref_slice %arg9[%run_scoped3A_13, %mul3A_12] : memref<16x10240xf32, #tpu.memory_space<vmem_shared>> -> memref<1x640xf32, #tpu.memory_space<vmem_shared>>
      %dma_start3A_152 = tpu.memref_squeeze %dma_start3A : memref<1x640xf32, #tpu.memory_space<vmem_shared>> -> memref<640xf32, #tpu.memory_space<vmem_shared>>
      %dma_start3A_153 = tpu.memref_slice %arg9[%run_scoped3A_13, %mul3A_12] : memref<16x10240xf32, #tpu.memory_space<vmem_shared>> -> memref<1x640xf32, #tpu.memory_space<vmem_shared>>
      %dma_start3A_154 = tpu.memref_squeeze %dma_start3A_153 : memref<1x640xf32, #tpu.memory_space<vmem_shared>> -> memref<640xf32, #tpu.memory_space<vmem_shared>>
      tpu.enqueue_dma source(%dma_start3A_154 : memref<640xf32, #tpu.memory_space<vmem_shared>>) target(%arg8 : memref<640xf32, #tpu.memory_space<vmem>>) target_semaphore(%run_scoped3A_151 : memref<!tpu.dma_semaphore, #tpu.memory_space<semaphore_mem>>)
      %dma_wait3A = tpu.memref_slice %arg9[%run_scoped3A_13, %mul3A_12] : memref<16x10240xf32, #tpu.memory_space<vmem_shared>> -> memref<1x640xf32, #tpu.memory_space<vmem_shared>>
      %dma_wait3A_155 = tpu.memref_squeeze %dma_wait3A : memref<1x640xf32, #tpu.memory_space<vmem_shared>> -> memref<640xf32, #tpu.memory_space<vmem_shared>>
      %dma_wait3A_156 = tpu.memref_slice %arg9[%run_scoped3A_13, %mul3A_12] : memref<16x10240xf32, #tpu.memory_space<vmem_shared>> -> memref<1x640xf32, #tpu.memory_space<vmem_shared>>
      %dma_wait3A_157 = tpu.memref_squeeze %dma_wait3A_156 : memref<1x640xf32, #tpu.memory_space<vmem_shared>> -> memref<640xf32, #tpu.memory_space<vmem_shared>>
      tpu.wait_dma2 semaphore(%run_scoped3A_151 : memref<!tpu.dma_semaphore, #tpu.memory_space<semaphore_mem>>) src(%dma_wait3A_157 : memref<640xf32, #tpu.memory_space<vmem_shared>>) dst(%arg8 : memref<640xf32, #tpu.memory_space<vmem>>)
      tpu.yield
    }) : () -> ()
    %scan3A_14 = arith.constant 0 : i32
    %scan3A_15 = arith.constant 0 : i32
    %scan3A_16 = arith.constant 40 : i32
    %scan3A_17 = arith.addi %scan3A_15, %scan3A_16 : i32
    %scan3A_18 = arith.constant 1 : i32
    scf.for %scan3A_151 = %scan3A_15 to %scan3A_17 step %scan3A_18  : i32 {
      %mul3A_152 = arith.constant 16 : i32
      %mul3A_153 = arith.muli %scan3A_151, %mul3A_152 : i32
      %get3A = arith.index_cast %mul3A_153 : i32 to index
      %get3A_154 = tpu.vector_load %arg7[%get3A] {strides = array<i32>} : memref<640xf32, #tpu.memory_space<vmem>>, vector<16xf32>,
      %get3A_155 = arith.index_cast %mul3A_153 : i32 to index
      %get3A_156 = tpu.vector_load %arg8[%get3A_155] {strides = array<i32>} : memref<640xf32, #tpu.memory_space<vmem>>, vector<16xf32>,
      %add3A_157 = arith.addf %get3A_154, %get3A_156 : vector<16xf32>
      %swap3A = arith.index_cast %mul3A_153 : i32 to index
      %swap3A_158 = tpu.vector_load %arg7[%swap3A] {strides = array<i32>} : memref<640xf32, #tpu.memory_space<vmem>>, vector<16xf32>,
      tpu.vector_store %arg7[%swap3A], %add3A_157 {strides = array<i32>} : memref<640xf32, #tpu.memory_space<vmem>>, vector<16xf32>,
    }
    %scan3A_19 = arith.constant 40 : i32
    %mul3A_20 = arith.constant 640 : i32
    %mul3A_21 = arith.muli %arg1, %mul3A_20 : i32
    %run_scoped3A_22 = arith.constant 2 : i32
    "tpu.region"() ({
      %run_scoped3A_151 = tpu.sem_alloc : memref<!tpu.dma_semaphore, #tpu.memory_space<semaphore_mem>>
      %dma_start3A = tpu.memref_slice %arg9[%run_scoped3A_22, %mul3A_21] : memref<16x10240xf32, #tpu.memory_space<vmem_shared>> -> memref<1x640xf32, #tpu.memory_space<vmem_shared>>
      %dma_start3A_152 = tpu.memref_squeeze %dma_start3A : memref<1x640xf32, #tpu.memory_space<vmem_shared>> -> memref<640xf32, #tpu.memory_space<vmem_shared>>
      %dma_start3A_153 = tpu.memref_slice %arg9[%run_scoped3A_22, %mul3A_21] : memref<16x10240xf32, #tpu.memory_space<vmem_shared>> -> memref<1x640xf32, #tpu.memory_space<vmem_shared>>
      %dma_start3A_154 = tpu.memref_squeeze %dma_start3A_153 : memref<1x640xf32, #tpu.memory_space<vmem_shared>> -> memref<640xf32, #tpu.memory_space<vmem_shared>>
      tpu.enqueue_dma source(%dma_start3A_154 : memref<640xf32, #tpu.memory_space<vmem_shared>>) target(%arg8 : memref<640xf32, #tpu.memory_space<vmem>>) target_semaphore(%run_scoped3A_151 : memref<!tpu.dma_semaphore, #tpu.memory_space<semaphore_mem>>)
      %dma_wait3A = tpu.memref_slice %arg9[%run_scoped3A_22, %mul3A_21] : memref<16x10240xf32, #tpu.memory_space<vmem_shared>> -> memref<1x640xf32, #tpu.memory_space<vmem_shared>>
      %dma_wait3A_155 = tpu.memref_squeeze %dma_wait3A : memref<1x640xf32, #tpu.memory_space<vmem_shared>> -> memref<640xf32, #tpu.memory_space<vmem_shared>>
      %dma_wait3A_156 = tpu.memref_slice %arg9[%run_scoped3A_22, %mul3A_21] : memref<16x10240xf32, #tpu.memory_space<vmem_shared>> -> memref<1x640xf32, #tpu.memory_space<vmem_shared>>
      %dma_wait3A_157 = tpu.memref_squeeze %dma_wait3A_156 : memref<1x640xf32, #tpu.memory_space<vmem_shared>> -> memref<640xf32, #tpu.memory_space<vmem_shared>>
      tpu.wait_dma2 semaphore(%run_scoped3A_151 : memref<!tpu.dma_semaphore, #tpu.memory_space<semaphore_mem>>) src(%dma_wait3A_157 : memref<640xf32, #tpu.memory_space<vmem_shared>>) dst(%arg8 : memref<640xf32, #tpu.memory_space<vmem>>)
      tpu.yield
    }) : () -> ()
    %scan3A_23 = arith.constant 0 : i32
    %scan3A_24 = arith.constant 0 : i32
    %scan3A_25 = arith.constant 40 : i32
    %scan3A_26 = arith.addi %scan3A_24, %scan3A_25 : i32
    %scan3A_27 = arith.constant 1 : i32
    scf.for %scan3A_151 = %scan3A_24 to %scan3A_26 step %scan3A_27  : i32 {
      %mul3A_152 = arith.constant 16 : i32
      %mul3A_153 = arith.muli %scan3A_151, %mul3A_152 : i32
      %get3A = arith.index_cast %mul3A_153 : i32 to index
      %get3A_154 = tpu.vector_load %arg7[%get3A] {strides = array<i32>} : memref<640xf32, #tpu.memory_space<vmem>>, vector<16xf32>,
      %get3A_155 = arith.index_cast %mul3A_153 : i32 to index
      %get3A_156 = tpu.vector_load %arg8[%get3A_155] {strides = array<i32>} : memref<640xf32, #tpu.memory_space<vmem>>, vector<16xf32>,
      %add3A_157 = arith.addf %get3A_154, %get3A_156 : vector<16xf32>
      %swap3A = arith.index_cast %mul3A_153 : i32 to index
      %swap3A_158 = tpu.vector_load %arg7[%swap3A] {strides = array<i32>} : memref<640xf32, #tpu.memory_space<vmem>>, vector<16xf32>,
      tpu.vector_store %arg7[%swap3A], %add3A_157 {strides = array<i32>} : memref<640xf32, #tpu.memory_space<vmem>>, vector<16xf32>,
    }
    %scan3A_28 = arith.constant 40 : i32
    %mul3A_29 = arith.constant 640 : i32
    %mul3A_30 = arith.muli %arg1, %mul3A_29 : i32
    %run_scoped3A_31 = arith.constant 3 : i32
    "tpu.region"() ({
      %run_scoped3A_151 = tpu.sem_alloc : memref<!tpu.dma_semaphore, #tpu.memory_space<semaphore_mem>>
      %dma_start3A = tpu.memref_slice %arg9[%run_scoped3A_31, %mul3A_30] : memref<16x10240xf32, #tpu.memory_space<vmem_shared>> -> memref<1x640xf32, #tpu.memory_space<vmem_shared>>
      %dma_start3A_152 = tpu.memref_squeeze %dma_start3A : memref<1x640xf32, #tpu.memory_space<vmem_shared>> -> memref<640xf32, #tpu.memory_space<vmem_shared>>
      %dma_start3A_153 = tpu.memref_slice %arg9[%run_scoped3A_31, %mul3A_30] : memref<16x10240xf32, #tpu.memory_space<vmem_shared>> -> memref<1x640xf32, #tpu.memory_space<vmem_shared>>
      %dma_start3A_154 = tpu.memref_squeeze %dma_start3A_153 : memref<1x640xf32, #tpu.memory_space<vmem_shared>> -> memref<640xf32, #tpu.memory_space<vmem_shared>>
      tpu.enqueue_dma source(%dma_start3A_154 : memref<640xf32, #tpu.memory_space<vmem_shared>>) target(%arg8 : memref<640xf32, #tpu.memory_space<vmem>>) target_semaphore(%run_scoped3A_151 : memref<!tpu.dma_semaphore, #tpu.memory_space<semaphore_mem>>)
      %dma_wait3A = tpu.memref_slice %arg9[%run_scoped3A_31, %mul3A_30] : memref<16x10240xf32, #tpu.memory_space<vmem_shared>> -> memref<1x640xf32, #tpu.memory_space<vmem_shared>>
      %dma_wait3A_155 = tpu.memref_squeeze %dma_wait3A : memref<1x640xf32, #tpu.memory_space<vmem_shared>> -> memref<640xf32, #tpu.memory_space<vmem_shared>>
      %dma_wait3A_156 = tpu.memref_slice %arg9[%run_scoped3A_31, %mul3A_30] : memref<16x10240xf32, #tpu.memory_space<vmem_shared>> -> memref<1x640xf32, #tpu.memory_space<vmem_shared>>
      %dma_wait3A_157 = tpu.memref_squeeze %dma_wait3A_156 : memref<1x640xf32, #tpu.memory_space<vmem_shared>> -> memref<640xf32, #tpu.memory_space<vmem_shared>>
      tpu.wait_dma2 semaphore(%run_scoped3A_151 : memref<!tpu.dma_semaphore, #tpu.memory_space<semaphore_mem>>) src(%dma_wait3A_157 : memref<640xf32, #tpu.memory_space<vmem_shared>>) dst(%arg8 : memref<640xf32, #tpu.memory_space<vmem>>)
      tpu.yield
    }) : () -> ()
    %scan3A_32 = arith.constant 0 : i32
    %scan3A_33 = arith.constant 0 : i32
    %scan3A_34 = arith.constant 40 : i32
    %scan3A_35 = arith.addi %scan3A_33, %scan3A_34 : i32
    %scan3A_36 = arith.constant 1 : i32
    scf.for %scan3A_151 = %scan3A_33 to %scan3A_35 step %scan3A_36  : i32 {
      %mul3A_152 = arith.constant 16 : i32
      %mul3A_153 = arith.muli %scan3A_151, %mul3A_152 : i32
      %get3A = arith.index_cast %mul3A_153 : i32 to index
      %get3A_154 = tpu.vector_load %arg7[%get3A] {strides = array<i32>} : memref<640xf32, #tpu.memory_space<vmem>>, vector<16xf32>,
      %get3A_155 = arith.index_cast %mul3A_153 : i32 to index
      %get3A_156 = tpu.vector_load %arg8[%get3A_155] {strides = array<i32>} : memref<640xf32, #tpu.memory_space<vmem>>, vector<16xf32>,
      %add3A_157 = arith.addf %get3A_154, %get3A_156 : vector<16xf32>
      %swap3A = arith.index_cast %mul3A_153 : i32 to index
      %swap3A_158 = tpu.vector_load %arg7[%swap3A] {strides = array<i32>} : memref<640xf32, #tpu.memory_space<vmem>>, vector<16xf32>,
      tpu.vector_store %arg7[%swap3A], %add3A_157 {strides = array<i32>} : memref<640xf32, #tpu.memory_space<vmem>>, vector<16xf32>,
    }
    %scan3A_37 = arith.constant 40 : i32
    %mul3A_38 = arith.constant 640 : i32
    %mul3A_39 = arith.muli %arg1, %mul3A_38 : i32
    %run_scoped3A_40 = arith.constant 4 : i32
    "tpu.region"() ({
      %run_scoped3A_151 = tpu.sem_alloc : memref<!tpu.dma_semaphore, #tpu.memory_space<semaphore_mem>>
      %dma_start3A = tpu.memref_slice %arg9[%run_scoped3A_40, %mul3A_39] : memref<16x10240xf32, #tpu.memory_space<vmem_shared>> -> memref<1x640xf32, #tpu.memory_space<vmem_shared>>
      %dma_start3A_152 = tpu.memref_squeeze %dma_start3A : memref<1x640xf32, #tpu.memory_space<vmem_shared>> -> memref<640xf32, #tpu.memory_space<vmem_shared>>
      %dma_start3A_153 = tpu.memref_slice %arg9[%run_scoped3A_40, %mul3A_39] : memref<16x10240xf32, #tpu.memory_space<vmem_shared>> -> memref<1x640xf32, #tpu.memory_space<vmem_shared>>
      %dma_start3A_154 = tpu.memref_squeeze %dma_start3A_153 : memref<1x640xf32, #tpu.memory_space<vmem_shared>> -> memref<640xf32, #tpu.memory_space<vmem_shared>>
      tpu.enqueue_dma source(%dma_start3A_154 : memref<640xf32, #tpu.memory_space<vmem_shared>>) target(%arg8 : memref<640xf32, #tpu.memory_space<vmem>>) target_semaphore(%run_scoped3A_151 : memref<!tpu.dma_semaphore, #tpu.memory_space<semaphore_mem>>)
      %dma_wait3A = tpu.memref_slice %arg9[%run_scoped3A_40, %mul3A_39] : memref<16x10240xf32, #tpu.memory_space<vmem_shared>> -> memref<1x640xf32, #tpu.memory_space<vmem_shared>>
      %dma_wait3A_155 = tpu.memref_squeeze %dma_wait3A : memref<1x640xf32, #tpu.memory_space<vmem_shared>> -> memref<640xf32, #tpu.memory_space<vmem_shared>>
      %dma_wait3A_156 = tpu.memref_slice %arg9[%run_scoped3A_40, %mul3A_39] : memref<16x10240xf32, #tpu.memory_space<vmem_shared>> -> memref<1x640xf32, #tpu.memory_space<vmem_shared>>
      %dma_wait3A_157 = tpu.memref_squeeze %dma_wait3A_156 : memref<1x640xf32, #tpu.memory_space<vmem_shared>> -> memref<640xf32, #tpu.memory_space<vmem_shared>>
      tpu.wait_dma2 semaphore(%run_scoped3A_151 : memref<!tpu.dma_semaphore, #tpu.memory_space<semaphore_mem>>) src(%dma_wait3A_157 : memref<640xf32, #tpu.memory_space<vmem_shared>>) dst(%arg8 : memref<640xf32, #tpu.memory_space<vmem>>)
      tpu.yield
    }) : () -> ()
    %scan3A_41 = arith.constant 0 : i32
    %scan3A_42 = arith.constant 0 : i32
    %scan3A_43 = arith.constant 40 : i32
    %scan3A_44 = arith.addi %scan3A_42, %scan3A_43 : i32
    %scan3A_45 = arith.constant 1 : i32
    scf.for %scan3A_151 = %scan3A_42 to %scan3A_44 step %scan3A_45  : i32 {
      %mul3A_152 = arith.constant 16 : i32
      %mul3A_153 = arith.muli %scan3A_151, %mul3A_152 : i32
      %get3A = arith.index_cast %mul3A_153 : i32 to index
      %get3A_154 = tpu.vector_load %arg7[%get3A] {strides = array<i32>} : memref<640xf32, #tpu.memory_space<vmem>>, vector<16xf32>,
      %get3A_155 = arith.index_cast %mul3A_153 : i32 to index
      %get3A_156 = tpu.vector_load %arg8[%get3A_155] {strides = array<i32>} : memref<640xf32, #tpu.memory_space<vmem>>, vector<16xf32>,
      %add3A_157 = arith.addf %get3A_154, %get3A_156 : vector<16xf32>
      %swap3A = arith.index_cast %mul3A_153 : i32 to index
      %swap3A_158 = tpu.vector_load %arg7[%swap3A] {strides = array<i32>} : memref<640xf32, #tpu.memory_space<vmem>>, vector<16xf32>,
      tpu.vector_store %arg7[%swap3A], %add3A_157 {strides = array<i32>} : memref<640xf32, #tpu.memory_space<vmem>>, vector<16xf32>,
    }
    %scan3A_46 = arith.constant 40 : i32
    %mul3A_47 = arith.constant 640 : i32
    %mul3A_48 = arith.muli %arg1, %mul3A_47 : i32
    %run_scoped3A_49 = arith.constant 5 : i32
    "tpu.region"() ({
      %run_scoped3A_151 = tpu.sem_alloc : memref<!tpu.dma_semaphore, #tpu.memory_space<semaphore_mem>>
      %dma_start3A = tpu.memref_slice %arg9[%run_scoped3A_49, %mul3A_48] : memref<16x10240xf32, #tpu.memory_space<vmem_shared>> -> memref<1x640xf32, #tpu.memory_space<vmem_shared>>
      %dma_start3A_152 = tpu.memref_squeeze %dma_start3A : memref<1x640xf32, #tpu.memory_space<vmem_shared>> -> memref<640xf32, #tpu.memory_space<vmem_shared>>
      %dma_start3A_153 = tpu.memref_slice %arg9[%run_scoped3A_49, %mul3A_48] : memref<16x10240xf32, #tpu.memory_space<vmem_shared>> -> memref<1x640xf32, #tpu.memory_space<vmem_shared>>
      %dma_start3A_154 = tpu.memref_squeeze %dma_start3A_153 : memref<1x640xf32, #tpu.memory_space<vmem_shared>> -> memref<640xf32, #tpu.memory_space<vmem_shared>>
      tpu.enqueue_dma source(%dma_start3A_154 : memref<640xf32, #tpu.memory_space<vmem_shared>>) target(%arg8 : memref<640xf32, #tpu.memory_space<vmem>>) target_semaphore(%run_scoped3A_151 : memref<!tpu.dma_semaphore, #tpu.memory_space<semaphore_mem>>)
      %dma_wait3A = tpu.memref_slice %arg9[%run_scoped3A_49, %mul3A_48] : memref<16x10240xf32, #tpu.memory_space<vmem_shared>> -> memref<1x640xf32, #tpu.memory_space<vmem_shared>>
      %dma_wait3A_155 = tpu.memref_squeeze %dma_wait3A : memref<1x640xf32, #tpu.memory_space<vmem_shared>> -> memref<640xf32, #tpu.memory_space<vmem_shared>>
      %dma_wait3A_156 = tpu.memref_slice %arg9[%run_scoped3A_49, %mul3A_48] : memref<16x10240xf32, #tpu.memory_space<vmem_shared>> -> memref<1x640xf32, #tpu.memory_space<vmem_shared>>
      %dma_wait3A_157 = tpu.memref_squeeze %dma_wait3A_156 : memref<1x640xf32, #tpu.memory_space<vmem_shared>> -> memref<640xf32, #tpu.memory_space<vmem_shared>>
      tpu.wait_dma2 semaphore(%run_scoped3A_151 : memref<!tpu.dma_semaphore, #tpu.memory_space<semaphore_mem>>) src(%dma_wait3A_157 : memref<640xf32, #tpu.memory_space<vmem_shared>>) dst(%arg8 : memref<640xf32, #tpu.memory_space<vmem>>)
      tpu.yield
    }) : () -> ()
    %scan3A_50 = arith.constant 0 : i32
    %scan3A_51 = arith.constant 0 : i32
    %scan3A_52 = arith.constant 40 : i32
    %scan3A_53 = arith.addi %scan3A_51, %scan3A_52 : i32
    %scan3A_54 = arith.constant 1 : i32
    scf.for %scan3A_151 = %scan3A_51 to %scan3A_53 step %scan3A_54  : i32 {
      %mul3A_152 = arith.constant 16 : i32
      %mul3A_153 = arith.muli %scan3A_151, %mul3A_152 : i32
      %get3A = arith.index_cast %mul3A_153 : i32 to index
      %get3A_154 = tpu.vector_load %arg7[%get3A] {strides = array<i32>} : memref<640xf32, #tpu.memory_space<vmem>>, vector<16xf32>,
      %get3A_155 = arith.index_cast %mul3A_153 : i32 to index
      %get3A_156 = tpu.vector_load %arg8[%get3A_155] {strides = array<i32>} : memref<640xf32, #tpu.memory_space<vmem>>, vector<16xf32>,
      %add3A_157 = arith.addf %get3A_154, %get3A_156 : vector<16xf32>
      %swap3A = arith.index_cast %mul3A_153 : i32 to index
      %swap3A_158 = tpu.vector_load %arg7[%swap3A] {strides = array<i32>} : memref<640xf32, #tpu.memory_space<vmem>>, vector<16xf32>,
      tpu.vector_store %arg7[%swap3A], %add3A_157 {strides = array<i32>} : memref<640xf32, #tpu.memory_space<vmem>>, vector<16xf32>,
    }
    %scan3A_55 = arith.constant 40 : i32
    %mul3A_56 = arith.constant 640 : i32
    %mul3A_57 = arith.muli %arg1, %mul3A_56 : i32
    %run_scoped3A_58 = arith.constant 6 : i32
    "tpu.region"() ({
      %run_scoped3A_151 = tpu.sem_alloc : memref<!tpu.dma_semaphore, #tpu.memory_space<semaphore_mem>>
      %dma_start3A = tpu.memref_slice %arg9[%run_scoped3A_58, %mul3A_57] : memref<16x10240xf32, #tpu.memory_space<vmem_shared>> -> memref<1x640xf32, #tpu.memory_space<vmem_shared>>
      %dma_start3A_152 = tpu.memref_squeeze %dma_start3A : memref<1x640xf32, #tpu.memory_space<vmem_shared>> -> memref<640xf32, #tpu.memory_space<vmem_shared>>
      %dma_start3A_153 = tpu.memref_slice %arg9[%run_scoped3A_58, %mul3A_57] : memref<16x10240xf32, #tpu.memory_space<vmem_shared>> -> memref<1x640xf32, #tpu.memory_space<vmem_shared>>
      %dma_start3A_154 = tpu.memref_squeeze %dma_start3A_153 : memref<1x640xf32, #tpu.memory_space<vmem_shared>> -> memref<640xf32, #tpu.memory_space<vmem_shared>>
      tpu.enqueue_dma source(%dma_start3A_154 : memref<640xf32, #tpu.memory_space<vmem_shared>>) target(%arg8 : memref<640xf32, #tpu.memory_space<vmem>>) target_semaphore(%run_scoped3A_151 : memref<!tpu.dma_semaphore, #tpu.memory_space<semaphore_mem>>)
      %dma_wait3A = tpu.memref_slice %arg9[%run_scoped3A_58, %mul3A_57] : memref<16x10240xf32, #tpu.memory_space<vmem_shared>> -> memref<1x640xf32, #tpu.memory_space<vmem_shared>>
      %dma_wait3A_155 = tpu.memref_squeeze %dma_wait3A : memref<1x640xf32, #tpu.memory_space<vmem_shared>> -> memref<640xf32, #tpu.memory_space<vmem_shared>>
      %dma_wait3A_156 = tpu.memref_slice %arg9[%run_scoped3A_58, %mul3A_57] : memref<16x10240xf32, #tpu.memory_space<vmem_shared>> -> memref<1x640xf32, #tpu.memory_space<vmem_shared>>
      %dma_wait3A_157 = tpu.memref_squeeze %dma_wait3A_156 : memref<1x640xf32, #tpu.memory_space<vmem_shared>> -> memref<640xf32, #tpu.memory_space<vmem_shared>>
      tpu.wait_dma2 semaphore(%run_scoped3A_151 : memref<!tpu.dma_semaphore, #tpu.memory_space<semaphore_mem>>) src(%dma_wait3A_157 : memref<640xf32, #tpu.memory_space<vmem_shared>>) dst(%arg8 : memref<640xf32, #tpu.memory_space<vmem>>)
      tpu.yield
    }) : () -> ()
    %scan3A_59 = arith.constant 0 : i32
    %scan3A_60 = arith.constant 0 : i32
    %scan3A_61 = arith.constant 40 : i32
    %scan3A_62 = arith.addi %scan3A_60, %scan3A_61 : i32
    %scan3A_63 = arith.constant 1 : i32
    scf.for %scan3A_151 = %scan3A_60 to %scan3A_62 step %scan3A_63  : i32 {
      %mul3A_152 = arith.constant 16 : i32
      %mul3A_153 = arith.muli %scan3A_151, %mul3A_152 : i32
      %get3A = arith.index_cast %mul3A_153 : i32 to index
      %get3A_154 = tpu.vector_load %arg7[%get3A] {strides = array<i32>} : memref<640xf32, #tpu.memory_space<vmem>>, vector<16xf32>,
      %get3A_155 = arith.index_cast %mul3A_153 : i32 to index
      %get3A_156 = tpu.vector_load %arg8[%get3A_155] {strides = array<i32>} : memref<640xf32, #tpu.memory_space<vmem>>, vector<16xf32>,
      %add3A_157 = arith.addf %get3A_154, %get3A_156 : vector<16xf32>
      %swap3A = arith.index_cast %mul3A_153 : i32 to index
      %swap3A_158 = tpu.vector_load %arg7[%swap3A] {strides = array<i32>} : memref<640xf32, #tpu.memory_space<vmem>>, vector<16xf32>,
      tpu.vector_store %arg7[%swap3A], %add3A_157 {strides = array<i32>} : memref<640xf32, #tpu.memory_space<vmem>>, vector<16xf32>,
    }
    %scan3A_64 = arith.constant 40 : i32
    %mul3A_65 = arith.constant 640 : i32
    %mul3A_66 = arith.muli %arg1, %mul3A_65 : i32
    %run_scoped3A_67 = arith.constant 7 : i32
    "tpu.region"() ({
      %run_scoped3A_151 = tpu.sem_alloc : memref<!tpu.dma_semaphore, #tpu.memory_space<semaphore_mem>>
      %dma_start3A = tpu.memref_slice %arg9[%run_scoped3A_67, %mul3A_66] : memref<16x10240xf32, #tpu.memory_space<vmem_shared>> -> memref<1x640xf32, #tpu.memory_space<vmem_shared>>
      %dma_start3A_152 = tpu.memref_squeeze %dma_start3A : memref<1x640xf32, #tpu.memory_space<vmem_shared>> -> memref<640xf32, #tpu.memory_space<vmem_shared>>
      %dma_start3A_153 = tpu.memref_slice %arg9[%run_scoped3A_67, %mul3A_66] : memref<16x10240xf32, #tpu.memory_space<vmem_shared>> -> memref<1x640xf32, #tpu.memory_space<vmem_shared>>
      %dma_start3A_154 = tpu.memref_squeeze %dma_start3A_153 : memref<1x640xf32, #tpu.memory_space<vmem_shared>> -> memref<640xf32, #tpu.memory_space<vmem_shared>>
      tpu.enqueue_dma source(%dma_start3A_154 : memref<640xf32, #tpu.memory_space<vmem_shared>>) target(%arg8 : memref<640xf32, #tpu.memory_space<vmem>>) target_semaphore(%run_scoped3A_151 : memref<!tpu.dma_semaphore, #tpu.memory_space<semaphore_mem>>)
      %dma_wait3A = tpu.memref_slice %arg9[%run_scoped3A_67, %mul3A_66] : memref<16x10240xf32, #tpu.memory_space<vmem_shared>> -> memref<1x640xf32, #tpu.memory_space<vmem_shared>>
      %dma_wait3A_155 = tpu.memref_squeeze %dma_wait3A : memref<1x640xf32, #tpu.memory_space<vmem_shared>> -> memref<640xf32, #tpu.memory_space<vmem_shared>>
      %dma_wait3A_156 = tpu.memref_slice %arg9[%run_scoped3A_67, %mul3A_66] : memref<16x10240xf32, #tpu.memory_space<vmem_shared>> -> memref<1x640xf32, #tpu.memory_space<vmem_shared>>
      %dma_wait3A_157 = tpu.memref_squeeze %dma_wait3A_156 : memref<1x640xf32, #tpu.memory_space<vmem_shared>> -> memref<640xf32, #tpu.memory_space<vmem_shared>>
      tpu.wait_dma2 semaphore(%run_scoped3A_151 : memref<!tpu.dma_semaphore, #tpu.memory_space<semaphore_mem>>) src(%dma_wait3A_157 : memref<640xf32, #tpu.memory_space<vmem_shared>>) dst(%arg8 : memref<640xf32, #tpu.memory_space<vmem>>)
      tpu.yield
    }) : () -> ()
    %scan3A_68 = arith.constant 0 : i32
    %scan3A_69 = arith.constant 0 : i32
    %scan3A_70 = arith.constant 40 : i32
    %scan3A_71 = arith.addi %scan3A_69, %scan3A_70 : i32
    %scan3A_72 = arith.constant 1 : i32
    scf.for %scan3A_151 = %scan3A_69 to %scan3A_71 step %scan3A_72  : i32 {
      %mul3A_152 = arith.constant 16 : i32
      %mul3A_153 = arith.muli %scan3A_151, %mul3A_152 : i32
      %get3A = arith.index_cast %mul3A_153 : i32 to index
      %get3A_154 = tpu.vector_load %arg7[%get3A] {strides = array<i32>} : memref<640xf32, #tpu.memory_space<vmem>>, vector<16xf32>,
      %get3A_155 = arith.index_cast %mul3A_153 : i32 to index
      %get3A_156 = tpu.vector_load %arg8[%get3A_155] {strides = array<i32>} : memref<640xf32, #tpu.memory_space<vmem>>, vector<16xf32>,
      %add3A_157 = arith.addf %get3A_154, %get3A_156 : vector<16xf32>
      %swap3A = arith.index_cast %mul3A_153 : i32 to index
      %swap3A_158 = tpu.vector_load %arg7[%swap3A] {strides = array<i32>} : memref<640xf32, #tpu.memory_space<vmem>>, vector<16xf32>,
      tpu.vector_store %arg7[%swap3A], %add3A_157 {strides = array<i32>} : memref<640xf32, #tpu.memory_space<vmem>>, vector<16xf32>,
    }
    %scan3A_73 = arith.constant 40 : i32
    %mul3A_74 = arith.constant 640 : i32
    %mul3A_75 = arith.muli %arg1, %mul3A_74 : i32
    %run_scoped3A_76 = arith.constant 8 : i32
    "tpu.region"() ({
      %run_scoped3A_151 = tpu.sem_alloc : memref<!tpu.dma_semaphore, #tpu.memory_space<semaphore_mem>>
      %dma_start3A = tpu.memref_slice %arg9[%run_scoped3A_76, %mul3A_75] : memref<16x10240xf32, #tpu.memory_space<vmem_shared>> -> memref<1x640xf32, #tpu.memory_space<vmem_shared>>
      %dma_start3A_152 = tpu.memref_squeeze %dma_start3A : memref<1x640xf32, #tpu.memory_space<vmem_shared>> -> memref<640xf32, #tpu.memory_space<vmem_shared>>
      %dma_start3A_153 = tpu.memref_slice %arg9[%run_scoped3A_76, %mul3A_75] : memref<16x10240xf32, #tpu.memory_space<vmem_shared>> -> memref<1x640xf32, #tpu.memory_space<vmem_shared>>
      %dma_start3A_154 = tpu.memref_squeeze %dma_start3A_153 : memref<1x640xf32, #tpu.memory_space<vmem_shared>> -> memref<640xf32, #tpu.memory_space<vmem_shared>>
      tpu.enqueue_dma source(%dma_start3A_154 : memref<640xf32, #tpu.memory_space<vmem_shared>>) target(%arg8 : memref<640xf32, #tpu.memory_space<vmem>>) target_semaphore(%run_scoped3A_151 : memref<!tpu.dma_semaphore, #tpu.memory_space<semaphore_mem>>)
      %dma_wait3A = tpu.memref_slice %arg9[%run_scoped3A_76, %mul3A_75] : memref<16x10240xf32, #tpu.memory_space<vmem_shared>> -> memref<1x640xf32, #tpu.memory_space<vmem_shared>>
      %dma_wait3A_155 = tpu.memref_squeeze %dma_wait3A : memref<1x640xf32, #tpu.memory_space<vmem_shared>> -> memref<640xf32, #tpu.memory_space<vmem_shared>>
      %dma_wait3A_156 = tpu.memref_slice %arg9[%run_scoped3A_76, %mul3A_75] : memref<16x10240xf32, #tpu.memory_space<vmem_shared>> -> memref<1x640xf32, #tpu.memory_space<vmem_shared>>
      %dma_wait3A_157 = tpu.memref_squeeze %dma_wait3A_156 : memref<1x640xf32, #tpu.memory_space<vmem_shared>> -> memref<640xf32, #tpu.memory_space<vmem_shared>>
      tpu.wait_dma2 semaphore(%run_scoped3A_151 : memref<!tpu.dma_semaphore, #tpu.memory_space<semaphore_mem>>) src(%dma_wait3A_157 : memref<640xf32, #tpu.memory_space<vmem_shared>>) dst(%arg8 : memref<640xf32, #tpu.memory_space<vmem>>)
      tpu.yield
    }) : () -> ()
    %scan3A_77 = arith.constant 0 : i32
    %scan3A_78 = arith.constant 0 : i32
    %scan3A_79 = arith.constant 40 : i32
    %scan3A_80 = arith.addi %scan3A_78, %scan3A_79 : i32
    %scan3A_81 = arith.constant 1 : i32
    scf.for %scan3A_151 = %scan3A_78 to %scan3A_80 step %scan3A_81  : i32 {
      %mul3A_152 = arith.constant 16 : i32
      %mul3A_153 = arith.muli %scan3A_151, %mul3A_152 : i32
      %get3A = arith.index_cast %mul3A_153 : i32 to index
      %get3A_154 = tpu.vector_load %arg7[%get3A] {strides = array<i32>} : memref<640xf32, #tpu.memory_space<vmem>>, vector<16xf32>,
      %get3A_155 = arith.index_cast %mul3A_153 : i32 to index
      %get3A_156 = tpu.vector_load %arg8[%get3A_155] {strides = array<i32>} : memref<640xf32, #tpu.memory_space<vmem>>, vector<16xf32>,
      %add3A_157 = arith.addf %get3A_154, %get3A_156 : vector<16xf32>
      %swap3A = arith.index_cast %mul3A_153 : i32 to index
      %swap3A_158 = tpu.vector_load %arg7[%swap3A] {strides = array<i32>} : memref<640xf32, #tpu.memory_space<vmem>>, vector<16xf32>,
      tpu.vector_store %arg7[%swap3A], %add3A_157 {strides = array<i32>} : memref<640xf32, #tpu.memory_space<vmem>>, vector<16xf32>,
    }
    %scan3A_82 = arith.constant 40 : i32
    %mul3A_83 = arith.constant 640 : i32
    %mul3A_84 = arith.muli %arg1, %mul3A_83 : i32
    %run_scoped3A_85 = arith.constant 9 : i32
    "tpu.region"() ({
      %run_scoped3A_151 = tpu.sem_alloc : memref<!tpu.dma_semaphore, #tpu.memory_space<semaphore_mem>>
      %dma_start3A = tpu.memref_slice %arg9[%run_scoped3A_85, %mul3A_84] : memref<16x10240xf32, #tpu.memory_space<vmem_shared>> -> memref<1x640xf32, #tpu.memory_space<vmem_shared>>
      %dma_start3A_152 = tpu.memref_squeeze %dma_start3A : memref<1x640xf32, #tpu.memory_space<vmem_shared>> -> memref<640xf32, #tpu.memory_space<vmem_shared>>
      %dma_start3A_153 = tpu.memref_slice %arg9[%run_scoped3A_85, %mul3A_84] : memref<16x10240xf32, #tpu.memory_space<vmem_shared>> -> memref<1x640xf32, #tpu.memory_space<vmem_shared>>
      %dma_start3A_154 = tpu.memref_squeeze %dma_start3A_153 : memref<1x640xf32, #tpu.memory_space<vmem_shared>> -> memref<640xf32, #tpu.memory_space<vmem_shared>>
      tpu.enqueue_dma source(%dma_start3A_154 : memref<640xf32, #tpu.memory_space<vmem_shared>>) target(%arg8 : memref<640xf32, #tpu.memory_space<vmem>>) target_semaphore(%run_scoped3A_151 : memref<!tpu.dma_semaphore, #tpu.memory_space<semaphore_mem>>)
      %dma_wait3A = tpu.memref_slice %arg9[%run_scoped3A_85, %mul3A_84] : memref<16x10240xf32, #tpu.memory_space<vmem_shared>> -> memref<1x640xf32, #tpu.memory_space<vmem_shared>>
      %dma_wait3A_155 = tpu.memref_squeeze %dma_wait3A : memref<1x640xf32, #tpu.memory_space<vmem_shared>> -> memref<640xf32, #tpu.memory_space<vmem_shared>>
      %dma_wait3A_156 = tpu.memref_slice %arg9[%run_scoped3A_85, %mul3A_84] : memref<16x10240xf32, #tpu.memory_space<vmem_shared>> -> memref<1x640xf32, #tpu.memory_space<vmem_shared>>
      %dma_wait3A_157 = tpu.memref_squeeze %dma_wait3A_156 : memref<1x640xf32, #tpu.memory_space<vmem_shared>> -> memref<640xf32, #tpu.memory_space<vmem_shared>>
      tpu.wait_dma2 semaphore(%run_scoped3A_151 : memref<!tpu.dma_semaphore, #tpu.memory_space<semaphore_mem>>) src(%dma_wait3A_157 : memref<640xf32, #tpu.memory_space<vmem_shared>>) dst(%arg8 : memref<640xf32, #tpu.memory_space<vmem>>)
      tpu.yield
    }) : () -> ()
    %scan3A_86 = arith.constant 0 : i32
    %scan3A_87 = arith.constant 0 : i32
    %scan3A_88 = arith.constant 40 : i32
    %scan3A_89 = arith.addi %scan3A_87, %scan3A_88 : i32
    %scan3A_90 = arith.constant 1 : i32
    scf.for %scan3A_151 = %scan3A_87 to %scan3A_89 step %scan3A_90  : i32 {
      %mul3A_152 = arith.constant 16 : i32
      %mul3A_153 = arith.muli %scan3A_151, %mul3A_152 : i32
      %get3A = arith.index_cast %mul3A_153 : i32 to index
      %get3A_154 = tpu.vector_load %arg7[%get3A] {strides = array<i32>} : memref<640xf32, #tpu.memory_space<vmem>>, vector<16xf32>,
      %get3A_155 = arith.index_cast %mul3A_153 : i32 to index
      %get3A_156 = tpu.vector_load %arg8[%get3A_155] {strides = array<i32>} : memref<640xf32, #tpu.memory_space<vmem>>, vector<16xf32>,
      %add3A_157 = arith.addf %get3A_154, %get3A_156 : vector<16xf32>
      %swap3A = arith.index_cast %mul3A_153 : i32 to index
      %swap3A_158 = tpu.vector_load %arg7[%swap3A] {strides = array<i32>} : memref<640xf32, #tpu.memory_space<vmem>>, vector<16xf32>,
      tpu.vector_store %arg7[%swap3A], %add3A_157 {strides = array<i32>} : memref<640xf32, #tpu.memory_space<vmem>>, vector<16xf32>,
    }
    %scan3A_91 = arith.constant 40 : i32
    %mul3A_92 = arith.constant 640 : i32
    %mul3A_93 = arith.muli %arg1, %mul3A_92 : i32
    %run_scoped3A_94 = arith.constant 10 : i32
    "tpu.region"() ({
      %run_scoped3A_151 = tpu.sem_alloc : memref<!tpu.dma_semaphore, #tpu.memory_space<semaphore_mem>>
      %dma_start3A = tpu.memref_slice %arg9[%run_scoped3A_94, %mul3A_93] : memref<16x10240xf32, #tpu.memory_space<vmem_shared>> -> memref<1x640xf32, #tpu.memory_space<vmem_shared>>
      %dma_start3A_152 = tpu.memref_squeeze %dma_start3A : memref<1x640xf32, #tpu.memory_space<vmem_shared>> -> memref<640xf32, #tpu.memory_space<vmem_shared>>
      %dma_start3A_153 = tpu.memref_slice %arg9[%run_scoped3A_94, %mul3A_93] : memref<16x10240xf32, #tpu.memory_space<vmem_shared>> -> memref<1x640xf32, #tpu.memory_space<vmem_shared>>
      %dma_start3A_154 = tpu.memref_squeeze %dma_start3A_153 : memref<1x640xf32, #tpu.memory_space<vmem_shared>> -> memref<640xf32, #tpu.memory_space<vmem_shared>>
      tpu.enqueue_dma source(%dma_start3A_154 : memref<640xf32, #tpu.memory_space<vmem_shared>>) target(%arg8 : memref<640xf32, #tpu.memory_space<vmem>>) target_semaphore(%run_scoped3A_151 : memref<!tpu.dma_semaphore, #tpu.memory_space<semaphore_mem>>)
      %dma_wait3A = tpu.memref_slice %arg9[%run_scoped3A_94, %mul3A_93] : memref<16x10240xf32, #tpu.memory_space<vmem_shared>> -> memref<1x640xf32, #tpu.memory_space<vmem_shared>>
      %dma_wait3A_155 = tpu.memref_squeeze %dma_wait3A : memref<1x640xf32, #tpu.memory_space<vmem_shared>> -> memref<640xf32, #tpu.memory_space<vmem_shared>>
      %dma_wait3A_156 = tpu.memref_slice %arg9[%run_scoped3A_94, %mul3A_93] : memref<16x10240xf32, #tpu.memory_space<vmem_shared>> -> memref<1x640xf32, #tpu.memory_space<vmem_shared>>
      %dma_wait3A_157 = tpu.memref_squeeze %dma_wait3A_156 : memref<1x640xf32, #tpu.memory_space<vmem_shared>> -> memref<640xf32, #tpu.memory_space<vmem_shared>>
      tpu.wait_dma2 semaphore(%run_scoped3A_151 : memref<!tpu.dma_semaphore, #tpu.memory_space<semaphore_mem>>) src(%dma_wait3A_157 : memref<640xf32, #tpu.memory_space<vmem_shared>>) dst(%arg8 : memref<640xf32, #tpu.memory_space<vmem>>)
      tpu.yield
    }) : () -> ()
    %scan3A_95 = arith.constant 0 : i32
    %scan3A_96 = arith.constant 0 : i32
    %scan3A_97 = arith.constant 40 : i32
    %scan3A_98 = arith.addi %scan3A_96, %scan3A_97 : i32
    %scan3A_99 = arith.constant 1 : i32
    scf.for %scan3A_151 = %scan3A_96 to %scan3A_98 step %scan3A_99  : i32 {
      %mul3A_152 = arith.constant 16 : i32
      %mul3A_153 = arith.muli %scan3A_151, %mul3A_152 : i32
      %get3A = arith.index_cast %mul3A_153 : i32 to index
      %get3A_154 = tpu.vector_load %arg7[%get3A] {strides = array<i32>} : memref<640xf32, #tpu.memory_space<vmem>>, vector<16xf32>,
      %get3A_155 = arith.index_cast %mul3A_153 : i32 to index
      %get3A_156 = tpu.vector_load %arg8[%get3A_155] {strides = array<i32>} : memref<640xf32, #tpu.memory_space<vmem>>, vector<16xf32>,
      %add3A_157 = arith.addf %get3A_154, %get3A_156 : vector<16xf32>
      %swap3A = arith.index_cast %mul3A_153 : i32 to index
      %swap3A_158 = tpu.vector_load %arg7[%swap3A] {strides = array<i32>} : memref<640xf32, #tpu.memory_space<vmem>>, vector<16xf32>,
      tpu.vector_store %arg7[%swap3A], %add3A_157 {strides = array<i32>} : memref<640xf32, #tpu.memory_space<vmem>>, vector<16xf32>,
    }
    %scan3A_100 = arith.constant 40 : i32
    %mul3A_101 = arith.constant 640 : i32
    %mul3A_102 = arith.muli %arg1, %mul3A_101 : i32
    %run_scoped3A_103 = arith.constant 11 : i32
    "tpu.region"() ({
      %run_scoped3A_151 = tpu.sem_alloc : memref<!tpu.dma_semaphore, #tpu.memory_space<semaphore_mem>>
      %dma_start3A = tpu.memref_slice %arg9[%run_scoped3A_103, %mul3A_102] : memref<16x10240xf32, #tpu.memory_space<vmem_shared>> -> memref<1x640xf32, #tpu.memory_space<vmem_shared>>
      %dma_start3A_152 = tpu.memref_squeeze %dma_start3A : memref<1x640xf32, #tpu.memory_space<vmem_shared>> -> memref<640xf32, #tpu.memory_space<vmem_shared>>
      %dma_start3A_153 = tpu.memref_slice %arg9[%run_scoped3A_103, %mul3A_102] : memref<16x10240xf32, #tpu.memory_space<vmem_shared>> -> memref<1x640xf32, #tpu.memory_space<vmem_shared>>
      %dma_start3A_154 = tpu.memref_squeeze %dma_start3A_153 : memref<1x640xf32, #tpu.memory_space<vmem_shared>> -> memref<640xf32, #tpu.memory_space<vmem_shared>>
      tpu.enqueue_dma source(%dma_start3A_154 : memref<640xf32, #tpu.memory_space<vmem_shared>>) target(%arg8 : memref<640xf32, #tpu.memory_space<vmem>>) target_semaphore(%run_scoped3A_151 : memref<!tpu.dma_semaphore, #tpu.memory_space<semaphore_mem>>)
      %dma_wait3A = tpu.memref_slice %arg9[%run_scoped3A_103, %mul3A_102] : memref<16x10240xf32, #tpu.memory_space<vmem_shared>> -> memref<1x640xf32, #tpu.memory_space<vmem_shared>>
      %dma_wait3A_155 = tpu.memref_squeeze %dma_wait3A : memref<1x640xf32, #tpu.memory_space<vmem_shared>> -> memref<640xf32, #tpu.memory_space<vmem_shared>>
      %dma_wait3A_156 = tpu.memref_slice %arg9[%run_scoped3A_103, %mul3A_102] : memref<16x10240xf32, #tpu.memory_space<vmem_shared>> -> memref<1x640xf32, #tpu.memory_space<vmem_shared>>
      %dma_wait3A_157 = tpu.memref_squeeze %dma_wait3A_156 : memref<1x640xf32, #tpu.memory_space<vmem_shared>> -> memref<640xf32, #tpu.memory_space<vmem_shared>>
      tpu.wait_dma2 semaphore(%run_scoped3A_151 : memref<!tpu.dma_semaphore, #tpu.memory_space<semaphore_mem>>) src(%dma_wait3A_157 : memref<640xf32, #tpu.memory_space<vmem_shared>>) dst(%arg8 : memref<640xf32, #tpu.memory_space<vmem>>)
      tpu.yield
    }) : () -> ()
    %scan3A_104 = arith.constant 0 : i32
    %scan3A_105 = arith.constant 0 : i32
    %scan3A_106 = arith.constant 40 : i32
    %scan3A_107 = arith.addi %scan3A_105, %scan3A_106 : i32
    %scan3A_108 = arith.constant 1 : i32
    scf.for %scan3A_151 = %scan3A_105 to %scan3A_107 step %scan3A_108  : i32 {
      %mul3A_152 = arith.constant 16 : i32
      %mul3A_153 = arith.muli %scan3A_151, %mul3A_152 : i32
      %get3A = arith.index_cast %mul3A_153 : i32 to index
      %get3A_154 = tpu.vector_load %arg7[%get3A] {strides = array<i32>} : memref<640xf32, #tpu.memory_space<vmem>>, vector<16xf32>,
      %get3A_155 = arith.index_cast %mul3A_153 : i32 to index
      %get3A_156 = tpu.vector_load %arg8[%get3A_155] {strides = array<i32>} : memref<640xf32, #tpu.memory_space<vmem>>, vector<16xf32>,
      %add3A_157 = arith.addf %get3A_154, %get3A_156 : vector<16xf32>
      %swap3A = arith.index_cast %mul3A_153 : i32 to index
      %swap3A_158 = tpu.vector_load %arg7[%swap3A] {strides = array<i32>} : memref<640xf32, #tpu.memory_space<vmem>>, vector<16xf32>,
      tpu.vector_store %arg7[%swap3A], %add3A_157 {strides = array<i32>} : memref<640xf32, #tpu.memory_space<vmem>>, vector<16xf32>,
    }
    %scan3A_109 = arith.constant 40 : i32
    %mul3A_110 = arith.constant 640 : i32
    %mul3A_111 = arith.muli %arg1, %mul3A_110 : i32
    %run_scoped3A_112 = arith.constant 12 : i32
    "tpu.region"() ({
      %run_scoped3A_151 = tpu.sem_alloc : memref<!tpu.dma_semaphore, #tpu.memory_space<semaphore_mem>>
      %dma_start3A = tpu.memref_slice %arg9[%run_scoped3A_112, %mul3A_111] : memref<16x10240xf32, #tpu.memory_space<vmem_shared>> -> memref<1x640xf32, #tpu.memory_space<vmem_shared>>
      %dma_start3A_152 = tpu.memref_squeeze %dma_start3A : memref<1x640xf32, #tpu.memory_space<vmem_shared>> -> memref<640xf32, #tpu.memory_space<vmem_shared>>
      %dma_start3A_153 = tpu.memref_slice %arg9[%run_scoped3A_112, %mul3A_111] : memref<16x10240xf32, #tpu.memory_space<vmem_shared>> -> memref<1x640xf32, #tpu.memory_space<vmem_shared>>
      %dma_start3A_154 = tpu.memref_squeeze %dma_start3A_153 : memref<1x640xf32, #tpu.memory_space<vmem_shared>> -> memref<640xf32, #tpu.memory_space<vmem_shared>>
      tpu.enqueue_dma source(%dma_start3A_154 : memref<640xf32, #tpu.memory_space<vmem_shared>>) target(%arg8 : memref<640xf32, #tpu.memory_space<vmem>>) target_semaphore(%run_scoped3A_151 : memref<!tpu.dma_semaphore, #tpu.memory_space<semaphore_mem>>)
      %dma_wait3A = tpu.memref_slice %arg9[%run_scoped3A_112, %mul3A_111] : memref<16x10240xf32, #tpu.memory_space<vmem_shared>> -> memref<1x640xf32, #tpu.memory_space<vmem_shared>>
      %dma_wait3A_155 = tpu.memref_squeeze %dma_wait3A : memref<1x640xf32, #tpu.memory_space<vmem_shared>> -> memref<640xf32, #tpu.memory_space<vmem_shared>>
      %dma_wait3A_156 = tpu.memref_slice %arg9[%run_scoped3A_112, %mul3A_111] : memref<16x10240xf32, #tpu.memory_space<vmem_shared>> -> memref<1x640xf32, #tpu.memory_space<vmem_shared>>
      %dma_wait3A_157 = tpu.memref_squeeze %dma_wait3A_156 : memref<1x640xf32, #tpu.memory_space<vmem_shared>> -> memref<640xf32, #tpu.memory_space<vmem_shared>>
      tpu.wait_dma2 semaphore(%run_scoped3A_151 : memref<!tpu.dma_semaphore, #tpu.memory_space<semaphore_mem>>) src(%dma_wait3A_157 : memref<640xf32, #tpu.memory_space<vmem_shared>>) dst(%arg8 : memref<640xf32, #tpu.memory_space<vmem>>)
      tpu.yield
    }) : () -> ()
    %scan3A_113 = arith.constant 0 : i32
    %scan3A_114 = arith.constant 0 : i32
    %scan3A_115 = arith.constant 40 : i32
    %scan3A_116 = arith.addi %scan3A_114, %scan3A_115 : i32
    %scan3A_117 = arith.constant 1 : i32
    scf.for %scan3A_151 = %scan3A_114 to %scan3A_116 step %scan3A_117  : i32 {
      %mul3A_152 = arith.constant 16 : i32
      %mul3A_153 = arith.muli %scan3A_151, %mul3A_152 : i32
      %get3A = arith.index_cast %mul3A_153 : i32 to index
      %get3A_154 = tpu.vector_load %arg7[%get3A] {strides = array<i32>} : memref<640xf32, #tpu.memory_space<vmem>>, vector<16xf32>,
      %get3A_155 = arith.index_cast %mul3A_153 : i32 to index
      %get3A_156 = tpu.vector_load %arg8[%get3A_155] {strides = array<i32>} : memref<640xf32, #tpu.memory_space<vmem>>, vector<16xf32>,
      %add3A_157 = arith.addf %get3A_154, %get3A_156 : vector<16xf32>
      %swap3A = arith.index_cast %mul3A_153 : i32 to index
      %swap3A_158 = tpu.vector_load %arg7[%swap3A] {strides = array<i32>} : memref<640xf32, #tpu.memory_space<vmem>>, vector<16xf32>,
      tpu.vector_store %arg7[%swap3A], %add3A_157 {strides = array<i32>} : memref<640xf32, #tpu.memory_space<vmem>>, vector<16xf32>,
    }
    %scan3A_118 = arith.constant 40 : i32
    %mul3A_119 = arith.constant 640 : i32
    %mul3A_120 = arith.muli %arg1, %mul3A_119 : i32
    %run_scoped3A_121 = arith.constant 13 : i32
    "tpu.region"() ({
      %run_scoped3A_151 = tpu.sem_alloc : memref<!tpu.dma_semaphore, #tpu.memory_space<semaphore_mem>>
      %dma_start3A = tpu.memref_slice %arg9[%run_scoped3A_121, %mul3A_120] : memref<16x10240xf32, #tpu.memory_space<vmem_shared>> -> memref<1x640xf32, #tpu.memory_space<vmem_shared>>
      %dma_start3A_152 = tpu.memref_squeeze %dma_start3A : memref<1x640xf32, #tpu.memory_space<vmem_shared>> -> memref<640xf32, #tpu.memory_space<vmem_shared>>
      %dma_start3A_153 = tpu.memref_slice %arg9[%run_scoped3A_121, %mul3A_120] : memref<16x10240xf32, #tpu.memory_space<vmem_shared>> -> memref<1x640xf32, #tpu.memory_space<vmem_shared>>
      %dma_start3A_154 = tpu.memref_squeeze %dma_start3A_153 : memref<1x640xf32, #tpu.memory_space<vmem_shared>> -> memref<640xf32, #tpu.memory_space<vmem_shared>>
      tpu.enqueue_dma source(%dma_start3A_154 : memref<640xf32, #tpu.memory_space<vmem_shared>>) target(%arg8 : memref<640xf32, #tpu.memory_space<vmem>>) target_semaphore(%run_scoped3A_151 : memref<!tpu.dma_semaphore, #tpu.memory_space<semaphore_mem>>)
      %dma_wait3A = tpu.memref_slice %arg9[%run_scoped3A_121, %mul3A_120] : memref<16x10240xf32, #tpu.memory_space<vmem_shared>> -> memref<1x640xf32, #tpu.memory_space<vmem_shared>>
      %dma_wait3A_155 = tpu.memref_squeeze %dma_wait3A : memref<1x640xf32, #tpu.memory_space<vmem_shared>> -> memref<640xf32, #tpu.memory_space<vmem_shared>>
      %dma_wait3A_156 = tpu.memref_slice %arg9[%run_scoped3A_121, %mul3A_120] : memref<16x10240xf32, #tpu.memory_space<vmem_shared>> -> memref<1x640xf32, #tpu.memory_space<vmem_shared>>
      %dma_wait3A_157 = tpu.memref_squeeze %dma_wait3A_156 : memref<1x640xf32, #tpu.memory_space<vmem_shared>> -> memref<640xf32, #tpu.memory_space<vmem_shared>>
      tpu.wait_dma2 semaphore(%run_scoped3A_151 : memref<!tpu.dma_semaphore, #tpu.memory_space<semaphore_mem>>) src(%dma_wait3A_157 : memref<640xf32, #tpu.memory_space<vmem_shared>>) dst(%arg8 : memref<640xf32, #tpu.memory_space<vmem>>)
      tpu.yield
    }) : () -> ()
    %scan3A_122 = arith.constant 0 : i32
    %scan3A_123 = arith.constant 0 : i32
    %scan3A_124 = arith.constant 40 : i32
    %scan3A_125 = arith.addi %scan3A_123, %scan3A_124 : i32
    %scan3A_126 = arith.constant 1 : i32
    scf.for %scan3A_151 = %scan3A_123 to %scan3A_125 step %scan3A_126  : i32 {
      %mul3A_152 = arith.constant 16 : i32
      %mul3A_153 = arith.muli %scan3A_151, %mul3A_152 : i32
      %get3A = arith.index_cast %mul3A_153 : i32 to index
      %get3A_154 = tpu.vector_load %arg7[%get3A] {strides = array<i32>} : memref<640xf32, #tpu.memory_space<vmem>>, vector<16xf32>,
      %get3A_155 = arith.index_cast %mul3A_153 : i32 to index
      %get3A_156 = tpu.vector_load %arg8[%get3A_155] {strides = array<i32>} : memref<640xf32, #tpu.memory_space<vmem>>, vector<16xf32>,
      %add3A_157 = arith.addf %get3A_154, %get3A_156 : vector<16xf32>
      %swap3A = arith.index_cast %mul3A_153 : i32 to index
      %swap3A_158 = tpu.vector_load %arg7[%swap3A] {strides = array<i32>} : memref<640xf32, #tpu.memory_space<vmem>>, vector<16xf32>,
      tpu.vector_store %arg7[%swap3A], %add3A_157 {strides = array<i32>} : memref<640xf32, #tpu.memory_space<vmem>>, vector<16xf32>,
    }
    %scan3A_127 = arith.constant 40 : i32
    %mul3A_128 = arith.constant 640 : i32
    %mul3A_129 = arith.muli %arg1, %mul3A_128 : i32
    %run_scoped3A_130 = arith.constant 14 : i32
    "tpu.region"() ({
      %run_scoped3A_151 = tpu.sem_alloc : memref<!tpu.dma_semaphore, #tpu.memory_space<semaphore_mem>>
      %dma_start3A = tpu.memref_slice %arg9[%run_scoped3A_130, %mul3A_129] : memref<16x10240xf32, #tpu.memory_space<vmem_shared>> -> memref<1x640xf32, #tpu.memory_space<vmem_shared>>
      %dma_start3A_152 = tpu.memref_squeeze %dma_start3A : memref<1x640xf32, #tpu.memory_space<vmem_shared>> -> memref<640xf32, #tpu.memory_space<vmem_shared>>
      %dma_start3A_153 = tpu.memref_slice %arg9[%run_scoped3A_130, %mul3A_129] : memref<16x10240xf32, #tpu.memory_space<vmem_shared>> -> memref<1x640xf32, #tpu.memory_space<vmem_shared>>
      %dma_start3A_154 = tpu.memref_squeeze %dma_start3A_153 : memref<1x640xf32, #tpu.memory_space<vmem_shared>> -> memref<640xf32, #tpu.memory_space<vmem_shared>>
      tpu.enqueue_dma source(%dma_start3A_154 : memref<640xf32, #tpu.memory_space<vmem_shared>>) target(%arg8 : memref<640xf32, #tpu.memory_space<vmem>>) target_semaphore(%run_scoped3A_151 : memref<!tpu.dma_semaphore, #tpu.memory_space<semaphore_mem>>)
      %dma_wait3A = tpu.memref_slice %arg9[%run_scoped3A_130, %mul3A_129] : memref<16x10240xf32, #tpu.memory_space<vmem_shared>> -> memref<1x640xf32, #tpu.memory_space<vmem_shared>>
      %dma_wait3A_155 = tpu.memref_squeeze %dma_wait3A : memref<1x640xf32, #tpu.memory_space<vmem_shared>> -> memref<640xf32, #tpu.memory_space<vmem_shared>>
      %dma_wait3A_156 = tpu.memref_slice %arg9[%run_scoped3A_130, %mul3A_129] : memref<16x10240xf32, #tpu.memory_space<vmem_shared>> -> memref<1x640xf32, #tpu.memory_space<vmem_shared>>
      %dma_wait3A_157 = tpu.memref_squeeze %dma_wait3A_156 : memref<1x640xf32, #tpu.memory_space<vmem_shared>> -> memref<640xf32, #tpu.memory_space<vmem_shared>>
      tpu.wait_dma2 semaphore(%run_scoped3A_151 : memref<!tpu.dma_semaphore, #tpu.memory_space<semaphore_mem>>) src(%dma_wait3A_157 : memref<640xf32, #tpu.memory_space<vmem_shared>>) dst(%arg8 : memref<640xf32, #tpu.memory_space<vmem>>)
      tpu.yield
    }) : () -> ()
    %scan3A_131 = arith.constant 0 : i32
    %scan3A_132 = arith.constant 0 : i32
    %scan3A_133 = arith.constant 40 : i32
    %scan3A_134 = arith.addi %scan3A_132, %scan3A_133 : i32
    %scan3A_135 = arith.constant 1 : i32
    scf.for %scan3A_151 = %scan3A_132 to %scan3A_134 step %scan3A_135  : i32 {
      %mul3A_152 = arith.constant 16 : i32
      %mul3A_153 = arith.muli %scan3A_151, %mul3A_152 : i32
      %get3A = arith.index_cast %mul3A_153 : i32 to index
      %get3A_154 = tpu.vector_load %arg7[%get3A] {strides = array<i32>} : memref<640xf32, #tpu.memory_space<vmem>>, vector<16xf32>,
      %get3A_155 = arith.index_cast %mul3A_153 : i32 to index
      %get3A_156 = tpu.vector_load %arg8[%get3A_155] {strides = array<i32>} : memref<640xf32, #tpu.memory_space<vmem>>, vector<16xf32>,
      %add3A_157 = arith.addf %get3A_154, %get3A_156 : vector<16xf32>
      %swap3A = arith.index_cast %mul3A_153 : i32 to index
      %swap3A_158 = tpu.vector_load %arg7[%swap3A] {strides = array<i32>} : memref<640xf32, #tpu.memory_space<vmem>>, vector<16xf32>,
      tpu.vector_store %arg7[%swap3A], %add3A_157 {strides = array<i32>} : memref<640xf32, #tpu.memory_space<vmem>>, vector<16xf32>,
    }
    %scan3A_136 = arith.constant 40 : i32
    %mul3A_137 = arith.constant 640 : i32
    %mul3A_138 = arith.muli %arg1, %mul3A_137 : i32
    %run_scoped3A_139 = arith.constant 15 : i32
    "tpu.region"() ({
      %run_scoped3A_151 = tpu.sem_alloc : memref<!tpu.dma_semaphore, #tpu.memory_space<semaphore_mem>>
      %dma_start3A = tpu.memref_slice %arg9[%run_scoped3A_139, %mul3A_138] : memref<16x10240xf32, #tpu.memory_space<vmem_shared>> -> memref<1x640xf32, #tpu.memory_space<vmem_shared>>
      %dma_start3A_152 = tpu.memref_squeeze %dma_start3A : memref<1x640xf32, #tpu.memory_space<vmem_shared>> -> memref<640xf32, #tpu.memory_space<vmem_shared>>
      %dma_start3A_153 = tpu.memref_slice %arg9[%run_scoped3A_139, %mul3A_138] : memref<16x10240xf32, #tpu.memory_space<vmem_shared>> -> memref<1x640xf32, #tpu.memory_space<vmem_shared>>
      %dma_start3A_154 = tpu.memref_squeeze %dma_start3A_153 : memref<1x640xf32, #tpu.memory_space<vmem_shared>> -> memref<640xf32, #tpu.memory_space<vmem_shared>>
      tpu.enqueue_dma source(%dma_start3A_154 : memref<640xf32, #tpu.memory_space<vmem_shared>>) target(%arg8 : memref<640xf32, #tpu.memory_space<vmem>>) target_semaphore(%run_scoped3A_151 : memref<!tpu.dma_semaphore, #tpu.memory_space<semaphore_mem>>)
      %dma_wait3A = tpu.memref_slice %arg9[%run_scoped3A_139, %mul3A_138] : memref<16x10240xf32, #tpu.memory_space<vmem_shared>> -> memref<1x640xf32, #tpu.memory_space<vmem_shared>>
      %dma_wait3A_155 = tpu.memref_squeeze %dma_wait3A : memref<1x640xf32, #tpu.memory_space<vmem_shared>> -> memref<640xf32, #tpu.memory_space<vmem_shared>>
      %dma_wait3A_156 = tpu.memref_slice %arg9[%run_scoped3A_139, %mul3A_138] : memref<16x10240xf32, #tpu.memory_space<vmem_shared>> -> memref<1x640xf32, #tpu.memory_space<vmem_shared>>
      %dma_wait3A_157 = tpu.memref_squeeze %dma_wait3A_156 : memref<1x640xf32, #tpu.memory_space<vmem_shared>> -> memref<640xf32, #tpu.memory_space<vmem_shared>>
      tpu.wait_dma2 semaphore(%run_scoped3A_151 : memref<!tpu.dma_semaphore, #tpu.memory_space<semaphore_mem>>) src(%dma_wait3A_157 : memref<640xf32, #tpu.memory_space<vmem_shared>>) dst(%arg8 : memref<640xf32, #tpu.memory_space<vmem>>)
      tpu.yield
    }) : () -> ()
    %scan3A_140 = arith.constant 0 : i32
    %scan3A_141 = arith.constant 0 : i32
    %scan3A_142 = arith.constant 40 : i32
    %scan3A_143 = arith.addi %scan3A_141, %scan3A_142 : i32
    %scan3A_144 = arith.constant 1 : i32
    scf.for %scan3A_151 = %scan3A_141 to %scan3A_143 step %scan3A_144  : i32 {
      %mul3A_152 = arith.constant 16 : i32
      %mul3A_153 = arith.muli %scan3A_151, %mul3A_152 : i32
      %get3A = arith.index_cast %mul3A_153 : i32 to index
      %get3A_154 = tpu.vector_load %arg7[%get3A] {strides = array<i32>} : memref<640xf32, #tpu.memory_space<vmem>>, vector<16xf32>,
      %get3A_155 = arith.index_cast %mul3A_153 : i32 to index
      %get3A_156 = tpu.vector_load %arg8[%get3A_155] {strides = array<i32>} : memref<640xf32, #tpu.memory_space<vmem>>, vector<16xf32>,
      %add3A_157 = arith.addf %get3A_154, %get3A_156 : vector<16xf32>
      %swap3A = arith.index_cast %mul3A_153 : i32 to index
      %swap3A_158 = tpu.vector_load %arg7[%swap3A] {strides = array<i32>} : memref<640xf32, #tpu.memory_space<vmem>>, vector<16xf32>,
      tpu.vector_store %arg7[%swap3A], %add3A_157 {strides = array<i32>} : memref<640xf32, #tpu.memory_space<vmem>>, vector<16xf32>,
    }
    %scan3A_145 = arith.constant 40 : i32
    %mul3A_146 = arith.constant 10240 : i32
    %mul3A_147 = arith.muli %arg0, %mul3A_146 : i32
    %mul3A_148 = arith.constant 640 : i32
    %mul3A_149 = arith.muli %arg1, %mul3A_148 : i32
    %add3A_150 = arith.addi %mul3A_147, %mul3A_149 : i32
    "tpu.region"() ({
      %run_scoped3A_151 = tpu.sem_alloc : memref<!tpu.dma_semaphore, #tpu.memory_space<semaphore_mem>>
      %dma_start3A = tpu.memref_slice %arg4[%add3A_150] : memref<20480xf32, #tpu.memory_space<hbm>> -> memref<640xf32, #tpu.memory_space<hbm>>
      %dma_start3A_152 = tpu.memref_slice %arg4[%add3A_150] : memref<20480xf32, #tpu.memory_space<hbm>> -> memref<640xf32, #tpu.memory_space<hbm>>
      tpu.enqueue_dma source(%arg7 : memref<640xf32, #tpu.memory_space<vmem>>) target(%dma_start3A_152 : memref<640xf32, #tpu.memory_space<hbm>>) target_semaphore(%run_scoped3A_151 : memref<!tpu.dma_semaphore, #tpu.memory_space<semaphore_mem>>)
      %dma_wait3A = tpu.memref_slice %arg4[%add3A_150] : memref<20480xf32, #tpu.memory_space<hbm>> -> memref<640xf32, #tpu.memory_space<hbm>>
      %dma_wait3A_153 = tpu.memref_slice %arg4[%add3A_150] : memref<20480xf32, #tpu.memory_space<hbm>> -> memref<640xf32, #tpu.memory_space<hbm>>
      tpu.wait_dma2 semaphore(%run_scoped3A_151 : memref<!tpu.dma_semaphore, #tpu.memory_space<semaphore_mem>>) src(%arg7 : memref<640xf32, #tpu.memory_space<vmem>>) dst(%dma_wait3A_153 : memref<640xf32, #tpu.memory_space<hbm>>)
      tpu.yield
    }) : () -> ()
    return
  }
}

#map = affine_map<(d0, d1) -> (0, 0)>
module attributes {stable_mosaic.version = 14 : i64} {
  func.func @k(%arg0: i32, %arg1: i32, %arg2: memref<10000x128xf32, #tpu.memory_space<hbm>>, %arg3: memref<2560x128xi32, #tpu.memory_space<hbm>>, %arg4: memref<2560x128xi32, #tpu.memory_space<hbm>>, %arg5: memref<640x128xf32, #tpu.memory_space<hbm>>, %arg6: memref<20480x128xf32, #tpu.memory_space<hbm>>, %arg7: memref<24x128xi32, #tpu.memory_space<vmem>>, %arg8: memref<24x128xi32, #tpu.memory_space<vmem>>, %arg9: memref<128x128xf32, #tpu.memory_space<vmem>>, %arg10: memref<128x128xf32, #tpu.memory_space<vmem>>, %arg11: memref<10240x128xf32, #tpu.memory_space<vmem_shared>>, %arg12: memref<!tpu.dma_semaphore, #tpu.memory_space<semaphore_mem>>, %arg13: memref<!tpu.dma_semaphore, #tpu.memory_space<semaphore_mem>>) attributes {dimension_semantics = [#tpu.dimension_semantics<core_parallel>, #tpu.dimension_semantics<subcore_parallel>], iteration_bounds = array<i64: 2, 16>, scalar_prefetch = 0 : i64, scratch_operands = 7 : i64, tpu.core_type = #tpu.core_type<sc_vector_subcore>, window_params = [{transform_indices = #map}, {transform_indices = #map}, {transform_indices = #map}, {transform_indices = #map}, {transform_indices = #map}]} {
    %mul3A = arith.constant 640 : i32
    %mul3A_0 = arith.muli %arg1, %mul3A : i32
    "tpu.region"() ({
      %run_scoped3A = tpu.sem_alloc : memref<!tpu.dma_semaphore, #tpu.memory_space<semaphore_mem>>
      %dma_start3A = arith.constant 0 : i32
      %dma_start3A_15 = tpu.memref_slice %arg11[%mul3A_0, %dma_start3A] : memref<10240x128xf32, #tpu.memory_space<vmem_shared>> -> memref<640x128xf32, #tpu.memory_space<vmem_shared>>
      tpu.enqueue_dma source(%arg5 : memref<640x128xf32, #tpu.memory_space<hbm>>) target(%dma_start3A_15 : memref<640x128xf32, #tpu.memory_space<vmem_shared>>) target_semaphore(%run_scoped3A : memref<!tpu.dma_semaphore, #tpu.memory_space<semaphore_mem>>)
      %dma_wait3A = arith.constant 0 : i32
      %dma_wait3A_16 = tpu.memref_slice %arg11[%mul3A_0, %dma_wait3A] : memref<10240x128xf32, #tpu.memory_space<vmem_shared>> -> memref<640x128xf32, #tpu.memory_space<vmem_shared>>
      tpu.wait_dma2 semaphore(%run_scoped3A : memref<!tpu.dma_semaphore, #tpu.memory_space<semaphore_mem>>) src(%arg5 : memref<640x128xf32, #tpu.memory_space<hbm>>) dst(%dma_wait3A_16 : memref<640x128xf32, #tpu.memory_space<vmem_shared>>)
      tpu.yield
    }) : () -> ()
    %barrier3A = arith.constant 0 : index
    tpu.barrier barrier_id(%barrier3A)
    %eq3A = arith.constant 0 : i32
    %eq3A_1 = arith.cmpi eq, %arg0, %eq3A : i32
    %convert_element_type3A = arith.extui %eq3A_1 : i1 to i32
    %cond3A = arith.constant 0 : i32
    %cond3A_2 = arith.cmpi ne, %convert_element_type3A, %cond3A : i32
    scf.if %cond3A_2 {
      %mul3A_15 = arith.constant 144 : i32
      %mul3A_16 = arith.muli %arg1, %mul3A_15 : i32
      %add3A_17 = arith.constant 0 : i32
      %add3A_18 = arith.addi %mul3A_16, %add3A_17 : i32
      "tpu.region"() ({
        %run_scoped3A = tpu.sem_alloc : memref<!tpu.dma_semaphore, #tpu.memory_space<semaphore_mem>>
        %dma_start3A_150 = arith.constant 0 : i32
        %dma_start3A_151 = arith.constant 0 : i32
        %dma_start3A_152 = tpu.memref_slice %arg7[%dma_start3A_150, %dma_start3A_151] : memref<24x128xi32, #tpu.memory_space<vmem>> -> memref<24x128xi32, #tpu.memory_space<vmem>>
        %dma_start3A_153 = arith.constant 0 : i32
        %dma_start3A_154 = tpu.memref_slice %arg3[%add3A_18, %dma_start3A_153] : memref<2560x128xi32, #tpu.memory_space<hbm>> -> memref<24x128xi32, #tpu.memory_space<hbm>>
        %dma_start3A_155 = arith.constant 0 : i32
        %dma_start3A_156 = arith.constant 0 : i32
        %dma_start3A_157 = tpu.memref_slice %arg7[%dma_start3A_155, %dma_start3A_156] : memref<24x128xi32, #tpu.memory_space<vmem>> -> memref<24x128xi32, #tpu.memory_space<vmem>>
        %dma_start3A_158 = arith.constant 0 : i32
        %dma_start3A_159 = tpu.memref_slice %arg3[%add3A_18, %dma_start3A_158] : memref<2560x128xi32, #tpu.memory_space<hbm>> -> memref<24x128xi32, #tpu.memory_space<hbm>>
        tpu.enqueue_dma source(%dma_start3A_159 : memref<24x128xi32, #tpu.memory_space<hbm>>) target(%dma_start3A_157 : memref<24x128xi32, #tpu.memory_space<vmem>>) target_semaphore(%run_scoped3A : memref<!tpu.dma_semaphore, #tpu.memory_space<semaphore_mem>>)
        %dma_wait3A_160 = arith.constant 0 : i32
        %dma_wait3A_161 = arith.constant 0 : i32
        %dma_wait3A_162 = tpu.memref_slice %arg7[%dma_wait3A_160, %dma_wait3A_161] : memref<24x128xi32, #tpu.memory_space<vmem>> -> memref<24x128xi32, #tpu.memory_space<vmem>>
        %dma_wait3A_163 = arith.constant 0 : i32
        %dma_wait3A_164 = tpu.memref_slice %arg3[%add3A_18, %dma_wait3A_163] : memref<2560x128xi32, #tpu.memory_space<hbm>> -> memref<24x128xi32, #tpu.memory_space<hbm>>
        %dma_wait3A_165 = arith.constant 0 : i32
        %dma_wait3A_166 = arith.constant 0 : i32
        %dma_wait3A_167 = tpu.memref_slice %arg7[%dma_wait3A_165, %dma_wait3A_166] : memref<24x128xi32, #tpu.memory_space<vmem>> -> memref<24x128xi32, #tpu.memory_space<vmem>>
        %dma_wait3A_168 = arith.constant 0 : i32
        %dma_wait3A_169 = tpu.memref_slice %arg3[%add3A_18, %dma_wait3A_168] : memref<2560x128xi32, #tpu.memory_space<hbm>> -> memref<24x128xi32, #tpu.memory_space<hbm>>
        tpu.wait_dma2 semaphore(%run_scoped3A : memref<!tpu.dma_semaphore, #tpu.memory_space<semaphore_mem>>) src(%dma_wait3A_169 : memref<24x128xi32, #tpu.memory_space<hbm>>) dst(%dma_wait3A_167 : memref<24x128xi32, #tpu.memory_space<vmem>>)
        tpu.yield
      }) : () -> ()
      "tpu.region"() ({
        %run_scoped3A = tpu.sem_alloc : memref<!tpu.dma_semaphore, #tpu.memory_space<semaphore_mem>>
        %dma_start3A_150 = arith.constant 0 : i32
        %dma_start3A_151 = arith.constant 0 : i32
        %dma_start3A_152 = tpu.memref_slice %arg8[%dma_start3A_150, %dma_start3A_151] : memref<24x128xi32, #tpu.memory_space<vmem>> -> memref<24x128xi32, #tpu.memory_space<vmem>>
        %dma_start3A_153 = arith.constant 0 : i32
        %dma_start3A_154 = tpu.memref_slice %arg4[%add3A_18, %dma_start3A_153] : memref<2560x128xi32, #tpu.memory_space<hbm>> -> memref<24x128xi32, #tpu.memory_space<hbm>>
        %dma_start3A_155 = arith.constant 0 : i32
        %dma_start3A_156 = arith.constant 0 : i32
        %dma_start3A_157 = tpu.memref_slice %arg8[%dma_start3A_155, %dma_start3A_156] : memref<24x128xi32, #tpu.memory_space<vmem>> -> memref<24x128xi32, #tpu.memory_space<vmem>>
        %dma_start3A_158 = arith.constant 0 : i32
        %dma_start3A_159 = tpu.memref_slice %arg4[%add3A_18, %dma_start3A_158] : memref<2560x128xi32, #tpu.memory_space<hbm>> -> memref<24x128xi32, #tpu.memory_space<hbm>>
        tpu.enqueue_dma source(%dma_start3A_159 : memref<24x128xi32, #tpu.memory_space<hbm>>) target(%dma_start3A_157 : memref<24x128xi32, #tpu.memory_space<vmem>>) target_semaphore(%run_scoped3A : memref<!tpu.dma_semaphore, #tpu.memory_space<semaphore_mem>>)
        %dma_wait3A_160 = arith.constant 0 : i32
        %dma_wait3A_161 = arith.constant 0 : i32
        %dma_wait3A_162 = tpu.memref_slice %arg8[%dma_wait3A_160, %dma_wait3A_161] : memref<24x128xi32, #tpu.memory_space<vmem>> -> memref<24x128xi32, #tpu.memory_space<vmem>>
        %dma_wait3A_163 = arith.constant 0 : i32
        %dma_wait3A_164 = tpu.memref_slice %arg4[%add3A_18, %dma_wait3A_163] : memref<2560x128xi32, #tpu.memory_space<hbm>> -> memref<24x128xi32, #tpu.memory_space<hbm>>
        %dma_wait3A_165 = arith.constant 0 : i32
        %dma_wait3A_166 = arith.constant 0 : i32
        %dma_wait3A_167 = tpu.memref_slice %arg8[%dma_wait3A_165, %dma_wait3A_166] : memref<24x128xi32, #tpu.memory_space<vmem>> -> memref<24x128xi32, #tpu.memory_space<vmem>>
        %dma_wait3A_168 = arith.constant 0 : i32
        %dma_wait3A_169 = tpu.memref_slice %arg4[%add3A_18, %dma_wait3A_168] : memref<2560x128xi32, #tpu.memory_space<hbm>> -> memref<24x128xi32, #tpu.memory_space<hbm>>
        tpu.wait_dma2 semaphore(%run_scoped3A : memref<!tpu.dma_semaphore, #tpu.memory_space<semaphore_mem>>) src(%dma_wait3A_169 : memref<24x128xi32, #tpu.memory_space<hbm>>) dst(%dma_wait3A_167 : memref<24x128xi32, #tpu.memory_space<vmem>>)
        tpu.yield
      }) : () -> ()
      %dma_start3A = arith.constant 0 : i32
      %dma_start3A_19 = arith.constant 0 : i32
      %dma_start3A_20 = tpu.memref_slice %arg7[%dma_start3A, %dma_start3A_19] : memref<24x128xi32, #tpu.memory_space<vmem>> -> memref<1x128xi32, #tpu.memory_space<vmem>>
      %dma_start3A_21 = tpu.memref_squeeze %dma_start3A_20 : memref<1x128xi32, #tpu.memory_space<vmem>> -> memref<128xi32, #tpu.memory_space<vmem>>
      %dma_start3A_22 = arith.constant 0 : i32
      %dma_start3A_23 = arith.constant 0 : i32
      %dma_start3A_24 = tpu.memref_slice %arg2[%dma_start3A_22, %dma_start3A_23] : memref<10000x128xf32, #tpu.memory_space<hbm>> -> memref<10000x128xf32, #tpu.memory_space<hbm>>
      tpu.enqueue_indirect_dma source(%dma_start3A_24 : memref<10000x128xf32, #tpu.memory_space<hbm>>) target(%arg9 : memref<128x128xf32, #tpu.memory_space<vmem>>) offsets(%dma_start3A_21 : memref<128xi32, #tpu.memory_space<vmem>>) semaphore(%arg12 : memref<!tpu.dma_semaphore, #tpu.memory_space<semaphore_mem>>)
      %scan3A = arith.constant 0 : i32
      %scan3A_25 = arith.constant 0 : i32
      %scan3A_26 = arith.constant 12 : i32
      %scan3A_27 = arith.addi %scan3A_25, %scan3A_26 : i32
      %scan3A_28 = arith.constant 1 : i32
      scf.for %scan3A_150 = %scan3A_25 to %scan3A_27 step %scan3A_28  : i32 {
        %mul3A_151 = arith.constant 2 : i32
        %mul3A_152 = arith.muli %mul3A_151, %scan3A_150 : i32
        %add3A_153 = arith.constant 0 : i32
        %add3A_154 = arith.addi %mul3A_152, %add3A_153 : i32
        %dma_wait3A_155 = arith.constant 0 : i32
        %dma_wait3A_156 = arith.constant 0 : i32
        %dma_wait3A_157 = tpu.memref_slice %arg2[%dma_wait3A_155, %dma_wait3A_156] : memref<10000x128xf32, #tpu.memory_space<hbm>> -> memref<128x128xf32, #tpu.memory_space<hbm>>
        %dma_wait3A_158 = arith.constant 0 : i32
        %dma_wait3A_159 = arith.constant 0 : i32
        %dma_wait3A_160 = tpu.memref_slice %arg2[%dma_wait3A_158, %dma_wait3A_159] : memref<10000x128xf32, #tpu.memory_space<hbm>> -> memref<128x128xf32, #tpu.memory_space<hbm>>
        tpu.wait_dma2 semaphore(%arg12 : memref<!tpu.dma_semaphore, #tpu.memory_space<semaphore_mem>>) src(%dma_wait3A_160 : memref<128x128xf32, #tpu.memory_space<hbm>>) dst(%arg9 : memref<128x128xf32, #tpu.memory_space<vmem>>)
        %dma_start3A_161 = arith.constant 0 : i32
        %dma_start3A_162 = tpu.memref_slice %arg8[%add3A_154, %dma_start3A_161] : memref<24x128xi32, #tpu.memory_space<vmem>> -> memref<1x128xi32, #tpu.memory_space<vmem>>
        %dma_start3A_163 = tpu.memref_squeeze %dma_start3A_162 : memref<1x128xi32, #tpu.memory_space<vmem>> -> memref<128xi32, #tpu.memory_space<vmem>>
        %dma_start3A_164 = arith.constant 0 : i32
        %dma_start3A_165 = arith.constant 0 : i32
        %dma_start3A_166 = tpu.memref_slice %arg11[%dma_start3A_164, %dma_start3A_165] : memref<10240x128xf32, #tpu.memory_space<vmem_shared>> -> memref<10240x128xf32, #tpu.memory_space<vmem_shared>>
        tpu.enqueue_indirect_dma source(%arg9 : memref<128x128xf32, #tpu.memory_space<vmem>>) target(%dma_start3A_166 : memref<10240x128xf32, #tpu.memory_space<vmem_shared>>) offsets(%dma_start3A_163 : memref<128xi32, #tpu.memory_space<vmem>>) semaphore(%arg13 : memref<!tpu.dma_semaphore, #tpu.memory_space<semaphore_mem>>) {add = true}
        %ge3A = arith.constant 1 : i32
        %ge3A_167 = arith.cmpi sge, %add3A_154, %ge3A : i32
        %convert_element_type3A_168 = arith.extui %ge3A_167 : i1 to i32
        %cond3A_169 = arith.constant 0 : i32
        %cond3A_170 = arith.cmpi ne, %convert_element_type3A_168, %cond3A_169 : i32
        scf.if %cond3A_170 {
          %dma_wait3A_205 = arith.constant 0 : i32
          %dma_wait3A_206 = arith.constant 0 : i32
          %dma_wait3A_207 = tpu.memref_slice %arg11[%dma_wait3A_205, %dma_wait3A_206] : memref<10240x128xf32, #tpu.memory_space<vmem_shared>> -> memref<128x128xf32, #tpu.memory_space<vmem_shared>>
          %dma_wait3A_208 = arith.constant 0 : i32
          %dma_wait3A_209 = arith.constant 0 : i32
          %dma_wait3A_210 = tpu.memref_slice %arg11[%dma_wait3A_208, %dma_wait3A_209] : memref<10240x128xf32, #tpu.memory_space<vmem_shared>> -> memref<128x128xf32, #tpu.memory_space<vmem_shared>>
          tpu.wait_dma2 semaphore(%arg13 : memref<!tpu.dma_semaphore, #tpu.memory_space<semaphore_mem>>) src(%arg10 : memref<128x128xf32, #tpu.memory_space<vmem>>) dst(%dma_wait3A_210 : memref<128x128xf32, #tpu.memory_space<vmem_shared>>)
        } else {
        }
        %add3A_171 = arith.constant 1 : i32
        %add3A_172 = arith.addi %add3A_154, %add3A_171 : i32
        %lt3A = arith.constant 24 : i32
        %lt3A_173 = arith.cmpi slt, %add3A_172, %lt3A : i32
        %convert_element_type3A_174 = arith.extui %lt3A_173 : i1 to i32
        %cond3A_175 = arith.constant 0 : i32
        %cond3A_176 = arith.cmpi ne, %convert_element_type3A_174, %cond3A_175 : i32
        scf.if %cond3A_176 {
          %add3A_205 = arith.constant 1 : i32
          %add3A_206 = arith.addi %add3A_154, %add3A_205 : i32
          %dma_start3A_207 = arith.constant 0 : i32
          %dma_start3A_208 = tpu.memref_slice %arg7[%add3A_206, %dma_start3A_207] : memref<24x128xi32, #tpu.memory_space<vmem>> -> memref<1x128xi32, #tpu.memory_space<vmem>>
          %dma_start3A_209 = tpu.memref_squeeze %dma_start3A_208 : memref<1x128xi32, #tpu.memory_space<vmem>> -> memref<128xi32, #tpu.memory_space<vmem>>
          %dma_start3A_210 = arith.constant 0 : i32
          %dma_start3A_211 = arith.constant 0 : i32
          %dma_start3A_212 = tpu.memref_slice %arg2[%dma_start3A_210, %dma_start3A_211] : memref<10000x128xf32, #tpu.memory_space<hbm>> -> memref<10000x128xf32, #tpu.memory_space<hbm>>
          tpu.enqueue_indirect_dma source(%dma_start3A_212 : memref<10000x128xf32, #tpu.memory_space<hbm>>) target(%arg10 : memref<128x128xf32, #tpu.memory_space<vmem>>) offsets(%dma_start3A_209 : memref<128xi32, #tpu.memory_space<vmem>>) semaphore(%arg12 : memref<!tpu.dma_semaphore, #tpu.memory_space<semaphore_mem>>)
        } else {
        }
        %mul3A_177 = arith.constant 2 : i32
        %mul3A_178 = arith.muli %mul3A_177, %scan3A_150 : i32
        %add3A_179 = arith.constant 1 : i32
        %add3A_180 = arith.addi %mul3A_178, %add3A_179 : i32
        %dma_wait3A_181 = arith.constant 0 : i32
        %dma_wait3A_182 = arith.constant 0 : i32
        %dma_wait3A_183 = tpu.memref_slice %arg2[%dma_wait3A_181, %dma_wait3A_182] : memref<10000x128xf32, #tpu.memory_space<hbm>> -> memref<128x128xf32, #tpu.memory_space<hbm>>
        %dma_wait3A_184 = arith.constant 0 : i32
        %dma_wait3A_185 = arith.constant 0 : i32
        %dma_wait3A_186 = tpu.memref_slice %arg2[%dma_wait3A_184, %dma_wait3A_185] : memref<10000x128xf32, #tpu.memory_space<hbm>> -> memref<128x128xf32, #tpu.memory_space<hbm>>
        tpu.wait_dma2 semaphore(%arg12 : memref<!tpu.dma_semaphore, #tpu.memory_space<semaphore_mem>>) src(%dma_wait3A_186 : memref<128x128xf32, #tpu.memory_space<hbm>>) dst(%arg10 : memref<128x128xf32, #tpu.memory_space<vmem>>)
        %dma_start3A_187 = arith.constant 0 : i32
        %dma_start3A_188 = tpu.memref_slice %arg8[%add3A_180, %dma_start3A_187] : memref<24x128xi32, #tpu.memory_space<vmem>> -> memref<1x128xi32, #tpu.memory_space<vmem>>
        %dma_start3A_189 = tpu.memref_squeeze %dma_start3A_188 : memref<1x128xi32, #tpu.memory_space<vmem>> -> memref<128xi32, #tpu.memory_space<vmem>>
        %dma_start3A_190 = arith.constant 0 : i32
        %dma_start3A_191 = arith.constant 0 : i32
        %dma_start3A_192 = tpu.memref_slice %arg11[%dma_start3A_190, %dma_start3A_191] : memref<10240x128xf32, #tpu.memory_space<vmem_shared>> -> memref<10240x128xf32, #tpu.memory_space<vmem_shared>>
        tpu.enqueue_indirect_dma source(%arg10 : memref<128x128xf32, #tpu.memory_space<vmem>>) target(%dma_start3A_192 : memref<10240x128xf32, #tpu.memory_space<vmem_shared>>) offsets(%dma_start3A_189 : memref<128xi32, #tpu.memory_space<vmem>>) semaphore(%arg13 : memref<!tpu.dma_semaphore, #tpu.memory_space<semaphore_mem>>) {add = true}
        %ge3A_193 = arith.constant 1 : i32
        %ge3A_194 = arith.cmpi sge, %add3A_180, %ge3A_193 : i32
        %convert_element_type3A_195 = arith.extui %ge3A_194 : i1 to i32
        %cond3A_196 = arith.constant 0 : i32
        %cond3A_197 = arith.cmpi ne, %convert_element_type3A_195, %cond3A_196 : i32
        scf.if %cond3A_197 {
          %dma_wait3A_205 = arith.constant 0 : i32
          %dma_wait3A_206 = arith.constant 0 : i32
          %dma_wait3A_207 = tpu.memref_slice %arg11[%dma_wait3A_205, %dma_wait3A_206] : memref<10240x128xf32, #tpu.memory_space<vmem_shared>> -> memref<128x128xf32, #tpu.memory_space<vmem_shared>>
          %dma_wait3A_208 = arith.constant 0 : i32
          %dma_wait3A_209 = arith.constant 0 : i32
          %dma_wait3A_210 = tpu.memref_slice %arg11[%dma_wait3A_208, %dma_wait3A_209] : memref<10240x128xf32, #tpu.memory_space<vmem_shared>> -> memref<128x128xf32, #tpu.memory_space<vmem_shared>>
          tpu.wait_dma2 semaphore(%arg13 : memref<!tpu.dma_semaphore, #tpu.memory_space<semaphore_mem>>) src(%arg9 : memref<128x128xf32, #tpu.memory_space<vmem>>) dst(%dma_wait3A_210 : memref<128x128xf32, #tpu.memory_space<vmem_shared>>)
        } else {
        }
        %add3A_198 = arith.constant 1 : i32
        %add3A_199 = arith.addi %add3A_180, %add3A_198 : i32
        %lt3A_200 = arith.constant 24 : i32
        %lt3A_201 = arith.cmpi slt, %add3A_199, %lt3A_200 : i32
        %convert_element_type3A_202 = arith.extui %lt3A_201 : i1 to i32
        %cond3A_203 = arith.constant 0 : i32
        %cond3A_204 = arith.cmpi ne, %convert_element_type3A_202, %cond3A_203 : i32
        scf.if %cond3A_204 {
          %add3A_205 = arith.constant 1 : i32
          %add3A_206 = arith.addi %add3A_180, %add3A_205 : i32
          %dma_start3A_207 = arith.constant 0 : i32
          %dma_start3A_208 = tpu.memref_slice %arg7[%add3A_206, %dma_start3A_207] : memref<24x128xi32, #tpu.memory_space<vmem>> -> memref<1x128xi32, #tpu.memory_space<vmem>>
          %dma_start3A_209 = tpu.memref_squeeze %dma_start3A_208 : memref<1x128xi32, #tpu.memory_space<vmem>> -> memref<128xi32, #tpu.memory_space<vmem>>
          %dma_start3A_210 = arith.constant 0 : i32
          %dma_start3A_211 = arith.constant 0 : i32
          %dma_start3A_212 = tpu.memref_slice %arg2[%dma_start3A_210, %dma_start3A_211] : memref<10000x128xf32, #tpu.memory_space<hbm>> -> memref<10000x128xf32, #tpu.memory_space<hbm>>
          tpu.enqueue_indirect_dma source(%dma_start3A_212 : memref<10000x128xf32, #tpu.memory_space<hbm>>) target(%arg9 : memref<128x128xf32, #tpu.memory_space<vmem>>) offsets(%dma_start3A_209 : memref<128xi32, #tpu.memory_space<vmem>>) semaphore(%arg12 : memref<!tpu.dma_semaphore, #tpu.memory_space<semaphore_mem>>)
        } else {
        }
      }
      %scan3A_29 = arith.constant 12 : i32
      %dma_wait3A = arith.constant 0 : i32
      %dma_wait3A_30 = arith.constant 0 : i32
      %dma_wait3A_31 = tpu.memref_slice %arg11[%dma_wait3A, %dma_wait3A_30] : memref<10240x128xf32, #tpu.memory_space<vmem_shared>> -> memref<128x128xf32, #tpu.memory_space<vmem_shared>>
      %dma_wait3A_32 = arith.constant 0 : i32
      %dma_wait3A_33 = arith.constant 0 : i32
      %dma_wait3A_34 = tpu.memref_slice %arg11[%dma_wait3A_32, %dma_wait3A_33] : memref<10240x128xf32, #tpu.memory_space<vmem_shared>> -> memref<128x128xf32, #tpu.memory_space<vmem_shared>>
      tpu.wait_dma2 semaphore(%arg13 : memref<!tpu.dma_semaphore, #tpu.memory_space<semaphore_mem>>) src(%arg10 : memref<128x128xf32, #tpu.memory_space<vmem>>) dst(%dma_wait3A_34 : memref<128x128xf32, #tpu.memory_space<vmem_shared>>)
      %mul3A_35 = arith.constant 144 : i32
      %mul3A_36 = arith.muli %arg1, %mul3A_35 : i32
      %add3A_37 = arith.constant 24 : i32
      %add3A_38 = arith.addi %mul3A_36, %add3A_37 : i32
      "tpu.region"() ({
        %run_scoped3A = tpu.sem_alloc : memref<!tpu.dma_semaphore, #tpu.memory_space<semaphore_mem>>
        %dma_start3A_150 = arith.constant 0 : i32
        %dma_start3A_151 = arith.constant 0 : i32
        %dma_start3A_152 = tpu.memref_slice %arg7[%dma_start3A_150, %dma_start3A_151] : memref<24x128xi32, #tpu.memory_space<vmem>> -> memref<24x128xi32, #tpu.memory_space<vmem>>
        %dma_start3A_153 = arith.constant 0 : i32
        %dma_start3A_154 = tpu.memref_slice %arg3[%add3A_38, %dma_start3A_153] : memref<2560x128xi32, #tpu.memory_space<hbm>> -> memref<24x128xi32, #tpu.memory_space<hbm>>
        %dma_start3A_155 = arith.constant 0 : i32
        %dma_start3A_156 = arith.constant 0 : i32
        %dma_start3A_157 = tpu.memref_slice %arg7[%dma_start3A_155, %dma_start3A_156] : memref<24x128xi32, #tpu.memory_space<vmem>> -> memref<24x128xi32, #tpu.memory_space<vmem>>
        %dma_start3A_158 = arith.constant 0 : i32
        %dma_start3A_159 = tpu.memref_slice %arg3[%add3A_38, %dma_start3A_158] : memref<2560x128xi32, #tpu.memory_space<hbm>> -> memref<24x128xi32, #tpu.memory_space<hbm>>
        tpu.enqueue_dma source(%dma_start3A_159 : memref<24x128xi32, #tpu.memory_space<hbm>>) target(%dma_start3A_157 : memref<24x128xi32, #tpu.memory_space<vmem>>) target_semaphore(%run_scoped3A : memref<!tpu.dma_semaphore, #tpu.memory_space<semaphore_mem>>)
        %dma_wait3A_160 = arith.constant 0 : i32
        %dma_wait3A_161 = arith.constant 0 : i32
        %dma_wait3A_162 = tpu.memref_slice %arg7[%dma_wait3A_160, %dma_wait3A_161] : memref<24x128xi32, #tpu.memory_space<vmem>> -> memref<24x128xi32, #tpu.memory_space<vmem>>
        %dma_wait3A_163 = arith.constant 0 : i32
        %dma_wait3A_164 = tpu.memref_slice %arg3[%add3A_38, %dma_wait3A_163] : memref<2560x128xi32, #tpu.memory_space<hbm>> -> memref<24x128xi32, #tpu.memory_space<hbm>>
        %dma_wait3A_165 = arith.constant 0 : i32
        %dma_wait3A_166 = arith.constant 0 : i32
        %dma_wait3A_167 = tpu.memref_slice %arg7[%dma_wait3A_165, %dma_wait3A_166] : memref<24x128xi32, #tpu.memory_space<vmem>> -> memref<24x128xi32, #tpu.memory_space<vmem>>
        %dma_wait3A_168 = arith.constant 0 : i32
        %dma_wait3A_169 = tpu.memref_slice %arg3[%add3A_38, %dma_wait3A_168] : memref<2560x128xi32, #tpu.memory_space<hbm>> -> memref<24x128xi32, #tpu.memory_space<hbm>>
        tpu.wait_dma2 semaphore(%run_scoped3A : memref<!tpu.dma_semaphore, #tpu.memory_space<semaphore_mem>>) src(%dma_wait3A_169 : memref<24x128xi32, #tpu.memory_space<hbm>>) dst(%dma_wait3A_167 : memref<24x128xi32, #tpu.memory_space<vmem>>)
        tpu.yield
      }) : () -> ()
      "tpu.region"() ({
        %run_scoped3A = tpu.sem_alloc : memref<!tpu.dma_semaphore, #tpu.memory_space<semaphore_mem>>
        %dma_start3A_150 = arith.constant 0 : i32
        %dma_start3A_151 = arith.constant 0 : i32
        %dma_start3A_152 = tpu.memref_slice %arg8[%dma_start3A_150, %dma_start3A_151] : memref<24x128xi32, #tpu.memory_space<vmem>> -> memref<24x128xi32, #tpu.memory_space<vmem>>
        %dma_start3A_153 = arith.constant 0 : i32
        %dma_start3A_154 = tpu.memref_slice %arg4[%add3A_38, %dma_start3A_153] : memref<2560x128xi32, #tpu.memory_space<hbm>> -> memref<24x128xi32, #tpu.memory_space<hbm>>
        %dma_start3A_155 = arith.constant 0 : i32
        %dma_start3A_156 = arith.constant 0 : i32
        %dma_start3A_157 = tpu.memref_slice %arg8[%dma_start3A_155, %dma_start3A_156] : memref<24x128xi32, #tpu.memory_space<vmem>> -> memref<24x128xi32, #tpu.memory_space<vmem>>
        %dma_start3A_158 = arith.constant 0 : i32
        %dma_start3A_159 = tpu.memref_slice %arg4[%add3A_38, %dma_start3A_158] : memref<2560x128xi32, #tpu.memory_space<hbm>> -> memref<24x128xi32, #tpu.memory_space<hbm>>
        tpu.enqueue_dma source(%dma_start3A_159 : memref<24x128xi32, #tpu.memory_space<hbm>>) target(%dma_start3A_157 : memref<24x128xi32, #tpu.memory_space<vmem>>) target_semaphore(%run_scoped3A : memref<!tpu.dma_semaphore, #tpu.memory_space<semaphore_mem>>)
        %dma_wait3A_160 = arith.constant 0 : i32
        %dma_wait3A_161 = arith.constant 0 : i32
        %dma_wait3A_162 = tpu.memref_slice %arg8[%dma_wait3A_160, %dma_wait3A_161] : memref<24x128xi32, #tpu.memory_space<vmem>> -> memref<24x128xi32, #tpu.memory_space<vmem>>
        %dma_wait3A_163 = arith.constant 0 : i32
        %dma_wait3A_164 = tpu.memref_slice %arg4[%add3A_38, %dma_wait3A_163] : memref<2560x128xi32, #tpu.memory_space<hbm>> -> memref<24x128xi32, #tpu.memory_space<hbm>>
        %dma_wait3A_165 = arith.constant 0 : i32
        %dma_wait3A_166 = arith.constant 0 : i32
        %dma_wait3A_167 = tpu.memref_slice %arg8[%dma_wait3A_165, %dma_wait3A_166] : memref<24x128xi32, #tpu.memory_space<vmem>> -> memref<24x128xi32, #tpu.memory_space<vmem>>
        %dma_wait3A_168 = arith.constant 0 : i32
        %dma_wait3A_169 = tpu.memref_slice %arg4[%add3A_38, %dma_wait3A_168] : memref<2560x128xi32, #tpu.memory_space<hbm>> -> memref<24x128xi32, #tpu.memory_space<hbm>>
        tpu.wait_dma2 semaphore(%run_scoped3A : memref<!tpu.dma_semaphore, #tpu.memory_space<semaphore_mem>>) src(%dma_wait3A_169 : memref<24x128xi32, #tpu.memory_space<hbm>>) dst(%dma_wait3A_167 : memref<24x128xi32, #tpu.memory_space<vmem>>)
        tpu.yield
      }) : () -> ()
      %dma_start3A_39 = arith.constant 0 : i32
      %dma_start3A_40 = arith.constant 0 : i32
      %dma_start3A_41 = tpu.memref_slice %arg7[%dma_start3A_39, %dma_start3A_40] : memref<24x128xi32, #tpu.memory_space<vmem>> -> memref<1x128xi32, #tpu.memory_space<vmem>>
      %dma_start3A_42 = tpu.memref_squeeze %dma_start3A_41 : memref<1x128xi32, #tpu.memory_space<vmem>> -> memref<128xi32, #tpu.memory_space<vmem>>
      %dma_start3A_43 = arith.constant 0 : i32
      %dma_start3A_44 = arith.constant 0 : i32
      %dma_start3A_45 = tpu.memref_slice %arg2[%dma_start3A_43, %dma_start3A_44] : memref<10000x128xf32, #tpu.memory_space<hbm>> -> memref<10000x128xf32, #tpu.memory_space<hbm>>
      tpu.enqueue_indirect_dma source(%dma_start3A_45 : memref<10000x128xf32, #tpu.memory_space<hbm>>) target(%arg9 : memref<128x128xf32, #tpu.memory_space<vmem>>) offsets(%dma_start3A_42 : memref<128xi32, #tpu.memory_space<vmem>>) semaphore(%arg12 : memref<!tpu.dma_semaphore, #tpu.memory_space<semaphore_mem>>)
      %scan3A_46 = arith.constant 0 : i32
      %scan3A_47 = arith.constant 0 : i32
      %scan3A_48 = arith.constant 12 : i32
      %scan3A_49 = arith.addi %scan3A_47, %scan3A_48 : i32
      %scan3A_50 = arith.constant 1 : i32
      scf.for %scan3A_150 = %scan3A_47 to %scan3A_49 step %scan3A_50  : i32 {
        %mul3A_151 = arith.constant 2 : i32
        %mul3A_152 = arith.muli %mul3A_151, %scan3A_150 : i32
        %add3A_153 = arith.constant 0 : i32
        %add3A_154 = arith.addi %mul3A_152, %add3A_153 : i32
        %dma_wait3A_155 = arith.constant 0 : i32
        %dma_wait3A_156 = arith.constant 0 : i32
        %dma_wait3A_157 = tpu.memref_slice %arg2[%dma_wait3A_155, %dma_wait3A_156] : memref<10000x128xf32, #tpu.memory_space<hbm>> -> memref<128x128xf32, #tpu.memory_space<hbm>>
        %dma_wait3A_158 = arith.constant 0 : i32
        %dma_wait3A_159 = arith.constant 0 : i32
        %dma_wait3A_160 = tpu.memref_slice %arg2[%dma_wait3A_158, %dma_wait3A_159] : memref<10000x128xf32, #tpu.memory_space<hbm>> -> memref<128x128xf32, #tpu.memory_space<hbm>>
        tpu.wait_dma2 semaphore(%arg12 : memref<!tpu.dma_semaphore, #tpu.memory_space<semaphore_mem>>) src(%dma_wait3A_160 : memref<128x128xf32, #tpu.memory_space<hbm>>) dst(%arg9 : memref<128x128xf32, #tpu.memory_space<vmem>>)
        %dma_start3A_161 = arith.constant 0 : i32
        %dma_start3A_162 = tpu.memref_slice %arg8[%add3A_154, %dma_start3A_161] : memref<24x128xi32, #tpu.memory_space<vmem>> -> memref<1x128xi32, #tpu.memory_space<vmem>>
        %dma_start3A_163 = tpu.memref_squeeze %dma_start3A_162 : memref<1x128xi32, #tpu.memory_space<vmem>> -> memref<128xi32, #tpu.memory_space<vmem>>
        %dma_start3A_164 = arith.constant 0 : i32
        %dma_start3A_165 = arith.constant 0 : i32
        %dma_start3A_166 = tpu.memref_slice %arg11[%dma_start3A_164, %dma_start3A_165] : memref<10240x128xf32, #tpu.memory_space<vmem_shared>> -> memref<10240x128xf32, #tpu.memory_space<vmem_shared>>
        tpu.enqueue_indirect_dma source(%arg9 : memref<128x128xf32, #tpu.memory_space<vmem>>) target(%dma_start3A_166 : memref<10240x128xf32, #tpu.memory_space<vmem_shared>>) offsets(%dma_start3A_163 : memref<128xi32, #tpu.memory_space<vmem>>) semaphore(%arg13 : memref<!tpu.dma_semaphore, #tpu.memory_space<semaphore_mem>>) {add = true}
        %ge3A = arith.constant 1 : i32
        %ge3A_167 = arith.cmpi sge, %add3A_154, %ge3A : i32
        %convert_element_type3A_168 = arith.extui %ge3A_167 : i1 to i32
        %cond3A_169 = arith.constant 0 : i32
        %cond3A_170 = arith.cmpi ne, %convert_element_type3A_168, %cond3A_169 : i32
        scf.if %cond3A_170 {
          %dma_wait3A_205 = arith.constant 0 : i32
          %dma_wait3A_206 = arith.constant 0 : i32
          %dma_wait3A_207 = tpu.memref_slice %arg11[%dma_wait3A_205, %dma_wait3A_206] : memref<10240x128xf32, #tpu.memory_space<vmem_shared>> -> memref<128x128xf32, #tpu.memory_space<vmem_shared>>
          %dma_wait3A_208 = arith.constant 0 : i32
          %dma_wait3A_209 = arith.constant 0 : i32
          %dma_wait3A_210 = tpu.memref_slice %arg11[%dma_wait3A_208, %dma_wait3A_209] : memref<10240x128xf32, #tpu.memory_space<vmem_shared>> -> memref<128x128xf32, #tpu.memory_space<vmem_shared>>
          tpu.wait_dma2 semaphore(%arg13 : memref<!tpu.dma_semaphore, #tpu.memory_space<semaphore_mem>>) src(%arg10 : memref<128x128xf32, #tpu.memory_space<vmem>>) dst(%dma_wait3A_210 : memref<128x128xf32, #tpu.memory_space<vmem_shared>>)
        } else {
        }
        %add3A_171 = arith.constant 1 : i32
        %add3A_172 = arith.addi %add3A_154, %add3A_171 : i32
        %lt3A = arith.constant 24 : i32
        %lt3A_173 = arith.cmpi slt, %add3A_172, %lt3A : i32
        %convert_element_type3A_174 = arith.extui %lt3A_173 : i1 to i32
        %cond3A_175 = arith.constant 0 : i32
        %cond3A_176 = arith.cmpi ne, %convert_element_type3A_174, %cond3A_175 : i32
        scf.if %cond3A_176 {
          %add3A_205 = arith.constant 1 : i32
          %add3A_206 = arith.addi %add3A_154, %add3A_205 : i32
          %dma_start3A_207 = arith.constant 0 : i32
          %dma_start3A_208 = tpu.memref_slice %arg7[%add3A_206, %dma_start3A_207] : memref<24x128xi32, #tpu.memory_space<vmem>> -> memref<1x128xi32, #tpu.memory_space<vmem>>
          %dma_start3A_209 = tpu.memref_squeeze %dma_start3A_208 : memref<1x128xi32, #tpu.memory_space<vmem>> -> memref<128xi32, #tpu.memory_space<vmem>>
          %dma_start3A_210 = arith.constant 0 : i32
          %dma_start3A_211 = arith.constant 0 : i32
          %dma_start3A_212 = tpu.memref_slice %arg2[%dma_start3A_210, %dma_start3A_211] : memref<10000x128xf32, #tpu.memory_space<hbm>> -> memref<10000x128xf32, #tpu.memory_space<hbm>>
          tpu.enqueue_indirect_dma source(%dma_start3A_212 : memref<10000x128xf32, #tpu.memory_space<hbm>>) target(%arg10 : memref<128x128xf32, #tpu.memory_space<vmem>>) offsets(%dma_start3A_209 : memref<128xi32, #tpu.memory_space<vmem>>) semaphore(%arg12 : memref<!tpu.dma_semaphore, #tpu.memory_space<semaphore_mem>>)
        } else {
        }
        %mul3A_177 = arith.constant 2 : i32
        %mul3A_178 = arith.muli %mul3A_177, %scan3A_150 : i32
        %add3A_179 = arith.constant 1 : i32
        %add3A_180 = arith.addi %mul3A_178, %add3A_179 : i32
        %dma_wait3A_181 = arith.constant 0 : i32
        %dma_wait3A_182 = arith.constant 0 : i32
        %dma_wait3A_183 = tpu.memref_slice %arg2[%dma_wait3A_181, %dma_wait3A_182] : memref<10000x128xf32, #tpu.memory_space<hbm>> -> memref<128x128xf32, #tpu.memory_space<hbm>>
        %dma_wait3A_184 = arith.constant 0 : i32
        %dma_wait3A_185 = arith.constant 0 : i32
        %dma_wait3A_186 = tpu.memref_slice %arg2[%dma_wait3A_184, %dma_wait3A_185] : memref<10000x128xf32, #tpu.memory_space<hbm>> -> memref<128x128xf32, #tpu.memory_space<hbm>>
        tpu.wait_dma2 semaphore(%arg12 : memref<!tpu.dma_semaphore, #tpu.memory_space<semaphore_mem>>) src(%dma_wait3A_186 : memref<128x128xf32, #tpu.memory_space<hbm>>) dst(%arg10 : memref<128x128xf32, #tpu.memory_space<vmem>>)
        %dma_start3A_187 = arith.constant 0 : i32
        %dma_start3A_188 = tpu.memref_slice %arg8[%add3A_180, %dma_start3A_187] : memref<24x128xi32, #tpu.memory_space<vmem>> -> memref<1x128xi32, #tpu.memory_space<vmem>>
        %dma_start3A_189 = tpu.memref_squeeze %dma_start3A_188 : memref<1x128xi32, #tpu.memory_space<vmem>> -> memref<128xi32, #tpu.memory_space<vmem>>
        %dma_start3A_190 = arith.constant 0 : i32
        %dma_start3A_191 = arith.constant 0 : i32
        %dma_start3A_192 = tpu.memref_slice %arg11[%dma_start3A_190, %dma_start3A_191] : memref<10240x128xf32, #tpu.memory_space<vmem_shared>> -> memref<10240x128xf32, #tpu.memory_space<vmem_shared>>
        tpu.enqueue_indirect_dma source(%arg10 : memref<128x128xf32, #tpu.memory_space<vmem>>) target(%dma_start3A_192 : memref<10240x128xf32, #tpu.memory_space<vmem_shared>>) offsets(%dma_start3A_189 : memref<128xi32, #tpu.memory_space<vmem>>) semaphore(%arg13 : memref<!tpu.dma_semaphore, #tpu.memory_space<semaphore_mem>>) {add = true}
        %ge3A_193 = arith.constant 1 : i32
        %ge3A_194 = arith.cmpi sge, %add3A_180, %ge3A_193 : i32
        %convert_element_type3A_195 = arith.extui %ge3A_194 : i1 to i32
        %cond3A_196 = arith.constant 0 : i32
        %cond3A_197 = arith.cmpi ne, %convert_element_type3A_195, %cond3A_196 : i32
        scf.if %cond3A_197 {
          %dma_wait3A_205 = arith.constant 0 : i32
          %dma_wait3A_206 = arith.constant 0 : i32
          %dma_wait3A_207 = tpu.memref_slice %arg11[%dma_wait3A_205, %dma_wait3A_206] : memref<10240x128xf32, #tpu.memory_space<vmem_shared>> -> memref<128x128xf32, #tpu.memory_space<vmem_shared>>
          %dma_wait3A_208 = arith.constant 0 : i32
          %dma_wait3A_209 = arith.constant 0 : i32
          %dma_wait3A_210 = tpu.memref_slice %arg11[%dma_wait3A_208, %dma_wait3A_209] : memref<10240x128xf32, #tpu.memory_space<vmem_shared>> -> memref<128x128xf32, #tpu.memory_space<vmem_shared>>
          tpu.wait_dma2 semaphore(%arg13 : memref<!tpu.dma_semaphore, #tpu.memory_space<semaphore_mem>>) src(%arg9 : memref<128x128xf32, #tpu.memory_space<vmem>>) dst(%dma_wait3A_210 : memref<128x128xf32, #tpu.memory_space<vmem_shared>>)
        } else {
        }
        %add3A_198 = arith.constant 1 : i32
        %add3A_199 = arith.addi %add3A_180, %add3A_198 : i32
        %lt3A_200 = arith.constant 24 : i32
        %lt3A_201 = arith.cmpi slt, %add3A_199, %lt3A_200 : i32
        %convert_element_type3A_202 = arith.extui %lt3A_201 : i1 to i32
        %cond3A_203 = arith.constant 0 : i32
        %cond3A_204 = arith.cmpi ne, %convert_element_type3A_202, %cond3A_203 : i32
        scf.if %cond3A_204 {
          %add3A_205 = arith.constant 1 : i32
          %add3A_206 = arith.addi %add3A_180, %add3A_205 : i32
          %dma_start3A_207 = arith.constant 0 : i32
          %dma_start3A_208 = tpu.memref_slice %arg7[%add3A_206, %dma_start3A_207] : memref<24x128xi32, #tpu.memory_space<vmem>> -> memref<1x128xi32, #tpu.memory_space<vmem>>
          %dma_start3A_209 = tpu.memref_squeeze %dma_start3A_208 : memref<1x128xi32, #tpu.memory_space<vmem>> -> memref<128xi32, #tpu.memory_space<vmem>>
          %dma_start3A_210 = arith.constant 0 : i32
          %dma_start3A_211 = arith.constant 0 : i32
          %dma_start3A_212 = tpu.memref_slice %arg2[%dma_start3A_210, %dma_start3A_211] : memref<10000x128xf32, #tpu.memory_space<hbm>> -> memref<10000x128xf32, #tpu.memory_space<hbm>>
          tpu.enqueue_indirect_dma source(%dma_start3A_212 : memref<10000x128xf32, #tpu.memory_space<hbm>>) target(%arg9 : memref<128x128xf32, #tpu.memory_space<vmem>>) offsets(%dma_start3A_209 : memref<128xi32, #tpu.memory_space<vmem>>) semaphore(%arg12 : memref<!tpu.dma_semaphore, #tpu.memory_space<semaphore_mem>>)
        } else {
        }
      }
      %scan3A_51 = arith.constant 12 : i32
      %dma_wait3A_52 = arith.constant 0 : i32
      %dma_wait3A_53 = arith.constant 0 : i32
      %dma_wait3A_54 = tpu.memref_slice %arg11[%dma_wait3A_52, %dma_wait3A_53] : memref<10240x128xf32, #tpu.memory_space<vmem_shared>> -> memref<128x128xf32, #tpu.memory_space<vmem_shared>>
      %dma_wait3A_55 = arith.constant 0 : i32
      %dma_wait3A_56 = arith.constant 0 : i32
      %dma_wait3A_57 = tpu.memref_slice %arg11[%dma_wait3A_55, %dma_wait3A_56] : memref<10240x128xf32, #tpu.memory_space<vmem_shared>> -> memref<128x128xf32, #tpu.memory_space<vmem_shared>>
      tpu.wait_dma2 semaphore(%arg13 : memref<!tpu.dma_semaphore, #tpu.memory_space<semaphore_mem>>) src(%arg10 : memref<128x128xf32, #tpu.memory_space<vmem>>) dst(%dma_wait3A_57 : memref<128x128xf32, #tpu.memory_space<vmem_shared>>)
      %mul3A_58 = arith.constant 144 : i32
      %mul3A_59 = arith.muli %arg1, %mul3A_58 : i32
      %add3A_60 = arith.constant 48 : i32
      %add3A_61 = arith.addi %mul3A_59, %add3A_60 : i32
      "tpu.region"() ({
        %run_scoped3A = tpu.sem_alloc : memref<!tpu.dma_semaphore, #tpu.memory_space<semaphore_mem>>
        %dma_start3A_150 = arith.constant 0 : i32
        %dma_start3A_151 = arith.constant 0 : i32
        %dma_start3A_152 = tpu.memref_slice %arg7[%dma_start3A_150, %dma_start3A_151] : memref<24x128xi32, #tpu.memory_space<vmem>> -> memref<24x128xi32, #tpu.memory_space<vmem>>
        %dma_start3A_153 = arith.constant 0 : i32
        %dma_start3A_154 = tpu.memref_slice %arg3[%add3A_61, %dma_start3A_153] : memref<2560x128xi32, #tpu.memory_space<hbm>> -> memref<24x128xi32, #tpu.memory_space<hbm>>
        %dma_start3A_155 = arith.constant 0 : i32
        %dma_start3A_156 = arith.constant 0 : i32
        %dma_start3A_157 = tpu.memref_slice %arg7[%dma_start3A_155, %dma_start3A_156] : memref<24x128xi32, #tpu.memory_space<vmem>> -> memref<24x128xi32, #tpu.memory_space<vmem>>
        %dma_start3A_158 = arith.constant 0 : i32
        %dma_start3A_159 = tpu.memref_slice %arg3[%add3A_61, %dma_start3A_158] : memref<2560x128xi32, #tpu.memory_space<hbm>> -> memref<24x128xi32, #tpu.memory_space<hbm>>
        tpu.enqueue_dma source(%dma_start3A_159 : memref<24x128xi32, #tpu.memory_space<hbm>>) target(%dma_start3A_157 : memref<24x128xi32, #tpu.memory_space<vmem>>) target_semaphore(%run_scoped3A : memref<!tpu.dma_semaphore, #tpu.memory_space<semaphore_mem>>)
        %dma_wait3A_160 = arith.constant 0 : i32
        %dma_wait3A_161 = arith.constant 0 : i32
        %dma_wait3A_162 = tpu.memref_slice %arg7[%dma_wait3A_160, %dma_wait3A_161] : memref<24x128xi32, #tpu.memory_space<vmem>> -> memref<24x128xi32, #tpu.memory_space<vmem>>
        %dma_wait3A_163 = arith.constant 0 : i32
        %dma_wait3A_164 = tpu.memref_slice %arg3[%add3A_61, %dma_wait3A_163] : memref<2560x128xi32, #tpu.memory_space<hbm>> -> memref<24x128xi32, #tpu.memory_space<hbm>>
        %dma_wait3A_165 = arith.constant 0 : i32
        %dma_wait3A_166 = arith.constant 0 : i32
        %dma_wait3A_167 = tpu.memref_slice %arg7[%dma_wait3A_165, %dma_wait3A_166] : memref<24x128xi32, #tpu.memory_space<vmem>> -> memref<24x128xi32, #tpu.memory_space<vmem>>
        %dma_wait3A_168 = arith.constant 0 : i32
        %dma_wait3A_169 = tpu.memref_slice %arg3[%add3A_61, %dma_wait3A_168] : memref<2560x128xi32, #tpu.memory_space<hbm>> -> memref<24x128xi32, #tpu.memory_space<hbm>>
        tpu.wait_dma2 semaphore(%run_scoped3A : memref<!tpu.dma_semaphore, #tpu.memory_space<semaphore_mem>>) src(%dma_wait3A_169 : memref<24x128xi32, #tpu.memory_space<hbm>>) dst(%dma_wait3A_167 : memref<24x128xi32, #tpu.memory_space<vmem>>)
        tpu.yield
      }) : () -> ()
      "tpu.region"() ({
        %run_scoped3A = tpu.sem_alloc : memref<!tpu.dma_semaphore, #tpu.memory_space<semaphore_mem>>
        %dma_start3A_150 = arith.constant 0 : i32
        %dma_start3A_151 = arith.constant 0 : i32
        %dma_start3A_152 = tpu.memref_slice %arg8[%dma_start3A_150, %dma_start3A_151] : memref<24x128xi32, #tpu.memory_space<vmem>> -> memref<24x128xi32, #tpu.memory_space<vmem>>
        %dma_start3A_153 = arith.constant 0 : i32
        %dma_start3A_154 = tpu.memref_slice %arg4[%add3A_61, %dma_start3A_153] : memref<2560x128xi32, #tpu.memory_space<hbm>> -> memref<24x128xi32, #tpu.memory_space<hbm>>
        %dma_start3A_155 = arith.constant 0 : i32
        %dma_start3A_156 = arith.constant 0 : i32
        %dma_start3A_157 = tpu.memref_slice %arg8[%dma_start3A_155, %dma_start3A_156] : memref<24x128xi32, #tpu.memory_space<vmem>> -> memref<24x128xi32, #tpu.memory_space<vmem>>
        %dma_start3A_158 = arith.constant 0 : i32
        %dma_start3A_159 = tpu.memref_slice %arg4[%add3A_61, %dma_start3A_158] : memref<2560x128xi32, #tpu.memory_space<hbm>> -> memref<24x128xi32, #tpu.memory_space<hbm>>
        tpu.enqueue_dma source(%dma_start3A_159 : memref<24x128xi32, #tpu.memory_space<hbm>>) target(%dma_start3A_157 : memref<24x128xi32, #tpu.memory_space<vmem>>) target_semaphore(%run_scoped3A : memref<!tpu.dma_semaphore, #tpu.memory_space<semaphore_mem>>)
        %dma_wait3A_160 = arith.constant 0 : i32
        %dma_wait3A_161 = arith.constant 0 : i32
        %dma_wait3A_162 = tpu.memref_slice %arg8[%dma_wait3A_160, %dma_wait3A_161] : memref<24x128xi32, #tpu.memory_space<vmem>> -> memref<24x128xi32, #tpu.memory_space<vmem>>
        %dma_wait3A_163 = arith.constant 0 : i32
        %dma_wait3A_164 = tpu.memref_slice %arg4[%add3A_61, %dma_wait3A_163] : memref<2560x128xi32, #tpu.memory_space<hbm>> -> memref<24x128xi32, #tpu.memory_space<hbm>>
        %dma_wait3A_165 = arith.constant 0 : i32
        %dma_wait3A_166 = arith.constant 0 : i32
        %dma_wait3A_167 = tpu.memref_slice %arg8[%dma_wait3A_165, %dma_wait3A_166] : memref<24x128xi32, #tpu.memory_space<vmem>> -> memref<24x128xi32, #tpu.memory_space<vmem>>
        %dma_wait3A_168 = arith.constant 0 : i32
        %dma_wait3A_169 = tpu.memref_slice %arg4[%add3A_61, %dma_wait3A_168] : memref<2560x128xi32, #tpu.memory_space<hbm>> -> memref<24x128xi32, #tpu.memory_space<hbm>>
        tpu.wait_dma2 semaphore(%run_scoped3A : memref<!tpu.dma_semaphore, #tpu.memory_space<semaphore_mem>>) src(%dma_wait3A_169 : memref<24x128xi32, #tpu.memory_space<hbm>>) dst(%dma_wait3A_167 : memref<24x128xi32, #tpu.memory_space<vmem>>)
        tpu.yield
      }) : () -> ()
      %dma_start3A_62 = arith.constant 0 : i32
      %dma_start3A_63 = arith.constant 0 : i32
      %dma_start3A_64 = tpu.memref_slice %arg7[%dma_start3A_62, %dma_start3A_63] : memref<24x128xi32, #tpu.memory_space<vmem>> -> memref<1x128xi32, #tpu.memory_space<vmem>>
      %dma_start3A_65 = tpu.memref_squeeze %dma_start3A_64 : memref<1x128xi32, #tpu.memory_space<vmem>> -> memref<128xi32, #tpu.memory_space<vmem>>
      %dma_start3A_66 = arith.constant 0 : i32
      %dma_start3A_67 = arith.constant 0 : i32
      %dma_start3A_68 = tpu.memref_slice %arg2[%dma_start3A_66, %dma_start3A_67] : memref<10000x128xf32, #tpu.memory_space<hbm>> -> memref<10000x128xf32, #tpu.memory_space<hbm>>
      tpu.enqueue_indirect_dma source(%dma_start3A_68 : memref<10000x128xf32, #tpu.memory_space<hbm>>) target(%arg9 : memref<128x128xf32, #tpu.memory_space<vmem>>) offsets(%dma_start3A_65 : memref<128xi32, #tpu.memory_space<vmem>>) semaphore(%arg12 : memref<!tpu.dma_semaphore, #tpu.memory_space<semaphore_mem>>)
      %scan3A_69 = arith.constant 0 : i32
      %scan3A_70 = arith.constant 0 : i32
      %scan3A_71 = arith.constant 12 : i32
      %scan3A_72 = arith.addi %scan3A_70, %scan3A_71 : i32
      %scan3A_73 = arith.constant 1 : i32
      scf.for %scan3A_150 = %scan3A_70 to %scan3A_72 step %scan3A_73  : i32 {
        %mul3A_151 = arith.constant 2 : i32
        %mul3A_152 = arith.muli %mul3A_151, %scan3A_150 : i32
        %add3A_153 = arith.constant 0 : i32
        %add3A_154 = arith.addi %mul3A_152, %add3A_153 : i32
        %dma_wait3A_155 = arith.constant 0 : i32
        %dma_wait3A_156 = arith.constant 0 : i32
        %dma_wait3A_157 = tpu.memref_slice %arg2[%dma_wait3A_155, %dma_wait3A_156] : memref<10000x128xf32, #tpu.memory_space<hbm>> -> memref<128x128xf32, #tpu.memory_space<hbm>>
        %dma_wait3A_158 = arith.constant 0 : i32
        %dma_wait3A_159 = arith.constant 0 : i32
        %dma_wait3A_160 = tpu.memref_slice %arg2[%dma_wait3A_158, %dma_wait3A_159] : memref<10000x128xf32, #tpu.memory_space<hbm>> -> memref<128x128xf32, #tpu.memory_space<hbm>>
        tpu.wait_dma2 semaphore(%arg12 : memref<!tpu.dma_semaphore, #tpu.memory_space<semaphore_mem>>) src(%dma_wait3A_160 : memref<128x128xf32, #tpu.memory_space<hbm>>) dst(%arg9 : memref<128x128xf32, #tpu.memory_space<vmem>>)
        %dma_start3A_161 = arith.constant 0 : i32
        %dma_start3A_162 = tpu.memref_slice %arg8[%add3A_154, %dma_start3A_161] : memref<24x128xi32, #tpu.memory_space<vmem>> -> memref<1x128xi32, #tpu.memory_space<vmem>>
        %dma_start3A_163 = tpu.memref_squeeze %dma_start3A_162 : memref<1x128xi32, #tpu.memory_space<vmem>> -> memref<128xi32, #tpu.memory_space<vmem>>
        %dma_start3A_164 = arith.constant 0 : i32
        %dma_start3A_165 = arith.constant 0 : i32
        %dma_start3A_166 = tpu.memref_slice %arg11[%dma_start3A_164, %dma_start3A_165] : memref<10240x128xf32, #tpu.memory_space<vmem_shared>> -> memref<10240x128xf32, #tpu.memory_space<vmem_shared>>
        tpu.enqueue_indirect_dma source(%arg9 : memref<128x128xf32, #tpu.memory_space<vmem>>) target(%dma_start3A_166 : memref<10240x128xf32, #tpu.memory_space<vmem_shared>>) offsets(%dma_start3A_163 : memref<128xi32, #tpu.memory_space<vmem>>) semaphore(%arg13 : memref<!tpu.dma_semaphore, #tpu.memory_space<semaphore_mem>>) {add = true}
        %ge3A = arith.constant 1 : i32
        %ge3A_167 = arith.cmpi sge, %add3A_154, %ge3A : i32
        %convert_element_type3A_168 = arith.extui %ge3A_167 : i1 to i32
        %cond3A_169 = arith.constant 0 : i32
        %cond3A_170 = arith.cmpi ne, %convert_element_type3A_168, %cond3A_169 : i32
        scf.if %cond3A_170 {
          %dma_wait3A_205 = arith.constant 0 : i32
          %dma_wait3A_206 = arith.constant 0 : i32
          %dma_wait3A_207 = tpu.memref_slice %arg11[%dma_wait3A_205, %dma_wait3A_206] : memref<10240x128xf32, #tpu.memory_space<vmem_shared>> -> memref<128x128xf32, #tpu.memory_space<vmem_shared>>
          %dma_wait3A_208 = arith.constant 0 : i32
          %dma_wait3A_209 = arith.constant 0 : i32
          %dma_wait3A_210 = tpu.memref_slice %arg11[%dma_wait3A_208, %dma_wait3A_209] : memref<10240x128xf32, #tpu.memory_space<vmem_shared>> -> memref<128x128xf32, #tpu.memory_space<vmem_shared>>
          tpu.wait_dma2 semaphore(%arg13 : memref<!tpu.dma_semaphore, #tpu.memory_space<semaphore_mem>>) src(%arg10 : memref<128x128xf32, #tpu.memory_space<vmem>>) dst(%dma_wait3A_210 : memref<128x128xf32, #tpu.memory_space<vmem_shared>>)
        } else {
        }
        %add3A_171 = arith.constant 1 : i32
        %add3A_172 = arith.addi %add3A_154, %add3A_171 : i32
        %lt3A = arith.constant 24 : i32
        %lt3A_173 = arith.cmpi slt, %add3A_172, %lt3A : i32
        %convert_element_type3A_174 = arith.extui %lt3A_173 : i1 to i32
        %cond3A_175 = arith.constant 0 : i32
        %cond3A_176 = arith.cmpi ne, %convert_element_type3A_174, %cond3A_175 : i32
        scf.if %cond3A_176 {
          %add3A_205 = arith.constant 1 : i32
          %add3A_206 = arith.addi %add3A_154, %add3A_205 : i32
          %dma_start3A_207 = arith.constant 0 : i32
          %dma_start3A_208 = tpu.memref_slice %arg7[%add3A_206, %dma_start3A_207] : memref<24x128xi32, #tpu.memory_space<vmem>> -> memref<1x128xi32, #tpu.memory_space<vmem>>
          %dma_start3A_209 = tpu.memref_squeeze %dma_start3A_208 : memref<1x128xi32, #tpu.memory_space<vmem>> -> memref<128xi32, #tpu.memory_space<vmem>>
          %dma_start3A_210 = arith.constant 0 : i32
          %dma_start3A_211 = arith.constant 0 : i32
          %dma_start3A_212 = tpu.memref_slice %arg2[%dma_start3A_210, %dma_start3A_211] : memref<10000x128xf32, #tpu.memory_space<hbm>> -> memref<10000x128xf32, #tpu.memory_space<hbm>>
          tpu.enqueue_indirect_dma source(%dma_start3A_212 : memref<10000x128xf32, #tpu.memory_space<hbm>>) target(%arg10 : memref<128x128xf32, #tpu.memory_space<vmem>>) offsets(%dma_start3A_209 : memref<128xi32, #tpu.memory_space<vmem>>) semaphore(%arg12 : memref<!tpu.dma_semaphore, #tpu.memory_space<semaphore_mem>>)
        } else {
        }
        %mul3A_177 = arith.constant 2 : i32
        %mul3A_178 = arith.muli %mul3A_177, %scan3A_150 : i32
        %add3A_179 = arith.constant 1 : i32
        %add3A_180 = arith.addi %mul3A_178, %add3A_179 : i32
        %dma_wait3A_181 = arith.constant 0 : i32
        %dma_wait3A_182 = arith.constant 0 : i32
        %dma_wait3A_183 = tpu.memref_slice %arg2[%dma_wait3A_181, %dma_wait3A_182] : memref<10000x128xf32, #tpu.memory_space<hbm>> -> memref<128x128xf32, #tpu.memory_space<hbm>>
        %dma_wait3A_184 = arith.constant 0 : i32
        %dma_wait3A_185 = arith.constant 0 : i32
        %dma_wait3A_186 = tpu.memref_slice %arg2[%dma_wait3A_184, %dma_wait3A_185] : memref<10000x128xf32, #tpu.memory_space<hbm>> -> memref<128x128xf32, #tpu.memory_space<hbm>>
        tpu.wait_dma2 semaphore(%arg12 : memref<!tpu.dma_semaphore, #tpu.memory_space<semaphore_mem>>) src(%dma_wait3A_186 : memref<128x128xf32, #tpu.memory_space<hbm>>) dst(%arg10 : memref<128x128xf32, #tpu.memory_space<vmem>>)
        %dma_start3A_187 = arith.constant 0 : i32
        %dma_start3A_188 = tpu.memref_slice %arg8[%add3A_180, %dma_start3A_187] : memref<24x128xi32, #tpu.memory_space<vmem>> -> memref<1x128xi32, #tpu.memory_space<vmem>>
        %dma_start3A_189 = tpu.memref_squeeze %dma_start3A_188 : memref<1x128xi32, #tpu.memory_space<vmem>> -> memref<128xi32, #tpu.memory_space<vmem>>
        %dma_start3A_190 = arith.constant 0 : i32
        %dma_start3A_191 = arith.constant 0 : i32
        %dma_start3A_192 = tpu.memref_slice %arg11[%dma_start3A_190, %dma_start3A_191] : memref<10240x128xf32, #tpu.memory_space<vmem_shared>> -> memref<10240x128xf32, #tpu.memory_space<vmem_shared>>
        tpu.enqueue_indirect_dma source(%arg10 : memref<128x128xf32, #tpu.memory_space<vmem>>) target(%dma_start3A_192 : memref<10240x128xf32, #tpu.memory_space<vmem_shared>>) offsets(%dma_start3A_189 : memref<128xi32, #tpu.memory_space<vmem>>) semaphore(%arg13 : memref<!tpu.dma_semaphore, #tpu.memory_space<semaphore_mem>>) {add = true}
        %ge3A_193 = arith.constant 1 : i32
        %ge3A_194 = arith.cmpi sge, %add3A_180, %ge3A_193 : i32
        %convert_element_type3A_195 = arith.extui %ge3A_194 : i1 to i32
        %cond3A_196 = arith.constant 0 : i32
        %cond3A_197 = arith.cmpi ne, %convert_element_type3A_195, %cond3A_196 : i32
        scf.if %cond3A_197 {
          %dma_wait3A_205 = arith.constant 0 : i32
          %dma_wait3A_206 = arith.constant 0 : i32
          %dma_wait3A_207 = tpu.memref_slice %arg11[%dma_wait3A_205, %dma_wait3A_206] : memref<10240x128xf32, #tpu.memory_space<vmem_shared>> -> memref<128x128xf32, #tpu.memory_space<vmem_shared>>
          %dma_wait3A_208 = arith.constant 0 : i32
          %dma_wait3A_209 = arith.constant 0 : i32
          %dma_wait3A_210 = tpu.memref_slice %arg11[%dma_wait3A_208, %dma_wait3A_209] : memref<10240x128xf32, #tpu.memory_space<vmem_shared>> -> memref<128x128xf32, #tpu.memory_space<vmem_shared>>
          tpu.wait_dma2 semaphore(%arg13 : memref<!tpu.dma_semaphore, #tpu.memory_space<semaphore_mem>>) src(%arg9 : memref<128x128xf32, #tpu.memory_space<vmem>>) dst(%dma_wait3A_210 : memref<128x128xf32, #tpu.memory_space<vmem_shared>>)
        } else {
        }
        %add3A_198 = arith.constant 1 : i32
        %add3A_199 = arith.addi %add3A_180, %add3A_198 : i32
        %lt3A_200 = arith.constant 24 : i32
        %lt3A_201 = arith.cmpi slt, %add3A_199, %lt3A_200 : i32
        %convert_element_type3A_202 = arith.extui %lt3A_201 : i1 to i32
        %cond3A_203 = arith.constant 0 : i32
        %cond3A_204 = arith.cmpi ne, %convert_element_type3A_202, %cond3A_203 : i32
        scf.if %cond3A_204 {
          %add3A_205 = arith.constant 1 : i32
          %add3A_206 = arith.addi %add3A_180, %add3A_205 : i32
          %dma_start3A_207 = arith.constant 0 : i32
          %dma_start3A_208 = tpu.memref_slice %arg7[%add3A_206, %dma_start3A_207] : memref<24x128xi32, #tpu.memory_space<vmem>> -> memref<1x128xi32, #tpu.memory_space<vmem>>
          %dma_start3A_209 = tpu.memref_squeeze %dma_start3A_208 : memref<1x128xi32, #tpu.memory_space<vmem>> -> memref<128xi32, #tpu.memory_space<vmem>>
          %dma_start3A_210 = arith.constant 0 : i32
          %dma_start3A_211 = arith.constant 0 : i32
          %dma_start3A_212 = tpu.memref_slice %arg2[%dma_start3A_210, %dma_start3A_211] : memref<10000x128xf32, #tpu.memory_space<hbm>> -> memref<10000x128xf32, #tpu.memory_space<hbm>>
          tpu.enqueue_indirect_dma source(%dma_start3A_212 : memref<10000x128xf32, #tpu.memory_space<hbm>>) target(%arg9 : memref<128x128xf32, #tpu.memory_space<vmem>>) offsets(%dma_start3A_209 : memref<128xi32, #tpu.memory_space<vmem>>) semaphore(%arg12 : memref<!tpu.dma_semaphore, #tpu.memory_space<semaphore_mem>>)
        } else {
        }
      }
      %scan3A_74 = arith.constant 12 : i32
      %dma_wait3A_75 = arith.constant 0 : i32
      %dma_wait3A_76 = arith.constant 0 : i32
      %dma_wait3A_77 = tpu.memref_slice %arg11[%dma_wait3A_75, %dma_wait3A_76] : memref<10240x128xf32, #tpu.memory_space<vmem_shared>> -> memref<128x128xf32, #tpu.memory_space<vmem_shared>>
      %dma_wait3A_78 = arith.constant 0 : i32
      %dma_wait3A_79 = arith.constant 0 : i32
      %dma_wait3A_80 = tpu.memref_slice %arg11[%dma_wait3A_78, %dma_wait3A_79] : memref<10240x128xf32, #tpu.memory_space<vmem_shared>> -> memref<128x128xf32, #tpu.memory_space<vmem_shared>>
      tpu.wait_dma2 semaphore(%arg13 : memref<!tpu.dma_semaphore, #tpu.memory_space<semaphore_mem>>) src(%arg10 : memref<128x128xf32, #tpu.memory_space<vmem>>) dst(%dma_wait3A_80 : memref<128x128xf32, #tpu.memory_space<vmem_shared>>)
      %mul3A_81 = arith.constant 144 : i32
      %mul3A_82 = arith.muli %arg1, %mul3A_81 : i32
      %add3A_83 = arith.constant 72 : i32
      %add3A_84 = arith.addi %mul3A_82, %add3A_83 : i32
      "tpu.region"() ({
        %run_scoped3A = tpu.sem_alloc : memref<!tpu.dma_semaphore, #tpu.memory_space<semaphore_mem>>
        %dma_start3A_150 = arith.constant 0 : i32
        %dma_start3A_151 = arith.constant 0 : i32
        %dma_start3A_152 = tpu.memref_slice %arg7[%dma_start3A_150, %dma_start3A_151] : memref<24x128xi32, #tpu.memory_space<vmem>> -> memref<24x128xi32, #tpu.memory_space<vmem>>
        %dma_start3A_153 = arith.constant 0 : i32
        %dma_start3A_154 = tpu.memref_slice %arg3[%add3A_84, %dma_start3A_153] : memref<2560x128xi32, #tpu.memory_space<hbm>> -> memref<24x128xi32, #tpu.memory_space<hbm>>
        %dma_start3A_155 = arith.constant 0 : i32
        %dma_start3A_156 = arith.constant 0 : i32
        %dma_start3A_157 = tpu.memref_slice %arg7[%dma_start3A_155, %dma_start3A_156] : memref<24x128xi32, #tpu.memory_space<vmem>> -> memref<24x128xi32, #tpu.memory_space<vmem>>
        %dma_start3A_158 = arith.constant 0 : i32
        %dma_start3A_159 = tpu.memref_slice %arg3[%add3A_84, %dma_start3A_158] : memref<2560x128xi32, #tpu.memory_space<hbm>> -> memref<24x128xi32, #tpu.memory_space<hbm>>
        tpu.enqueue_dma source(%dma_start3A_159 : memref<24x128xi32, #tpu.memory_space<hbm>>) target(%dma_start3A_157 : memref<24x128xi32, #tpu.memory_space<vmem>>) target_semaphore(%run_scoped3A : memref<!tpu.dma_semaphore, #tpu.memory_space<semaphore_mem>>)
        %dma_wait3A_160 = arith.constant 0 : i32
        %dma_wait3A_161 = arith.constant 0 : i32
        %dma_wait3A_162 = tpu.memref_slice %arg7[%dma_wait3A_160, %dma_wait3A_161] : memref<24x128xi32, #tpu.memory_space<vmem>> -> memref<24x128xi32, #tpu.memory_space<vmem>>
        %dma_wait3A_163 = arith.constant 0 : i32
        %dma_wait3A_164 = tpu.memref_slice %arg3[%add3A_84, %dma_wait3A_163] : memref<2560x128xi32, #tpu.memory_space<hbm>> -> memref<24x128xi32, #tpu.memory_space<hbm>>
        %dma_wait3A_165 = arith.constant 0 : i32
        %dma_wait3A_166 = arith.constant 0 : i32
        %dma_wait3A_167 = tpu.memref_slice %arg7[%dma_wait3A_165, %dma_wait3A_166] : memref<24x128xi32, #tpu.memory_space<vmem>> -> memref<24x128xi32, #tpu.memory_space<vmem>>
        %dma_wait3A_168 = arith.constant 0 : i32
        %dma_wait3A_169 = tpu.memref_slice %arg3[%add3A_84, %dma_wait3A_168] : memref<2560x128xi32, #tpu.memory_space<hbm>> -> memref<24x128xi32, #tpu.memory_space<hbm>>
        tpu.wait_dma2 semaphore(%run_scoped3A : memref<!tpu.dma_semaphore, #tpu.memory_space<semaphore_mem>>) src(%dma_wait3A_169 : memref<24x128xi32, #tpu.memory_space<hbm>>) dst(%dma_wait3A_167 : memref<24x128xi32, #tpu.memory_space<vmem>>)
        tpu.yield
      }) : () -> ()
      "tpu.region"() ({
        %run_scoped3A = tpu.sem_alloc : memref<!tpu.dma_semaphore, #tpu.memory_space<semaphore_mem>>
        %dma_start3A_150 = arith.constant 0 : i32
        %dma_start3A_151 = arith.constant 0 : i32
        %dma_start3A_152 = tpu.memref_slice %arg8[%dma_start3A_150, %dma_start3A_151] : memref<24x128xi32, #tpu.memory_space<vmem>> -> memref<24x128xi32, #tpu.memory_space<vmem>>
        %dma_start3A_153 = arith.constant 0 : i32
        %dma_start3A_154 = tpu.memref_slice %arg4[%add3A_84, %dma_start3A_153] : memref<2560x128xi32, #tpu.memory_space<hbm>> -> memref<24x128xi32, #tpu.memory_space<hbm>>
        %dma_start3A_155 = arith.constant 0 : i32
        %dma_start3A_156 = arith.constant 0 : i32
        %dma_start3A_157 = tpu.memref_slice %arg8[%dma_start3A_155, %dma_start3A_156] : memref<24x128xi32, #tpu.memory_space<vmem>> -> memref<24x128xi32, #tpu.memory_space<vmem>>
        %dma_start3A_158 = arith.constant 0 : i32
        %dma_start3A_159 = tpu.memref_slice %arg4[%add3A_84, %dma_start3A_158] : memref<2560x128xi32, #tpu.memory_space<hbm>> -> memref<24x128xi32, #tpu.memory_space<hbm>>
        tpu.enqueue_dma source(%dma_start3A_159 : memref<24x128xi32, #tpu.memory_space<hbm>>) target(%dma_start3A_157 : memref<24x128xi32, #tpu.memory_space<vmem>>) target_semaphore(%run_scoped3A : memref<!tpu.dma_semaphore, #tpu.memory_space<semaphore_mem>>)
        %dma_wait3A_160 = arith.constant 0 : i32
        %dma_wait3A_161 = arith.constant 0 : i32
        %dma_wait3A_162 = tpu.memref_slice %arg8[%dma_wait3A_160, %dma_wait3A_161] : memref<24x128xi32, #tpu.memory_space<vmem>> -> memref<24x128xi32, #tpu.memory_space<vmem>>
        %dma_wait3A_163 = arith.constant 0 : i32
        %dma_wait3A_164 = tpu.memref_slice %arg4[%add3A_84, %dma_wait3A_163] : memref<2560x128xi32, #tpu.memory_space<hbm>> -> memref<24x128xi32, #tpu.memory_space<hbm>>
        %dma_wait3A_165 = arith.constant 0 : i32
        %dma_wait3A_166 = arith.constant 0 : i32
        %dma_wait3A_167 = tpu.memref_slice %arg8[%dma_wait3A_165, %dma_wait3A_166] : memref<24x128xi32, #tpu.memory_space<vmem>> -> memref<24x128xi32, #tpu.memory_space<vmem>>
        %dma_wait3A_168 = arith.constant 0 : i32
        %dma_wait3A_169 = tpu.memref_slice %arg4[%add3A_84, %dma_wait3A_168] : memref<2560x128xi32, #tpu.memory_space<hbm>> -> memref<24x128xi32, #tpu.memory_space<hbm>>
        tpu.wait_dma2 semaphore(%run_scoped3A : memref<!tpu.dma_semaphore, #tpu.memory_space<semaphore_mem>>) src(%dma_wait3A_169 : memref<24x128xi32, #tpu.memory_space<hbm>>) dst(%dma_wait3A_167 : memref<24x128xi32, #tpu.memory_space<vmem>>)
        tpu.yield
      }) : () -> ()
      %dma_start3A_85 = arith.constant 0 : i32
      %dma_start3A_86 = arith.constant 0 : i32
      %dma_start3A_87 = tpu.memref_slice %arg7[%dma_start3A_85, %dma_start3A_86] : memref<24x128xi32, #tpu.memory_space<vmem>> -> memref<1x128xi32, #tpu.memory_space<vmem>>
      %dma_start3A_88 = tpu.memref_squeeze %dma_start3A_87 : memref<1x128xi32, #tpu.memory_space<vmem>> -> memref<128xi32, #tpu.memory_space<vmem>>
      %dma_start3A_89 = arith.constant 0 : i32
      %dma_start3A_90 = arith.constant 0 : i32
      %dma_start3A_91 = tpu.memref_slice %arg2[%dma_start3A_89, %dma_start3A_90] : memref<10000x128xf32, #tpu.memory_space<hbm>> -> memref<10000x128xf32, #tpu.memory_space<hbm>>
      tpu.enqueue_indirect_dma source(%dma_start3A_91 : memref<10000x128xf32, #tpu.memory_space<hbm>>) target(%arg9 : memref<128x128xf32, #tpu.memory_space<vmem>>) offsets(%dma_start3A_88 : memref<128xi32, #tpu.memory_space<vmem>>) semaphore(%arg12 : memref<!tpu.dma_semaphore, #tpu.memory_space<semaphore_mem>>)
      %scan3A_92 = arith.constant 0 : i32
      %scan3A_93 = arith.constant 0 : i32
      %scan3A_94 = arith.constant 12 : i32
      %scan3A_95 = arith.addi %scan3A_93, %scan3A_94 : i32
      %scan3A_96 = arith.constant 1 : i32
      scf.for %scan3A_150 = %scan3A_93 to %scan3A_95 step %scan3A_96  : i32 {
        %mul3A_151 = arith.constant 2 : i32
        %mul3A_152 = arith.muli %mul3A_151, %scan3A_150 : i32
        %add3A_153 = arith.constant 0 : i32
        %add3A_154 = arith.addi %mul3A_152, %add3A_153 : i32
        %dma_wait3A_155 = arith.constant 0 : i32
        %dma_wait3A_156 = arith.constant 0 : i32
        %dma_wait3A_157 = tpu.memref_slice %arg2[%dma_wait3A_155, %dma_wait3A_156] : memref<10000x128xf32, #tpu.memory_space<hbm>> -> memref<128x128xf32, #tpu.memory_space<hbm>>
        %dma_wait3A_158 = arith.constant 0 : i32
        %dma_wait3A_159 = arith.constant 0 : i32
        %dma_wait3A_160 = tpu.memref_slice %arg2[%dma_wait3A_158, %dma_wait3A_159] : memref<10000x128xf32, #tpu.memory_space<hbm>> -> memref<128x128xf32, #tpu.memory_space<hbm>>
        tpu.wait_dma2 semaphore(%arg12 : memref<!tpu.dma_semaphore, #tpu.memory_space<semaphore_mem>>) src(%dma_wait3A_160 : memref<128x128xf32, #tpu.memory_space<hbm>>) dst(%arg9 : memref<128x128xf32, #tpu.memory_space<vmem>>)
        %dma_start3A_161 = arith.constant 0 : i32
        %dma_start3A_162 = tpu.memref_slice %arg8[%add3A_154, %dma_start3A_161] : memref<24x128xi32, #tpu.memory_space<vmem>> -> memref<1x128xi32, #tpu.memory_space<vmem>>
        %dma_start3A_163 = tpu.memref_squeeze %dma_start3A_162 : memref<1x128xi32, #tpu.memory_space<vmem>> -> memref<128xi32, #tpu.memory_space<vmem>>
        %dma_start3A_164 = arith.constant 0 : i32
        %dma_start3A_165 = arith.constant 0 : i32
        %dma_start3A_166 = tpu.memref_slice %arg11[%dma_start3A_164, %dma_start3A_165] : memref<10240x128xf32, #tpu.memory_space<vmem_shared>> -> memref<10240x128xf32, #tpu.memory_space<vmem_shared>>
        tpu.enqueue_indirect_dma source(%arg9 : memref<128x128xf32, #tpu.memory_space<vmem>>) target(%dma_start3A_166 : memref<10240x128xf32, #tpu.memory_space<vmem_shared>>) offsets(%dma_start3A_163 : memref<128xi32, #tpu.memory_space<vmem>>) semaphore(%arg13 : memref<!tpu.dma_semaphore, #tpu.memory_space<semaphore_mem>>) {add = true}
        %ge3A = arith.constant 1 : i32
        %ge3A_167 = arith.cmpi sge, %add3A_154, %ge3A : i32
        %convert_element_type3A_168 = arith.extui %ge3A_167 : i1 to i32
        %cond3A_169 = arith.constant 0 : i32
        %cond3A_170 = arith.cmpi ne, %convert_element_type3A_168, %cond3A_169 : i32
        scf.if %cond3A_170 {
          %dma_wait3A_205 = arith.constant 0 : i32
          %dma_wait3A_206 = arith.constant 0 : i32
          %dma_wait3A_207 = tpu.memref_slice %arg11[%dma_wait3A_205, %dma_wait3A_206] : memref<10240x128xf32, #tpu.memory_space<vmem_shared>> -> memref<128x128xf32, #tpu.memory_space<vmem_shared>>
          %dma_wait3A_208 = arith.constant 0 : i32
          %dma_wait3A_209 = arith.constant 0 : i32
          %dma_wait3A_210 = tpu.memref_slice %arg11[%dma_wait3A_208, %dma_wait3A_209] : memref<10240x128xf32, #tpu.memory_space<vmem_shared>> -> memref<128x128xf32, #tpu.memory_space<vmem_shared>>
          tpu.wait_dma2 semaphore(%arg13 : memref<!tpu.dma_semaphore, #tpu.memory_space<semaphore_mem>>) src(%arg10 : memref<128x128xf32, #tpu.memory_space<vmem>>) dst(%dma_wait3A_210 : memref<128x128xf32, #tpu.memory_space<vmem_shared>>)
        } else {
        }
        %add3A_171 = arith.constant 1 : i32
        %add3A_172 = arith.addi %add3A_154, %add3A_171 : i32
        %lt3A = arith.constant 24 : i32
        %lt3A_173 = arith.cmpi slt, %add3A_172, %lt3A : i32
        %convert_element_type3A_174 = arith.extui %lt3A_173 : i1 to i32
        %cond3A_175 = arith.constant 0 : i32
        %cond3A_176 = arith.cmpi ne, %convert_element_type3A_174, %cond3A_175 : i32
        scf.if %cond3A_176 {
          %add3A_205 = arith.constant 1 : i32
          %add3A_206 = arith.addi %add3A_154, %add3A_205 : i32
          %dma_start3A_207 = arith.constant 0 : i32
          %dma_start3A_208 = tpu.memref_slice %arg7[%add3A_206, %dma_start3A_207] : memref<24x128xi32, #tpu.memory_space<vmem>> -> memref<1x128xi32, #tpu.memory_space<vmem>>
          %dma_start3A_209 = tpu.memref_squeeze %dma_start3A_208 : memref<1x128xi32, #tpu.memory_space<vmem>> -> memref<128xi32, #tpu.memory_space<vmem>>
          %dma_start3A_210 = arith.constant 0 : i32
          %dma_start3A_211 = arith.constant 0 : i32
          %dma_start3A_212 = tpu.memref_slice %arg2[%dma_start3A_210, %dma_start3A_211] : memref<10000x128xf32, #tpu.memory_space<hbm>> -> memref<10000x128xf32, #tpu.memory_space<hbm>>
          tpu.enqueue_indirect_dma source(%dma_start3A_212 : memref<10000x128xf32, #tpu.memory_space<hbm>>) target(%arg10 : memref<128x128xf32, #tpu.memory_space<vmem>>) offsets(%dma_start3A_209 : memref<128xi32, #tpu.memory_space<vmem>>) semaphore(%arg12 : memref<!tpu.dma_semaphore, #tpu.memory_space<semaphore_mem>>)
        } else {
        }
        %mul3A_177 = arith.constant 2 : i32
        %mul3A_178 = arith.muli %mul3A_177, %scan3A_150 : i32
        %add3A_179 = arith.constant 1 : i32
        %add3A_180 = arith.addi %mul3A_178, %add3A_179 : i32
        %dma_wait3A_181 = arith.constant 0 : i32
        %dma_wait3A_182 = arith.constant 0 : i32
        %dma_wait3A_183 = tpu.memref_slice %arg2[%dma_wait3A_181, %dma_wait3A_182] : memref<10000x128xf32, #tpu.memory_space<hbm>> -> memref<128x128xf32, #tpu.memory_space<hbm>>
        %dma_wait3A_184 = arith.constant 0 : i32
        %dma_wait3A_185 = arith.constant 0 : i32
        %dma_wait3A_186 = tpu.memref_slice %arg2[%dma_wait3A_184, %dma_wait3A_185] : memref<10000x128xf32, #tpu.memory_space<hbm>> -> memref<128x128xf32, #tpu.memory_space<hbm>>
        tpu.wait_dma2 semaphore(%arg12 : memref<!tpu.dma_semaphore, #tpu.memory_space<semaphore_mem>>) src(%dma_wait3A_186 : memref<128x128xf32, #tpu.memory_space<hbm>>) dst(%arg10 : memref<128x128xf32, #tpu.memory_space<vmem>>)
        %dma_start3A_187 = arith.constant 0 : i32
        %dma_start3A_188 = tpu.memref_slice %arg8[%add3A_180, %dma_start3A_187] : memref<24x128xi32, #tpu.memory_space<vmem>> -> memref<1x128xi32, #tpu.memory_space<vmem>>
        %dma_start3A_189 = tpu.memref_squeeze %dma_start3A_188 : memref<1x128xi32, #tpu.memory_space<vmem>> -> memref<128xi32, #tpu.memory_space<vmem>>
        %dma_start3A_190 = arith.constant 0 : i32
        %dma_start3A_191 = arith.constant 0 : i32
        %dma_start3A_192 = tpu.memref_slice %arg11[%dma_start3A_190, %dma_start3A_191] : memref<10240x128xf32, #tpu.memory_space<vmem_shared>> -> memref<10240x128xf32, #tpu.memory_space<vmem_shared>>
        tpu.enqueue_indirect_dma source(%arg10 : memref<128x128xf32, #tpu.memory_space<vmem>>) target(%dma_start3A_192 : memref<10240x128xf32, #tpu.memory_space<vmem_shared>>) offsets(%dma_start3A_189 : memref<128xi32, #tpu.memory_space<vmem>>) semaphore(%arg13 : memref<!tpu.dma_semaphore, #tpu.memory_space<semaphore_mem>>) {add = true}
        %ge3A_193 = arith.constant 1 : i32
        %ge3A_194 = arith.cmpi sge, %add3A_180, %ge3A_193 : i32
        %convert_element_type3A_195 = arith.extui %ge3A_194 : i1 to i32
        %cond3A_196 = arith.constant 0 : i32
        %cond3A_197 = arith.cmpi ne, %convert_element_type3A_195, %cond3A_196 : i32
        scf.if %cond3A_197 {
          %dma_wait3A_205 = arith.constant 0 : i32
          %dma_wait3A_206 = arith.constant 0 : i32
          %dma_wait3A_207 = tpu.memref_slice %arg11[%dma_wait3A_205, %dma_wait3A_206] : memref<10240x128xf32, #tpu.memory_space<vmem_shared>> -> memref<128x128xf32, #tpu.memory_space<vmem_shared>>
          %dma_wait3A_208 = arith.constant 0 : i32
          %dma_wait3A_209 = arith.constant 0 : i32
          %dma_wait3A_210 = tpu.memref_slice %arg11[%dma_wait3A_208, %dma_wait3A_209] : memref<10240x128xf32, #tpu.memory_space<vmem_shared>> -> memref<128x128xf32, #tpu.memory_space<vmem_shared>>
          tpu.wait_dma2 semaphore(%arg13 : memref<!tpu.dma_semaphore, #tpu.memory_space<semaphore_mem>>) src(%arg9 : memref<128x128xf32, #tpu.memory_space<vmem>>) dst(%dma_wait3A_210 : memref<128x128xf32, #tpu.memory_space<vmem_shared>>)
        } else {
        }
        %add3A_198 = arith.constant 1 : i32
        %add3A_199 = arith.addi %add3A_180, %add3A_198 : i32
        %lt3A_200 = arith.constant 24 : i32
        %lt3A_201 = arith.cmpi slt, %add3A_199, %lt3A_200 : i32
        %convert_element_type3A_202 = arith.extui %lt3A_201 : i1 to i32
        %cond3A_203 = arith.constant 0 : i32
        %cond3A_204 = arith.cmpi ne, %convert_element_type3A_202, %cond3A_203 : i32
        scf.if %cond3A_204 {
          %add3A_205 = arith.constant 1 : i32
          %add3A_206 = arith.addi %add3A_180, %add3A_205 : i32
          %dma_start3A_207 = arith.constant 0 : i32
          %dma_start3A_208 = tpu.memref_slice %arg7[%add3A_206, %dma_start3A_207] : memref<24x128xi32, #tpu.memory_space<vmem>> -> memref<1x128xi32, #tpu.memory_space<vmem>>
          %dma_start3A_209 = tpu.memref_squeeze %dma_start3A_208 : memref<1x128xi32, #tpu.memory_space<vmem>> -> memref<128xi32, #tpu.memory_space<vmem>>
          %dma_start3A_210 = arith.constant 0 : i32
          %dma_start3A_211 = arith.constant 0 : i32
          %dma_start3A_212 = tpu.memref_slice %arg2[%dma_start3A_210, %dma_start3A_211] : memref<10000x128xf32, #tpu.memory_space<hbm>> -> memref<10000x128xf32, #tpu.memory_space<hbm>>
          tpu.enqueue_indirect_dma source(%dma_start3A_212 : memref<10000x128xf32, #tpu.memory_space<hbm>>) target(%arg9 : memref<128x128xf32, #tpu.memory_space<vmem>>) offsets(%dma_start3A_209 : memref<128xi32, #tpu.memory_space<vmem>>) semaphore(%arg12 : memref<!tpu.dma_semaphore, #tpu.memory_space<semaphore_mem>>)
        } else {
        }
      }
      %scan3A_97 = arith.constant 12 : i32
      %dma_wait3A_98 = arith.constant 0 : i32
      %dma_wait3A_99 = arith.constant 0 : i32
      %dma_wait3A_100 = tpu.memref_slice %arg11[%dma_wait3A_98, %dma_wait3A_99] : memref<10240x128xf32, #tpu.memory_space<vmem_shared>> -> memref<128x128xf32, #tpu.memory_space<vmem_shared>>
      %dma_wait3A_101 = arith.constant 0 : i32
      %dma_wait3A_102 = arith.constant 0 : i32
      %dma_wait3A_103 = tpu.memref_slice %arg11[%dma_wait3A_101, %dma_wait3A_102] : memref<10240x128xf32, #tpu.memory_space<vmem_shared>> -> memref<128x128xf32, #tpu.memory_space<vmem_shared>>
      tpu.wait_dma2 semaphore(%arg13 : memref<!tpu.dma_semaphore, #tpu.memory_space<semaphore_mem>>) src(%arg10 : memref<128x128xf32, #tpu.memory_space<vmem>>) dst(%dma_wait3A_103 : memref<128x128xf32, #tpu.memory_space<vmem_shared>>)
      %mul3A_104 = arith.constant 144 : i32
      %mul3A_105 = arith.muli %arg1, %mul3A_104 : i32
      %add3A_106 = arith.constant 96 : i32
      %add3A_107 = arith.addi %mul3A_105, %add3A_106 : i32
      "tpu.region"() ({
        %run_scoped3A = tpu.sem_alloc : memref<!tpu.dma_semaphore, #tpu.memory_space<semaphore_mem>>
        %dma_start3A_150 = arith.constant 0 : i32
        %dma_start3A_151 = arith.constant 0 : i32
        %dma_start3A_152 = tpu.memref_slice %arg7[%dma_start3A_150, %dma_start3A_151] : memref<24x128xi32, #tpu.memory_space<vmem>> -> memref<24x128xi32, #tpu.memory_space<vmem>>
        %dma_start3A_153 = arith.constant 0 : i32
        %dma_start3A_154 = tpu.memref_slice %arg3[%add3A_107, %dma_start3A_153] : memref<2560x128xi32, #tpu.memory_space<hbm>> -> memref<24x128xi32, #tpu.memory_space<hbm>>
        %dma_start3A_155 = arith.constant 0 : i32
        %dma_start3A_156 = arith.constant 0 : i32
        %dma_start3A_157 = tpu.memref_slice %arg7[%dma_start3A_155, %dma_start3A_156] : memref<24x128xi32, #tpu.memory_space<vmem>> -> memref<24x128xi32, #tpu.memory_space<vmem>>
        %dma_start3A_158 = arith.constant 0 : i32
        %dma_start3A_159 = tpu.memref_slice %arg3[%add3A_107, %dma_start3A_158] : memref<2560x128xi32, #tpu.memory_space<hbm>> -> memref<24x128xi32, #tpu.memory_space<hbm>>
        tpu.enqueue_dma source(%dma_start3A_159 : memref<24x128xi32, #tpu.memory_space<hbm>>) target(%dma_start3A_157 : memref<24x128xi32, #tpu.memory_space<vmem>>) target_semaphore(%run_scoped3A : memref<!tpu.dma_semaphore, #tpu.memory_space<semaphore_mem>>)
        %dma_wait3A_160 = arith.constant 0 : i32
        %dma_wait3A_161 = arith.constant 0 : i32
        %dma_wait3A_162 = tpu.memref_slice %arg7[%dma_wait3A_160, %dma_wait3A_161] : memref<24x128xi32, #tpu.memory_space<vmem>> -> memref<24x128xi32, #tpu.memory_space<vmem>>
        %dma_wait3A_163 = arith.constant 0 : i32
        %dma_wait3A_164 = tpu.memref_slice %arg3[%add3A_107, %dma_wait3A_163] : memref<2560x128xi32, #tpu.memory_space<hbm>> -> memref<24x128xi32, #tpu.memory_space<hbm>>
        %dma_wait3A_165 = arith.constant 0 : i32
        %dma_wait3A_166 = arith.constant 0 : i32
        %dma_wait3A_167 = tpu.memref_slice %arg7[%dma_wait3A_165, %dma_wait3A_166] : memref<24x128xi32, #tpu.memory_space<vmem>> -> memref<24x128xi32, #tpu.memory_space<vmem>>
        %dma_wait3A_168 = arith.constant 0 : i32
        %dma_wait3A_169 = tpu.memref_slice %arg3[%add3A_107, %dma_wait3A_168] : memref<2560x128xi32, #tpu.memory_space<hbm>> -> memref<24x128xi32, #tpu.memory_space<hbm>>
        tpu.wait_dma2 semaphore(%run_scoped3A : memref<!tpu.dma_semaphore, #tpu.memory_space<semaphore_mem>>) src(%dma_wait3A_169 : memref<24x128xi32, #tpu.memory_space<hbm>>) dst(%dma_wait3A_167 : memref<24x128xi32, #tpu.memory_space<vmem>>)
        tpu.yield
      }) : () -> ()
      "tpu.region"() ({
        %run_scoped3A = tpu.sem_alloc : memref<!tpu.dma_semaphore, #tpu.memory_space<semaphore_mem>>
        %dma_start3A_150 = arith.constant 0 : i32
        %dma_start3A_151 = arith.constant 0 : i32
        %dma_start3A_152 = tpu.memref_slice %arg8[%dma_start3A_150, %dma_start3A_151] : memref<24x128xi32, #tpu.memory_space<vmem>> -> memref<24x128xi32, #tpu.memory_space<vmem>>
        %dma_start3A_153 = arith.constant 0 : i32
        %dma_start3A_154 = tpu.memref_slice %arg4[%add3A_107, %dma_start3A_153] : memref<2560x128xi32, #tpu.memory_space<hbm>> -> memref<24x128xi32, #tpu.memory_space<hbm>>
        %dma_start3A_155 = arith.constant 0 : i32
        %dma_start3A_156 = arith.constant 0 : i32
        %dma_start3A_157 = tpu.memref_slice %arg8[%dma_start3A_155, %dma_start3A_156] : memref<24x128xi32, #tpu.memory_space<vmem>> -> memref<24x128xi32, #tpu.memory_space<vmem>>
        %dma_start3A_158 = arith.constant 0 : i32
        %dma_start3A_159 = tpu.memref_slice %arg4[%add3A_107, %dma_start3A_158] : memref<2560x128xi32, #tpu.memory_space<hbm>> -> memref<24x128xi32, #tpu.memory_space<hbm>>
        tpu.enqueue_dma source(%dma_start3A_159 : memref<24x128xi32, #tpu.memory_space<hbm>>) target(%dma_start3A_157 : memref<24x128xi32, #tpu.memory_space<vmem>>) target_semaphore(%run_scoped3A : memref<!tpu.dma_semaphore, #tpu.memory_space<semaphore_mem>>)
        %dma_wait3A_160 = arith.constant 0 : i32
        %dma_wait3A_161 = arith.constant 0 : i32
        %dma_wait3A_162 = tpu.memref_slice %arg8[%dma_wait3A_160, %dma_wait3A_161] : memref<24x128xi32, #tpu.memory_space<vmem>> -> memref<24x128xi32, #tpu.memory_space<vmem>>
        %dma_wait3A_163 = arith.constant 0 : i32
        %dma_wait3A_164 = tpu.memref_slice %arg4[%add3A_107, %dma_wait3A_163] : memref<2560x128xi32, #tpu.memory_space<hbm>> -> memref<24x128xi32, #tpu.memory_space<hbm>>
        %dma_wait3A_165 = arith.constant 0 : i32
        %dma_wait3A_166 = arith.constant 0 : i32
        %dma_wait3A_167 = tpu.memref_slice %arg8[%dma_wait3A_165, %dma_wait3A_166] : memref<24x128xi32, #tpu.memory_space<vmem>> -> memref<24x128xi32, #tpu.memory_space<vmem>>
        %dma_wait3A_168 = arith.constant 0 : i32
        %dma_wait3A_169 = tpu.memref_slice %arg4[%add3A_107, %dma_wait3A_168] : memref<2560x128xi32, #tpu.memory_space<hbm>> -> memref<24x128xi32, #tpu.memory_space<hbm>>
        tpu.wait_dma2 semaphore(%run_scoped3A : memref<!tpu.dma_semaphore, #tpu.memory_space<semaphore_mem>>) src(%dma_wait3A_169 : memref<24x128xi32, #tpu.memory_space<hbm>>) dst(%dma_wait3A_167 : memref<24x128xi32, #tpu.memory_space<vmem>>)
        tpu.yield
      }) : () -> ()
      %dma_start3A_108 = arith.constant 0 : i32
      %dma_start3A_109 = arith.constant 0 : i32
      %dma_start3A_110 = tpu.memref_slice %arg7[%dma_start3A_108, %dma_start3A_109] : memref<24x128xi32, #tpu.memory_space<vmem>> -> memref<1x128xi32, #tpu.memory_space<vmem>>
      %dma_start3A_111 = tpu.memref_squeeze %dma_start3A_110 : memref<1x128xi32, #tpu.memory_space<vmem>> -> memref<128xi32, #tpu.memory_space<vmem>>
      %dma_start3A_112 = arith.constant 0 : i32
      %dma_start3A_113 = arith.constant 0 : i32
      %dma_start3A_114 = tpu.memref_slice %arg2[%dma_start3A_112, %dma_start3A_113] : memref<10000x128xf32, #tpu.memory_space<hbm>> -> memref<10000x128xf32, #tpu.memory_space<hbm>>
      tpu.enqueue_indirect_dma source(%dma_start3A_114 : memref<10000x128xf32, #tpu.memory_space<hbm>>) target(%arg9 : memref<128x128xf32, #tpu.memory_space<vmem>>) offsets(%dma_start3A_111 : memref<128xi32, #tpu.memory_space<vmem>>) semaphore(%arg12 : memref<!tpu.dma_semaphore, #tpu.memory_space<semaphore_mem>>)
      %scan3A_115 = arith.constant 0 : i32
      %scan3A_116 = arith.constant 0 : i32
      %scan3A_117 = arith.constant 12 : i32
      %scan3A_118 = arith.addi %scan3A_116, %scan3A_117 : i32
      %scan3A_119 = arith.constant 1 : i32
      scf.for %scan3A_150 = %scan3A_116 to %scan3A_118 step %scan3A_119  : i32 {
        %mul3A_151 = arith.constant 2 : i32
        %mul3A_152 = arith.muli %mul3A_151, %scan3A_150 : i32
        %add3A_153 = arith.constant 0 : i32
        %add3A_154 = arith.addi %mul3A_152, %add3A_153 : i32
        %dma_wait3A_155 = arith.constant 0 : i32
        %dma_wait3A_156 = arith.constant 0 : i32
        %dma_wait3A_157 = tpu.memref_slice %arg2[%dma_wait3A_155, %dma_wait3A_156] : memref<10000x128xf32, #tpu.memory_space<hbm>> -> memref<128x128xf32, #tpu.memory_space<hbm>>
        %dma_wait3A_158 = arith.constant 0 : i32
        %dma_wait3A_159 = arith.constant 0 : i32
        %dma_wait3A_160 = tpu.memref_slice %arg2[%dma_wait3A_158, %dma_wait3A_159] : memref<10000x128xf32, #tpu.memory_space<hbm>> -> memref<128x128xf32, #tpu.memory_space<hbm>>
        tpu.wait_dma2 semaphore(%arg12 : memref<!tpu.dma_semaphore, #tpu.memory_space<semaphore_mem>>) src(%dma_wait3A_160 : memref<128x128xf32, #tpu.memory_space<hbm>>) dst(%arg9 : memref<128x128xf32, #tpu.memory_space<vmem>>)
        %dma_start3A_161 = arith.constant 0 : i32
        %dma_start3A_162 = tpu.memref_slice %arg8[%add3A_154, %dma_start3A_161] : memref<24x128xi32, #tpu.memory_space<vmem>> -> memref<1x128xi32, #tpu.memory_space<vmem>>
        %dma_start3A_163 = tpu.memref_squeeze %dma_start3A_162 : memref<1x128xi32, #tpu.memory_space<vmem>> -> memref<128xi32, #tpu.memory_space<vmem>>
        %dma_start3A_164 = arith.constant 0 : i32
        %dma_start3A_165 = arith.constant 0 : i32
        %dma_start3A_166 = tpu.memref_slice %arg11[%dma_start3A_164, %dma_start3A_165] : memref<10240x128xf32, #tpu.memory_space<vmem_shared>> -> memref<10240x128xf32, #tpu.memory_space<vmem_shared>>
        tpu.enqueue_indirect_dma source(%arg9 : memref<128x128xf32, #tpu.memory_space<vmem>>) target(%dma_start3A_166 : memref<10240x128xf32, #tpu.memory_space<vmem_shared>>) offsets(%dma_start3A_163 : memref<128xi32, #tpu.memory_space<vmem>>) semaphore(%arg13 : memref<!tpu.dma_semaphore, #tpu.memory_space<semaphore_mem>>) {add = true}
        %ge3A = arith.constant 1 : i32
        %ge3A_167 = arith.cmpi sge, %add3A_154, %ge3A : i32
        %convert_element_type3A_168 = arith.extui %ge3A_167 : i1 to i32
        %cond3A_169 = arith.constant 0 : i32
        %cond3A_170 = arith.cmpi ne, %convert_element_type3A_168, %cond3A_169 : i32
        scf.if %cond3A_170 {
          %dma_wait3A_205 = arith.constant 0 : i32
          %dma_wait3A_206 = arith.constant 0 : i32
          %dma_wait3A_207 = tpu.memref_slice %arg11[%dma_wait3A_205, %dma_wait3A_206] : memref<10240x128xf32, #tpu.memory_space<vmem_shared>> -> memref<128x128xf32, #tpu.memory_space<vmem_shared>>
          %dma_wait3A_208 = arith.constant 0 : i32
          %dma_wait3A_209 = arith.constant 0 : i32
          %dma_wait3A_210 = tpu.memref_slice %arg11[%dma_wait3A_208, %dma_wait3A_209] : memref<10240x128xf32, #tpu.memory_space<vmem_shared>> -> memref<128x128xf32, #tpu.memory_space<vmem_shared>>
          tpu.wait_dma2 semaphore(%arg13 : memref<!tpu.dma_semaphore, #tpu.memory_space<semaphore_mem>>) src(%arg10 : memref<128x128xf32, #tpu.memory_space<vmem>>) dst(%dma_wait3A_210 : memref<128x128xf32, #tpu.memory_space<vmem_shared>>)
        } else {
        }
        %add3A_171 = arith.constant 1 : i32
        %add3A_172 = arith.addi %add3A_154, %add3A_171 : i32
        %lt3A = arith.constant 24 : i32
        %lt3A_173 = arith.cmpi slt, %add3A_172, %lt3A : i32
        %convert_element_type3A_174 = arith.extui %lt3A_173 : i1 to i32
        %cond3A_175 = arith.constant 0 : i32
        %cond3A_176 = arith.cmpi ne, %convert_element_type3A_174, %cond3A_175 : i32
        scf.if %cond3A_176 {
          %add3A_205 = arith.constant 1 : i32
          %add3A_206 = arith.addi %add3A_154, %add3A_205 : i32
          %dma_start3A_207 = arith.constant 0 : i32
          %dma_start3A_208 = tpu.memref_slice %arg7[%add3A_206, %dma_start3A_207] : memref<24x128xi32, #tpu.memory_space<vmem>> -> memref<1x128xi32, #tpu.memory_space<vmem>>
          %dma_start3A_209 = tpu.memref_squeeze %dma_start3A_208 : memref<1x128xi32, #tpu.memory_space<vmem>> -> memref<128xi32, #tpu.memory_space<vmem>>
          %dma_start3A_210 = arith.constant 0 : i32
          %dma_start3A_211 = arith.constant 0 : i32
          %dma_start3A_212 = tpu.memref_slice %arg2[%dma_start3A_210, %dma_start3A_211] : memref<10000x128xf32, #tpu.memory_space<hbm>> -> memref<10000x128xf32, #tpu.memory_space<hbm>>
          tpu.enqueue_indirect_dma source(%dma_start3A_212 : memref<10000x128xf32, #tpu.memory_space<hbm>>) target(%arg10 : memref<128x128xf32, #tpu.memory_space<vmem>>) offsets(%dma_start3A_209 : memref<128xi32, #tpu.memory_space<vmem>>) semaphore(%arg12 : memref<!tpu.dma_semaphore, #tpu.memory_space<semaphore_mem>>)
        } else {
        }
        %mul3A_177 = arith.constant 2 : i32
        %mul3A_178 = arith.muli %mul3A_177, %scan3A_150 : i32
        %add3A_179 = arith.constant 1 : i32
        %add3A_180 = arith.addi %mul3A_178, %add3A_179 : i32
        %dma_wait3A_181 = arith.constant 0 : i32
        %dma_wait3A_182 = arith.constant 0 : i32
        %dma_wait3A_183 = tpu.memref_slice %arg2[%dma_wait3A_181, %dma_wait3A_182] : memref<10000x128xf32, #tpu.memory_space<hbm>> -> memref<128x128xf32, #tpu.memory_space<hbm>>
        %dma_wait3A_184 = arith.constant 0 : i32
        %dma_wait3A_185 = arith.constant 0 : i32
        %dma_wait3A_186 = tpu.memref_slice %arg2[%dma_wait3A_184, %dma_wait3A_185] : memref<10000x128xf32, #tpu.memory_space<hbm>> -> memref<128x128xf32, #tpu.memory_space<hbm>>
        tpu.wait_dma2 semaphore(%arg12 : memref<!tpu.dma_semaphore, #tpu.memory_space<semaphore_mem>>) src(%dma_wait3A_186 : memref<128x128xf32, #tpu.memory_space<hbm>>) dst(%arg10 : memref<128x128xf32, #tpu.memory_space<vmem>>)
        %dma_start3A_187 = arith.constant 0 : i32
        %dma_start3A_188 = tpu.memref_slice %arg8[%add3A_180, %dma_start3A_187] : memref<24x128xi32, #tpu.memory_space<vmem>> -> memref<1x128xi32, #tpu.memory_space<vmem>>
        %dma_start3A_189 = tpu.memref_squeeze %dma_start3A_188 : memref<1x128xi32, #tpu.memory_space<vmem>> -> memref<128xi32, #tpu.memory_space<vmem>>
        %dma_start3A_190 = arith.constant 0 : i32
        %dma_start3A_191 = arith.constant 0 : i32
        %dma_start3A_192 = tpu.memref_slice %arg11[%dma_start3A_190, %dma_start3A_191] : memref<10240x128xf32, #tpu.memory_space<vmem_shared>> -> memref<10240x128xf32, #tpu.memory_space<vmem_shared>>
        tpu.enqueue_indirect_dma source(%arg10 : memref<128x128xf32, #tpu.memory_space<vmem>>) target(%dma_start3A_192 : memref<10240x128xf32, #tpu.memory_space<vmem_shared>>) offsets(%dma_start3A_189 : memref<128xi32, #tpu.memory_space<vmem>>) semaphore(%arg13 : memref<!tpu.dma_semaphore, #tpu.memory_space<semaphore_mem>>) {add = true}
        %ge3A_193 = arith.constant 1 : i32
        %ge3A_194 = arith.cmpi sge, %add3A_180, %ge3A_193 : i32
        %convert_element_type3A_195 = arith.extui %ge3A_194 : i1 to i32
        %cond3A_196 = arith.constant 0 : i32
        %cond3A_197 = arith.cmpi ne, %convert_element_type3A_195, %cond3A_196 : i32
        scf.if %cond3A_197 {
          %dma_wait3A_205 = arith.constant 0 : i32
          %dma_wait3A_206 = arith.constant 0 : i32
          %dma_wait3A_207 = tpu.memref_slice %arg11[%dma_wait3A_205, %dma_wait3A_206] : memref<10240x128xf32, #tpu.memory_space<vmem_shared>> -> memref<128x128xf32, #tpu.memory_space<vmem_shared>>
          %dma_wait3A_208 = arith.constant 0 : i32
          %dma_wait3A_209 = arith.constant 0 : i32
          %dma_wait3A_210 = tpu.memref_slice %arg11[%dma_wait3A_208, %dma_wait3A_209] : memref<10240x128xf32, #tpu.memory_space<vmem_shared>> -> memref<128x128xf32, #tpu.memory_space<vmem_shared>>
          tpu.wait_dma2 semaphore(%arg13 : memref<!tpu.dma_semaphore, #tpu.memory_space<semaphore_mem>>) src(%arg9 : memref<128x128xf32, #tpu.memory_space<vmem>>) dst(%dma_wait3A_210 : memref<128x128xf32, #tpu.memory_space<vmem_shared>>)
        } else {
        }
        %add3A_198 = arith.constant 1 : i32
        %add3A_199 = arith.addi %add3A_180, %add3A_198 : i32
        %lt3A_200 = arith.constant 24 : i32
        %lt3A_201 = arith.cmpi slt, %add3A_199, %lt3A_200 : i32
        %convert_element_type3A_202 = arith.extui %lt3A_201 : i1 to i32
        %cond3A_203 = arith.constant 0 : i32
        %cond3A_204 = arith.cmpi ne, %convert_element_type3A_202, %cond3A_203 : i32
        scf.if %cond3A_204 {
          %add3A_205 = arith.constant 1 : i32
          %add3A_206 = arith.addi %add3A_180, %add3A_205 : i32
          %dma_start3A_207 = arith.constant 0 : i32
          %dma_start3A_208 = tpu.memref_slice %arg7[%add3A_206, %dma_start3A_207] : memref<24x128xi32, #tpu.memory_space<vmem>> -> memref<1x128xi32, #tpu.memory_space<vmem>>
          %dma_start3A_209 = tpu.memref_squeeze %dma_start3A_208 : memref<1x128xi32, #tpu.memory_space<vmem>> -> memref<128xi32, #tpu.memory_space<vmem>>
          %dma_start3A_210 = arith.constant 0 : i32
          %dma_start3A_211 = arith.constant 0 : i32
          %dma_start3A_212 = tpu.memref_slice %arg2[%dma_start3A_210, %dma_start3A_211] : memref<10000x128xf32, #tpu.memory_space<hbm>> -> memref<10000x128xf32, #tpu.memory_space<hbm>>
          tpu.enqueue_indirect_dma source(%dma_start3A_212 : memref<10000x128xf32, #tpu.memory_space<hbm>>) target(%arg9 : memref<128x128xf32, #tpu.memory_space<vmem>>) offsets(%dma_start3A_209 : memref<128xi32, #tpu.memory_space<vmem>>) semaphore(%arg12 : memref<!tpu.dma_semaphore, #tpu.memory_space<semaphore_mem>>)
        } else {
        }
      }
      %scan3A_120 = arith.constant 12 : i32
      %dma_wait3A_121 = arith.constant 0 : i32
      %dma_wait3A_122 = arith.constant 0 : i32
      %dma_wait3A_123 = tpu.memref_slice %arg11[%dma_wait3A_121, %dma_wait3A_122] : memref<10240x128xf32, #tpu.memory_space<vmem_shared>> -> memref<128x128xf32, #tpu.memory_space<vmem_shared>>
      %dma_wait3A_124 = arith.constant 0 : i32
      %dma_wait3A_125 = arith.constant 0 : i32
      %dma_wait3A_126 = tpu.memref_slice %arg11[%dma_wait3A_124, %dma_wait3A_125] : memref<10240x128xf32, #tpu.memory_space<vmem_shared>> -> memref<128x128xf32, #tpu.memory_space<vmem_shared>>
      tpu.wait_dma2 semaphore(%arg13 : memref<!tpu.dma_semaphore, #tpu.memory_space<semaphore_mem>>) src(%arg10 : memref<128x128xf32, #tpu.memory_space<vmem>>) dst(%dma_wait3A_126 : memref<128x128xf32, #tpu.memory_space<vmem_shared>>)
      %mul3A_127 = arith.constant 144 : i32
      %mul3A_128 = arith.muli %arg1, %mul3A_127 : i32
      %add3A_129 = arith.constant 120 : i32
      %add3A_130 = arith.addi %mul3A_128, %add3A_129 : i32
      "tpu.region"() ({
        %run_scoped3A = tpu.sem_alloc : memref<!tpu.dma_semaphore, #tpu.memory_space<semaphore_mem>>
        %dma_start3A_150 = arith.constant 0 : i32
        %dma_start3A_151 = arith.constant 0 : i32
        %dma_start3A_152 = tpu.memref_slice %arg7[%dma_start3A_150, %dma_start3A_151] : memref<24x128xi32, #tpu.memory_space<vmem>> -> memref<24x128xi32, #tpu.memory_space<vmem>>
        %dma_start3A_153 = arith.constant 0 : i32
        %dma_start3A_154 = tpu.memref_slice %arg3[%add3A_130, %dma_start3A_153] : memref<2560x128xi32, #tpu.memory_space<hbm>> -> memref<24x128xi32, #tpu.memory_space<hbm>>
        %dma_start3A_155 = arith.constant 0 : i32
        %dma_start3A_156 = arith.constant 0 : i32
        %dma_start3A_157 = tpu.memref_slice %arg7[%dma_start3A_155, %dma_start3A_156] : memref<24x128xi32, #tpu.memory_space<vmem>> -> memref<24x128xi32, #tpu.memory_space<vmem>>
        %dma_start3A_158 = arith.constant 0 : i32
        %dma_start3A_159 = tpu.memref_slice %arg3[%add3A_130, %dma_start3A_158] : memref<2560x128xi32, #tpu.memory_space<hbm>> -> memref<24x128xi32, #tpu.memory_space<hbm>>
        tpu.enqueue_dma source(%dma_start3A_159 : memref<24x128xi32, #tpu.memory_space<hbm>>) target(%dma_start3A_157 : memref<24x128xi32, #tpu.memory_space<vmem>>) target_semaphore(%run_scoped3A : memref<!tpu.dma_semaphore, #tpu.memory_space<semaphore_mem>>)
        %dma_wait3A_160 = arith.constant 0 : i32
        %dma_wait3A_161 = arith.constant 0 : i32
        %dma_wait3A_162 = tpu.memref_slice %arg7[%dma_wait3A_160, %dma_wait3A_161] : memref<24x128xi32, #tpu.memory_space<vmem>> -> memref<24x128xi32, #tpu.memory_space<vmem>>
        %dma_wait3A_163 = arith.constant 0 : i32
        %dma_wait3A_164 = tpu.memref_slice %arg3[%add3A_130, %dma_wait3A_163] : memref<2560x128xi32, #tpu.memory_space<hbm>> -> memref<24x128xi32, #tpu.memory_space<hbm>>
        %dma_wait3A_165 = arith.constant 0 : i32
        %dma_wait3A_166 = arith.constant 0 : i32
        %dma_wait3A_167 = tpu.memref_slice %arg7[%dma_wait3A_165, %dma_wait3A_166] : memref<24x128xi32, #tpu.memory_space<vmem>> -> memref<24x128xi32, #tpu.memory_space<vmem>>
        %dma_wait3A_168 = arith.constant 0 : i32
        %dma_wait3A_169 = tpu.memref_slice %arg3[%add3A_130, %dma_wait3A_168] : memref<2560x128xi32, #tpu.memory_space<hbm>> -> memref<24x128xi32, #tpu.memory_space<hbm>>
        tpu.wait_dma2 semaphore(%run_scoped3A : memref<!tpu.dma_semaphore, #tpu.memory_space<semaphore_mem>>) src(%dma_wait3A_169 : memref<24x128xi32, #tpu.memory_space<hbm>>) dst(%dma_wait3A_167 : memref<24x128xi32, #tpu.memory_space<vmem>>)
        tpu.yield
      }) : () -> ()
      "tpu.region"() ({
        %run_scoped3A = tpu.sem_alloc : memref<!tpu.dma_semaphore, #tpu.memory_space<semaphore_mem>>
        %dma_start3A_150 = arith.constant 0 : i32
        %dma_start3A_151 = arith.constant 0 : i32
        %dma_start3A_152 = tpu.memref_slice %arg8[%dma_start3A_150, %dma_start3A_151] : memref<24x128xi32, #tpu.memory_space<vmem>> -> memref<24x128xi32, #tpu.memory_space<vmem>>
        %dma_start3A_153 = arith.constant 0 : i32
        %dma_start3A_154 = tpu.memref_slice %arg4[%add3A_130, %dma_start3A_153] : memref<2560x128xi32, #tpu.memory_space<hbm>> -> memref<24x128xi32, #tpu.memory_space<hbm>>
        %dma_start3A_155 = arith.constant 0 : i32
        %dma_start3A_156 = arith.constant 0 : i32
        %dma_start3A_157 = tpu.memref_slice %arg8[%dma_start3A_155, %dma_start3A_156] : memref<24x128xi32, #tpu.memory_space<vmem>> -> memref<24x128xi32, #tpu.memory_space<vmem>>
        %dma_start3A_158 = arith.constant 0 : i32
        %dma_start3A_159 = tpu.memref_slice %arg4[%add3A_130, %dma_start3A_158] : memref<2560x128xi32, #tpu.memory_space<hbm>> -> memref<24x128xi32, #tpu.memory_space<hbm>>
        tpu.enqueue_dma source(%dma_start3A_159 : memref<24x128xi32, #tpu.memory_space<hbm>>) target(%dma_start3A_157 : memref<24x128xi32, #tpu.memory_space<vmem>>) target_semaphore(%run_scoped3A : memref<!tpu.dma_semaphore, #tpu.memory_space<semaphore_mem>>)
        %dma_wait3A_160 = arith.constant 0 : i32
        %dma_wait3A_161 = arith.constant 0 : i32
        %dma_wait3A_162 = tpu.memref_slice %arg8[%dma_wait3A_160, %dma_wait3A_161] : memref<24x128xi32, #tpu.memory_space<vmem>> -> memref<24x128xi32, #tpu.memory_space<vmem>>
        %dma_wait3A_163 = arith.constant 0 : i32
        %dma_wait3A_164 = tpu.memref_slice %arg4[%add3A_130, %dma_wait3A_163] : memref<2560x128xi32, #tpu.memory_space<hbm>> -> memref<24x128xi32, #tpu.memory_space<hbm>>
        %dma_wait3A_165 = arith.constant 0 : i32
        %dma_wait3A_166 = arith.constant 0 : i32
        %dma_wait3A_167 = tpu.memref_slice %arg8[%dma_wait3A_165, %dma_wait3A_166] : memref<24x128xi32, #tpu.memory_space<vmem>> -> memref<24x128xi32, #tpu.memory_space<vmem>>
        %dma_wait3A_168 = arith.constant 0 : i32
        %dma_wait3A_169 = tpu.memref_slice %arg4[%add3A_130, %dma_wait3A_168] : memref<2560x128xi32, #tpu.memory_space<hbm>> -> memref<24x128xi32, #tpu.memory_space<hbm>>
        tpu.wait_dma2 semaphore(%run_scoped3A : memref<!tpu.dma_semaphore, #tpu.memory_space<semaphore_mem>>) src(%dma_wait3A_169 : memref<24x128xi32, #tpu.memory_space<hbm>>) dst(%dma_wait3A_167 : memref<24x128xi32, #tpu.memory_space<vmem>>)
        tpu.yield
      }) : () -> ()
      %dma_start3A_131 = arith.constant 0 : i32
      %dma_start3A_132 = arith.constant 0 : i32
      %dma_start3A_133 = tpu.memref_slice %arg7[%dma_start3A_131, %dma_start3A_132] : memref<24x128xi32, #tpu.memory_space<vmem>> -> memref<1x128xi32, #tpu.memory_space<vmem>>
      %dma_start3A_134 = tpu.memref_squeeze %dma_start3A_133 : memref<1x128xi32, #tpu.memory_space<vmem>> -> memref<128xi32, #tpu.memory_space<vmem>>
      %dma_start3A_135 = arith.constant 0 : i32
      %dma_start3A_136 = arith.constant 0 : i32
      %dma_start3A_137 = tpu.memref_slice %arg2[%dma_start3A_135, %dma_start3A_136] : memref<10000x128xf32, #tpu.memory_space<hbm>> -> memref<10000x128xf32, #tpu.memory_space<hbm>>
      tpu.enqueue_indirect_dma source(%dma_start3A_137 : memref<10000x128xf32, #tpu.memory_space<hbm>>) target(%arg9 : memref<128x128xf32, #tpu.memory_space<vmem>>) offsets(%dma_start3A_134 : memref<128xi32, #tpu.memory_space<vmem>>) semaphore(%arg12 : memref<!tpu.dma_semaphore, #tpu.memory_space<semaphore_mem>>)
      %scan3A_138 = arith.constant 0 : i32
      %scan3A_139 = arith.constant 0 : i32
      %scan3A_140 = arith.constant 12 : i32
      %scan3A_141 = arith.addi %scan3A_139, %scan3A_140 : i32
      %scan3A_142 = arith.constant 1 : i32
      scf.for %scan3A_150 = %scan3A_139 to %scan3A_141 step %scan3A_142  : i32 {
        %mul3A_151 = arith.constant 2 : i32
        %mul3A_152 = arith.muli %mul3A_151, %scan3A_150 : i32
        %add3A_153 = arith.constant 0 : i32
        %add3A_154 = arith.addi %mul3A_152, %add3A_153 : i32
        %dma_wait3A_155 = arith.constant 0 : i32
        %dma_wait3A_156 = arith.constant 0 : i32
        %dma_wait3A_157 = tpu.memref_slice %arg2[%dma_wait3A_155, %dma_wait3A_156] : memref<10000x128xf32, #tpu.memory_space<hbm>> -> memref<128x128xf32, #tpu.memory_space<hbm>>
        %dma_wait3A_158 = arith.constant 0 : i32
        %dma_wait3A_159 = arith.constant 0 : i32
        %dma_wait3A_160 = tpu.memref_slice %arg2[%dma_wait3A_158, %dma_wait3A_159] : memref<10000x128xf32, #tpu.memory_space<hbm>> -> memref<128x128xf32, #tpu.memory_space<hbm>>
        tpu.wait_dma2 semaphore(%arg12 : memref<!tpu.dma_semaphore, #tpu.memory_space<semaphore_mem>>) src(%dma_wait3A_160 : memref<128x128xf32, #tpu.memory_space<hbm>>) dst(%arg9 : memref<128x128xf32, #tpu.memory_space<vmem>>)
        %dma_start3A_161 = arith.constant 0 : i32
        %dma_start3A_162 = tpu.memref_slice %arg8[%add3A_154, %dma_start3A_161] : memref<24x128xi32, #tpu.memory_space<vmem>> -> memref<1x128xi32, #tpu.memory_space<vmem>>
        %dma_start3A_163 = tpu.memref_squeeze %dma_start3A_162 : memref<1x128xi32, #tpu.memory_space<vmem>> -> memref<128xi32, #tpu.memory_space<vmem>>
        %dma_start3A_164 = arith.constant 0 : i32
        %dma_start3A_165 = arith.constant 0 : i32
        %dma_start3A_166 = tpu.memref_slice %arg11[%dma_start3A_164, %dma_start3A_165] : memref<10240x128xf32, #tpu.memory_space<vmem_shared>> -> memref<10240x128xf32, #tpu.memory_space<vmem_shared>>
        tpu.enqueue_indirect_dma source(%arg9 : memref<128x128xf32, #tpu.memory_space<vmem>>) target(%dma_start3A_166 : memref<10240x128xf32, #tpu.memory_space<vmem_shared>>) offsets(%dma_start3A_163 : memref<128xi32, #tpu.memory_space<vmem>>) semaphore(%arg13 : memref<!tpu.dma_semaphore, #tpu.memory_space<semaphore_mem>>) {add = true}
        %ge3A = arith.constant 1 : i32
        %ge3A_167 = arith.cmpi sge, %add3A_154, %ge3A : i32
        %convert_element_type3A_168 = arith.extui %ge3A_167 : i1 to i32
        %cond3A_169 = arith.constant 0 : i32
        %cond3A_170 = arith.cmpi ne, %convert_element_type3A_168, %cond3A_169 : i32
        scf.if %cond3A_170 {
          %dma_wait3A_205 = arith.constant 0 : i32
          %dma_wait3A_206 = arith.constant 0 : i32
          %dma_wait3A_207 = tpu.memref_slice %arg11[%dma_wait3A_205, %dma_wait3A_206] : memref<10240x128xf32, #tpu.memory_space<vmem_shared>> -> memref<128x128xf32, #tpu.memory_space<vmem_shared>>
          %dma_wait3A_208 = arith.constant 0 : i32
          %dma_wait3A_209 = arith.constant 0 : i32
          %dma_wait3A_210 = tpu.memref_slice %arg11[%dma_wait3A_208, %dma_wait3A_209] : memref<10240x128xf32, #tpu.memory_space<vmem_shared>> -> memref<128x128xf32, #tpu.memory_space<vmem_shared>>
          tpu.wait_dma2 semaphore(%arg13 : memref<!tpu.dma_semaphore, #tpu.memory_space<semaphore_mem>>) src(%arg10 : memref<128x128xf32, #tpu.memory_space<vmem>>) dst(%dma_wait3A_210 : memref<128x128xf32, #tpu.memory_space<vmem_shared>>)
        } else {
        }
        %add3A_171 = arith.constant 1 : i32
        %add3A_172 = arith.addi %add3A_154, %add3A_171 : i32
        %lt3A = arith.constant 24 : i32
        %lt3A_173 = arith.cmpi slt, %add3A_172, %lt3A : i32
        %convert_element_type3A_174 = arith.extui %lt3A_173 : i1 to i32
        %cond3A_175 = arith.constant 0 : i32
        %cond3A_176 = arith.cmpi ne, %convert_element_type3A_174, %cond3A_175 : i32
        scf.if %cond3A_176 {
          %add3A_205 = arith.constant 1 : i32
          %add3A_206 = arith.addi %add3A_154, %add3A_205 : i32
          %dma_start3A_207 = arith.constant 0 : i32
          %dma_start3A_208 = tpu.memref_slice %arg7[%add3A_206, %dma_start3A_207] : memref<24x128xi32, #tpu.memory_space<vmem>> -> memref<1x128xi32, #tpu.memory_space<vmem>>
          %dma_start3A_209 = tpu.memref_squeeze %dma_start3A_208 : memref<1x128xi32, #tpu.memory_space<vmem>> -> memref<128xi32, #tpu.memory_space<vmem>>
          %dma_start3A_210 = arith.constant 0 : i32
          %dma_start3A_211 = arith.constant 0 : i32
          %dma_start3A_212 = tpu.memref_slice %arg2[%dma_start3A_210, %dma_start3A_211] : memref<10000x128xf32, #tpu.memory_space<hbm>> -> memref<10000x128xf32, #tpu.memory_space<hbm>>
          tpu.enqueue_indirect_dma source(%dma_start3A_212 : memref<10000x128xf32, #tpu.memory_space<hbm>>) target(%arg10 : memref<128x128xf32, #tpu.memory_space<vmem>>) offsets(%dma_start3A_209 : memref<128xi32, #tpu.memory_space<vmem>>) semaphore(%arg12 : memref<!tpu.dma_semaphore, #tpu.memory_space<semaphore_mem>>)
        } else {
        }
        %mul3A_177 = arith.constant 2 : i32
        %mul3A_178 = arith.muli %mul3A_177, %scan3A_150 : i32
        %add3A_179 = arith.constant 1 : i32
        %add3A_180 = arith.addi %mul3A_178, %add3A_179 : i32
        %dma_wait3A_181 = arith.constant 0 : i32
        %dma_wait3A_182 = arith.constant 0 : i32
        %dma_wait3A_183 = tpu.memref_slice %arg2[%dma_wait3A_181, %dma_wait3A_182] : memref<10000x128xf32, #tpu.memory_space<hbm>> -> memref<128x128xf32, #tpu.memory_space<hbm>>
        %dma_wait3A_184 = arith.constant 0 : i32
        %dma_wait3A_185 = arith.constant 0 : i32
        %dma_wait3A_186 = tpu.memref_slice %arg2[%dma_wait3A_184, %dma_wait3A_185] : memref<10000x128xf32, #tpu.memory_space<hbm>> -> memref<128x128xf32, #tpu.memory_space<hbm>>
        tpu.wait_dma2 semaphore(%arg12 : memref<!tpu.dma_semaphore, #tpu.memory_space<semaphore_mem>>) src(%dma_wait3A_186 : memref<128x128xf32, #tpu.memory_space<hbm>>) dst(%arg10 : memref<128x128xf32, #tpu.memory_space<vmem>>)
        %dma_start3A_187 = arith.constant 0 : i32
        %dma_start3A_188 = tpu.memref_slice %arg8[%add3A_180, %dma_start3A_187] : memref<24x128xi32, #tpu.memory_space<vmem>> -> memref<1x128xi32, #tpu.memory_space<vmem>>
        %dma_start3A_189 = tpu.memref_squeeze %dma_start3A_188 : memref<1x128xi32, #tpu.memory_space<vmem>> -> memref<128xi32, #tpu.memory_space<vmem>>
        %dma_start3A_190 = arith.constant 0 : i32
        %dma_start3A_191 = arith.constant 0 : i32
        %dma_start3A_192 = tpu.memref_slice %arg11[%dma_start3A_190, %dma_start3A_191] : memref<10240x128xf32, #tpu.memory_space<vmem_shared>> -> memref<10240x128xf32, #tpu.memory_space<vmem_shared>>
        tpu.enqueue_indirect_dma source(%arg10 : memref<128x128xf32, #tpu.memory_space<vmem>>) target(%dma_start3A_192 : memref<10240x128xf32, #tpu.memory_space<vmem_shared>>) offsets(%dma_start3A_189 : memref<128xi32, #tpu.memory_space<vmem>>) semaphore(%arg13 : memref<!tpu.dma_semaphore, #tpu.memory_space<semaphore_mem>>) {add = true}
        %ge3A_193 = arith.constant 1 : i32
        %ge3A_194 = arith.cmpi sge, %add3A_180, %ge3A_193 : i32
        %convert_element_type3A_195 = arith.extui %ge3A_194 : i1 to i32
        %cond3A_196 = arith.constant 0 : i32
        %cond3A_197 = arith.cmpi ne, %convert_element_type3A_195, %cond3A_196 : i32
        scf.if %cond3A_197 {
          %dma_wait3A_205 = arith.constant 0 : i32
          %dma_wait3A_206 = arith.constant 0 : i32
          %dma_wait3A_207 = tpu.memref_slice %arg11[%dma_wait3A_205, %dma_wait3A_206] : memref<10240x128xf32, #tpu.memory_space<vmem_shared>> -> memref<128x128xf32, #tpu.memory_space<vmem_shared>>
          %dma_wait3A_208 = arith.constant 0 : i32
          %dma_wait3A_209 = arith.constant 0 : i32
          %dma_wait3A_210 = tpu.memref_slice %arg11[%dma_wait3A_208, %dma_wait3A_209] : memref<10240x128xf32, #tpu.memory_space<vmem_shared>> -> memref<128x128xf32, #tpu.memory_space<vmem_shared>>
          tpu.wait_dma2 semaphore(%arg13 : memref<!tpu.dma_semaphore, #tpu.memory_space<semaphore_mem>>) src(%arg9 : memref<128x128xf32, #tpu.memory_space<vmem>>) dst(%dma_wait3A_210 : memref<128x128xf32, #tpu.memory_space<vmem_shared>>)
        } else {
        }
        %add3A_198 = arith.constant 1 : i32
        %add3A_199 = arith.addi %add3A_180, %add3A_198 : i32
        %lt3A_200 = arith.constant 24 : i32
        %lt3A_201 = arith.cmpi slt, %add3A_199, %lt3A_200 : i32
        %convert_element_type3A_202 = arith.extui %lt3A_201 : i1 to i32
        %cond3A_203 = arith.constant 0 : i32
        %cond3A_204 = arith.cmpi ne, %convert_element_type3A_202, %cond3A_203 : i32
        scf.if %cond3A_204 {
          %add3A_205 = arith.constant 1 : i32
          %add3A_206 = arith.addi %add3A_180, %add3A_205 : i32
          %dma_start3A_207 = arith.constant 0 : i32
          %dma_start3A_208 = tpu.memref_slice %arg7[%add3A_206, %dma_start3A_207] : memref<24x128xi32, #tpu.memory_space<vmem>> -> memref<1x128xi32, #tpu.memory_space<vmem>>
          %dma_start3A_209 = tpu.memref_squeeze %dma_start3A_208 : memref<1x128xi32, #tpu.memory_space<vmem>> -> memref<128xi32, #tpu.memory_space<vmem>>
          %dma_start3A_210 = arith.constant 0 : i32
          %dma_start3A_211 = arith.constant 0 : i32
          %dma_start3A_212 = tpu.memref_slice %arg2[%dma_start3A_210, %dma_start3A_211] : memref<10000x128xf32, #tpu.memory_space<hbm>> -> memref<10000x128xf32, #tpu.memory_space<hbm>>
          tpu.enqueue_indirect_dma source(%dma_start3A_212 : memref<10000x128xf32, #tpu.memory_space<hbm>>) target(%arg9 : memref<128x128xf32, #tpu.memory_space<vmem>>) offsets(%dma_start3A_209 : memref<128xi32, #tpu.memory_space<vmem>>) semaphore(%arg12 : memref<!tpu.dma_semaphore, #tpu.memory_space<semaphore_mem>>)
        } else {
        }
      }
      %scan3A_143 = arith.constant 12 : i32
      %dma_wait3A_144 = arith.constant 0 : i32
      %dma_wait3A_145 = arith.constant 0 : i32
      %dma_wait3A_146 = tpu.memref_slice %arg11[%dma_wait3A_144, %dma_wait3A_145] : memref<10240x128xf32, #tpu.memory_space<vmem_shared>> -> memref<128x128xf32, #tpu.memory_space<vmem_shared>>
      %dma_wait3A_147 = arith.constant 0 : i32
      %dma_wait3A_148 = arith.constant 0 : i32
      %dma_wait3A_149 = tpu.memref_slice %arg11[%dma_wait3A_147, %dma_wait3A_148] : memref<10240x128xf32, #tpu.memory_space<vmem_shared>> -> memref<128x128xf32, #tpu.memory_space<vmem_shared>>
      tpu.wait_dma2 semaphore(%arg13 : memref<!tpu.dma_semaphore, #tpu.memory_space<semaphore_mem>>) src(%arg10 : memref<128x128xf32, #tpu.memory_space<vmem>>) dst(%dma_wait3A_149 : memref<128x128xf32, #tpu.memory_space<vmem_shared>>)
    } else {
    }
    %eq3A_3 = arith.constant 1 : i32
    %eq3A_4 = arith.cmpi eq, %arg0, %eq3A_3 : i32
    %convert_element_type3A_5 = arith.extui %eq3A_4 : i1 to i32
    %cond3A_6 = arith.constant 0 : i32
    %cond3A_7 = arith.cmpi ne, %convert_element_type3A_5, %cond3A_6 : i32
    scf.if %cond3A_7 {
      %mul3A_15 = arith.constant 16 : i32
      %mul3A_16 = arith.muli %arg1, %mul3A_15 : i32
      %add3A_17 = arith.constant 2304 : i32
      %add3A_18 = arith.addi %add3A_17, %mul3A_16 : i32
      %add3A_19 = arith.constant 0 : i32
      %add3A_20 = arith.addi %add3A_18, %add3A_19 : i32
      "tpu.region"() ({
        %run_scoped3A = tpu.sem_alloc : memref<!tpu.dma_semaphore, #tpu.memory_space<semaphore_mem>>
        %dma_start3A_62 = arith.constant 0 : i32
        %dma_start3A_63 = arith.constant 0 : i32
        %dma_start3A_64 = tpu.memref_slice %arg7[%dma_start3A_62, %dma_start3A_63] : memref<24x128xi32, #tpu.memory_space<vmem>> -> memref<8x128xi32, #tpu.memory_space<vmem>>
        %dma_start3A_65 = arith.constant 0 : i32
        %dma_start3A_66 = tpu.memref_slice %arg3[%add3A_20, %dma_start3A_65] : memref<2560x128xi32, #tpu.memory_space<hbm>> -> memref<8x128xi32, #tpu.memory_space<hbm>>
        %dma_start3A_67 = arith.constant 0 : i32
        %dma_start3A_68 = arith.constant 0 : i32
        %dma_start3A_69 = tpu.memref_slice %arg7[%dma_start3A_67, %dma_start3A_68] : memref<24x128xi32, #tpu.memory_space<vmem>> -> memref<8x128xi32, #tpu.memory_space<vmem>>
        %dma_start3A_70 = arith.constant 0 : i32
        %dma_start3A_71 = tpu.memref_slice %arg3[%add3A_20, %dma_start3A_70] : memref<2560x128xi32, #tpu.memory_space<hbm>> -> memref<8x128xi32, #tpu.memory_space<hbm>>
        tpu.enqueue_dma source(%dma_start3A_71 : memref<8x128xi32, #tpu.memory_space<hbm>>) target(%dma_start3A_69 : memref<8x128xi32, #tpu.memory_space<vmem>>) target_semaphore(%run_scoped3A : memref<!tpu.dma_semaphore, #tpu.memory_space<semaphore_mem>>)
        %dma_wait3A_72 = arith.constant 0 : i32
        %dma_wait3A_73 = arith.constant 0 : i32
        %dma_wait3A_74 = tpu.memref_slice %arg7[%dma_wait3A_72, %dma_wait3A_73] : memref<24x128xi32, #tpu.memory_space<vmem>> -> memref<8x128xi32, #tpu.memory_space<vmem>>
        %dma_wait3A_75 = arith.constant 0 : i32
        %dma_wait3A_76 = tpu.memref_slice %arg3[%add3A_20, %dma_wait3A_75] : memref<2560x128xi32, #tpu.memory_space<hbm>> -> memref<8x128xi32, #tpu.memory_space<hbm>>
        %dma_wait3A_77 = arith.constant 0 : i32
        %dma_wait3A_78 = arith.constant 0 : i32
        %dma_wait3A_79 = tpu.memref_slice %arg7[%dma_wait3A_77, %dma_wait3A_78] : memref<24x128xi32, #tpu.memory_space<vmem>> -> memref<8x128xi32, #tpu.memory_space<vmem>>
        %dma_wait3A_80 = arith.constant 0 : i32
        %dma_wait3A_81 = tpu.memref_slice %arg3[%add3A_20, %dma_wait3A_80] : memref<2560x128xi32, #tpu.memory_space<hbm>> -> memref<8x128xi32, #tpu.memory_space<hbm>>
        tpu.wait_dma2 semaphore(%run_scoped3A : memref<!tpu.dma_semaphore, #tpu.memory_space<semaphore_mem>>) src(%dma_wait3A_81 : memref<8x128xi32, #tpu.memory_space<hbm>>) dst(%dma_wait3A_79 : memref<8x128xi32, #tpu.memory_space<vmem>>)
        tpu.yield
      }) : () -> ()
      "tpu.region"() ({
        %run_scoped3A = tpu.sem_alloc : memref<!tpu.dma_semaphore, #tpu.memory_space<semaphore_mem>>
        %dma_start3A_62 = arith.constant 0 : i32
        %dma_start3A_63 = arith.constant 0 : i32
        %dma_start3A_64 = tpu.memref_slice %arg8[%dma_start3A_62, %dma_start3A_63] : memref<24x128xi32, #tpu.memory_space<vmem>> -> memref<8x128xi32, #tpu.memory_space<vmem>>
        %dma_start3A_65 = arith.constant 0 : i32
        %dma_start3A_66 = tpu.memref_slice %arg4[%add3A_20, %dma_start3A_65] : memref<2560x128xi32, #tpu.memory_space<hbm>> -> memref<8x128xi32, #tpu.memory_space<hbm>>
        %dma_start3A_67 = arith.constant 0 : i32
        %dma_start3A_68 = arith.constant 0 : i32
        %dma_start3A_69 = tpu.memref_slice %arg8[%dma_start3A_67, %dma_start3A_68] : memref<24x128xi32, #tpu.memory_space<vmem>> -> memref<8x128xi32, #tpu.memory_space<vmem>>
        %dma_start3A_70 = arith.constant 0 : i32
        %dma_start3A_71 = tpu.memref_slice %arg4[%add3A_20, %dma_start3A_70] : memref<2560x128xi32, #tpu.memory_space<hbm>> -> memref<8x128xi32, #tpu.memory_space<hbm>>
        tpu.enqueue_dma source(%dma_start3A_71 : memref<8x128xi32, #tpu.memory_space<hbm>>) target(%dma_start3A_69 : memref<8x128xi32, #tpu.memory_space<vmem>>) target_semaphore(%run_scoped3A : memref<!tpu.dma_semaphore, #tpu.memory_space<semaphore_mem>>)
        %dma_wait3A_72 = arith.constant 0 : i32
        %dma_wait3A_73 = arith.constant 0 : i32
        %dma_wait3A_74 = tpu.memref_slice %arg8[%dma_wait3A_72, %dma_wait3A_73] : memref<24x128xi32, #tpu.memory_space<vmem>> -> memref<8x128xi32, #tpu.memory_space<vmem>>
        %dma_wait3A_75 = arith.constant 0 : i32
        %dma_wait3A_76 = tpu.memref_slice %arg4[%add3A_20, %dma_wait3A_75] : memref<2560x128xi32, #tpu.memory_space<hbm>> -> memref<8x128xi32, #tpu.memory_space<hbm>>
        %dma_wait3A_77 = arith.constant 0 : i32
        %dma_wait3A_78 = arith.constant 0 : i32
        %dma_wait3A_79 = tpu.memref_slice %arg8[%dma_wait3A_77, %dma_wait3A_78] : memref<24x128xi32, #tpu.memory_space<vmem>> -> memref<8x128xi32, #tpu.memory_space<vmem>>
        %dma_wait3A_80 = arith.constant 0 : i32
        %dma_wait3A_81 = tpu.memref_slice %arg4[%add3A_20, %dma_wait3A_80] : memref<2560x128xi32, #tpu.memory_space<hbm>> -> memref<8x128xi32, #tpu.memory_space<hbm>>
        tpu.wait_dma2 semaphore(%run_scoped3A : memref<!tpu.dma_semaphore, #tpu.memory_space<semaphore_mem>>) src(%dma_wait3A_81 : memref<8x128xi32, #tpu.memory_space<hbm>>) dst(%dma_wait3A_79 : memref<8x128xi32, #tpu.memory_space<vmem>>)
        tpu.yield
      }) : () -> ()
      %dma_start3A = arith.constant 0 : i32
      %dma_start3A_21 = arith.constant 0 : i32
      %dma_start3A_22 = tpu.memref_slice %arg7[%dma_start3A, %dma_start3A_21] : memref<24x128xi32, #tpu.memory_space<vmem>> -> memref<1x128xi32, #tpu.memory_space<vmem>>
      %dma_start3A_23 = tpu.memref_squeeze %dma_start3A_22 : memref<1x128xi32, #tpu.memory_space<vmem>> -> memref<128xi32, #tpu.memory_space<vmem>>
      %dma_start3A_24 = arith.constant 0 : i32
      %dma_start3A_25 = arith.constant 0 : i32
      %dma_start3A_26 = tpu.memref_slice %arg2[%dma_start3A_24, %dma_start3A_25] : memref<10000x128xf32, #tpu.memory_space<hbm>> -> memref<10000x128xf32, #tpu.memory_space<hbm>>
      tpu.enqueue_indirect_dma source(%dma_start3A_26 : memref<10000x128xf32, #tpu.memory_space<hbm>>) target(%arg9 : memref<128x128xf32, #tpu.memory_space<vmem>>) offsets(%dma_start3A_23 : memref<128xi32, #tpu.memory_space<vmem>>) semaphore(%arg12 : memref<!tpu.dma_semaphore, #tpu.memory_space<semaphore_mem>>)
      %scan3A = arith.constant 0 : i32
      %scan3A_27 = arith.constant 0 : i32
      %scan3A_28 = arith.constant 4 : i32
      %scan3A_29 = arith.addi %scan3A_27, %scan3A_28 : i32
      %scan3A_30 = arith.constant 1 : i32
      scf.for %scan3A_62 = %scan3A_27 to %scan3A_29 step %scan3A_30  : i32 {
        %mul3A_63 = arith.constant 2 : i32
        %mul3A_64 = arith.muli %mul3A_63, %scan3A_62 : i32
        %add3A_65 = arith.constant 0 : i32
        %add3A_66 = arith.addi %mul3A_64, %add3A_65 : i32
        %dma_wait3A_67 = arith.constant 0 : i32
        %dma_wait3A_68 = arith.constant 0 : i32
        %dma_wait3A_69 = tpu.memref_slice %arg2[%dma_wait3A_67, %dma_wait3A_68] : memref<10000x128xf32, #tpu.memory_space<hbm>> -> memref<128x128xf32, #tpu.memory_space<hbm>>
        %dma_wait3A_70 = arith.constant 0 : i32
        %dma_wait3A_71 = arith.constant 0 : i32
        %dma_wait3A_72 = tpu.memref_slice %arg2[%dma_wait3A_70, %dma_wait3A_71] : memref<10000x128xf32, #tpu.memory_space<hbm>> -> memref<128x128xf32, #tpu.memory_space<hbm>>
        tpu.wait_dma2 semaphore(%arg12 : memref<!tpu.dma_semaphore, #tpu.memory_space<semaphore_mem>>) src(%dma_wait3A_72 : memref<128x128xf32, #tpu.memory_space<hbm>>) dst(%arg9 : memref<128x128xf32, #tpu.memory_space<vmem>>)
        %dma_start3A_73 = arith.constant 0 : i32
        %dma_start3A_74 = tpu.memref_slice %arg8[%add3A_66, %dma_start3A_73] : memref<24x128xi32, #tpu.memory_space<vmem>> -> memref<1x128xi32, #tpu.memory_space<vmem>>
        %dma_start3A_75 = tpu.memref_squeeze %dma_start3A_74 : memref<1x128xi32, #tpu.memory_space<vmem>> -> memref<128xi32, #tpu.memory_space<vmem>>
        %dma_start3A_76 = arith.constant 0 : i32
        %dma_start3A_77 = arith.constant 0 : i32
        %dma_start3A_78 = tpu.memref_slice %arg11[%dma_start3A_76, %dma_start3A_77] : memref<10240x128xf32, #tpu.memory_space<vmem_shared>> -> memref<10240x128xf32, #tpu.memory_space<vmem_shared>>
        tpu.enqueue_indirect_dma source(%arg9 : memref<128x128xf32, #tpu.memory_space<vmem>>) target(%dma_start3A_78 : memref<10240x128xf32, #tpu.memory_space<vmem_shared>>) offsets(%dma_start3A_75 : memref<128xi32, #tpu.memory_space<vmem>>) semaphore(%arg13 : memref<!tpu.dma_semaphore, #tpu.memory_space<semaphore_mem>>) {add = true}
        %ge3A = arith.constant 1 : i32
        %ge3A_79 = arith.cmpi sge, %add3A_66, %ge3A : i32
        %convert_element_type3A_80 = arith.extui %ge3A_79 : i1 to i32
        %cond3A_81 = arith.constant 0 : i32
        %cond3A_82 = arith.cmpi ne, %convert_element_type3A_80, %cond3A_81 : i32
        scf.if %cond3A_82 {
          %dma_wait3A_117 = arith.constant 0 : i32
          %dma_wait3A_118 = arith.constant 0 : i32
          %dma_wait3A_119 = tpu.memref_slice %arg11[%dma_wait3A_117, %dma_wait3A_118] : memref<10240x128xf32, #tpu.memory_space<vmem_shared>> -> memref<128x128xf32, #tpu.memory_space<vmem_shared>>
          %dma_wait3A_120 = arith.constant 0 : i32
          %dma_wait3A_121 = arith.constant 0 : i32
          %dma_wait3A_122 = tpu.memref_slice %arg11[%dma_wait3A_120, %dma_wait3A_121] : memref<10240x128xf32, #tpu.memory_space<vmem_shared>> -> memref<128x128xf32, #tpu.memory_space<vmem_shared>>
          tpu.wait_dma2 semaphore(%arg13 : memref<!tpu.dma_semaphore, #tpu.memory_space<semaphore_mem>>) src(%arg10 : memref<128x128xf32, #tpu.memory_space<vmem>>) dst(%dma_wait3A_122 : memref<128x128xf32, #tpu.memory_space<vmem_shared>>)
        } else {
        }
        %add3A_83 = arith.constant 1 : i32
        %add3A_84 = arith.addi %add3A_66, %add3A_83 : i32
        %lt3A = arith.constant 8 : i32
        %lt3A_85 = arith.cmpi slt, %add3A_84, %lt3A : i32
        %convert_element_type3A_86 = arith.extui %lt3A_85 : i1 to i32
        %cond3A_87 = arith.constant 0 : i32
        %cond3A_88 = arith.cmpi ne, %convert_element_type3A_86, %cond3A_87 : i32
        scf.if %cond3A_88 {
          %add3A_117 = arith.constant 1 : i32
          %add3A_118 = arith.addi %add3A_66, %add3A_117 : i32
          %dma_start3A_119 = arith.constant 0 : i32
          %dma_start3A_120 = tpu.memref_slice %arg7[%add3A_118, %dma_start3A_119] : memref<24x128xi32, #tpu.memory_space<vmem>> -> memref<1x128xi32, #tpu.memory_space<vmem>>
          %dma_start3A_121 = tpu.memref_squeeze %dma_start3A_120 : memref<1x128xi32, #tpu.memory_space<vmem>> -> memref<128xi32, #tpu.memory_space<vmem>>
          %dma_start3A_122 = arith.constant 0 : i32
          %dma_start3A_123 = arith.constant 0 : i32
          %dma_start3A_124 = tpu.memref_slice %arg2[%dma_start3A_122, %dma_start3A_123] : memref<10000x128xf32, #tpu.memory_space<hbm>> -> memref<10000x128xf32, #tpu.memory_space<hbm>>
          tpu.enqueue_indirect_dma source(%dma_start3A_124 : memref<10000x128xf32, #tpu.memory_space<hbm>>) target(%arg10 : memref<128x128xf32, #tpu.memory_space<vmem>>) offsets(%dma_start3A_121 : memref<128xi32, #tpu.memory_space<vmem>>) semaphore(%arg12 : memref<!tpu.dma_semaphore, #tpu.memory_space<semaphore_mem>>)
        } else {
        }
        %mul3A_89 = arith.constant 2 : i32
        %mul3A_90 = arith.muli %mul3A_89, %scan3A_62 : i32
        %add3A_91 = arith.constant 1 : i32
        %add3A_92 = arith.addi %mul3A_90, %add3A_91 : i32
        %dma_wait3A_93 = arith.constant 0 : i32
        %dma_wait3A_94 = arith.constant 0 : i32
        %dma_wait3A_95 = tpu.memref_slice %arg2[%dma_wait3A_93, %dma_wait3A_94] : memref<10000x128xf32, #tpu.memory_space<hbm>> -> memref<128x128xf32, #tpu.memory_space<hbm>>
        %dma_wait3A_96 = arith.constant 0 : i32
        %dma_wait3A_97 = arith.constant 0 : i32
        %dma_wait3A_98 = tpu.memref_slice %arg2[%dma_wait3A_96, %dma_wait3A_97] : memref<10000x128xf32, #tpu.memory_space<hbm>> -> memref<128x128xf32, #tpu.memory_space<hbm>>
        tpu.wait_dma2 semaphore(%arg12 : memref<!tpu.dma_semaphore, #tpu.memory_space<semaphore_mem>>) src(%dma_wait3A_98 : memref<128x128xf32, #tpu.memory_space<hbm>>) dst(%arg10 : memref<128x128xf32, #tpu.memory_space<vmem>>)
        %dma_start3A_99 = arith.constant 0 : i32
        %dma_start3A_100 = tpu.memref_slice %arg8[%add3A_92, %dma_start3A_99] : memref<24x128xi32, #tpu.memory_space<vmem>> -> memref<1x128xi32, #tpu.memory_space<vmem>>
        %dma_start3A_101 = tpu.memref_squeeze %dma_start3A_100 : memref<1x128xi32, #tpu.memory_space<vmem>> -> memref<128xi32, #tpu.memory_space<vmem>>
        %dma_start3A_102 = arith.constant 0 : i32
        %dma_start3A_103 = arith.constant 0 : i32
        %dma_start3A_104 = tpu.memref_slice %arg11[%dma_start3A_102, %dma_start3A_103] : memref<10240x128xf32, #tpu.memory_space<vmem_shared>> -> memref<10240x128xf32, #tpu.memory_space<vmem_shared>>
        tpu.enqueue_indirect_dma source(%arg10 : memref<128x128xf32, #tpu.memory_space<vmem>>) target(%dma_start3A_104 : memref<10240x128xf32, #tpu.memory_space<vmem_shared>>) offsets(%dma_start3A_101 : memref<128xi32, #tpu.memory_space<vmem>>) semaphore(%arg13 : memref<!tpu.dma_semaphore, #tpu.memory_space<semaphore_mem>>) {add = true}
        %ge3A_105 = arith.constant 1 : i32
        %ge3A_106 = arith.cmpi sge, %add3A_92, %ge3A_105 : i32
        %convert_element_type3A_107 = arith.extui %ge3A_106 : i1 to i32
        %cond3A_108 = arith.constant 0 : i32
        %cond3A_109 = arith.cmpi ne, %convert_element_type3A_107, %cond3A_108 : i32
        scf.if %cond3A_109 {
          %dma_wait3A_117 = arith.constant 0 : i32
          %dma_wait3A_118 = arith.constant 0 : i32
          %dma_wait3A_119 = tpu.memref_slice %arg11[%dma_wait3A_117, %dma_wait3A_118] : memref<10240x128xf32, #tpu.memory_space<vmem_shared>> -> memref<128x128xf32, #tpu.memory_space<vmem_shared>>
          %dma_wait3A_120 = arith.constant 0 : i32
          %dma_wait3A_121 = arith.constant 0 : i32
          %dma_wait3A_122 = tpu.memref_slice %arg11[%dma_wait3A_120, %dma_wait3A_121] : memref<10240x128xf32, #tpu.memory_space<vmem_shared>> -> memref<128x128xf32, #tpu.memory_space<vmem_shared>>
          tpu.wait_dma2 semaphore(%arg13 : memref<!tpu.dma_semaphore, #tpu.memory_space<semaphore_mem>>) src(%arg9 : memref<128x128xf32, #tpu.memory_space<vmem>>) dst(%dma_wait3A_122 : memref<128x128xf32, #tpu.memory_space<vmem_shared>>)
        } else {
        }
        %add3A_110 = arith.constant 1 : i32
        %add3A_111 = arith.addi %add3A_92, %add3A_110 : i32
        %lt3A_112 = arith.constant 8 : i32
        %lt3A_113 = arith.cmpi slt, %add3A_111, %lt3A_112 : i32
        %convert_element_type3A_114 = arith.extui %lt3A_113 : i1 to i32
        %cond3A_115 = arith.constant 0 : i32
        %cond3A_116 = arith.cmpi ne, %convert_element_type3A_114, %cond3A_115 : i32
        scf.if %cond3A_116 {
          %add3A_117 = arith.constant 1 : i32
          %add3A_118 = arith.addi %add3A_92, %add3A_117 : i32
          %dma_start3A_119 = arith.constant 0 : i32
          %dma_start3A_120 = tpu.memref_slice %arg7[%add3A_118, %dma_start3A_119] : memref<24x128xi32, #tpu.memory_space<vmem>> -> memref<1x128xi32, #tpu.memory_space<vmem>>
          %dma_start3A_121 = tpu.memref_squeeze %dma_start3A_120 : memref<1x128xi32, #tpu.memory_space<vmem>> -> memref<128xi32, #tpu.memory_space<vmem>>
          %dma_start3A_122 = arith.constant 0 : i32
          %dma_start3A_123 = arith.constant 0 : i32
          %dma_start3A_124 = tpu.memref_slice %arg2[%dma_start3A_122, %dma_start3A_123] : memref<10000x128xf32, #tpu.memory_space<hbm>> -> memref<10000x128xf32, #tpu.memory_space<hbm>>
          tpu.enqueue_indirect_dma source(%dma_start3A_124 : memref<10000x128xf32, #tpu.memory_space<hbm>>) target(%arg9 : memref<128x128xf32, #tpu.memory_space<vmem>>) offsets(%dma_start3A_121 : memref<128xi32, #tpu.memory_space<vmem>>) semaphore(%arg12 : memref<!tpu.dma_semaphore, #tpu.memory_space<semaphore_mem>>)
        } else {
        }
      }
      %scan3A_31 = arith.constant 4 : i32
      %dma_wait3A = arith.constant 0 : i32
      %dma_wait3A_32 = arith.constant 0 : i32
      %dma_wait3A_33 = tpu.memref_slice %arg11[%dma_wait3A, %dma_wait3A_32] : memref<10240x128xf32, #tpu.memory_space<vmem_shared>> -> memref<128x128xf32, #tpu.memory_space<vmem_shared>>
      %dma_wait3A_34 = arith.constant 0 : i32
      %dma_wait3A_35 = arith.constant 0 : i32
      %dma_wait3A_36 = tpu.memref_slice %arg11[%dma_wait3A_34, %dma_wait3A_35] : memref<10240x128xf32, #tpu.memory_space<vmem_shared>> -> memref<128x128xf32, #tpu.memory_space<vmem_shared>>
      tpu.wait_dma2 semaphore(%arg13 : memref<!tpu.dma_semaphore, #tpu.memory_space<semaphore_mem>>) src(%arg10 : memref<128x128xf32, #tpu.memory_space<vmem>>) dst(%dma_wait3A_36 : memref<128x128xf32, #tpu.memory_space<vmem_shared>>)
      %mul3A_37 = arith.constant 16 : i32
      %mul3A_38 = arith.muli %arg1, %mul3A_37 : i32
      %add3A_39 = arith.constant 2304 : i32
      %add3A_40 = arith.addi %add3A_39, %mul3A_38 : i32
      %add3A_41 = arith.constant 8 : i32
      %add3A_42 = arith.addi %add3A_40, %add3A_41 : i32
      "tpu.region"() ({
        %run_scoped3A = tpu.sem_alloc : memref<!tpu.dma_semaphore, #tpu.memory_space<semaphore_mem>>
        %dma_start3A_62 = arith.constant 0 : i32
        %dma_start3A_63 = arith.constant 0 : i32
        %dma_start3A_64 = tpu.memref_slice %arg7[%dma_start3A_62, %dma_start3A_63] : memref<24x128xi32, #tpu.memory_space<vmem>> -> memref<8x128xi32, #tpu.memory_space<vmem>>
        %dma_start3A_65 = arith.constant 0 : i32
        %dma_start3A_66 = tpu.memref_slice %arg3[%add3A_42, %dma_start3A_65] : memref<2560x128xi32, #tpu.memory_space<hbm>> -> memref<8x128xi32, #tpu.memory_space<hbm>>
        %dma_start3A_67 = arith.constant 0 : i32
        %dma_start3A_68 = arith.constant 0 : i32
        %dma_start3A_69 = tpu.memref_slice %arg7[%dma_start3A_67, %dma_start3A_68] : memref<24x128xi32, #tpu.memory_space<vmem>> -> memref<8x128xi32, #tpu.memory_space<vmem>>
        %dma_start3A_70 = arith.constant 0 : i32
        %dma_start3A_71 = tpu.memref_slice %arg3[%add3A_42, %dma_start3A_70] : memref<2560x128xi32, #tpu.memory_space<hbm>> -> memref<8x128xi32, #tpu.memory_space<hbm>>
        tpu.enqueue_dma source(%dma_start3A_71 : memref<8x128xi32, #tpu.memory_space<hbm>>) target(%dma_start3A_69 : memref<8x128xi32, #tpu.memory_space<vmem>>) target_semaphore(%run_scoped3A : memref<!tpu.dma_semaphore, #tpu.memory_space<semaphore_mem>>)
        %dma_wait3A_72 = arith.constant 0 : i32
        %dma_wait3A_73 = arith.constant 0 : i32
        %dma_wait3A_74 = tpu.memref_slice %arg7[%dma_wait3A_72, %dma_wait3A_73] : memref<24x128xi32, #tpu.memory_space<vmem>> -> memref<8x128xi32, #tpu.memory_space<vmem>>
        %dma_wait3A_75 = arith.constant 0 : i32
        %dma_wait3A_76 = tpu.memref_slice %arg3[%add3A_42, %dma_wait3A_75] : memref<2560x128xi32, #tpu.memory_space<hbm>> -> memref<8x128xi32, #tpu.memory_space<hbm>>
        %dma_wait3A_77 = arith.constant 0 : i32
        %dma_wait3A_78 = arith.constant 0 : i32
        %dma_wait3A_79 = tpu.memref_slice %arg7[%dma_wait3A_77, %dma_wait3A_78] : memref<24x128xi32, #tpu.memory_space<vmem>> -> memref<8x128xi32, #tpu.memory_space<vmem>>
        %dma_wait3A_80 = arith.constant 0 : i32
        %dma_wait3A_81 = tpu.memref_slice %arg3[%add3A_42, %dma_wait3A_80] : memref<2560x128xi32, #tpu.memory_space<hbm>> -> memref<8x128xi32, #tpu.memory_space<hbm>>
        tpu.wait_dma2 semaphore(%run_scoped3A : memref<!tpu.dma_semaphore, #tpu.memory_space<semaphore_mem>>) src(%dma_wait3A_81 : memref<8x128xi32, #tpu.memory_space<hbm>>) dst(%dma_wait3A_79 : memref<8x128xi32, #tpu.memory_space<vmem>>)
        tpu.yield
      }) : () -> ()
      "tpu.region"() ({
        %run_scoped3A = tpu.sem_alloc : memref<!tpu.dma_semaphore, #tpu.memory_space<semaphore_mem>>
        %dma_start3A_62 = arith.constant 0 : i32
        %dma_start3A_63 = arith.constant 0 : i32
        %dma_start3A_64 = tpu.memref_slice %arg8[%dma_start3A_62, %dma_start3A_63] : memref<24x128xi32, #tpu.memory_space<vmem>> -> memref<8x128xi32, #tpu.memory_space<vmem>>
        %dma_start3A_65 = arith.constant 0 : i32
        %dma_start3A_66 = tpu.memref_slice %arg4[%add3A_42, %dma_start3A_65] : memref<2560x128xi32, #tpu.memory_space<hbm>> -> memref<8x128xi32, #tpu.memory_space<hbm>>
        %dma_start3A_67 = arith.constant 0 : i32
        %dma_start3A_68 = arith.constant 0 : i32
        %dma_start3A_69 = tpu.memref_slice %arg8[%dma_start3A_67, %dma_start3A_68] : memref<24x128xi32, #tpu.memory_space<vmem>> -> memref<8x128xi32, #tpu.memory_space<vmem>>
        %dma_start3A_70 = arith.constant 0 : i32
        %dma_start3A_71 = tpu.memref_slice %arg4[%add3A_42, %dma_start3A_70] : memref<2560x128xi32, #tpu.memory_space<hbm>> -> memref<8x128xi32, #tpu.memory_space<hbm>>
        tpu.enqueue_dma source(%dma_start3A_71 : memref<8x128xi32, #tpu.memory_space<hbm>>) target(%dma_start3A_69 : memref<8x128xi32, #tpu.memory_space<vmem>>) target_semaphore(%run_scoped3A : memref<!tpu.dma_semaphore, #tpu.memory_space<semaphore_mem>>)
        %dma_wait3A_72 = arith.constant 0 : i32
        %dma_wait3A_73 = arith.constant 0 : i32
        %dma_wait3A_74 = tpu.memref_slice %arg8[%dma_wait3A_72, %dma_wait3A_73] : memref<24x128xi32, #tpu.memory_space<vmem>> -> memref<8x128xi32, #tpu.memory_space<vmem>>
        %dma_wait3A_75 = arith.constant 0 : i32
        %dma_wait3A_76 = tpu.memref_slice %arg4[%add3A_42, %dma_wait3A_75] : memref<2560x128xi32, #tpu.memory_space<hbm>> -> memref<8x128xi32, #tpu.memory_space<hbm>>
        %dma_wait3A_77 = arith.constant 0 : i32
        %dma_wait3A_78 = arith.constant 0 : i32
        %dma_wait3A_79 = tpu.memref_slice %arg8[%dma_wait3A_77, %dma_wait3A_78] : memref<24x128xi32, #tpu.memory_space<vmem>> -> memref<8x128xi32, #tpu.memory_space<vmem>>
        %dma_wait3A_80 = arith.constant 0 : i32
        %dma_wait3A_81 = tpu.memref_slice %arg4[%add3A_42, %dma_wait3A_80] : memref<2560x128xi32, #tpu.memory_space<hbm>> -> memref<8x128xi32, #tpu.memory_space<hbm>>
        tpu.wait_dma2 semaphore(%run_scoped3A : memref<!tpu.dma_semaphore, #tpu.memory_space<semaphore_mem>>) src(%dma_wait3A_81 : memref<8x128xi32, #tpu.memory_space<hbm>>) dst(%dma_wait3A_79 : memref<8x128xi32, #tpu.memory_space<vmem>>)
        tpu.yield
      }) : () -> ()
      %dma_start3A_43 = arith.constant 0 : i32
      %dma_start3A_44 = arith.constant 0 : i32
      %dma_start3A_45 = tpu.memref_slice %arg7[%dma_start3A_43, %dma_start3A_44] : memref<24x128xi32, #tpu.memory_space<vmem>> -> memref<1x128xi32, #tpu.memory_space<vmem>>
      %dma_start3A_46 = tpu.memref_squeeze %dma_start3A_45 : memref<1x128xi32, #tpu.memory_space<vmem>> -> memref<128xi32, #tpu.memory_space<vmem>>
      %dma_start3A_47 = arith.constant 0 : i32
      %dma_start3A_48 = arith.constant 0 : i32
      %dma_start3A_49 = tpu.memref_slice %arg2[%dma_start3A_47, %dma_start3A_48] : memref<10000x128xf32, #tpu.memory_space<hbm>> -> memref<10000x128xf32, #tpu.memory_space<hbm>>
      tpu.enqueue_indirect_dma source(%dma_start3A_49 : memref<10000x128xf32, #tpu.memory_space<hbm>>) target(%arg9 : memref<128x128xf32, #tpu.memory_space<vmem>>) offsets(%dma_start3A_46 : memref<128xi32, #tpu.memory_space<vmem>>) semaphore(%arg12 : memref<!tpu.dma_semaphore, #tpu.memory_space<semaphore_mem>>)
      %scan3A_50 = arith.constant 0 : i32
      %scan3A_51 = arith.constant 0 : i32
      %scan3A_52 = arith.constant 4 : i32
      %scan3A_53 = arith.addi %scan3A_51, %scan3A_52 : i32
      %scan3A_54 = arith.constant 1 : i32
      scf.for %scan3A_62 = %scan3A_51 to %scan3A_53 step %scan3A_54  : i32 {
        %mul3A_63 = arith.constant 2 : i32
        %mul3A_64 = arith.muli %mul3A_63, %scan3A_62 : i32
        %add3A_65 = arith.constant 0 : i32
        %add3A_66 = arith.addi %mul3A_64, %add3A_65 : i32
        %dma_wait3A_67 = arith.constant 0 : i32
        %dma_wait3A_68 = arith.constant 0 : i32
        %dma_wait3A_69 = tpu.memref_slice %arg2[%dma_wait3A_67, %dma_wait3A_68] : memref<10000x128xf32, #tpu.memory_space<hbm>> -> memref<128x128xf32, #tpu.memory_space<hbm>>
        %dma_wait3A_70 = arith.constant 0 : i32
        %dma_wait3A_71 = arith.constant 0 : i32
        %dma_wait3A_72 = tpu.memref_slice %arg2[%dma_wait3A_70, %dma_wait3A_71] : memref<10000x128xf32, #tpu.memory_space<hbm>> -> memref<128x128xf32, #tpu.memory_space<hbm>>
        tpu.wait_dma2 semaphore(%arg12 : memref<!tpu.dma_semaphore, #tpu.memory_space<semaphore_mem>>) src(%dma_wait3A_72 : memref<128x128xf32, #tpu.memory_space<hbm>>) dst(%arg9 : memref<128x128xf32, #tpu.memory_space<vmem>>)
        %dma_start3A_73 = arith.constant 0 : i32
        %dma_start3A_74 = tpu.memref_slice %arg8[%add3A_66, %dma_start3A_73] : memref<24x128xi32, #tpu.memory_space<vmem>> -> memref<1x128xi32, #tpu.memory_space<vmem>>
        %dma_start3A_75 = tpu.memref_squeeze %dma_start3A_74 : memref<1x128xi32, #tpu.memory_space<vmem>> -> memref<128xi32, #tpu.memory_space<vmem>>
        %dma_start3A_76 = arith.constant 0 : i32
        %dma_start3A_77 = arith.constant 0 : i32
        %dma_start3A_78 = tpu.memref_slice %arg11[%dma_start3A_76, %dma_start3A_77] : memref<10240x128xf32, #tpu.memory_space<vmem_shared>> -> memref<10240x128xf32, #tpu.memory_space<vmem_shared>>
        tpu.enqueue_indirect_dma source(%arg9 : memref<128x128xf32, #tpu.memory_space<vmem>>) target(%dma_start3A_78 : memref<10240x128xf32, #tpu.memory_space<vmem_shared>>) offsets(%dma_start3A_75 : memref<128xi32, #tpu.memory_space<vmem>>) semaphore(%arg13 : memref<!tpu.dma_semaphore, #tpu.memory_space<semaphore_mem>>) {add = true}
        %ge3A = arith.constant 1 : i32
        %ge3A_79 = arith.cmpi sge, %add3A_66, %ge3A : i32
        %convert_element_type3A_80 = arith.extui %ge3A_79 : i1 to i32
        %cond3A_81 = arith.constant 0 : i32
        %cond3A_82 = arith.cmpi ne, %convert_element_type3A_80, %cond3A_81 : i32
        scf.if %cond3A_82 {
          %dma_wait3A_117 = arith.constant 0 : i32
          %dma_wait3A_118 = arith.constant 0 : i32
          %dma_wait3A_119 = tpu.memref_slice %arg11[%dma_wait3A_117, %dma_wait3A_118] : memref<10240x128xf32, #tpu.memory_space<vmem_shared>> -> memref<128x128xf32, #tpu.memory_space<vmem_shared>>
          %dma_wait3A_120 = arith.constant 0 : i32
          %dma_wait3A_121 = arith.constant 0 : i32
          %dma_wait3A_122 = tpu.memref_slice %arg11[%dma_wait3A_120, %dma_wait3A_121] : memref<10240x128xf32, #tpu.memory_space<vmem_shared>> -> memref<128x128xf32, #tpu.memory_space<vmem_shared>>
          tpu.wait_dma2 semaphore(%arg13 : memref<!tpu.dma_semaphore, #tpu.memory_space<semaphore_mem>>) src(%arg10 : memref<128x128xf32, #tpu.memory_space<vmem>>) dst(%dma_wait3A_122 : memref<128x128xf32, #tpu.memory_space<vmem_shared>>)
        } else {
        }
        %add3A_83 = arith.constant 1 : i32
        %add3A_84 = arith.addi %add3A_66, %add3A_83 : i32
        %lt3A = arith.constant 8 : i32
        %lt3A_85 = arith.cmpi slt, %add3A_84, %lt3A : i32
        %convert_element_type3A_86 = arith.extui %lt3A_85 : i1 to i32
        %cond3A_87 = arith.constant 0 : i32
        %cond3A_88 = arith.cmpi ne, %convert_element_type3A_86, %cond3A_87 : i32
        scf.if %cond3A_88 {
          %add3A_117 = arith.constant 1 : i32
          %add3A_118 = arith.addi %add3A_66, %add3A_117 : i32
          %dma_start3A_119 = arith.constant 0 : i32
          %dma_start3A_120 = tpu.memref_slice %arg7[%add3A_118, %dma_start3A_119] : memref<24x128xi32, #tpu.memory_space<vmem>> -> memref<1x128xi32, #tpu.memory_space<vmem>>
          %dma_start3A_121 = tpu.memref_squeeze %dma_start3A_120 : memref<1x128xi32, #tpu.memory_space<vmem>> -> memref<128xi32, #tpu.memory_space<vmem>>
          %dma_start3A_122 = arith.constant 0 : i32
          %dma_start3A_123 = arith.constant 0 : i32
          %dma_start3A_124 = tpu.memref_slice %arg2[%dma_start3A_122, %dma_start3A_123] : memref<10000x128xf32, #tpu.memory_space<hbm>> -> memref<10000x128xf32, #tpu.memory_space<hbm>>
          tpu.enqueue_indirect_dma source(%dma_start3A_124 : memref<10000x128xf32, #tpu.memory_space<hbm>>) target(%arg10 : memref<128x128xf32, #tpu.memory_space<vmem>>) offsets(%dma_start3A_121 : memref<128xi32, #tpu.memory_space<vmem>>) semaphore(%arg12 : memref<!tpu.dma_semaphore, #tpu.memory_space<semaphore_mem>>)
        } else {
        }
        %mul3A_89 = arith.constant 2 : i32
        %mul3A_90 = arith.muli %mul3A_89, %scan3A_62 : i32
        %add3A_91 = arith.constant 1 : i32
        %add3A_92 = arith.addi %mul3A_90, %add3A_91 : i32
        %dma_wait3A_93 = arith.constant 0 : i32
        %dma_wait3A_94 = arith.constant 0 : i32
        %dma_wait3A_95 = tpu.memref_slice %arg2[%dma_wait3A_93, %dma_wait3A_94] : memref<10000x128xf32, #tpu.memory_space<hbm>> -> memref<128x128xf32, #tpu.memory_space<hbm>>
        %dma_wait3A_96 = arith.constant 0 : i32
        %dma_wait3A_97 = arith.constant 0 : i32
        %dma_wait3A_98 = tpu.memref_slice %arg2[%dma_wait3A_96, %dma_wait3A_97] : memref<10000x128xf32, #tpu.memory_space<hbm>> -> memref<128x128xf32, #tpu.memory_space<hbm>>
        tpu.wait_dma2 semaphore(%arg12 : memref<!tpu.dma_semaphore, #tpu.memory_space<semaphore_mem>>) src(%dma_wait3A_98 : memref<128x128xf32, #tpu.memory_space<hbm>>) dst(%arg10 : memref<128x128xf32, #tpu.memory_space<vmem>>)
        %dma_start3A_99 = arith.constant 0 : i32
        %dma_start3A_100 = tpu.memref_slice %arg8[%add3A_92, %dma_start3A_99] : memref<24x128xi32, #tpu.memory_space<vmem>> -> memref<1x128xi32, #tpu.memory_space<vmem>>
        %dma_start3A_101 = tpu.memref_squeeze %dma_start3A_100 : memref<1x128xi32, #tpu.memory_space<vmem>> -> memref<128xi32, #tpu.memory_space<vmem>>
        %dma_start3A_102 = arith.constant 0 : i32
        %dma_start3A_103 = arith.constant 0 : i32
        %dma_start3A_104 = tpu.memref_slice %arg11[%dma_start3A_102, %dma_start3A_103] : memref<10240x128xf32, #tpu.memory_space<vmem_shared>> -> memref<10240x128xf32, #tpu.memory_space<vmem_shared>>
        tpu.enqueue_indirect_dma source(%arg10 : memref<128x128xf32, #tpu.memory_space<vmem>>) target(%dma_start3A_104 : memref<10240x128xf32, #tpu.memory_space<vmem_shared>>) offsets(%dma_start3A_101 : memref<128xi32, #tpu.memory_space<vmem>>) semaphore(%arg13 : memref<!tpu.dma_semaphore, #tpu.memory_space<semaphore_mem>>) {add = true}
        %ge3A_105 = arith.constant 1 : i32
        %ge3A_106 = arith.cmpi sge, %add3A_92, %ge3A_105 : i32
        %convert_element_type3A_107 = arith.extui %ge3A_106 : i1 to i32
        %cond3A_108 = arith.constant 0 : i32
        %cond3A_109 = arith.cmpi ne, %convert_element_type3A_107, %cond3A_108 : i32
        scf.if %cond3A_109 {
          %dma_wait3A_117 = arith.constant 0 : i32
          %dma_wait3A_118 = arith.constant 0 : i32
          %dma_wait3A_119 = tpu.memref_slice %arg11[%dma_wait3A_117, %dma_wait3A_118] : memref<10240x128xf32, #tpu.memory_space<vmem_shared>> -> memref<128x128xf32, #tpu.memory_space<vmem_shared>>
          %dma_wait3A_120 = arith.constant 0 : i32
          %dma_wait3A_121 = arith.constant 0 : i32
          %dma_wait3A_122 = tpu.memref_slice %arg11[%dma_wait3A_120, %dma_wait3A_121] : memref<10240x128xf32, #tpu.memory_space<vmem_shared>> -> memref<128x128xf32, #tpu.memory_space<vmem_shared>>
          tpu.wait_dma2 semaphore(%arg13 : memref<!tpu.dma_semaphore, #tpu.memory_space<semaphore_mem>>) src(%arg9 : memref<128x128xf32, #tpu.memory_space<vmem>>) dst(%dma_wait3A_122 : memref<128x128xf32, #tpu.memory_space<vmem_shared>>)
        } else {
        }
        %add3A_110 = arith.constant 1 : i32
        %add3A_111 = arith.addi %add3A_92, %add3A_110 : i32
        %lt3A_112 = arith.constant 8 : i32
        %lt3A_113 = arith.cmpi slt, %add3A_111, %lt3A_112 : i32
        %convert_element_type3A_114 = arith.extui %lt3A_113 : i1 to i32
        %cond3A_115 = arith.constant 0 : i32
        %cond3A_116 = arith.cmpi ne, %convert_element_type3A_114, %cond3A_115 : i32
        scf.if %cond3A_116 {
          %add3A_117 = arith.constant 1 : i32
          %add3A_118 = arith.addi %add3A_92, %add3A_117 : i32
          %dma_start3A_119 = arith.constant 0 : i32
          %dma_start3A_120 = tpu.memref_slice %arg7[%add3A_118, %dma_start3A_119] : memref<24x128xi32, #tpu.memory_space<vmem>> -> memref<1x128xi32, #tpu.memory_space<vmem>>
          %dma_start3A_121 = tpu.memref_squeeze %dma_start3A_120 : memref<1x128xi32, #tpu.memory_space<vmem>> -> memref<128xi32, #tpu.memory_space<vmem>>
          %dma_start3A_122 = arith.constant 0 : i32
          %dma_start3A_123 = arith.constant 0 : i32
          %dma_start3A_124 = tpu.memref_slice %arg2[%dma_start3A_122, %dma_start3A_123] : memref<10000x128xf32, #tpu.memory_space<hbm>> -> memref<10000x128xf32, #tpu.memory_space<hbm>>
          tpu.enqueue_indirect_dma source(%dma_start3A_124 : memref<10000x128xf32, #tpu.memory_space<hbm>>) target(%arg9 : memref<128x128xf32, #tpu.memory_space<vmem>>) offsets(%dma_start3A_121 : memref<128xi32, #tpu.memory_space<vmem>>) semaphore(%arg12 : memref<!tpu.dma_semaphore, #tpu.memory_space<semaphore_mem>>)
        } else {
        }
      }
      %scan3A_55 = arith.constant 4 : i32
      %dma_wait3A_56 = arith.constant 0 : i32
      %dma_wait3A_57 = arith.constant 0 : i32
      %dma_wait3A_58 = tpu.memref_slice %arg11[%dma_wait3A_56, %dma_wait3A_57] : memref<10240x128xf32, #tpu.memory_space<vmem_shared>> -> memref<128x128xf32, #tpu.memory_space<vmem_shared>>
      %dma_wait3A_59 = arith.constant 0 : i32
      %dma_wait3A_60 = arith.constant 0 : i32
      %dma_wait3A_61 = tpu.memref_slice %arg11[%dma_wait3A_59, %dma_wait3A_60] : memref<10240x128xf32, #tpu.memory_space<vmem_shared>> -> memref<128x128xf32, #tpu.memory_space<vmem_shared>>
      tpu.wait_dma2 semaphore(%arg13 : memref<!tpu.dma_semaphore, #tpu.memory_space<semaphore_mem>>) src(%arg10 : memref<128x128xf32, #tpu.memory_space<vmem>>) dst(%dma_wait3A_61 : memref<128x128xf32, #tpu.memory_space<vmem_shared>>)
    } else {
    }
    %barrier3A_8 = arith.constant 0 : index
    tpu.barrier barrier_id(%barrier3A_8)
    %mul3A_9 = arith.constant 640 : i32
    %mul3A_10 = arith.muli %arg1, %mul3A_9 : i32
    %mul3A_11 = arith.constant 10240 : i32
    %mul3A_12 = arith.muli %arg0, %mul3A_11 : i32
    %mul3A_13 = arith.constant 640 : i32
    %mul3A_14 = arith.muli %arg1, %mul3A_13 : i32
    %add3A = arith.addi %mul3A_12, %mul3A_14 : i32
    "tpu.region"() ({
      %run_scoped3A = tpu.sem_alloc : memref<!tpu.dma_semaphore, #tpu.memory_space<semaphore_mem>>
      %dma_start3A = arith.constant 0 : i32
      %dma_start3A_15 = tpu.memref_slice %arg6[%add3A, %dma_start3A] : memref<20480x128xf32, #tpu.memory_space<hbm>> -> memref<640x128xf32, #tpu.memory_space<hbm>>
      %dma_start3A_16 = arith.constant 0 : i32
      %dma_start3A_17 = tpu.memref_slice %arg11[%mul3A_10, %dma_start3A_16] : memref<10240x128xf32, #tpu.memory_space<vmem_shared>> -> memref<640x128xf32, #tpu.memory_space<vmem_shared>>
      tpu.enqueue_dma source(%dma_start3A_17 : memref<640x128xf32, #tpu.memory_space<vmem_shared>>) target(%dma_start3A_15 : memref<640x128xf32, #tpu.memory_space<hbm>>) target_semaphore(%run_scoped3A : memref<!tpu.dma_semaphore, #tpu.memory_space<semaphore_mem>>)
      %dma_wait3A = arith.constant 0 : i32
      %dma_wait3A_18 = tpu.memref_slice %arg6[%add3A, %dma_wait3A] : memref<20480x128xf32, #tpu.memory_space<hbm>> -> memref<640x128xf32, #tpu.memory_space<hbm>>
      %dma_wait3A_19 = arith.constant 0 : i32
      %dma_wait3A_20 = tpu.memref_slice %arg11[%mul3A_10, %dma_wait3A_19] : memref<10240x128xf32, #tpu.memory_space<vmem_shared>> -> memref<640x128xf32, #tpu.memory_space<vmem_shared>>
      tpu.wait_dma2 semaphore(%run_scoped3A : memref<!tpu.dma_semaphore, #tpu.memory_space<semaphore_mem>>) src(%dma_wait3A_20 : memref<640x128xf32, #tpu.memory_space<vmem_shared>>) dst(%dma_wait3A_18 : memref<640x128xf32, #tpu.memory_space<hbm>>)
      tpu.yield
    }) : () -> ()
    return
  }
}

module attributes {stable_mosaic.version = 14 : i64} {
  func.func @body(%arg0: memref<10000x128xf32, #tpu.memory_space<vmem>>, %arg1: memref<10000x1xf32, #tpu.memory_space<vmem>>, %arg2: memref<10000x1xf32, #tpu.memory_space<vmem>>, %arg3: memref<10000x128xf32, #tpu.memory_space<vmem>>, %arg4: memref<10000x1xf32, #tpu.memory_space<vmem>>) attributes {dimension_semantics = [], scalar_prefetch = 0 : i64, scratch_operands = 0 : i64, tpu.core_type = #tpu.core_type<tc>} {
    %get3A = arith.constant 0 : index
    %get3A_0 = arith.constant 0 : index
    %get3A_1 = vector.load %arg1[%get3A, %get3A_0] : memref<10000x1xf32, #tpu.memory_space<vmem>>, vector<10000x1xf32>
    %get3A_2 = arith.constant 0 : index
    %get3A_3 = arith.constant 0 : index
    %get3A_4 = vector.load %arg2[%get3A_2, %get3A_3] : memref<10000x1xf32, #tpu.memory_space<vmem>>, vector<10000x1xf32>
    %add3A = arith.addf %get3A_1, %get3A_4 : vector<10000x1xf32>
    %add3A_5 = arith.constant 1.000000e+00 : f32
    %add3A_6 = vector.broadcast %add3A_5 : f32 to vector<10000x1xf32>
    %add3A_7 = arith.addf %add3A, %add3A_6 : vector<10000x1xf32>
    %sqrt3A = math.sqrt %add3A_7 : vector<10000x1xf32>
    %div3A = arith.constant 1.000000e+00 : f32
    %div3A_8 = vector.broadcast %div3A : f32 to vector<10000x1xf32>
    %div3A_9 = arith.divf %div3A_8, %sqrt3A : vector<10000x1xf32>
    %swap3A = arith.constant 0 : index
    %swap3A_10 = arith.constant 0 : index
    %swap3A_11 = vector.load %arg4[%swap3A, %swap3A_10] : memref<10000x1xf32, #tpu.memory_space<vmem>>, vector<10000x1xf32>
    tpu.vector_store %arg4[%swap3A, %swap3A_10], %div3A_9 {strides = array<i32>} : memref<10000x1xf32, #tpu.memory_space<vmem>>, vector<10000x1xf32>,
    %get3A_12 = arith.constant 0 : index
    %get3A_13 = arith.constant 0 : index
    %get3A_14 = vector.load %arg0[%get3A_12, %get3A_13] : memref<10000x128xf32, #tpu.memory_space<vmem>>, vector<10000x128xf32>
    %mul3A = vector.broadcast %div3A_9 : vector<10000x1xf32> to vector<10000x128xf32>
    %mul3A_15 = arith.mulf %get3A_14, %mul3A : vector<10000x128xf32>
    %swap3A_16 = arith.constant 0 : index
    %swap3A_17 = arith.constant 0 : index
    %swap3A_18 = vector.load %arg3[%swap3A_16, %swap3A_17] : memref<10000x128xf32, #tpu.memory_space<vmem>>, vector<10000x128xf32>
    tpu.vector_store %arg3[%swap3A_16, %swap3A_17], %mul3A_15 {strides = array<i32>} : memref<10000x128xf32, #tpu.memory_space<vmem>>, vector<10000x128xf32>,
    return
  }
}

module attributes {stable_mosaic.version = 14 : i64} {
  func.func @body(%arg0: i32, %arg1: memref<1000x128xf32, #tpu.memory_space<vmem>>, %arg2: memref<1000x128xf32, #tpu.memory_space<vmem>>, %arg3: memref<1000x128xf32, #tpu.memory_space<vmem>>, %arg4: memref<1000x1xf32, #tpu.memory_space<vmem>>, %arg5: memref<128x128xf32, #tpu.memory_space<vmem>>, %arg6: memref<1x128xf32, #tpu.memory_space<vmem>>, %arg7: memref<128x128xf32, #tpu.memory_space<vmem>>, %arg8: memref<1x128xf32, #tpu.memory_space<vmem>>, %arg9: memref<128x64xf32, #tpu.memory_space<vmem>>, %arg10: memref<128x64xf32, #tpu.memory_space<vmem>>, %arg11: memref<1000x128xf32, #tpu.memory_space<vmem>>) attributes {dimension_semantics = [#tpu.dimension_semantics<arbitrary>], iteration_bounds = array<i64: 10>, scalar_prefetch = 0 : i64, scratch_operands = 0 : i64, tpu.core_type = #tpu.core_type<tc>, window_params = [{transform_indices = @transform_0, window_bounds = array<i64: 1000, 128>}, {transform_indices = @transform_1, window_bounds = array<i64: 1000, 128>}, {transform_indices = @transform_2, window_bounds = array<i64: 1000, 128>}, {transform_indices = @transform_3, window_bounds = array<i64: 1000, 1>}, {pipeline_mode = #tpu.pipeline_mode<synchronous>, transform_indices = @transform_4, window_bounds = array<i64: 128, 128>}, {pipeline_mode = #tpu.pipeline_mode<synchronous>, transform_indices = @transform_5, window_bounds = array<i64: 1, 128>}, {pipeline_mode = #tpu.pipeline_mode<synchronous>, transform_indices = @transform_6, window_bounds = array<i64: 128, 128>}, {pipeline_mode = #tpu.pipeline_mode<synchronous>, transform_indices = @transform_7, window_bounds = array<i64: 1, 128>}, {pipeline_mode = #tpu.pipeline_mode<synchronous>, transform_indices = @transform_8, window_bounds = array<i64: 128, 64>}, {pipeline_mode = #tpu.pipeline_mode<synchronous>, transform_indices = @transform_9, window_bounds = array<i64: 128, 64>}, {transform_indices = @transform_10, window_bounds = array<i64: 1000, 128>}]} {
    %get3A = arith.constant 0 : index
    %get3A_0 = arith.constant 0 : index
    %get3A_1 = vector.load %arg1[%get3A, %get3A_0] : memref<1000x128xf32, #tpu.memory_space<vmem>>, vector<1000x128xf32>
    %get3A_2 = arith.constant 0 : index
    %get3A_3 = arith.constant 0 : index
    %get3A_4 = vector.load %arg2[%get3A_2, %get3A_3] : memref<1000x128xf32, #tpu.memory_space<vmem>>, vector<1000x128xf32>
    %add3A = arith.addf %get3A_1, %get3A_4 : vector<1000x128xf32>
    %get3A_5 = arith.constant 0 : index
    %get3A_6 = arith.constant 0 : index
    %get3A_7 = vector.load %arg3[%get3A_5, %get3A_6] : memref<1000x128xf32, #tpu.memory_space<vmem>>, vector<1000x128xf32>
    %add3A_8 = arith.addf %add3A, %get3A_7 : vector<1000x128xf32>
    %get3A_9 = arith.constant 0 : index
    %get3A_10 = arith.constant 0 : index
    %get3A_11 = vector.load %arg4[%get3A_9, %get3A_10] : memref<1000x1xf32, #tpu.memory_space<vmem>>, vector<1000x1xf32>
    %mul3A = vector.broadcast %get3A_11 : vector<1000x1xf32> to vector<1000x128xf32>
    %mul3A_12 = arith.mulf %add3A_8, %mul3A : vector<1000x128xf32>
    %get3A_13 = arith.constant 0 : index
    %get3A_14 = arith.constant 0 : index
    %get3A_15 = vector.load %arg5[%get3A_13, %get3A_14] : memref<128x128xf32, #tpu.memory_space<vmem>>, vector<128x128xf32>
    %dot_general3A = arith.constant dense<0.000000e+00> : vector<1000x128xf32>
    %dot_general3A_16 = tpu.matmul %mul3A_12, %get3A_15, %dot_general3A {dimension_numbers = #tpu.dot_dimension_numbers<[1], [0], [0], [1], [0, 0, 1, 1], [], []>, transpose_lhs_hint = false} : vector<1000x128xf32>, vector<128x128xf32>, vector<1000x128xf32> -> vector<1000x128xf32>
    %get3A_17 = arith.constant 0 : index
    %get3A_18 = arith.constant 0 : index
    %get3A_19 = vector.load %arg6[%get3A_17, %get3A_18] : memref<1x128xf32, #tpu.memory_space<vmem>>, vector<1x128xf32>
    %add3A_20 = vector.broadcast %get3A_19 : vector<1x128xf32> to vector<1000x128xf32>
    %add3A_21 = arith.addf %dot_general3A_16, %add3A_20 : vector<1000x128xf32>
    %max3A = arith.constant 0.000000e+00 : f32
    %max3A_22 = vector.broadcast %max3A : f32 to vector<1000x128xf32>
    %max3A_23 = arith.maximumf %add3A_21, %max3A_22 : vector<1000x128xf32>
    %get3A_24 = arith.constant 0 : index
    %get3A_25 = arith.constant 0 : index
    %get3A_26 = vector.load %arg7[%get3A_24, %get3A_25] : memref<128x128xf32, #tpu.memory_space<vmem>>, vector<128x128xf32>
    %dot_general3A_27 = arith.constant dense<0.000000e+00> : vector<1000x128xf32>
    %dot_general3A_28 = tpu.matmul %mul3A_12, %get3A_26, %dot_general3A_27 {dimension_numbers = #tpu.dot_dimension_numbers<[1], [0], [0], [1], [0, 0, 1, 1], [], []>, transpose_lhs_hint = false} : vector<1000x128xf32>, vector<128x128xf32>, vector<1000x128xf32> -> vector<1000x128xf32>
    %get3A_29 = arith.constant 0 : index
    %get3A_30 = arith.constant 0 : index
    %get3A_31 = vector.load %arg8[%get3A_29, %get3A_30] : memref<1x128xf32, #tpu.memory_space<vmem>>, vector<1x128xf32>
    %add3A_32 = vector.broadcast %get3A_31 : vector<1x128xf32> to vector<1000x128xf32>
    %add3A_33 = arith.addf %dot_general3A_28, %add3A_32 : vector<1000x128xf32>
    %max3A_34 = arith.constant 0.000000e+00 : f32
    %max3A_35 = vector.broadcast %max3A_34 : f32 to vector<1000x128xf32>
    %max3A_36 = arith.maximumf %add3A_33, %max3A_35 : vector<1000x128xf32>
    %get3A_37 = arith.constant 0 : index
    %get3A_38 = arith.constant 0 : index
    %get3A_39 = vector.load %arg9[%get3A_37, %get3A_38] : memref<128x64xf32, #tpu.memory_space<vmem>>, vector<128x64xf32>
    %dot_general3A_40 = arith.constant dense<0.000000e+00> : vector<1000x64xf32>
    %dot_general3A_41 = tpu.matmul %max3A_23, %get3A_39, %dot_general3A_40 {dimension_numbers = #tpu.dot_dimension_numbers<[1], [0], [0], [1], [0, 0, 1, 1], [], []>, transpose_lhs_hint = false} : vector<1000x128xf32>, vector<128x64xf32>, vector<1000x64xf32> -> vector<1000x64xf32>
    %get3A_42 = arith.constant 0 : index
    %get3A_43 = arith.constant 0 : index
    %get3A_44 = vector.load %arg10[%get3A_42, %get3A_43] : memref<128x64xf32, #tpu.memory_space<vmem>>, vector<128x64xf32>
    %dot_general3A_45 = arith.constant dense<0.000000e+00> : vector<1000x64xf32>
    %dot_general3A_46 = tpu.matmul %max3A_36, %get3A_44, %dot_general3A_45 {dimension_numbers = #tpu.dot_dimension_numbers<[1], [0], [0], [1], [0, 0, 1, 1], [], []>, transpose_lhs_hint = false} : vector<1000x128xf32>, vector<128x64xf32>, vector<1000x64xf32> -> vector<1000x64xf32>
    %concatenate3A = tpu.concatenate %dot_general3A_41, %dot_general3A_46 in 1 : vector<1000x64xf32>, vector<1000x64xf32> -> vector<1000x128xf32>
    %get3A_47 = arith.constant 0 : index
    %get3A_48 = arith.constant 0 : index
    %get3A_49 = vector.load %arg4[%get3A_47, %get3A_48] : memref<1000x1xf32, #tpu.memory_space<vmem>>, vector<1000x1xf32>
    %mul3A_50 = vector.broadcast %get3A_49 : vector<1000x1xf32> to vector<1000x128xf32>
    %mul3A_51 = arith.mulf %concatenate3A, %mul3A_50 : vector<1000x128xf32>
    %swap3A = arith.constant 0 : index
    %swap3A_52 = arith.constant 0 : index
    %swap3A_53 = vector.load %arg11[%swap3A, %swap3A_52] : memref<1000x128xf32, #tpu.memory_space<vmem>>, vector<1000x128xf32>
    tpu.vector_store %arg11[%swap3A, %swap3A_52], %mul3A_51 {strides = array<i32>} : memref<1000x128xf32, #tpu.memory_space<vmem>>, vector<1000x128xf32>,
    return
  }
  func.func @transform_0(%arg0: i32) -> (i32, i32) {
    %c0_i32 = arith.constant 0 : i32
    %c0_i32_0 = arith.constant 0 : i32
    return %arg0, %c0_i32 : i32, i32
  }
  func.func @transform_1(%arg0: i32) -> (i32, i32) {
    %c0_i32 = arith.constant 0 : i32
    %c0_i32_0 = arith.constant 0 : i32
    return %arg0, %c0_i32 : i32, i32
  }
  func.func @transform_2(%arg0: i32) -> (i32, i32) {
    %c0_i32 = arith.constant 0 : i32
    %c0_i32_0 = arith.constant 0 : i32
    return %arg0, %c0_i32 : i32, i32
  }
  func.func @transform_3(%arg0: i32) -> (i32, i32) {
    %c0_i32 = arith.constant 0 : i32
    %c0_i32_0 = arith.constant 0 : i32
    return %arg0, %c0_i32 : i32, i32
  }
  func.func @transform_4(%arg0: i32) -> (i32, i32) {
    %c0_i32 = arith.constant 0 : i32
    %c0_i32_0 = arith.constant 0 : i32
    %c0_i32_1 = arith.constant 0 : i32
    return %c0_i32, %c0_i32_0 : i32, i32
  }
  func.func @transform_5(%arg0: i32) -> (i32, i32) {
    %c0_i32 = arith.constant 0 : i32
    %c0_i32_0 = arith.constant 0 : i32
    %c0_i32_1 = arith.constant 0 : i32
    return %c0_i32, %c0_i32_0 : i32, i32
  }
  func.func @transform_6(%arg0: i32) -> (i32, i32) {
    %c0_i32 = arith.constant 0 : i32
    %c0_i32_0 = arith.constant 0 : i32
    %c0_i32_1 = arith.constant 0 : i32
    return %c0_i32, %c0_i32_0 : i32, i32
  }
  func.func @transform_7(%arg0: i32) -> (i32, i32) {
    %c0_i32 = arith.constant 0 : i32
    %c0_i32_0 = arith.constant 0 : i32
    %c0_i32_1 = arith.constant 0 : i32
    return %c0_i32, %c0_i32_0 : i32, i32
  }
  func.func @transform_8(%arg0: i32) -> (i32, i32) {
    %c0_i32 = arith.constant 0 : i32
    %c0_i32_0 = arith.constant 0 : i32
    %c0_i32_1 = arith.constant 0 : i32
    return %c0_i32, %c0_i32_0 : i32, i32
  }
  func.func @transform_9(%arg0: i32) -> (i32, i32) {
    %c0_i32 = arith.constant 0 : i32
    %c0_i32_0 = arith.constant 0 : i32
    %c0_i32_1 = arith.constant 0 : i32
    return %c0_i32, %c0_i32_0 : i32, i32
  }
  func.func @transform_10(%arg0: i32) -> (i32, i32) {
    %c0_i32 = arith.constant 0 : i32
    %c0_i32_0 = arith.constant 0 : i32
    return %arg0, %c0_i32 : i32, i32
  }
}

module attributes {stable_mosaic.version = 14 : i64} {
  func.func @body(%arg0: memref<10000x128xf32, #tpu.memory_space<vmem>>, %arg1: memref<10000x128xf32, #tpu.memory_space<vmem>>, %arg2: memref<10000x128xf32, #tpu.memory_space<vmem>>, %arg3: memref<10000x1xf32, #tpu.memory_space<vmem>>, %arg4: memref<10000x1xi32, #tpu.memory_space<vmem>>, %arg5: memref<1x64xf32, #tpu.memory_space<vmem>>, %arg6: memref<1x64xf32, #tpu.memory_space<vmem>>, %arg7: memref<10000x64xf32, #tpu.memory_space<vmem>>, %arg8: memref<10000x64xf32, #tpu.memory_space<vmem>>, %arg9: memref<10000x64xf32, #tpu.memory_space<vmem>>) attributes {dimension_semantics = [], scalar_prefetch = 0 : i64, scratch_operands = 0 : i64, tpu.core_type = #tpu.core_type<tc>} {
    %get3A = arith.constant 0 : index
    %get3A_0 = arith.constant 0 : index
    %get3A_1 = vector.load %arg0[%get3A, %get3A_0] : memref<10000x128xf32, #tpu.memory_space<vmem>>, vector<10000x128xf32>
    %get3A_2 = arith.constant 0 : index
    %get3A_3 = arith.constant 0 : index
    %get3A_4 = vector.load %arg1[%get3A_2, %get3A_3] : memref<10000x128xf32, #tpu.memory_space<vmem>>, vector<10000x128xf32>
    %add3A = arith.addf %get3A_1, %get3A_4 : vector<10000x128xf32>
    %get3A_5 = arith.constant 0 : index
    %get3A_6 = arith.constant 0 : index
    %get3A_7 = vector.load %arg2[%get3A_5, %get3A_6] : memref<10000x128xf32, #tpu.memory_space<vmem>>, vector<10000x128xf32>
    %add3A_8 = arith.addf %add3A, %get3A_7 : vector<10000x128xf32>
    %get3A_9 = arith.constant 0 : index
    %get3A_10 = arith.constant 0 : index
    %get3A_11 = vector.load %arg3[%get3A_9, %get3A_10] : memref<10000x1xf32, #tpu.memory_space<vmem>>, vector<10000x1xf32>
    %mul3A = vector.broadcast %get3A_11 : vector<10000x1xf32> to vector<10000x128xf32>
    %mul3A_12 = arith.mulf %add3A_8, %mul3A : vector<10000x128xf32>
    %slice3A = vector.extract_strided_slice %mul3A_12 {offsets = [0, 0], sizes = [10000, 64], strides = [1, 1]} : vector<10000x128xf32> to vector<10000x64xf32>
    %get3A_13 = arith.constant 0 : index
    %get3A_14 = arith.constant 0 : index
    %get3A_15 = vector.load %arg5[%get3A_13, %get3A_14] : memref<1x64xf32, #tpu.memory_space<vmem>>, vector<1x64xf32>
    %add3A_16 = vector.broadcast %get3A_15 : vector<1x64xf32> to vector<10000x64xf32>
    %add3A_17 = arith.addf %slice3A, %add3A_16 : vector<10000x64xf32>
    %swap3A = arith.constant 0 : index
    %swap3A_18 = arith.constant 0 : index
    %swap3A_19 = vector.load %arg7[%swap3A, %swap3A_18] : memref<10000x64xf32, #tpu.memory_space<vmem>>, vector<10000x64xf32>
    tpu.vector_store %arg7[%swap3A, %swap3A_18], %add3A_17 {strides = array<i32>} : memref<10000x64xf32, #tpu.memory_space<vmem>>, vector<10000x64xf32>,
    %slice3A_20 = vector.extract_strided_slice %mul3A_12 {offsets = [0, 64], sizes = [10000, 64], strides = [1, 1]} : vector<10000x128xf32> to vector<10000x64xf32>
    %get3A_21 = arith.constant 0 : index
    %get3A_22 = arith.constant 0 : index
    %get3A_23 = vector.load %arg6[%get3A_21, %get3A_22] : memref<1x64xf32, #tpu.memory_space<vmem>>, vector<1x64xf32>
    %add3A_24 = vector.broadcast %get3A_23 : vector<1x64xf32> to vector<10000x64xf32>
    %add3A_25 = arith.addf %slice3A_20, %add3A_24 : vector<10000x64xf32>
    %max3A = arith.constant 0.000000e+00 : f32
    %max3A_26 = vector.broadcast %max3A : f32 to vector<10000x64xf32>
    %max3A_27 = arith.maximumf %add3A_25, %max3A_26 : vector<10000x64xf32>
    %swap3A_28 = arith.constant 0 : index
    %swap3A_29 = arith.constant 0 : index
    %swap3A_30 = vector.load %arg8[%swap3A_28, %swap3A_29] : memref<10000x64xf32, #tpu.memory_space<vmem>>, vector<10000x64xf32>
    tpu.vector_store %arg8[%swap3A_28, %swap3A_29], %max3A_27 {strides = array<i32>} : memref<10000x64xf32, #tpu.memory_space<vmem>>, vector<10000x64xf32>,
    %get3A_31 = arith.constant 0 : index
    %get3A_32 = arith.constant 0 : index
    %get3A_33 = vector.load %arg4[%get3A_31, %get3A_32] : memref<10000x1xi32, #tpu.memory_space<vmem>>, vector<10000x1xi32>
    %iota3A = tpu.iota {dimensions = array<i32: 1>} : vector<1x64xi32>
    %eq3A = vector.broadcast %get3A_33 : vector<10000x1xi32> to vector<10000x64xi32>
    %eq3A_34 = vector.broadcast %iota3A : vector<1x64xi32> to vector<10000x64xi32>
    %eq3A_35 = arith.cmpi eq, %eq3A, %eq3A_34 : vector<10000x64xi32>
    %convert_element_type3A = arith.extui %eq3A_35 : vector<10000x64xi1> to vector<10000x64xi32>
    %convert_element_type3A_36 = arith.sitofp %convert_element_type3A : vector<10000x64xi32> to vector<10000x64xf32>
    %swap3A_37 = arith.constant 0 : index
    %swap3A_38 = arith.constant 0 : index
    %swap3A_39 = vector.load %arg9[%swap3A_37, %swap3A_38] : memref<10000x64xf32, #tpu.memory_space<vmem>>, vector<10000x64xf32>
    tpu.vector_store %arg9[%swap3A_37, %swap3A_38], %convert_element_type3A_36 {strides = array<i32>} : memref<10000x64xf32, #tpu.memory_space<vmem>>, vector<10000x64xf32>,
    return
  }
}

module attributes {stable_mosaic.version = 14 : i64} {
  func.func @body(%arg0: i32, %arg1: memref<10000x64xf32, #tpu.memory_space<vmem>>, %arg2: memref<10000x1xi32, #tpu.memory_space<vmem>>, %arg3: memref<8x64xf32, #tpu.memory_space<vmem>>) attributes {dimension_semantics = [#tpu.dimension_semantics<arbitrary>], iteration_bounds = array<i64: 8>, scalar_prefetch = 0 : i64, scratch_operands = 0 : i64, tpu.core_type = #tpu.core_type<tc>, window_params = [{pipeline_mode = #tpu.pipeline_mode<synchronous>, transform_indices = @transform_0, window_bounds = array<i64: 10000, 64>}, {pipeline_mode = #tpu.pipeline_mode<synchronous>, transform_indices = @transform_1, window_bounds = array<i64: 10000, 1>}, {transform_indices = @transform_2, window_bounds = array<i64: 8, 64>}]} {
    %mul3A = arith.constant 8 : i32
    %mul3A_0 = arith.muli %arg0, %mul3A : i32
    %get3A = arith.constant 0 : index
    %get3A_1 = arith.constant 0 : index
    %get3A_2 = vector.load %arg2[%get3A, %get3A_1] : memref<10000x1xi32, #tpu.memory_space<vmem>>, vector<10000x1xi32>
    %get3A_3 = arith.constant 0 : index
    %get3A_4 = arith.constant 0 : index
    %get3A_5 = vector.load %arg1[%get3A_3, %get3A_4] : memref<10000x64xf32, #tpu.memory_space<vmem>>, vector<10000x64xf32>
    %add3A = arith.constant 0 : i32
    %add3A_6 = arith.addi %mul3A_0, %add3A : i32
    %eq3A = vector.broadcast %add3A_6 : i32 to vector<10000x1xi32>
    %eq3A_7 = arith.cmpi eq, %get3A_2, %eq3A : vector<10000x1xi32>
    %jit3A = arith.constant 0xFF800000 : f32
    %broadcast_in_dim3A = vector.shape_cast %eq3A_7 : vector<10000x1xi1> to vector<10000x1xi1>
    %broadcast_in_dim3A_8 = vector.broadcast %broadcast_in_dim3A : vector<10000x1xi1> to vector<10000x64xi1>
    %broadcast_in_dim3A_9 = vector.broadcast %jit3A : f32 to vector<10000x64xf32>
    %select_n3A = arith.select %broadcast_in_dim3A_8, %get3A_5, %broadcast_in_dim3A_9 : vector<10000x64xi1>, vector<10000x64xf32>
    %reduce_max3A = arith.constant dense<0xFF800000> : vector<64xf32>
    %reduce_max3A_10 = vector.multi_reduction <maximumf>, %select_n3A, %reduce_max3A [0] : vector<10000x64xf32> to vector<64xf32>
    %broadcast_in_dim3A_11 = vector.shape_cast %reduce_max3A_10 : vector<64xf32> to vector<1x64xf32>
    %add3A_12 = arith.constant 1 : i32
    %add3A_13 = arith.addi %mul3A_0, %add3A_12 : i32
    %eq3A_14 = vector.broadcast %add3A_13 : i32 to vector<10000x1xi32>
    %eq3A_15 = arith.cmpi eq, %get3A_2, %eq3A_14 : vector<10000x1xi32>
    %jit3A_16 = arith.constant 0xFF800000 : f32
    %broadcast_in_dim3A_17 = vector.shape_cast %eq3A_15 : vector<10000x1xi1> to vector<10000x1xi1>
    %broadcast_in_dim3A_18 = vector.broadcast %broadcast_in_dim3A_17 : vector<10000x1xi1> to vector<10000x64xi1>
    %broadcast_in_dim3A_19 = vector.broadcast %jit3A_16 : f32 to vector<10000x64xf32>
    %select_n3A_20 = arith.select %broadcast_in_dim3A_18, %get3A_5, %broadcast_in_dim3A_19 : vector<10000x64xi1>, vector<10000x64xf32>
    %reduce_max3A_21 = arith.constant dense<0xFF800000> : vector<64xf32>
    %reduce_max3A_22 = vector.multi_reduction <maximumf>, %select_n3A_20, %reduce_max3A_21 [0] : vector<10000x64xf32> to vector<64xf32>
    %broadcast_in_dim3A_23 = vector.shape_cast %reduce_max3A_22 : vector<64xf32> to vector<1x64xf32>
    %add3A_24 = arith.constant 2 : i32
    %add3A_25 = arith.addi %mul3A_0, %add3A_24 : i32
    %eq3A_26 = vector.broadcast %add3A_25 : i32 to vector<10000x1xi32>
    %eq3A_27 = arith.cmpi eq, %get3A_2, %eq3A_26 : vector<10000x1xi32>
    %jit3A_28 = arith.constant 0xFF800000 : f32
    %broadcast_in_dim3A_29 = vector.shape_cast %eq3A_27 : vector<10000x1xi1> to vector<10000x1xi1>
    %broadcast_in_dim3A_30 = vector.broadcast %broadcast_in_dim3A_29 : vector<10000x1xi1> to vector<10000x64xi1>
    %broadcast_in_dim3A_31 = vector.broadcast %jit3A_28 : f32 to vector<10000x64xf32>
    %select_n3A_32 = arith.select %broadcast_in_dim3A_30, %get3A_5, %broadcast_in_dim3A_31 : vector<10000x64xi1>, vector<10000x64xf32>
    %reduce_max3A_33 = arith.constant dense<0xFF800000> : vector<64xf32>
    %reduce_max3A_34 = vector.multi_reduction <maximumf>, %select_n3A_32, %reduce_max3A_33 [0] : vector<10000x64xf32> to vector<64xf32>
    %broadcast_in_dim3A_35 = vector.shape_cast %reduce_max3A_34 : vector<64xf32> to vector<1x64xf32>
    %add3A_36 = arith.constant 3 : i32
    %add3A_37 = arith.addi %mul3A_0, %add3A_36 : i32
    %eq3A_38 = vector.broadcast %add3A_37 : i32 to vector<10000x1xi32>
    %eq3A_39 = arith.cmpi eq, %get3A_2, %eq3A_38 : vector<10000x1xi32>
    %jit3A_40 = arith.constant 0xFF800000 : f32
    %broadcast_in_dim3A_41 = vector.shape_cast %eq3A_39 : vector<10000x1xi1> to vector<10000x1xi1>
    %broadcast_in_dim3A_42 = vector.broadcast %broadcast_in_dim3A_41 : vector<10000x1xi1> to vector<10000x64xi1>
    %broadcast_in_dim3A_43 = vector.broadcast %jit3A_40 : f32 to vector<10000x64xf32>
    %select_n3A_44 = arith.select %broadcast_in_dim3A_42, %get3A_5, %broadcast_in_dim3A_43 : vector<10000x64xi1>, vector<10000x64xf32>
    %reduce_max3A_45 = arith.constant dense<0xFF800000> : vector<64xf32>
    %reduce_max3A_46 = vector.multi_reduction <maximumf>, %select_n3A_44, %reduce_max3A_45 [0] : vector<10000x64xf32> to vector<64xf32>
    %broadcast_in_dim3A_47 = vector.shape_cast %reduce_max3A_46 : vector<64xf32> to vector<1x64xf32>
    %add3A_48 = arith.constant 4 : i32
    %add3A_49 = arith.addi %mul3A_0, %add3A_48 : i32
    %eq3A_50 = vector.broadcast %add3A_49 : i32 to vector<10000x1xi32>
    %eq3A_51 = arith.cmpi eq, %get3A_2, %eq3A_50 : vector<10000x1xi32>
    %jit3A_52 = arith.constant 0xFF800000 : f32
    %broadcast_in_dim3A_53 = vector.shape_cast %eq3A_51 : vector<10000x1xi1> to vector<10000x1xi1>
    %broadcast_in_dim3A_54 = vector.broadcast %broadcast_in_dim3A_53 : vector<10000x1xi1> to vector<10000x64xi1>
    %broadcast_in_dim3A_55 = vector.broadcast %jit3A_52 : f32 to vector<10000x64xf32>
    %select_n3A_56 = arith.select %broadcast_in_dim3A_54, %get3A_5, %broadcast_in_dim3A_55 : vector<10000x64xi1>, vector<10000x64xf32>
    %reduce_max3A_57 = arith.constant dense<0xFF800000> : vector<64xf32>
    %reduce_max3A_58 = vector.multi_reduction <maximumf>, %select_n3A_56, %reduce_max3A_57 [0] : vector<10000x64xf32> to vector<64xf32>
    %broadcast_in_dim3A_59 = vector.shape_cast %reduce_max3A_58 : vector<64xf32> to vector<1x64xf32>
    %add3A_60 = arith.constant 5 : i32
    %add3A_61 = arith.addi %mul3A_0, %add3A_60 : i32
    %eq3A_62 = vector.broadcast %add3A_61 : i32 to vector<10000x1xi32>
    %eq3A_63 = arith.cmpi eq, %get3A_2, %eq3A_62 : vector<10000x1xi32>
    %jit3A_64 = arith.constant 0xFF800000 : f32
    %broadcast_in_dim3A_65 = vector.shape_cast %eq3A_63 : vector<10000x1xi1> to vector<10000x1xi1>
    %broadcast_in_dim3A_66 = vector.broadcast %broadcast_in_dim3A_65 : vector<10000x1xi1> to vector<10000x64xi1>
    %broadcast_in_dim3A_67 = vector.broadcast %jit3A_64 : f32 to vector<10000x64xf32>
    %select_n3A_68 = arith.select %broadcast_in_dim3A_66, %get3A_5, %broadcast_in_dim3A_67 : vector<10000x64xi1>, vector<10000x64xf32>
    %reduce_max3A_69 = arith.constant dense<0xFF800000> : vector<64xf32>
    %reduce_max3A_70 = vector.multi_reduction <maximumf>, %select_n3A_68, %reduce_max3A_69 [0] : vector<10000x64xf32> to vector<64xf32>
    %broadcast_in_dim3A_71 = vector.shape_cast %reduce_max3A_70 : vector<64xf32> to vector<1x64xf32>
    %add3A_72 = arith.constant 6 : i32
    %add3A_73 = arith.addi %mul3A_0, %add3A_72 : i32
    %eq3A_74 = vector.broadcast %add3A_73 : i32 to vector<10000x1xi32>
    %eq3A_75 = arith.cmpi eq, %get3A_2, %eq3A_74 : vector<10000x1xi32>
    %jit3A_76 = arith.constant 0xFF800000 : f32
    %broadcast_in_dim3A_77 = vector.shape_cast %eq3A_75 : vector<10000x1xi1> to vector<10000x1xi1>
    %broadcast_in_dim3A_78 = vector.broadcast %broadcast_in_dim3A_77 : vector<10000x1xi1> to vector<10000x64xi1>
    %broadcast_in_dim3A_79 = vector.broadcast %jit3A_76 : f32 to vector<10000x64xf32>
    %select_n3A_80 = arith.select %broadcast_in_dim3A_78, %get3A_5, %broadcast_in_dim3A_79 : vector<10000x64xi1>, vector<10000x64xf32>
    %reduce_max3A_81 = arith.constant dense<0xFF800000> : vector<64xf32>
    %reduce_max3A_82 = vector.multi_reduction <maximumf>, %select_n3A_80, %reduce_max3A_81 [0] : vector<10000x64xf32> to vector<64xf32>
    %broadcast_in_dim3A_83 = vector.shape_cast %reduce_max3A_82 : vector<64xf32> to vector<1x64xf32>
    %add3A_84 = arith.constant 7 : i32
    %add3A_85 = arith.addi %mul3A_0, %add3A_84 : i32
    %eq3A_86 = vector.broadcast %add3A_85 : i32 to vector<10000x1xi32>
    %eq3A_87 = arith.cmpi eq, %get3A_2, %eq3A_86 : vector<10000x1xi32>
    %jit3A_88 = arith.constant 0xFF800000 : f32
    %broadcast_in_dim3A_89 = vector.shape_cast %eq3A_87 : vector<10000x1xi1> to vector<10000x1xi1>
    %broadcast_in_dim3A_90 = vector.broadcast %broadcast_in_dim3A_89 : vector<10000x1xi1> to vector<10000x64xi1>
    %broadcast_in_dim3A_91 = vector.broadcast %jit3A_88 : f32 to vector<10000x64xf32>
    %select_n3A_92 = arith.select %broadcast_in_dim3A_90, %get3A_5, %broadcast_in_dim3A_91 : vector<10000x64xi1>, vector<10000x64xf32>
    %reduce_max3A_93 = arith.constant dense<0xFF800000> : vector<64xf32>
    %reduce_max3A_94 = vector.multi_reduction <maximumf>, %select_n3A_92, %reduce_max3A_93 [0] : vector<10000x64xf32> to vector<64xf32>
    %broadcast_in_dim3A_95 = vector.shape_cast %reduce_max3A_94 : vector<64xf32> to vector<1x64xf32>
    %concatenate3A = tpu.concatenate %broadcast_in_dim3A_11, %broadcast_in_dim3A_23, %broadcast_in_dim3A_35, %broadcast_in_dim3A_47, %broadcast_in_dim3A_59, %broadcast_in_dim3A_71, %broadcast_in_dim3A_83, %broadcast_in_dim3A_95 in 0 : vector<1x64xf32>, vector<1x64xf32>, vector<1x64xf32>, vector<1x64xf32>, vector<1x64xf32>, vector<1x64xf32>, vector<1x64xf32>, vector<1x64xf32> -> vector<8x64xf32>
    %swap3A = arith.constant 0 : index
    %swap3A_96 = arith.constant 0 : index
    %swap3A_97 = vector.load %arg3[%swap3A, %swap3A_96] : memref<8x64xf32, #tpu.memory_space<vmem>>, vector<8x64xf32>
    tpu.vector_store %arg3[%swap3A, %swap3A_96], %concatenate3A {strides = array<i32>} : memref<8x64xf32, #tpu.memory_space<vmem>>, vector<8x64xf32>,
    return
  }
  func.func @transform_0(%arg0: i32) -> (i32, i32) {
    %c0_i32 = arith.constant 0 : i32
    %c0_i32_0 = arith.constant 0 : i32
    %c0_i32_1 = arith.constant 0 : i32
    return %c0_i32, %c0_i32_0 : i32, i32
  }
  func.func @transform_1(%arg0: i32) -> (i32, i32) {
    %c0_i32 = arith.constant 0 : i32
    %c0_i32_0 = arith.constant 0 : i32
    %c0_i32_1 = arith.constant 0 : i32
    return %c0_i32, %c0_i32_0 : i32, i32
  }
  func.func @transform_2(%arg0: i32) -> (i32, i32) {
    %c0_i32 = arith.constant 0 : i32
    %c0_i32_0 = arith.constant 0 : i32
    return %arg0, %c0_i32 : i32, i32
  }
}

module attributes {stable_mosaic.version = 14 : i64} {
  func.func @body(%arg0: memref<10000x64xf32, #tpu.memory_space<vmem>>, %arg1: memref<64x64xf32, #tpu.memory_space<vmem>>, %arg2: memref<10000x64xf32, #tpu.memory_space<vmem>>, %arg3: memref<10000x64xf32, #tpu.memory_space<vmem>>) attributes {dimension_semantics = [], scalar_prefetch = 0 : i64, scratch_operands = 0 : i64, tpu.core_type = #tpu.core_type<tc>} {
    %get3A = arith.constant 0 : index
    %get3A_0 = arith.constant 0 : index
    %get3A_1 = vector.load %arg1[%get3A, %get3A_0] : memref<64x64xf32, #tpu.memory_space<vmem>>, vector<64x64xf32>
    %is_finite3A = tpu.weird %get3A_1 : vector<64x64xf32> -> vector<64x64xi1>
    %is_finite3A_2 = arith.constant dense<true> : vector<64x64xi1>
    %is_finite3A_3 = arith.xori %is_finite3A, %is_finite3A_2 : vector<64x64xi1>
    %jit3A = arith.constant 0.000000e+00 : f32
    %broadcast_in_dim3A = vector.broadcast %jit3A : f32 to vector<64x64xf32>
    %select_n3A = arith.select %is_finite3A_3, %get3A_1, %broadcast_in_dim3A : vector<64x64xi1>, vector<64x64xf32>
    %get3A_4 = arith.constant 0 : index
    %get3A_5 = arith.constant 0 : index
    %get3A_6 = vector.load %arg2[%get3A_4, %get3A_5] : memref<10000x64xf32, #tpu.memory_space<vmem>>, vector<10000x64xf32>
    %dot_general3A = arith.constant dense<0.000000e+00> : vector<10000x64xf32>
    %dot_general3A_7 = tpu.matmul %get3A_6, %select_n3A, %dot_general3A {dimension_numbers = #tpu.dot_dimension_numbers<[1], [0], [0], [1], [0, 0, 1, 1], [], []>, transpose_lhs_hint = false} : vector<10000x64xf32>, vector<64x64xf32>, vector<10000x64xf32> -> vector<10000x64xf32>
    %get3A_8 = arith.constant 0 : index
    %get3A_9 = arith.constant 0 : index
    %get3A_10 = vector.load %arg0[%get3A_8, %get3A_9] : memref<10000x64xf32, #tpu.memory_space<vmem>>, vector<10000x64xf32>
    %sub3A = arith.subf %get3A_10, %dot_general3A_7 : vector<10000x64xf32>
    %exp3A = math.exp %sub3A : vector<10000x64xf32>
    %dot_general3A_11 = arith.constant dense<0.000000e+00> : vector<64x64xf32>
    %dot_general3A_12 = tpu.matmul %get3A_6, %exp3A, %dot_general3A_11 {dimension_numbers = #tpu.dot_dimension_numbers<[0], [0], [1], [1], [0, 1, 1, 1], [], []>, transpose_lhs_hint = false} : vector<10000x64xf32>, vector<10000x64xf32>, vector<64x64xf32> -> vector<64x64xf32>
    %dot_general3A_13 = arith.constant dense<0.000000e+00> : vector<10000x64xf32>
    %dot_general3A_14 = tpu.matmul %get3A_6, %dot_general3A_12, %dot_general3A_13 {dimension_numbers = #tpu.dot_dimension_numbers<[1], [0], [0], [1], [0, 0, 1, 1], [], []>, transpose_lhs_hint = false} : vector<10000x64xf32>, vector<64x64xf32>, vector<10000x64xf32> -> vector<10000x64xf32>
    %add3A = arith.constant 1.000000e-16 : f32
    %add3A_15 = vector.broadcast %add3A : f32 to vector<10000x64xf32>
    %add3A_16 = arith.addf %dot_general3A_14, %add3A_15 : vector<10000x64xf32>
    %div3A = arith.divf %exp3A, %add3A_16 : vector<10000x64xf32>
    %swap3A = arith.constant 0 : index
    %swap3A_17 = arith.constant 0 : index
    %swap3A_18 = vector.load %arg3[%swap3A, %swap3A_17] : memref<10000x64xf32, #tpu.memory_space<vmem>>, vector<10000x64xf32>
    tpu.vector_store %arg3[%swap3A, %swap3A_17], %div3A {strides = array<i32>} : memref<10000x64xf32, #tpu.memory_space<vmem>>, vector<10000x64xf32>,
    return
  }
}

module attributes {stable_mosaic.version = 14 : i64} {
  func.func @body(%arg0: i32, %arg1: memref<10000x64xf32, #tpu.memory_space<vmem>>, %arg2: memref<10000x64xf32, #tpu.memory_space<vmem>>, %arg3: memref<10000x1xi32, #tpu.memory_space<vmem>>, %arg4: memref<1x64x64xf32, #tpu.memory_space<vmem>>) attributes {dimension_semantics = [#tpu.dimension_semantics<arbitrary>], iteration_bounds = array<i64: 64>, scalar_prefetch = 0 : i64, scratch_operands = 0 : i64, tpu.core_type = #tpu.core_type<tc>, window_params = [{pipeline_mode = #tpu.pipeline_mode<synchronous>, transform_indices = @transform_0, window_bounds = array<i64: 10000, 64>}, {pipeline_mode = #tpu.pipeline_mode<synchronous>, transform_indices = @transform_1, window_bounds = array<i64: 10000, 64>}, {pipeline_mode = #tpu.pipeline_mode<synchronous>, transform_indices = @transform_2, window_bounds = array<i64: 10000, 1>}, {transform_indices = @transform_3, window_bounds = array<i64: 1, 64, 64>}]} {
    %get3A = arith.constant 0 : index
    %get3A_0 = arith.constant 0 : index
    %get3A_1 = vector.load %arg3[%get3A, %get3A_0] : memref<10000x1xi32, #tpu.memory_space<vmem>>, vector<10000x1xi32>
    %eq3A = vector.broadcast %arg0 : i32 to vector<10000x1xi32>
    %eq3A_2 = arith.cmpi eq, %get3A_1, %eq3A : vector<10000x1xi32>
    %convert_element_type3A = arith.extui %eq3A_2 : vector<10000x1xi1> to vector<10000x1xi32>
    %convert_element_type3A_3 = arith.sitofp %convert_element_type3A : vector<10000x1xi32> to vector<10000x1xf32>
    %get3A_4 = arith.constant 0 : index
    %get3A_5 = arith.constant 0 : index
    %get3A_6 = vector.load %arg1[%get3A_4, %get3A_5] : memref<10000x64xf32, #tpu.memory_space<vmem>>, vector<10000x64xf32>
    %mul3A = vector.broadcast %convert_element_type3A_3 : vector<10000x1xf32> to vector<10000x64xf32>
    %mul3A_7 = arith.mulf %get3A_6, %mul3A : vector<10000x64xf32>
    %get3A_8 = arith.constant 0 : index
    %get3A_9 = arith.constant 0 : index
    %get3A_10 = vector.load %arg2[%get3A_8, %get3A_9] : memref<10000x64xf32, #tpu.memory_space<vmem>>, vector<10000x64xf32>
    %dot_general3A = arith.constant dense<0.000000e+00> : vector<64x64xf32>
    %dot_general3A_11 = tpu.matmul %mul3A_7, %get3A_10, %dot_general3A {dimension_numbers = #tpu.dot_dimension_numbers<[0], [0], [1], [1], [0, 1, 1, 1], [], []>, transpose_lhs_hint = false} : vector<10000x64xf32>, vector<10000x64xf32>, vector<64x64xf32> -> vector<64x64xf32>
    %swap3A = arith.constant 0 : index
    %swap3A_12 = arith.constant 0 : index
    %swap3A_13 = arith.constant 0 : index
    %swap3A_14 = vector.load %arg4[%swap3A, %swap3A_12, %swap3A_13] : memref<1x64x64xf32, #tpu.memory_space<vmem>>, vector<1x64x64xf32>
    %swap3A_15 = vector.shape_cast %swap3A_14 : vector<1x64x64xf32> to vector<64x64xf32>
    %swap3A_16 = vector.shape_cast %dot_general3A_11 : vector<64x64xf32> to vector<1x64x64xf32>
    tpu.vector_store %arg4[%swap3A, %swap3A_12, %swap3A_13], %swap3A_16 {strides = array<i32>} : memref<1x64x64xf32, #tpu.memory_space<vmem>>, vector<1x64x64xf32>,
    return
  }
  func.func @transform_0(%arg0: i32) -> (i32, i32) {
    %c0_i32 = arith.constant 0 : i32
    %c0_i32_0 = arith.constant 0 : i32
    %c0_i32_1 = arith.constant 0 : i32
    return %c0_i32, %c0_i32_0 : i32, i32
  }
  func.func @transform_1(%arg0: i32) -> (i32, i32) {
    %c0_i32 = arith.constant 0 : i32
    %c0_i32_0 = arith.constant 0 : i32
    %c0_i32_1 = arith.constant 0 : i32
    return %c0_i32, %c0_i32_0 : i32, i32
  }
  func.func @transform_2(%arg0: i32) -> (i32, i32) {
    %c0_i32 = arith.constant 0 : i32
    %c0_i32_0 = arith.constant 0 : i32
    %c0_i32_1 = arith.constant 0 : i32
    return %c0_i32, %c0_i32_0 : i32, i32
  }
  func.func @transform_3(%arg0: i32) -> (i32, i32, i32) {
    %c0_i32 = arith.constant 0 : i32
    %c0_i32_0 = arith.constant 0 : i32
    %c0_i32_1 = arith.constant 0 : i32
    return %arg0, %c0_i32, %c0_i32_0 : i32, i32, i32
  }
}

module attributes {stable_mosaic.version = 14 : i64} {
  func.func @body(%arg0: memref<64x4096xf32, #tpu.memory_space<vmem>>, %arg1: memref<4096x10xf32, #tpu.memory_space<vmem>>, %arg2: memref<1x10xf32, #tpu.memory_space<vmem>>, %arg3: memref<64x10xf32, #tpu.memory_space<vmem>>) attributes {dimension_semantics = [], scalar_prefetch = 0 : i64, scratch_operands = 0 : i64, tpu.core_type = #tpu.core_type<tc>} {
    %get3A = arith.constant 0 : index
    %get3A_0 = arith.constant 0 : index
    %get3A_1 = vector.load %arg0[%get3A, %get3A_0] : memref<64x4096xf32, #tpu.memory_space<vmem>>, vector<64x4096xf32>
    %get3A_2 = arith.constant 0 : index
    %get3A_3 = arith.constant 0 : index
    %get3A_4 = vector.load %arg1[%get3A_2, %get3A_3] : memref<4096x10xf32, #tpu.memory_space<vmem>>, vector<4096x10xf32>
    %dot_general3A = arith.constant dense<0.000000e+00> : vector<64x10xf32>
    %dot_general3A_5 = tpu.matmul %get3A_1, %get3A_4, %dot_general3A {dimension_numbers = #tpu.dot_dimension_numbers<[1], [0], [0], [1], [0, 0, 1, 1], [], []>, transpose_lhs_hint = false} : vector<64x4096xf32>, vector<4096x10xf32>, vector<64x10xf32> -> vector<64x10xf32>
    %get3A_6 = arith.constant 0 : index
    %get3A_7 = arith.constant 0 : index
    %get3A_8 = vector.load %arg2[%get3A_6, %get3A_7] : memref<1x10xf32, #tpu.memory_space<vmem>>, vector<1x10xf32>
    %add3A = vector.broadcast %get3A_8 : vector<1x10xf32> to vector<64x10xf32>
    %add3A_9 = arith.addf %dot_general3A_5, %add3A : vector<64x10xf32>
    %reduce_max3A = arith.constant dense<0xFF800000> : vector<64xf32>
    %reduce_max3A_10 = vector.multi_reduction <maximumf>, %add3A_9, %reduce_max3A [1] : vector<64x10xf32> to vector<64xf32>
    %broadcast_in_dim3A = vector.shape_cast %reduce_max3A_10 : vector<64xf32> to vector<64x1xf32>
    %sub3A = vector.broadcast %broadcast_in_dim3A : vector<64x1xf32> to vector<64x10xf32>
    %sub3A_11 = arith.subf %add3A_9, %sub3A : vector<64x10xf32>
    %exp3A = math.exp %sub3A_11 : vector<64x10xf32>
    %reduce_sum3A = arith.constant dense<0.000000e+00> : vector<64xf32>
    %reduce_sum3A_12 = vector.multi_reduction <add>, %exp3A, %reduce_sum3A [1] : vector<64x10xf32> to vector<64xf32>
    %broadcast_in_dim3A_13 = vector.shape_cast %reduce_sum3A_12 : vector<64xf32> to vector<64x1xf32>
    %div3A = vector.broadcast %broadcast_in_dim3A_13 : vector<64x1xf32> to vector<64x10xf32>
    %div3A_14 = arith.divf %exp3A, %div3A : vector<64x10xf32>
    %swap3A = arith.constant 0 : index
    %swap3A_15 = arith.constant 0 : index
    %swap3A_16 = vector.load %arg3[%swap3A, %swap3A_15] : memref<64x10xf32, #tpu.memory_space<vmem>>, vector<64x10xf32>
    tpu.vector_store %arg3[%swap3A, %swap3A_15], %div3A_14 {strides = array<i32>} : memref<64x10xf32, #tpu.memory_space<vmem>>, vector<64x10xf32>,
    return
  }
}

</mosaic_0001>

<sc_bundles>
// kernel: kernel.12.cloned.1.call-start
scs
__scs_entry_jumppad:
0x0: {  	(pc) =	sbr.rel $0x88, $3  }
0x1: {  	(tag) =	ssettag $0x0;
	lr =	simm.s32 $0x1  }
0x2: {  	[smem:$0x3F94] =	sst lr;
	_ =	strace $0xD0000000  }
0x3: {  	_ = 	snop  }
0x4: {  	_ = 	snop  }
0x5: {  	_ = 	snop  }
0x6: {  	_ = 	snop  }
0x7: {  	_ = 	snop  }
__scs_overlays_trampoline_lowered:
0x8: {  	[smem:$0x3FA3] =	sst s0  }
0x9: {  	[smem:$0x3FA4] =	sst s1  }
0xa: {  	[smem:$0x3FA5] =	sst s2  }
0xb: {  	[smem:$0x3FA6] =	sst s3  }
0xc: {  	[smem:$0x3FA7] =	sst s4  }
0xd: {  	[smem:$0x3FA8] =	sst s5  }
0xe: {  	[smem:$0x3FA9] =	sst s6  }
0xf: {  	[smem:$0x3FAA] =	sst s7  }
0x10: {  	[smem:$0x3FAB] =	sst s8  }
0x11: {  	[smem:$0x3FAC] =	sst s9;
	s0 =	simm.s32 @!p0 $0x0  }
0x12: {  	s1 =	sld [smem:$0x3F92];
	s0 =	simm.s32 @p0 $0x1  }
0x13: {  	[smem:$0x3FAD] =	sst s0;
	s0 =	simm.s32 @!p1 $0x0  }
0x14: {  	s2 =	sld [smem:$0x3F91];
	s0 =	simm.s32 @p1 $0x1  }
0x15: {  	[smem:$0x3FAE] =	sst s0;
	s0 =	simm.s32 @!p2 $0x0  }
0x16: {  	s3 =	sld [smem:$0x3FDB];
	s0 =	simm.s32 @p2 $0x1  }
0x17: {  	s4 =	simm.s32 $0x1BF5;
	[smem:$0x3FB0] =	sst s0  }
0x18: {  	s0 =	sld [smem:$0x3F93];
	_ =	swait.ge [sflag:s4], $0x0  }
0x19: {  	s7 =	sld [smem:$0x3F94]  }
0x1a: {  	s8 =	sadd.s32 $0xFFFFE003, lr  }
0x1b: {  	s9 =	sadd.s32 $0xFFFFFEF7, lr;
	s5 =	simm.s32 $0xFFFFFFFF;
	p2 =	slt.u32 s8, $0xFFFFF086  }
0x1c: {  	p1 =	slt.u32 s9, $0xF7A;
	s5 =	simm.s32 @!p2 $0x0  }
0x1d: {  	s5 =	simm.s32 @p1 $0x1;
	p0 =	seq.s32 s7, s2  }
0x1e: {  	s7 =	smul.u32 @!p0 $0xF7A, s2;
	p2 =	seq.s32 @!p0 s5, $0x0  }
0x1f: {  	s9 =	smul.u32 $0xF7A, s1;
	s8 =	simm.s32 @!p0 $0x1BF5;
	p2 =	por !p2, p0  }
0x20: {  	[sflag:s8] =	ssyncset.s32 @!p0 $0xFFFFF086;
	s6 =	sadd.s32 @!p0 s3, s7;
	s7 =	simm.s32 @!p0 $0x108  }
0x21: {  	s3 =	sadd.s32 s3, s9;
	s6 =	sadd.s32 @!p0 $0x88, s6;
	s7 =	simm.s32 @p2 $0x1082  }
0x22: {  	[simem:s7], [sflag:s8] =	dma.local @!p0 [hbm:s6], $0xF7A  }
0x23: {  	s9 =	sor.u32 $0xD0000000, s2;
	s6 =	simm.s32 $0x108;
	_ =	swait.ge @!p0 [sflag:s8], $0x0  }
0x24: {  	s3 =	sadd.s32 $0x88, s3;
	s6 =	simm.s32 @!p1 $0x1082;
	[sflag:s4] =	ssyncset.s32 $0xFFFFF086  }
0x25: {  	[simem:s6], [sflag:s4] =	dma.local [hbm:s3], $0xF7A  }
0x26: {  	[smem:$0x3F94] =	sst s1;
	(tag) =	ssettag s2;
	_ =	strace s9  }
0x27: {  	s1 =	sld [smem:$0x3FA4]  }
0x28: {  	s2 =	sld [smem:$0x3FA5]  }
0x29: {  	s4 =	sld [smem:$0x3FA7]  }
0x2a: {  	p0 =	seq.s32 s5, $0x0;
	s5 =	sld [smem:$0x3FA8]  }
0x2b: {  	s6 =	sld [smem:$0x3FA9]  }
0x2c: {  	s7 =	sld [smem:$0x3FAA]  }
0x2d: {  	s3 =	simm.s32 $0x108;
	s8 =	sld [smem:$0x3FAB]  }
0x2e: {  	s3 =	simm.s32 @!p0 $0x1082;
	s9 =	sld [smem:$0x3FAC]  }
0x2f: {  	lr =	sadd.s32 s0, s3;
	s0 =	sld [smem:$0x3FA3]  }
0x30: {  	s3 =	sld [smem:$0x3FA6]  }
0x31: {  	[smem:$0x3FAF] =	sst s10  }
0x32: {  	s10 =	sld [smem:$0x3FAD];
	_ =	sdelay $0x3  }
0x33: {  	p0 =	seq.s32 s10, $0x1;
	s10 =	sld [smem:$0x3FAF];
	_ =	sdelay $0x3  }
0x34: {  	[smem:$0x3FAF] =	sst s10  }
0x35: {  	s10 =	sld [smem:$0x3FAE];
	_ =	sdelay $0x3  }
0x36: {  	p1 =	seq.s32 s10, $0x1;
	s10 =	sld [smem:$0x3FAF];
	_ =	sdelay $0x3  }
0x37: {  	[smem:$0x3FAF] =	sst s10  }
0x38: {  	s10 =	sld [smem:$0x3FB0]  }
0x39: {  	_ = 	snop;
	(pc) =	sbr.ind lr, $3  }
0x3a: {  	_ = 	snop  }
0x3b: {  	_ = 	snop  }
0x3c: {  	p2 =	seq.s32 s10, $0x1;
	s10 =	sld [smem:$0x3FAF]  }
0x3d: {  	_ =	shalt  }
0x3e: {  	_ =	shalt  }
0x3f: {  	_ =	shalt  }
0x40: {  	_ =	shalt  }
0x41: {  	_ =	shalt  }
0x42: {  	_ =	shalt  }
0x43: {  	_ =	shalt  }
0x44: {  	_ =	shalt  }
0x45: {  	_ =	shalt  }
0x46: {  	_ =	shalt  }
0x47: {  	_ =	shalt  }
0x48: {  	_ =	shalt  }
0x49: {  	_ =	shalt  }
0x4a: {  	_ =	shalt  }
0x4b: {  	_ =	shalt  }
0x4c: {  	_ =	shalt  }
0x4d: {  	_ =	shalt  }
0x4e: {  	_ =	shalt  }
0x4f: {  	_ =	shalt  }
0x50: {  	_ =	shalt  }
0x51: {  	_ =	shalt  }
0x52: {  	_ =	shalt  }
0x53: {  	_ =	shalt  }
0x54: {  	_ =	shalt  }
0x55: {  	_ =	shalt  }
0x56: {  	_ =	shalt  }
0x57: {  	_ =	shalt  }
0x58: {  	_ =	shalt  }
0x59: {  	_ =	shalt  }
0x5a: {  	_ =	shalt  }
0x5b: {  	_ =	shalt  }
0x5c: {  	_ =	shalt  }
0x5d: {  	_ =	shalt  }
0x5e: {  	_ =	shalt  }
0x5f: {  	_ =	shalt  }
0x60: {  	_ =	shalt  }
0x61: {  	_ =	shalt  }
0x62: {  	_ =	shalt  }
0x63: {  	_ =	shalt  }
0x64: {  	_ =	shalt  }
0x65: {  	_ =	shalt  }
0x66: {  	_ =	shalt  }
0x67: {  	_ =	shalt  }
0x68: {  	_ =	shalt  }
0x69: {  	_ =	shalt  }
0x6a: {  	_ =	shalt  }
0x6b: {  	_ =	shalt  }
0x6c: {  	_ =	shalt  }
0x6d: {  	_ =	shalt  }
0x6e: {  	_ =	shalt  }
0x6f: {  	_ =	shalt  }
0x70: {  	_ =	shalt  }
0x71: {  	_ =	shalt  }
0x72: {  	_ =	shalt  }
0x73: {  	_ =	shalt  }
0x74: {  	_ =	shalt  }
0x75: {  	_ =	shalt  }
0x76: {  	_ =	shalt  }
0x77: {  	_ =	shalt  }
0x78: {  	_ =	shalt  }
0x79: {  	_ =	shalt  }
0x7a: {  	_ =	shalt  }
0x7b: {  	_ =	shalt  }
0x7c: {  	_ =	shalt  }
0x7d: {  	_ =	shalt  }
0x7e: {  	_ =	shalt  }
0x7f: {  	_ =	shalt  }
0x80: {  	_ =	shalt  }
0x81: {  	_ =	shalt  }
0x82: {  	_ =	shalt  }
0x83: {  	_ =	shalt  }
0x84: {  	_ =	shalt  }
0x85: {  	_ =	shalt  }
0x86: {  	_ =	shalt  }
0x87: {  	_ =	shalt  }
.Lfunc_end0:
.L_simem_size_0:
called_computation_lowered:
.L_overlay_start_0:
0x88: {  	s2 =	sld [smem:$0x3FD9]  }
0x89: {  	s3 =	sld [smem:$0x3FFE];
	_ =	sdelay $0x1  }
0x8a: {  	s1 =	srdreg.scid  }
0x8b: {  	s0 =	sand.u32 $0x1, s1  }
0x8c: {  	s16 =	sshll.u32 s0, $0xA;
	s2 =	sadd.s32 s3, s2  }
0x8d: {  	s2 =	sadd.s32 s2, s16  }
0x8e: {  	[smem:$0x3FBB] =	sst s2  }
0x8f: {  	_ = 	snop  }
0x90: {  	(tm) =	ssettm $0x1  }
0x91: {  	s17 =	sld [smem:$0x3FFB];
	_ =	sdelay $0x3  }
0x92: {  	_ =	strace s17  }
0x93: {  	s2 =	sld [smem:$0x3FFC];
	_ =	sdelay $0x3  }
0x94: {  	_ =	strace s2  }
0x95: {  	s2 =	sld [smem:$0x3FFD];
	_ =	sdelay $0x3  }
0x96: {  	_ =	strace s2  }
0x97: {  	_ =	strace $0x8FFFFFFF  }
0x98: {  	s18 =	sld [smem:$0x3FDB];
	_ =	sdelay $0x1  }
0x99: {  	s19 =	simm.s32 $_scs_section_size  }
0x9a: {  	s4 =	simm.s32 $_size__tile_overlayer_lowered;
	s5 =	simm.s32 $_tile_overlayer_lowered  }
0x9b: {  	s22 =	simm.s32 $0x1BFF;
	s21 =	sshll.u32 s5, $0x1;
	s2 =	sadd.s32 s19, s18  }
0x9c: {  	s6 =	simm.s32 $0x0;
	s20 =	sshll.u32 s4, $0x1;
	s4 =	sadd.s32 s21, s2  }
0x9d: {  	[timem:s6], [sflag:s22] =	dma.local [hbm:s4], s20  }
0x9e: {  	_ =	swait.ge [sflag:s22], s20  }
0x9f: {  	s3 =	ssub.s32 $0x0, s20;
	[sflag:s22] =	ssyncset.done $0x0  }
0xa0: {  	[sflag:s22] =	ssyncadd.s32 s3;
	_ =	sdelay $0x1  }
0xa1: {  	s23 =	simm.s32 $0x1B8B  }
0xa2: {  	_ =	swait.ge [sflag:s23], $0x1  }
0xa3: {  	[sflag:s23] =	ssyncset.done $0x0  }
0xa4: {  	s25 =	simm.s32 $0x1B8E;
	s24 =	sld [smem:$0x3FFE];
	[sflag:s23] =	ssyncadd.s32 $0xFFFFFFFF  }
0xa5: {  	s26 =	simm.s32 $execute0_lowered;
	[smem:$0x3FD2] =	sst s25  }
0xa6: {  	s4 =	sshll.u32 s26, $0x1;
	_ =	strace $0x80000046;
	[dreg:$0x1] =	wrdreg $0xFFFFFFFF  }
0xa7: {  	s28 =	simm.s32 $_size_execute0_lowered;
	s2 =	sadd.s32 s2, s4;
	[dreg:$0x0] =	wrdreg $0x0  }
0xa8: {  	s4 =	sshll.u32 s28, $0x1;
	[dreg:$0x2] =	wrdreg s2  }
0xa9: {  	[dreg:$0x3] =	wrdreg s4  }
0xaa: {  	[dreg:$0x4] =	wrdreg $0xC0  }
0xab: {  	_ =	task [dreg:s6], $0x5FFFF  }
0xac: {  	[dreg:$0x1] =	wrdreg $0xFFFFFFFF  }
0xad: {  	[dreg:$0x0] =	wrdreg $0x60  }
0xae: {  	[dreg:$0x2] =	wrdreg s24  }
0xaf: {  	[dreg:$0x3] =	wrdreg $0x55000  }
0xb0: {  	[dreg:$0x4] =	wrdreg $0x9  }
0xb1: {  	_ =	task.clear_ibuf [dreg:s6], $0x5FFFF;
	_ =	strace $0x90000046  }
0xb2: {  	s29 =	simm.s32 $0x9;
	_ =	strace $0x80000048  }
0xb3: {  	_ =	swait.ge [sflag:s29], $0x1  }
0xb4: {  	[sflag:s29] =	ssyncadd.s32 $0xFFFFFFFF  }
0xb5: {  	_ =	strace $0x90000048  }
0xb6: {  	_ =	sfence  }
0xb7: {  	s30 =	sld [smem:$0x0];
	_ =	sdelay $0x2  }
0xb8: {  	s31 =	sshll.u32 s1, $0xD;
	s1 =	sshrl.u32 s1, $0x2  }
0xb9: {  	s3 =	sand.u32 $0x4000, s31;
	s1 =	sadd.s32 s1, s30  }
0xba: {  	s0 =	sor.u32 s3, s0;
	s1 =	sshll.u32 s1, $0x11  }
0xbb: {  	s0 =	sor.u32 s1, s0  }
0xbc: {  	s0 =	sadd.s32 $0x8F2B, s0  }
0xbd: {  	[sflag:s0] =	ssyncadd.remote.s32 $0x1  }
0xbe: {  	_ =	sfence.sel $0xFFFF  }
0xbf: {  	[dreg:$0x0] =	wrdreg $0xFFFFFFFF;
	(pc) =	sbr.abs _section_cstart, $3  }
0xc0: {  	[dreg:$0x1] =	wrdreg $0xFFFFFFFF  }
0xc1: {  	_ =	task.clear_ibuf [dreg:s6], $0x2FFFF;
	_ =	strace $0x9FFFFFFF  }
0xc2: {  	(tm) =	ssettm $0x7FFFFFFF  }
0xc3: {  	_ =	shalt  }
tec
execute0_lowered:
.L_overlay_start_1:
0x0: {  	(tag) =	ssettag $0x1  }
0x1: {  	s0 =	srdreg.scid  }
0x2: {  	s3 =	stileid.u32;
	s4 =	rddreg [dreg:$0x0]  }
0x3: {  	s6 =	rddreg [dreg:$0x1];
	s2 =	simm.s32 $0x0;
	s28 =	simm.s32 $0x400  }
0x4: {  	s29 =	simm.s32 $0x5000;
	s30 =	simm.s32 $0x5280;
	s31 =	simm.s32 $0x0  }
0x5: {  	s0 =	sand.u32 $0x1, s0;
	s5 =	smul.u32 $0x280, s3;
	[smem:$0x7FF] =	sst s2  }
0x6: {  	s8 =	sadd.s32 $0x19200, s4;
	s22 =	sshrl.u32 s3, $0x3;
	s24 =	smul.u32 $0x5000, s3  }
0x7: {  	s25 =	sshll.u32 s3, $0x7;
	s1 =	sshll.u32 s0, $0x4;
	s7 =	smul.u32 $0x2800, s0  }
0x8: {  	_ =	strace $0x80000047;
	[dreg:$0x3] =	wrdreg s8;
	s0 =	ssub.s32 $0x2, s0  }
0x9: {  	s26 =	sand.u32 $0x380, s25;
	s25 =	simm.s32 $0x1;
	s1 =	sor.u32 s3, s1  }
0xa: {  	s23 =	sshrl.u32 s0, $0x1;
	s9 =	sshrl.u32 s24, $0x2;
	s1 =	smul.u32 $0x500, s1  }
0xb: {  	s5 =	sadd.s32 s5, s7;
	s7 =	smul.u32 $0x50000, s22;
	s0 =	ssub.s32 s0, s23  }
0xc: {  	s24 =	simm.s32 $0x2800;
	s5 =	sshrl.u32 s5, $0x3;
	s23 =	smax.u32 s0, $0x1  }
0xd: {  	s1 =	sadd.s32 s1, s4;
	s22 =	sadd.s32 s5, s4;
	s7 =	sshrl.u32 s7, $0x2  }
0xe: {  	s7 =	sadd.s32 s7, s6;
	s4 =	sadd.s32 $0x5200, s1;
	s6 =	sadd.s32 s9, s6  }
0xf: {  	s22 =	sadd.s32 $0x19800, s22;
	s5 =	sadd.s32 s26, s7;
	s7 =	sadd.s32 $0x80, s6  }
0x10: {  	s8 =	sadd.s32 $0x100, s6;
	s9 =	sadd.s32 $0x180, s6;
	s10 =	sadd.s32 $0x200, s6  }
0x11: {  	s11 =	sadd.s32 $0x280, s6;
	s12 =	sadd.s32 $0x300, s6;
	s13 =	sadd.s32 $0x380, s6  }
0x12: {  	s14 =	sadd.s32 $0x14000, s6;
	s15 =	sadd.s32 $0x14080, s6;
	s16 =	sadd.s32 $0x14100, s6  }
0x13: {  	s17 =	sadd.s32 $0x14180, s6;
	s18 =	sadd.s32 $0x14200, s6;
	s19 =	sadd.s32 $0x14280, s6  }
0x14: {  	v0 =	vimm.f32 $1.000000000e+00;
	s20 =	sadd.s32 $0x14300, s6;
	s21 =	sadd.s32 $0x14380, s6;
	s26 =	simm.s32 $0x80  }
.LBB2_1:
0x15: {  	s0 =	rddreg [dreg:$0x3]  }
0x16: {  	[tilespmem:s24], [sflag:$0x1] =	stream.linear.gather [hbm4b:s0+s2], $0x2800, $0x38;
	[tilespmem:$0x7D00] =	vst v63  }
0x17: {  	_ =	swait.ge [sflag:s25], $0x2800  }
0x18: {  	[sflag:s25] =	ssyncset.done $0x0  }
0x19: {  	[sflag:s25] =	ssyncadd.s32 $0xFFFFD800  }
0x1a: {  	[tilespmem:s2], [sflag:$0x1] =	stream.linear.gather [hbm4b:s4+s2], $0x2800, $0x38;
	[tilespmem:$0x7D00] =	vst v63  }
0x1b: {  	_ =	swait.ge [sflag:s25], $0x2800  }
0x1c: {  	[sflag:s25] =	ssyncset.done $0x0  }
0x1d: {  	s1 =	simm.s32 $0x0;
	s0 =	simm.s32 $0x40;
	[sflag:s25] =	ssyncadd.s32 $0xFFFFD800  }
.LBB2_2:
0x1e: {  	p0 =	sne.s32 s0, $0x9FC0;
	v1 =	vld [tilespmem:s1+$0x0];
	_ =	sdelay $0x3  }
.Ltmp0:
0x1f: {  	(pc) =	sbr.rel @p0 .LBB2_2-.Ltmp0, $2  }
0x20: {  	_ =	sdelay $0x2  }
0x21: {  	s1 =	sshra.s32 s0, $0x2;
	s0 =	sadd.s32 $0x40, s0;
	[tilespmem:v1+s24+$0x0] =	vst.idx.add.f32.msk $0xffff, v0  }
0x22: {  	v1 =	vld [tilespmem:s1+$0x0];
	_ =	sdelay $0x7  }
0x23: {  	[tilespmem:v1+s24+$0x0] =	vst.idx.add.f32.msk $0xffff, v0  }
0x24: {  	[spmem:s5] =	stream.strided.scatter [tilespmem:s24], [sflag:$0x1], $0x2800, s28, s26, $0x38;
	[tilespmem:$0x7D00] =	vst v63  }
0x25: {  	_ =	swait.ge [sflag:s25], $0x2800  }
0x26: {  	[sflag:s25] =	ssyncset.done $0x0  }
0x27: {  	[sflag:s25] =	ssyncadd.s32 $0xFFFFD800  }
0x28: {  	[bflag:$0x0] =	sbarrier.arrive $0xFFFF  }
0x29: {  	[tilespmem:s29], [sflag:$0x1] =	stream.strided.gather [spmem:s6], $0x280, s28, s26, $0x38;
	[tilespmem:$0x7D00] =	vst v63  }
0x2a: {  	_ =	swait.ge [sflag:s25], $0x280  }
0x2b: {  	[sflag:s25] =	ssyncset.done $0x0  }
0x2c: {  	[sflag:s25] =	ssyncadd.s32 $0xFFFFFD80  }
0x2d: {  	[tilespmem:s30], [sflag:$0x1] =	stream.strided.gather [spmem:s7], $0x280, s28, s26, $0x38;
	[tilespmem:$0x7D00] =	vst v63  }
0x2e: {  	_ =	swait.ge [sflag:s25], $0x280  }
0x2f: {  	[sflag:s25] =	ssyncset.done $0x0  }
0x30: {  	s1 =	simm.s32 $0x0;
	[sflag:s25] =	ssyncadd.s32 $0xFFFFFD80  }
0x31: {  	s0 =	simm.s32 $0x40;
	v1 =	vld [tilespmem:s1+$0x5280]  }
.LBB2_4:
0x32: {  	p0 =	sne.s32 s0, $0x9C0;
	v2 =	vld [tilespmem:s1+$0x5000];
	_ =	sdelay $0x2  }
.Ltmp1:
0x33: {  	(pc) =	sbr.rel @p0 .LBB2_4-.Ltmp1, $4  }
0x34: {  	_ = 	snop  }
0x35: {  	v2 =	vadd.f32 v1, v2  }
0x36: {  	s3 =	sshra.s32 s0, $0x2  }
0x37: {  	s0 =	sadd.s32 $0x40, s0;
	v1 =	vld [tilespmem:s3+$0x5280];
	[tilespmem:s1+$0x5000] =	vst v2;
	s1 =	smov.u32 s3  }
0x38: {  	v2 =	vld [tilespmem:s1+$0x5000];
	_ =	sdelay $0x4  }
0x39: {  	v1 =	vadd.f32 v1, v2;
	_ =	sdelay $0x1  }
0x3a: {  	[tilespmem:s1+$0x5000] =	vst v1  }
0x3b: {  	[tilespmem:s30], [sflag:$0x1] =	stream.strided.gather [spmem:s8], $0x280, s28, s26, $0x38;
	[tilespmem:$0x7D00] =	vst v63  }
0x3c: {  	_ =	swait.ge [sflag:s25], $0x280  }
0x3d: {  	[sflag:s25] =	ssyncset.done $0x0  }
0x3e: {  	s1 =	simm.s32 $0x0;
	[sflag:s25] =	ssyncadd.s32 $0xFFFFFD80  }
0x3f: {  	s0 =	simm.s32 $0x40;
	v1 =	vld [tilespmem:s1+$0x5280]  }
.LBB2_6:
0x40: {  	p0 =	sne.s32 s0, $0x9C0;
	v2 =	vld [tilespmem:s1+$0x5000];
	_ =	sdelay $0x2  }
.Ltmp2:
0x41: {  	(pc) =	sbr.rel @p0 .LBB2_6-.Ltmp2, $4  }
0x42: {  	_ = 	snop  }
0x43: {  	v2 =	vadd.f32 v1, v2  }
0x44: {  	s3 =	sshra.s32 s0, $0x2  }
0x45: {  	s0 =	sadd.s32 $0x40, s0;
	v1 =	vld [tilespmem:s3+$0x5280];
	[tilespmem:s1+$0x5000] =	vst v2;
	s1 =	smov.u32 s3  }
0x46: {  	v2 =	vld [tilespmem:s1+$0x5000];
	_ =	sdelay $0x4  }
0x47: {  	v1 =	vadd.f32 v1, v2;
	_ =	sdelay $0x1  }
0x48: {  	[tilespmem:s1+$0x5000] =	vst v1  }
0x49: {  	[tilespmem:s30], [sflag:$0x1] =	stream.strided.gather [spmem:s9], $0x280, s28, s26, $0x38;
	[tilespmem:$0x7D00] =	vst v63  }
0x4a: {  	_ =	swait.ge [sflag:s25], $0x280  }
0x4b: {  	[sflag:s25] =	ssyncset.done $0x0  }
0x4c: {  	s1 =	simm.s32 $0x0;
	[sflag:s25] =	ssyncadd.s32 $0xFFFFFD80  }
0x4d: {  	s0 =	simm.s32 $0x40;
	v1 =	vld [tilespmem:s1+$0x5280]  }
.LBB2_8:
0x4e: {  	p0 =	sne.s32 s0, $0x9C0;
	v2 =	vld [tilespmem:s1+$0x5000];
	_ =	sdelay $0x2  }
.Ltmp3:
0x4f: {  	(pc) =	sbr.rel @p0 .LBB2_8-.Ltmp3, $4  }
0x50: {  	_ = 	snop  }
0x51: {  	v2 =	vadd.f32 v1, v2  }
0x52: {  	s3 =	sshra.s32 s0, $0x2  }
0x53: {  	s0 =	sadd.s32 $0x40, s0;
	v1 =	vld [tilespmem:s3+$0x5280];
	[tilespmem:s1+$0x5000] =	vst v2;
	s1 =	smov.u32 s3  }
0x54: {  	v2 =	vld [tilespmem:s1+$0x5000];
	_ =	sdelay $0x4  }
0x55: {  	v1 =	vadd.f32 v1, v2;
	_ =	sdelay $0x1  }
0x56: {  	[tilespmem:s1+$0x5000] =	vst v1  }
0x57: {  	[tilespmem:s30], [sflag:$0x1] =	stream.strided.gather [spmem:s10], $0x280, s28, s26, $0x38;
	[tilespmem:$0x7D00] =	vst v63  }
0x58: {  	_ =	swait.ge [sflag:s25], $0x280  }
0x59: {  	[sflag:s25] =	ssyncset.done $0x0  }
0x5a: {  	s1 =	simm.s32 $0x0;
	[sflag:s25] =	ssyncadd.s32 $0xFFFFFD80  }
0x5b: {  	s0 =	simm.s32 $0x40;
	v1 =	vld [tilespmem:s1+$0x5280]  }
.LBB2_10:
0x5c: {  	p0 =	sne.s32 s0, $0x9C0;
	v2 =	vld [tilespmem:s1+$0x5000];
	_ =	sdelay $0x2  }
.Ltmp4:
0x5d: {  	(pc) =	sbr.rel @p0 .LBB2_10-.Ltmp4, $4  }
0x5e: {  	_ = 	snop  }
0x5f: {  	v2 =	vadd.f32 v1, v2  }
0x60: {  	s3 =	sshra.s32 s0, $0x2  }
0x61: {  	s0 =	sadd.s32 $0x40, s0;
	v1 =	vld [tilespmem:s3+$0x5280];
	[tilespmem:s1+$0x5000] =	vst v2;
	s1 =	smov.u32 s3  }
0x62: {  	v2 =	vld [tilespmem:s1+$0x5000];
	_ =	sdelay $0x4  }
0x63: {  	v1 =	vadd.f32 v1, v2;
	_ =	sdelay $0x1  }
0x64: {  	[tilespmem:s1+$0x5000] =	vst v1  }
0x65: {  	[tilespmem:s30], [sflag:$0x1] =	stream.strided.gather [spmem:s11], $0x280, s28, s26, $0x38;
	[tilespmem:$0x7D00] =	vst v63  }
0x66: {  	_ =	swait.ge [sflag:s25], $0x280  }
0x67: {  	[sflag:s25] =	ssyncset.done $0x0  }
0x68: {  	s1 =	simm.s32 $0x0;
	[sflag:s25] =	ssyncadd.s32 $0xFFFFFD80  }
0x69: {  	s0 =	simm.s32 $0x40;
	v1 =	vld [tilespmem:s1+$0x5280]  }
.LBB2_12:
0x6a: {  	p0 =	sne.s32 s0, $0x9C0;
	v2 =	vld [tilespmem:s1+$0x5000];
	_ =	sdelay $0x2  }
.Ltmp5:
0x6b: {  	(pc) =	sbr.rel @p0 .LBB2_12-.Ltmp5, $4  }
0x6c: {  	_ = 	snop  }
0x6d: {  	v2 =	vadd.f32 v1, v2  }
0x6e: {  	s3 =	sshra.s32 s0, $0x2  }
0x6f: {  	s0 =	sadd.s32 $0x40, s0;
	v1 =	vld [tilespmem:s3+$0x5280];
	[tilespmem:s1+$0x5000] =	vst v2;
	s1 =	smov.u32 s3  }
0x70: {  	v2 =	vld [tilespmem:s1+$0x5000];
	_ =	sdelay $0x4  }
0x71: {  	v1 =	vadd.f32 v1, v2;
	_ =	sdelay $0x1  }
0x72: {  	[tilespmem:s1+$0x5000] =	vst v1  }
0x73: {  	[tilespmem:s30], [sflag:$0x1] =	stream.strided.gather [spmem:s12], $0x280, s28, s26, $0x38;
	[tilespmem:$0x7D00] =	vst v63  }
0x74: {  	_ =	swait.ge [sflag:s25], $0x280  }
0x75: {  	[sflag:s25] =	ssyncset.done $0x0  }
0x76: {  	s1 =	simm.s32 $0x0;
	[sflag:s25] =	ssyncadd.s32 $0xFFFFFD80  }
0x77: {  	s0 =	simm.s32 $0x40;
	v1 =	vld [tilespmem:s1+$0x5280]  }
.LBB2_14:
0x78: {  	p0 =	sne.s32 s0, $0x9C0;
	v2 =	vld [tilespmem:s1+$0x5000];
	_ =	sdelay $0x2  }
.Ltmp6:
0x79: {  	(pc) =	sbr.rel @p0 .LBB2_14-.Ltmp6, $4  }
0x7a: {  	_ = 	snop  }
0x7b: {  	v2 =	vadd.f32 v1, v2  }
0x7c: {  	s3 =	sshra.s32 s0, $0x2  }
0x7d: {  	s0 =	sadd.s32 $0x40, s0;
	v1 =	vld [tilespmem:s3+$0x5280];
	[tilespmem:s1+$0x5000] =	vst v2;
	s1 =	smov.u32 s3  }
0x7e: {  	v2 =	vld [tilespmem:s1+$0x5000];
	_ =	sdelay $0x4  }
0x7f: {  	v1 =	vadd.f32 v1, v2;
	_ =	sdelay $0x1  }
0x80: {  	[tilespmem:s1+$0x5000] =	vst v1  }
0x81: {  	[tilespmem:s30], [sflag:$0x1] =	stream.strided.gather [spmem:s13], $0x280, s28, s26, $0x38;
	[tilespmem:$0x7D00] =	vst v63  }
0x82: {  	_ =	swait.ge [sflag:s25], $0x280  }
0x83: {  	[sflag:s25] =	ssyncset.done $0x0  }
0x84: {  	s1 =	simm.s32 $0x0;
	[sflag:s25] =	ssyncadd.s32 $0xFFFFFD80  }
0x85: {  	s0 =	simm.s32 $0x40;
	v1 =	vld [tilespmem:s1+$0x5280]  }
.LBB2_16:
0x86: {  	p0 =	sne.s32 s0, $0x9C0;
	v2 =	vld [tilespmem:s1+$0x5000];
	_ =	sdelay $0x2  }
.Ltmp7:
0x87: {  	(pc) =	sbr.rel @p0 .LBB2_16-.Ltmp7, $4  }
0x88: {  	_ = 	snop  }
0x89: {  	v2 =	vadd.f32 v1, v2  }
0x8a: {  	s3 =	sshra.s32 s0, $0x2  }
0x8b: {  	s0 =	sadd.s32 $0x40, s0;
	v1 =	vld [tilespmem:s3+$0x5280];
	[tilespmem:s1+$0x5000] =	vst v2;
	s1 =	smov.u32 s3  }
0x8c: {  	v2 =	vld [tilespmem:s1+$0x5000];
	_ =	sdelay $0x4  }
0x8d: {  	v1 =	vadd.f32 v1, v2;
	_ =	sdelay $0x1  }
0x8e: {  	[tilespmem:s1+$0x5000] =	vst v1  }
0x8f: {  	[tilespmem:s30], [sflag:$0x1] =	stream.strided.gather [spmem:s14], $0x280, s28, s26, $0x38;
	[tilespmem:$0x7D00] =	vst v63  }
0x90: {  	_ =	swait.ge [sflag:s25], $0x280  }
0x91: {  	[sflag:s25] =	ssyncset.done $0x0  }
0x92: {  	s1 =	simm.s32 $0x0;
	[sflag:s25] =	ssyncadd.s32 $0xFFFFFD80  }
0x93: {  	s0 =	simm.s32 $0x40;
	v1 =	vld [tilespmem:s1+$0x5280]  }
.LBB2_18:
0x94: {  	p0 =	sne.s32 s0, $0x9C0;
	v2 =	vld [tilespmem:s1+$0x5000];
	_ =	sdelay $0x2  }
.Ltmp8:
0x95: {  	(pc) =	sbr.rel @p0 .LBB2_18-.Ltmp8, $4  }
0x96: {  	_ = 	snop  }
0x97: {  	v2 =	vadd.f32 v1, v2  }
0x98: {  	s3 =	sshra.s32 s0, $0x2  }
0x99: {  	s0 =	sadd.s32 $0x40, s0;
	v1 =	vld [tilespmem:s3+$0x5280];
	[tilespmem:s1+$0x5000] =	vst v2;
	s1 =	smov.u32 s3  }
0x9a: {  	v2 =	vld [tilespmem:s1+$0x5000];
	_ =	sdelay $0x4  }
0x9b: {  	v1 =	vadd.f32 v1, v2;
	_ =	sdelay $0x1  }
0x9c: {  	[tilespmem:s1+$0x5000] =	vst v1  }
0x9d: {  	[tilespmem:s30], [sflag:$0x1] =	stream.strided.gather [spmem:s15], $0x280, s28, s26, $0x38;
	[tilespmem:$0x7D00] =	vst v63  }
0x9e: {  	_ =	swait.ge [sflag:s25], $0x280  }
0x9f: {  	[sflag:s25] =	ssyncset.done $0x0  }
0xa0: {  	s1 =	simm.s32 $0x0;
	[sflag:s25] =	ssyncadd.s32 $0xFFFFFD80  }
0xa1: {  	s0 =	simm.s32 $0x40;
	v1 =	vld [tilespmem:s1+$0x5280]  }
.LBB2_20:
0xa2: {  	p0 =	sne.s32 s0, $0x9C0;
	v2 =	vld [tilespmem:s1+$0x5000];
	_ =	sdelay $0x2  }
.Ltmp9:
0xa3: {  	(pc) =	sbr.rel @p0 .LBB2_20-.Ltmp9, $4  }
0xa4: {  	_ = 	snop  }
0xa5: {  	v2 =	vadd.f32 v1, v2  }
0xa6: {  	s3 =	sshra.s32 s0, $0x2  }
0xa7: {  	s0 =	sadd.s32 $0x40, s0;
	v1 =	vld [tilespmem:s3+$0x5280];
	[tilespmem:s1+$0x5000] =	vst v2;
	s1 =	smov.u32 s3  }
0xa8: {  	v2 =	vld [tilespmem:s1+$0x5000];
	_ =	sdelay $0x4  }
0xa9: {  	v1 =	vadd.f32 v1, v2;
	_ =	sdelay $0x1  }
0xaa: {  	[tilespmem:s1+$0x5000] =	vst v1  }
0xab: {  	[tilespmem:s30], [sflag:$0x1] =	stream.strided.gather [spmem:s16], $0x280, s28, s26, $0x38;
	[tilespmem:$0x7D00] =	vst v63  }
0xac: {  	_ =	swait.ge [sflag:s25], $0x280  }
0xad: {  	[sflag:s25] =	ssyncset.done $0x0  }
0xae: {  	s1 =	simm.s32 $0x0;
	[sflag:s25] =	ssyncadd.s32 $0xFFFFFD80  }
0xaf: {  	s0 =	simm.s32 $0x40;
	v1 =	vld [tilespmem:s1+$0x5280]  }
.LBB2_22:
0xb0: {  	p0 =	sne.s32 s0, $0x9C0;
	v2 =	vld [tilespmem:s1+$0x5000];
	_ =	sdelay $0x2  }
.Ltmp10:
0xb1: {  	(pc) =	sbr.rel @p0 .LBB2_22-.Ltmp10, $4  }
0xb2: {  	_ = 	snop  }
0xb3: {  	v2 =	vadd.f32 v1, v2  }
0xb4: {  	s3 =	sshra.s32 s0, $0x2  }
0xb5: {  	s0 =	sadd.s32 $0x40, s0;
	v1 =	vld [tilespmem:s3+$0x5280];
	[tilespmem:s1+$0x5000] =	vst v2;
	s1 =	smov.u32 s3  }
0xb6: {  	v2 =	vld [tilespmem:s1+$0x5000];
	_ =	sdelay $0x4  }
0xb7: {  	v1 =	vadd.f32 v1, v2;
	_ =	sdelay $0x1  }
0xb8: {  	[tilespmem:s1+$0x5000] =	vst v1  }
0xb9: {  	[tilespmem:s30], [sflag:$0x1] =	stream.strided.gather [spmem:s17], $0x280, s28, s26, $0x38;
	[tilespmem:$0x7D00] =	vst v63  }
0xba: {  	_ =	swait.ge [sflag:s25], $0x280  }
0xbb: {  	[sflag:s25] =	ssyncset.done $0x0  }
0xbc: {  	s1 =	simm.s32 $0x0;
	[sflag:s25] =	ssyncadd.s32 $0xFFFFFD80  }
0xbd: {  	s0 =	simm.s32 $0x40;
	v1 =	vld [tilespmem:s1+$0x5280]  }
.LBB2_24:
0xbe: {  	p0 =	sne.s32 s0, $0x9C0;
	v2 =	vld [tilespmem:s1+$0x5000];
	_ =	sdelay $0x2  }
.Ltmp11:
0xbf: {  	(pc) =	sbr.rel @p0 .LBB2_24-.Ltmp11, $4  }
0xc0: {  	_ = 	snop  }
0xc1: {  	v2 =	vadd.f32 v1, v2  }
0xc2: {  	s3 =	sshra.s32 s0, $0x2  }
0xc3: {  	s0 =	sadd.s32 $0x40, s0;
	v1 =	vld [tilespmem:s3+$0x5280];
	[tilespmem:s1+$0x5000] =	vst v2;
	s1 =	smov.u32 s3  }
0xc4: {  	v2 =	vld [tilespmem:s1+$0x5000];
	_ =	sdelay $0x4  }
0xc5: {  	v1 =	vadd.f32 v1, v2;
	_ =	sdelay $0x1  }
0xc6: {  	[tilespmem:s1+$0x5000] =	vst v1  }
0xc7: {  	[tilespmem:s30], [sflag:$0x1] =	stream.strided.gather [spmem:s18], $0x280, s28, s26, $0x38;
	[tilespmem:$0x7D00] =	vst v63  }
0xc8: {  	_ =	swait.ge [sflag:s25], $0x280  }
0xc9: {  	[sflag:s25] =	ssyncset.done $0x0  }
0xca: {  	s1 =	simm.s32 $0x0;
	[sflag:s25] =	ssyncadd.s32 $0xFFFFFD80  }
0xcb: {  	s0 =	simm.s32 $0x40;
	v1 =	vld [tilespmem:s1+$0x5280]  }
.LBB2_26:
0xcc: {  	p0 =	sne.s32 s0, $0x9C0;
	v2 =	vld [tilespmem:s1+$0x5000];
	_ =	sdelay $0x2  }
.Ltmp12:
0xcd: {  	(pc) =	sbr.rel @p0 .LBB2_26-.Ltmp12, $4  }
0xce: {  	_ = 	snop  }
0xcf: {  	v2 =	vadd.f32 v1, v2  }
0xd0: {  	s3 =	sshra.s32 s0, $0x2  }
0xd1: {  	s0 =	sadd.s32 $0x40, s0;
	v1 =	vld [tilespmem:s3+$0x5280];
	[tilespmem:s1+$0x5000] =	vst v2;
	s1 =	smov.u32 s3  }
0xd2: {  	v2 =	vld [tilespmem:s1+$0x5000];
	_ =	sdelay $0x4  }
0xd3: {  	v1 =	vadd.f32 v1, v2;
	_ =	sdelay $0x1  }
0xd4: {  	[tilespmem:s1+$0x5000] =	vst v1  }
0xd5: {  	[tilespmem:s30], [sflag:$0x1] =	stream.strided.gather [spmem:s19], $0x280, s28, s26, $0x38;
	[tilespmem:$0x7D00] =	vst v63  }
0xd6: {  	_ =	swait.ge [sflag:s25], $0x280  }
0xd7: {  	[sflag:s25] =	ssyncset.done $0x0  }
0xd8: {  	s1 =	simm.s32 $0x0;
	[sflag:s25] =	ssyncadd.s32 $0xFFFFFD80  }
0xd9: {  	s0 =	simm.s32 $0x40;
	v1 =	vld [tilespmem:s1+$0x5280]  }
.LBB2_28:
0xda: {  	p0 =	sne.s32 s0, $0x9C0;
	v2 =	vld [tilespmem:s1+$0x5000];
	_ =	sdelay $0x2  }
.Ltmp13:
0xdb: {  	(pc) =	sbr.rel @p0 .LBB2_28-.Ltmp13, $4  }
0xdc: {  	_ = 	snop  }
0xdd: {  	v2 =	vadd.f32 v1, v2  }
0xde: {  	s3 =	sshra.s32 s0, $0x2  }
0xdf: {  	s0 =	sadd.s32 $0x40, s0;
	v1 =	vld [tilespmem:s3+$0x5280];
	[tilespmem:s1+$0x5000] =	vst v2;
	s1 =	smov.u32 s3  }
0xe0: {  	v2 =	vld [tilespmem:s1+$0x5000];
	_ =	sdelay $0x4  }
0xe1: {  	v1 =	vadd.f32 v1, v2;
	_ =	sdelay $0x1  }
0xe2: {  	[tilespmem:s1+$0x5000] =	vst v1  }
0xe3: {  	[tilespmem:s30], [sflag:$0x1] =	stream.strided.gather [spmem:s20], $0x280, s28, s26, $0x38;
	[tilespmem:$0x7D00] =	vst v63  }
0xe4: {  	_ =	swait.ge [sflag:s25], $0x280  }
0xe5: {  	[sflag:s25] =	ssyncset.done $0x0  }
0xe6: {  	s1 =	simm.s32 $0x0;
	[sflag:s25] =	ssyncadd.s32 $0xFFFFFD80  }
0xe7: {  	s0 =	simm.s32 $0x40;
	v1 =	vld [tilespmem:s1+$0x5280]  }
.LBB2_30:
0xe8: {  	p0 =	sne.s32 s0, $0x9C0;
	v2 =	vld [tilespmem:s1+$0x5000];
	_ =	sdelay $0x2  }
.Ltmp14:
0xe9: {  	(pc) =	sbr.rel @p0 .LBB2_30-.Ltmp14, $4  }
0xea: {  	_ = 	snop  }
0xeb: {  	v2 =	vadd.f32 v1, v2  }
0xec: {  	s3 =	sshra.s32 s0, $0x2  }
0xed: {  	s0 =	sadd.s32 $0x40, s0;
	v1 =	vld [tilespmem:s3+$0x5280];
	[tilespmem:s1+$0x5000] =	vst v2;
	s1 =	smov.u32 s3  }
0xee: {  	v2 =	vld [tilespmem:s1+$0x5000];
	_ =	sdelay $0x4  }
0xef: {  	v1 =	vadd.f32 v1, v2;
	_ =	sdelay $0x1  }
0xf0: {  	[tilespmem:s1+$0x5000] =	vst v1  }
0xf1: {  	[tilespmem:s30], [sflag:$0x1] =	stream.strided.gather [spmem:s21], $0x280, s28, s26, $0x38;
	[tilespmem:$0x7D00] =	vst v63  }
0xf2: {  	_ =	swait.ge [sflag:s25], $0x280  }
0xf3: {  	[sflag:s25] =	ssyncset.done $0x0  }
0xf4: {  	s1 =	simm.s32 $0x0;
	[sflag:s25] =	ssyncadd.s32 $0xFFFFFD80  }
0xf5: {  	s0 =	simm.s32 $0x40;
	v1 =	vld [tilespmem:s1+$0x5280]  }
.LBB2_32:
0xf6: {  	p0 =	sne.s32 s0, $0x9C0;
	v2 =	vld [tilespmem:s1+$0x5000];
	_ =	sdelay $0x2  }
.Ltmp15:
0xf7: {  	(pc) =	sbr.rel @p0 .LBB2_32-.Ltmp15, $4  }
0xf8: {  	_ = 	snop  }
0xf9: {  	v2 =	vadd.f32 v1, v2  }
0xfa: {  	s3 =	sshra.s32 s0, $0x2  }
0xfb: {  	s0 =	sadd.s32 $0x40, s0;
	v1 =	vld [tilespmem:s3+$0x5280];
	[tilespmem:s1+$0x5000] =	vst v2;
	s1 =	smov.u32 s3  }
0xfc: {  	v2 =	vld [tilespmem:s1+$0x5000];
	_ =	sdelay $0x4  }
0xfd: {  	s31 =	sadd.s32 $0x1, s31;
	v1 =	vadd.f32 v1, v2  }
0xfe: {  	p0 =	sne.s32 s31, s23  }
.Ltmp16:
0xff: {  	[tilespmem:s1+$0x5000] =	vst v1;
	(pc) =	sbr.rel @p0 .LBB2_1-.Ltmp16, $4  }
0x100: {  	[hbm4b:s22+s2] =	stream.linear.scatter [tilespmem:s29], [sflag:$0x1], $0x280, $0x38;
	[tilespmem:$0x7D00] =	vst v63  }
0x101: {  	_ =	swait.ge [sflag:s25], $0x280  }
0x102: {  	[sflag:s25] =	ssyncset.done $0x0  }
0x103: {  	[sflag:s25] =	ssyncadd.s32 $0xFFFFFD80  }
0x104: {  	_ =	sfence.sel $0x180000  }
0x105: {  	[bflag:$0x0] =	sbarrier.arrive $0xFFFF  }
0x106: {  	_ =	strace $0x90000047  }
0x107: {  	s0 =	stileid.u32;
	[bflag:$0x2] =	sbarrier.arrive $0xFFFF  }
0x108: {  	p0 =	sne.s32 s0, $0x0;
	s0 =	rddreg [dreg:$0x2]  }
0x109: {  	s0 =	sadd.s32 @!p0 $0x100000, s0  }
0x10a: {  	[sflag:s0] =	ssyncadd.tile.s32 @!p0 $0x1;
	_ =	shalt  }
.Lfunc_end2:
_tile_overlayer_lowered:
.L_overlay_start_2:
0x10b: {  	(tag) =	ssettag $0x2  }
0x10c: {  	s0 =	rddreg [dreg:$0x0];
	s2 =	stileid.u32  }
0x10d: {  	s1 =	rddreg [dreg:$0x1];
	p0 =	sne.s32 s2, $0x0  }
0x10e: {  	s3 =	rddreg [dreg:$0x2];
	[bflag:$0x3] =	sbarrier.arrive $0xFFFF;
	s2 =	simm.s32 @!p0 $0x1C01  }
0x10f: {  	[timem:s3], [sflag:s2] =	dma.local @!p0 [hbm:s0], s1  }
0x110: {  	s0 =	simm.s32 @!p0 $0x1  }
0x111: {  	_ =	swait.ge @!p0 [sflag:s0], s1  }
0x112: {  	s1 =	ssub.s32 @!p0 $0x0, s1;
	[sflag:s0] =	ssyncset.done @!p0 $0x0  }
0x113: {  	[sflag:s0] =	ssyncadd.s32 @!p0 s1  }
0x114: {  	[bflag:$0x3] =	sbarrier.arrive $0xFFFF  }
0x115: {  	_ =	shalt  }

// kernel: kernel.15.cloned.1.call-start
scs
__scs_entry_jumppad:
0x0: {  	(pc) =	sbr.rel $0x88, $3  }
0x1: {  	(tag) =	ssettag $0x0;
	lr =	simm.s32 $0x1  }
0x2: {  	[smem:$0x3F94] =	sst lr;
	_ =	strace $0xD0000000  }
0x3: {  	_ = 	snop  }
0x4: {  	_ = 	snop  }
0x5: {  	_ = 	snop  }
0x6: {  	_ = 	snop  }
0x7: {  	_ = 	snop  }
__scs_overlays_trampoline_lowered:
0x8: {  	[smem:$0x3FA3] =	sst s0  }
0x9: {  	[smem:$0x3FA4] =	sst s1  }
0xa: {  	[smem:$0x3FA5] =	sst s2  }
0xb: {  	[smem:$0x3FA6] =	sst s3  }
0xc: {  	[smem:$0x3FA7] =	sst s4  }
0xd: {  	[smem:$0x3FA8] =	sst s5  }
0xe: {  	[smem:$0x3FA9] =	sst s6  }
0xf: {  	[smem:$0x3FAA] =	sst s7  }
0x10: {  	[smem:$0x3FAB] =	sst s8  }
0x11: {  	[smem:$0x3FAC] =	sst s9;
	s0 =	simm.s32 @!p0 $0x0  }
0x12: {  	s1 =	sld [smem:$0x3F92];
	s0 =	simm.s32 @p0 $0x1  }
0x13: {  	[smem:$0x3FAD] =	sst s0;
	s0 =	simm.s32 @!p1 $0x0  }
0x14: {  	s2 =	sld [smem:$0x3F91];
	s0 =	simm.s32 @p1 $0x1  }
0x15: {  	[smem:$0x3FAE] =	sst s0;
	s0 =	simm.s32 @!p2 $0x0  }
0x16: {  	s3 =	sld [smem:$0x3FDB];
	s0 =	simm.s32 @p2 $0x1  }
0x17: {  	s4 =	simm.s32 $0x1BF5;
	[smem:$0x3FB0] =	sst s0  }
0x18: {  	s0 =	sld [smem:$0x3F93];
	_ =	swait.ge [sflag:s4], $0x0  }
0x19: {  	s7 =	sld [smem:$0x3F94]  }
0x1a: {  	s8 =	sadd.s32 $0xFFFFE003, lr  }
0x1b: {  	s9 =	sadd.s32 $0xFFFFFEF7, lr;
	s5 =	simm.s32 $0xFFFFFFFF;
	p2 =	slt.u32 s8, $0xFFFFF086  }
0x1c: {  	p1 =	slt.u32 s9, $0xF7A;
	s5 =	simm.s32 @!p2 $0x0  }
0x1d: {  	s5 =	simm.s32 @p1 $0x1;
	p0 =	seq.s32 s7, s2  }
0x1e: {  	s7 =	smul.u32 @!p0 $0xF7A, s2;
	p2 =	seq.s32 @!p0 s5, $0x0  }
0x1f: {  	s9 =	smul.u32 $0xF7A, s1;
	s8 =	simm.s32 @!p0 $0x1BF5;
	p2 =	por !p2, p0  }
0x20: {  	[sflag:s8] =	ssyncset.s32 @!p0 $0xFFFFF086;
	s6 =	sadd.s32 @!p0 s3, s7;
	s7 =	simm.s32 @!p0 $0x108  }
0x21: {  	s3 =	sadd.s32 s3, s9;
	s6 =	sadd.s32 @!p0 $0x88, s6;
	s7 =	simm.s32 @p2 $0x1082  }
0x22: {  	[simem:s7], [sflag:s8] =	dma.local @!p0 [hbm:s6], $0xF7A  }
0x23: {  	s9 =	sor.u32 $0xD0000000, s2;
	s6 =	simm.s32 $0x108;
	_ =	swait.ge @!p0 [sflag:s8], $0x0  }
0x24: {  	s3 =	sadd.s32 $0x88, s3;
	s6 =	simm.s32 @!p1 $0x1082;
	[sflag:s4] =	ssyncset.s32 $0xFFFFF086  }
0x25: {  	[simem:s6], [sflag:s4] =	dma.local [hbm:s3], $0xF7A  }
0x26: {  	[smem:$0x3F94] =	sst s1;
	(tag) =	ssettag s2;
	_ =	strace s9  }
0x27: {  	s1 =	sld [smem:$0x3FA4]  }
0x28: {  	s2 =	sld [smem:$0x3FA5]  }
0x29: {  	s4 =	sld [smem:$0x3FA7]  }
0x2a: {  	p0 =	seq.s32 s5, $0x0;
	s5 =	sld [smem:$0x3FA8]  }
0x2b: {  	s6 =	sld [smem:$0x3FA9]  }
0x2c: {  	s7 =	sld [smem:$0x3FAA]  }
0x2d: {  	s3 =	simm.s32 $0x108;
	s8 =	sld [smem:$0x3FAB]  }
0x2e: {  	s3 =	simm.s32 @!p0 $0x1082;
	s9 =	sld [smem:$0x3FAC]  }
0x2f: {  	lr =	sadd.s32 s0, s3;
	s0 =	sld [smem:$0x3FA3]  }
0x30: {  	s3 =	sld [smem:$0x3FA6]  }
0x31: {  	[smem:$0x3FAF] =	sst s10  }
0x32: {  	s10 =	sld [smem:$0x3FAD];
	_ =	sdelay $0x3  }
0x33: {  	p0 =	seq.s32 s10, $0x1;
	s10 =	sld [smem:$0x3FAF];
	_ =	sdelay $0x3  }
0x34: {  	[smem:$0x3FAF] =	sst s10  }
0x35: {  	s10 =	sld [smem:$0x3FAE];
	_ =	sdelay $0x3  }
0x36: {  	p1 =	seq.s32 s10, $0x1;
	s10 =	sld [smem:$0x3FAF];
	_ =	sdelay $0x3  }
0x37: {  	[smem:$0x3FAF] =	sst s10  }
0x38: {  	s10 =	sld [smem:$0x3FB0]  }
0x39: {  	_ = 	snop;
	(pc) =	sbr.ind lr, $3  }
0x3a: {  	_ = 	snop  }
0x3b: {  	_ = 	snop  }
0x3c: {  	p2 =	seq.s32 s10, $0x1;
	s10 =	sld [smem:$0x3FAF]  }
0x3d: {  	_ =	shalt  }
0x3e: {  	_ =	shalt  }
0x3f: {  	_ =	shalt  }
0x40: {  	_ =	shalt  }
0x41: {  	_ =	shalt  }
0x42: {  	_ =	shalt  }
0x43: {  	_ =	shalt  }
0x44: {  	_ =	shalt  }
0x45: {  	_ =	shalt  }
0x46: {  	_ =	shalt  }
0x47: {  	_ =	shalt  }
0x48: {  	_ =	shalt  }
0x49: {  	_ =	shalt  }
0x4a: {  	_ =	shalt  }
0x4b: {  	_ =	shalt  }
0x4c: {  	_ =	shalt  }
0x4d: {  	_ =	shalt  }
0x4e: {  	_ =	shalt  }
0x4f: {  	_ =	shalt  }
0x50: {  	_ =	shalt  }
0x51: {  	_ =	shalt  }
0x52: {  	_ =	shalt  }
0x53: {  	_ =	shalt  }
0x54: {  	_ =	shalt  }
0x55: {  	_ =	shalt  }
0x56: {  	_ =	shalt  }
0x57: {  	_ =	shalt  }
0x58: {  	_ =	shalt  }
0x59: {  	_ =	shalt  }
0x5a: {  	_ =	shalt  }
0x5b: {  	_ =	shalt  }
0x5c: {  	_ =	shalt  }
0x5d: {  	_ =	shalt  }
0x5e: {  	_ =	shalt  }
0x5f: {  	_ =	shalt  }
0x60: {  	_ =	shalt  }
0x61: {  	_ =	shalt  }
0x62: {  	_ =	shalt  }
0x63: {  	_ =	shalt  }
0x64: {  	_ =	shalt  }
0x65: {  	_ =	shalt  }
0x66: {  	_ =	shalt  }
0x67: {  	_ =	shalt  }
0x68: {  	_ =	shalt  }
0x69: {  	_ =	shalt  }
0x6a: {  	_ =	shalt  }
0x6b: {  	_ =	shalt  }
0x6c: {  	_ =	shalt  }
0x6d: {  	_ =	shalt  }
0x6e: {  	_ =	shalt  }
0x6f: {  	_ =	shalt  }
0x70: {  	_ =	shalt  }
0x71: {  	_ =	shalt  }
0x72: {  	_ =	shalt  }
0x73: {  	_ =	shalt  }
0x74: {  	_ =	shalt  }
0x75: {  	_ =	shalt  }
0x76: {  	_ =	shalt  }
0x77: {  	_ =	shalt  }
0x78: {  	_ =	shalt  }
0x79: {  	_ =	shalt  }
0x7a: {  	_ =	shalt  }
0x7b: {  	_ =	shalt  }
0x7c: {  	_ =	shalt  }
0x7d: {  	_ =	shalt  }
0x7e: {  	_ =	shalt  }
0x7f: {  	_ =	shalt  }
0x80: {  	_ =	shalt  }
0x81: {  	_ =	shalt  }
0x82: {  	_ =	shalt  }
0x83: {  	_ =	shalt  }
0x84: {  	_ =	shalt  }
0x85: {  	_ =	shalt  }
0x86: {  	_ =	shalt  }
0x87: {  	_ =	shalt  }
.Lfunc_end0:
.L_simem_size_0:
called_computation.1_lowered:
.L_overlay_start_0:
0x88: {  	s2 =	sld [smem:$0x3FD9]  }
0x89: {  	s3 =	sld [smem:$0x3FFE];
	_ =	sdelay $0x1  }
0x8a: {  	s1 =	srdreg.scid  }
0x8b: {  	s0 =	sand.u32 $0x1, s1  }
0x8c: {  	s16 =	sshll.u32 s0, $0xA;
	s2 =	sadd.s32 s3, s2  }
0x8d: {  	s2 =	sadd.s32 s2, s16  }
0x8e: {  	[smem:$0x3FBB] =	sst s2  }
0x8f: {  	_ = 	snop  }
0x90: {  	(tm) =	ssettm $0x1  }
0x91: {  	s17 =	sld [smem:$0x3FFB];
	_ =	sdelay $0x3  }
0x92: {  	_ =	strace s17  }
0x93: {  	s2 =	sld [smem:$0x3FFC];
	_ =	sdelay $0x3  }
0x94: {  	_ =	strace s2  }
0x95: {  	s2 =	sld [smem:$0x3FFD];
	_ =	sdelay $0x3  }
0x96: {  	_ =	strace s2  }
0x97: {  	_ =	strace $0x8FFFFFFF  }
0x98: {  	s18 =	sld [smem:$0x3FDB];
	_ =	sdelay $0x1  }
0x99: {  	s19 =	simm.s32 $_scs_section_size  }
0x9a: {  	s4 =	simm.s32 $_size__tile_overlayer_lowered;
	s5 =	simm.s32 $_tile_overlayer_lowered  }
0x9b: {  	s22 =	simm.s32 $0x1BFF;
	s21 =	sshll.u32 s5, $0x1;
	s2 =	sadd.s32 s19, s18  }
0x9c: {  	s6 =	simm.s32 $0x0;
	s20 =	sshll.u32 s4, $0x1;
	s4 =	sadd.s32 s21, s2  }
0x9d: {  	[timem:s6], [sflag:s22] =	dma.local [hbm:s4], s20  }
0x9e: {  	_ =	swait.ge [sflag:s22], s20  }
0x9f: {  	s3 =	ssub.s32 $0x0, s20;
	[sflag:s22] =	ssyncset.done $0x0  }
0xa0: {  	[sflag:s22] =	ssyncadd.s32 s3;
	_ =	sdelay $0x1  }
0xa1: {  	s23 =	simm.s32 $0x1B8B  }
0xa2: {  	_ =	swait.ge [sflag:s23], $0x1  }
0xa3: {  	[sflag:s23] =	ssyncset.done $0x0  }
0xa4: {  	s25 =	simm.s32 $0x1B8E;
	s24 =	sld [smem:$0x3FFE];
	[sflag:s23] =	ssyncadd.s32 $0xFFFFFFFF  }
0xa5: {  	s26 =	simm.s32 $execute0_lowered;
	[smem:$0x3FD2] =	sst s25  }
0xa6: {  	s4 =	sshll.u32 s26, $0x1;
	_ =	strace $0x80000049;
	[dreg:$0x1] =	wrdreg $0xFFFFFFFF  }
0xa7: {  	s28 =	simm.s32 $_size_execute0_lowered;
	s2 =	sadd.s32 s2, s4;
	[dreg:$0x0] =	wrdreg $0x0  }
0xa8: {  	s4 =	sshll.u32 s28, $0x1;
	[dreg:$0x2] =	wrdreg s2  }
0xa9: {  	[dreg:$0x3] =	wrdreg s4  }
0xaa: {  	[dreg:$0x4] =	wrdreg $0xC0  }
0xab: {  	_ =	task [dreg:s6], $0x5FFFF  }
0xac: {  	[dreg:$0x1] =	wrdreg $0xFFFFFFFF  }
0xad: {  	[dreg:$0x0] =	wrdreg $0x60  }
0xae: {  	[dreg:$0x2] =	wrdreg s24  }
0xaf: {  	[dreg:$0x3] =	wrdreg $0x98000  }
0xb0: {  	[dreg:$0x4] =	wrdreg $0x9  }
0xb1: {  	_ =	task.clear_ibuf [dreg:s6], $0x5FFFF;
	_ =	strace $0x90000049  }
0xb2: {  	s29 =	simm.s32 $0x9;
	_ =	strace $0x8000004B  }
0xb3: {  	_ =	swait.ge [sflag:s29], $0x1  }
0xb4: {  	[sflag:s29] =	ssyncadd.s32 $0xFFFFFFFF  }
0xb5: {  	_ =	strace $0x9000004B  }
0xb6: {  	_ =	sfence  }
0xb7: {  	s30 =	sld [smem:$0x0];
	_ =	sdelay $0x2  }
0xb8: {  	s31 =	sshll.u32 s1, $0xD;
	s1 =	sshrl.u32 s1, $0x2  }
0xb9: {  	s3 =	sand.u32 $0x4000, s31;
	s1 =	sadd.s32 s1, s30  }
0xba: {  	s0 =	sor.u32 s3, s0;
	s1 =	sshll.u32 s1, $0x11  }
0xbb: {  	s0 =	sor.u32 s1, s0  }
0xbc: {  	s0 =	sadd.s32 $0x8F2B, s0  }
0xbd: {  	[sflag:s0] =	ssyncadd.remote.s32 $0x1  }
0xbe: {  	_ =	sfence.sel $0xFFFF  }
0xbf: {  	[dreg:$0x0] =	wrdreg $0xFFFFFFFF;
	(pc) =	sbr.abs _section_cstart, $3  }
0xc0: {  	[dreg:$0x1] =	wrdreg $0xFFFFFFFF  }
0xc1: {  	_ =	task.clear_ibuf [dreg:s6], $0x2FFFF;
	_ =	strace $0x9FFFFFFF  }
0xc2: {  	(tm) =	ssettm $0x7FFFFFFF  }
0xc3: {  	_ =	shalt  }
tec
execute0_lowered:
.L_overlay_start_1:
0x0: {  	(tag) =	ssettag $0x1  }
0x1: {  	s0 =	rddreg [dreg:$0x0]  }
0x2: {  	s1 =	rddreg [dreg:$0x1];
	s3 =	simm.s32 $0x0  }
0x3: {  	s2 =	srdreg.scid;
	s14 =	stileid.u32;
	s28 =	simm.s32 $0xC00  }
0x4: {  	s29 =	simm.s32 $0x80;
	s30 =	simm.s32 $0x1800;
	s31 =	simm.s32 $0x1  }
0x5: {  	[smem:$0x7FF] =	sst s3;
	s2 =	sand.u32 $0x1, s2;
	s6 =	smul.u32 $0x2800, s14  }
0x6: {  	s4 =	sadd.s32 $0x24200, s0;
	s7 =	sadd.s32 $0x1A200, s0;
	s10 =	smul.u32 $0x50000, s14  }
0x7: {  	s9 =	sadd.s32 $0xF200, s0;
	s5 =	sadd.s32 $0x5200, s0;
	s11 =	smul.u32 $0x900, s14  }
0x8: {  	s13 =	smul.u32 $0x4800, s14;
	_ =	strace $0x8000004A;
	s20 =	ssub.s32 $0x2, s2  }
0x9: {  	s8 =	smul.u32 $0x28000, s2;
	p0 =	seq.s32 s2, $0x1;
	s12 =	sshrl.u32 s20, $0x1  }
0xa: {  	s10 =	sshrl.u32 s10, $0x2;
	s21 =	sadd.s32 s7, s11;
	s22 =	sshrl.u32 s13, $0x3  }
0xb: {  	s23 =	sadd.s32 s9, s11;
	s11 =	simm.s32 $0xD80;
	[dreg:$0x3] =	wrdreg s21  }
0xc: {  	s6 =	sadd.s32 s6, s8;
	s8 =	ssub.s32 s20, s12;
	[dreg:$0x4] =	wrdreg s23  }
0xd: {  	s24 =	sadd.s32 $0x180, s22;
	s25 =	sadd.s32 $0x300, s22;
	s16 =	sadd.s32 $0x480, s22  }
0xe: {  	s17 =	sadd.s32 $0x600, s22;
	s0 =	sadd.s32 s6, s0;
	s26 =	sadd.s32 s7, s24  }
0xf: {  	s6 =	sadd.s32 s10, s1;
	s10 =	sadd.s32 s9, s24;
	[dreg:$0x5] =	wrdreg s26  }
0x10: {  	s2 =	sadd.s32 $0x780, s22;
	s13 =	sadd.s32 s7, s25;
	[dreg:$0x6] =	wrdreg s10  }
0x11: {  	s21 =	sshll.u32 s14, $0x8;
	s15 =	sadd.s32 s9, s25;
	[dreg:$0x7] =	wrdreg s13  }
0x12: {  	s12 =	simm.s32 $0x200;
	s18 =	sadd.s32 s7, s16;
	[dreg:$0x8] =	wrdreg s15  }
0x13: {  	s19 =	sadd.s32 s7, s17;
	s20 =	sadd.s32 s9, s17;
	[dreg:$0x9] =	wrdreg s18  }
0x14: {  	s22 =	sadd.s32 s7, s2;
	s2 =	sadd.s32 s9, s2;
	[dreg:$0xb] =	wrdreg s19  }
0x15: {  	s23 =	sor.u32 $0x9000, s21;
	s25 =	sor.u32 $0x9080, s21;
	[dreg:$0xc] =	wrdreg s20  }
0x16: {  	s17 =	simm.s32 $0xF00;
	s10 =	sadd.s32 s9, s16;
	[dreg:$0xd] =	wrdreg s22  }
0x17: {  	[dreg:$0xe] =	wrdreg s2;
	s24 =	sadd.s32 s7, s23;
	s2 =	sadd.s32 s9, s23  }
0x18: {  	s7 =	sadd.s32 s7, s25;
	s26 =	sshll.u32 s14, $0x6;
	s13 =	simm.s32 $0xE00  }
0x19: {  	s14 =	simm.s32 $0x280;
	s15 =	simm.s32 $0xE80;
	[dreg:$0xa] =	wrdreg s10  }
0x1a: {  	s16 =	simm.s32 $0x300;
	s18 =	simm.s32 $0x380;
	[dreg:$0xf] =	wrdreg s24  }
.Ltmp0:
0x1b: {  	s19 =	simm.s32 $0xF80;
	[dreg:$0x10] =	wrdreg s2;
	(pc) =	sbr.rel .LBB2_1-.Ltmp0, $4  }
0x1c: {  	s20 =	simm.s32 $0x0;
	[dreg:$0x11] =	wrdreg s7;
	s2 =	sadd.s32 s9, s25  }
0x1d: {  	s23 =	sor.u32 $0x1C03, s26;
	s24 =	sadd.s32 $0x72600, s0;
	s25 =	smax.u32 s8, $0x1  }
0x1e: {  	s26 =	simm.s32 $0x3;
	s0 =	simm.s32 $0x5800;
	s7 =	simm.s32 $0x2  }
0x1f: {  	s8 =	simm.s32 $0x100;
	[dreg:$0x12] =	wrdreg s2;
	s2 =	simm.s32 $0xC80  }
.LBB2_20:
0x20: {  	s10 =	rddreg [dreg:$0xf]  }
0x21: {  	[tilespmem:s3], [sflag:$0x3] =	stream.linear.gather [hbm4b:s10+s3], $0x400, $0x38;
	[tilespmem:$0x1D800] =	vst v63  }
0x22: {  	_ =	swait.ge [sflag:s26], $0x400  }
0x23: {  	[sflag:s26] =	ssyncset.done $0x0  }
0x24: {  	s22 =	rddreg [dreg:$0x10];
	[sflag:s26] =	ssyncadd.s32 $0xFFFFFC00  }
0x25: {  	[tilespmem:s28], [sflag:$0x3] =	stream.linear.gather [hbm4b:s22+s3], $0x400, $0x38;
	[tilespmem:$0x1D800] =	vst v63  }
0x26: {  	_ =	swait.ge [sflag:s26], $0x400  }
0x27: {  	[sflag:s26] =	ssyncset.done $0x0  }
0x28: {  	[sflag:s26] =	ssyncadd.s32 $0xFFFFFC00  }
0x29: {  	[tilespmem:s30], [sflag:$0x1] =	stream.indirect.gather [hbm4b:s4+s29], $0x80, s3, s29, $0xb8;
	[tilespmem:$0x1D800] =	vst v63  }
0x2a: {  	_ =	swait.ge [sflag:s31], $0x4000  }
0x2b: {  	[sflag:s31] =	ssyncset.done $0x0  }
0x2c: {  	[sflag:s31] =	ssyncadd.s32 $0xFFFFC000  }
0x2d: {  	[spmem:s1] =	stream.indirect.scatter.add.f32 [tilespmem:s30], [sflag:$0x2], $0x80, s28, s29, $0xb8;
	[tilespmem:$0x1D800] =	vst v63  }
0x2e: {  	_ = 	snop  }
0x2f: {  	[tilespmem:s0], [sflag:$0x1] =	stream.indirect.gather [hbm4b:s4+s29], $0x80, s29, s29, $0xb8;
	[tilespmem:$0x1D800] =	vst v63  }
0x30: {  	_ =	swait.ge [sflag:s31], $0x4000  }
0x31: {  	[sflag:s31] =	ssyncset.done $0x0  }
0x32: {  	[sflag:s31] =	ssyncadd.s32 $0xFFFFC000  }
0x33: {  	[spmem:s1] =	stream.indirect.scatter.add.f32 [tilespmem:s0], [sflag:$0x2], $0x80, s2, s29, $0xb8;
	[tilespmem:$0x1D800] =	vst v63  }
0x34: {  	_ =	swait.ge [sflag:s7], $0x4000  }
0x35: {  	[sflag:s7] =	ssyncset.done $0x0  }
0x36: {  	[sflag:s7] =	ssyncadd.s32 $0xFFFFC000  }
0x37: {  	[tilespmem:s30], [sflag:$0x1] =	stream.indirect.gather [hbm4b:s4+s29], $0x80, s8, s29, $0xb8;
	[tilespmem:$0x1D800] =	vst v63  }
0x38: {  	_ =	swait.ge [sflag:s31], $0x4000  }
0x39: {  	[sflag:s31] =	ssyncset.done $0x0  }
0x3a: {  	s21 =	simm.s32 $0xD00;
	[sflag:s31] =	ssyncadd.s32 $0xFFFFC000  }
0x3b: {  	[spmem:s1] =	stream.indirect.scatter.add.f32 [tilespmem:s30], [sflag:$0x2], $0x80, s21, s29, $0xb8;
	[tilespmem:$0x1D800] =	vst v63  }
0x3c: {  	_ =	swait.ge [sflag:s7], $0x4000  }
0x3d: {  	[sflag:s7] =	ssyncset.done $0x0  }
0x3e: {  	s22 =	simm.s32 $0x180;
	[sflag:s7] =	ssyncadd.s32 $0xFFFFC000  }
0x3f: {  	[tilespmem:s0], [sflag:$0x1] =	stream.indirect.gather [hbm4b:s4+s29], $0x80, s22, s29, $0xb8;
	[tilespmem:$0x1D800] =	vst v63  }
0x40: {  	_ =	swait.ge [sflag:s31], $0x4000  }
0x41: {  	[sflag:s31] =	ssyncset.done $0x0  }
0x42: {  	[sflag:s31] =	ssyncadd.s32 $0xFFFFC000  }
0x43: {  	[spmem:s1] =	stream.indirect.scatter.add.f32 [tilespmem:s0], [sflag:$0x2], $0x80, s11, s29, $0xb8;
	[tilespmem:$0x1D800] =	vst v63  }
0x44: {  	_ =	swait.ge [sflag:s7], $0x4000  }
0x45: {  	[sflag:s7] =	ssyncset.done $0x0  }
0x46: {  	[sflag:s7] =	ssyncadd.s32 $0xFFFFC000  }
0x47: {  	[tilespmem:s30], [sflag:$0x1] =	stream.indirect.gather [hbm4b:s4+s29], $0x80, s12, s29, $0xb8;
	[tilespmem:$0x1D800] =	vst v63  }
0x48: {  	_ =	swait.ge [sflag:s31], $0x4000  }
0x49: {  	[sflag:s31] =	ssyncset.done $0x0  }
0x4a: {  	[sflag:s31] =	ssyncadd.s32 $0xFFFFC000  }
0x4b: {  	[spmem:s1] =	stream.indirect.scatter.add.f32 [tilespmem:s30], [sflag:$0x2], $0x80, s13, s29, $0xb8;
	[tilespmem:$0x1D800] =	vst v63  }
0x4c: {  	_ =	swait.ge [sflag:s7], $0x4000  }
0x4d: {  	[sflag:s7] =	ssyncset.done $0x0  }
0x4e: {  	[sflag:s7] =	ssyncadd.s32 $0xFFFFC000  }
0x4f: {  	[tilespmem:s0], [sflag:$0x1] =	stream.indirect.gather [hbm4b:s4+s29], $0x80, s14, s29, $0xb8;
	[tilespmem:$0x1D800] =	vst v63  }
0x50: {  	_ =	swait.ge [sflag:s31], $0x4000  }
0x51: {  	[sflag:s31] =	ssyncset.done $0x0  }
0x52: {  	[sflag:s31] =	ssyncadd.s32 $0xFFFFC000  }
0x53: {  	[spmem:s1] =	stream.indirect.scatter.add.f32 [tilespmem:s0], [sflag:$0x2], $0x80, s15, s29, $0xb8;
	[tilespmem:$0x1D800] =	vst v63  }
0x54: {  	_ =	swait.ge [sflag:s7], $0x4000  }
0x55: {  	[sflag:s7] =	ssyncset.done $0x0  }
0x56: {  	[sflag:s7] =	ssyncadd.s32 $0xFFFFC000  }
0x57: {  	[tilespmem:s30], [sflag:$0x1] =	stream.indirect.gather [hbm4b:s4+s29], $0x80, s16, s29, $0xb8;
	[tilespmem:$0x1D800] =	vst v63  }
0x58: {  	_ =	swait.ge [sflag:s31], $0x4000  }
0x59: {  	[sflag:s31] =	ssyncset.done $0x0  }
0x5a: {  	[sflag:s31] =	ssyncadd.s32 $0xFFFFC000  }
0x5b: {  	[spmem:s1] =	stream.indirect.scatter.add.f32 [tilespmem:s30], [sflag:$0x2], $0x80, s17, s29, $0xb8;
	[tilespmem:$0x1D800] =	vst v63  }
0x5c: {  	_ =	swait.ge [sflag:s7], $0x4000  }
0x5d: {  	[sflag:s7] =	ssyncset.done $0x0  }
0x5e: {  	[sflag:s7] =	ssyncadd.s32 $0xFFFFC000  }
0x5f: {  	[tilespmem:s0], [sflag:$0x1] =	stream.indirect.gather [hbm4b:s4+s29], $0x80, s18, s29, $0xb8;
	[tilespmem:$0x1D800] =	vst v63  }
0x60: {  	_ =	swait.ge [sflag:s31], $0x4000  }
0x61: {  	[sflag:s31] =	ssyncset.done $0x0  }
0x62: {  	[sflag:s31] =	ssyncadd.s32 $0xFFFFC000  }
0x63: {  	[spmem:s1] =	stream.indirect.scatter.add.f32 [tilespmem:s0], [sflag:$0x2], $0x80, s19, s29, $0xb8;
	[tilespmem:$0x1D800] =	vst v63  }
0x64: {  	_ =	swait.ge [sflag:s7], $0x4000  }
0x65: {  	[sflag:s7] =	ssyncset.done $0x0  }
0x66: {  	[sflag:s7] =	ssyncadd.s32 $0xFFFFC000  }
0x67: {  	_ =	swait.ge [sflag:s7], $0x4000  }
0x68: {  	[sflag:s7] =	ssyncset.done $0x0  }
0x69: {  	s10 =	rddreg [dreg:$0x11];
	[sflag:s7] =	ssyncadd.s32 $0xFFFFC000  }
0x6a: {  	[tilespmem:s3], [sflag:$0x3] =	stream.linear.gather [hbm4b:s10+s3], $0x400, $0x38;
	[tilespmem:$0x1D800] =	vst v63  }
0x6b: {  	_ =	swait.ge [sflag:s26], $0x400  }
0x6c: {  	[sflag:s26] =	ssyncset.done $0x0  }
0x6d: {  	s10 =	rddreg [dreg:$0x12];
	[sflag:s26] =	ssyncadd.s32 $0xFFFFFC00  }
0x6e: {  	[tilespmem:s28], [sflag:$0x3] =	stream.linear.gather [hbm4b:s10+s3], $0x400, $0x38;
	[tilespmem:$0x1D800] =	vst v63  }
0x6f: {  	_ =	swait.ge [sflag:s26], $0x400  }
0x70: {  	[sflag:s26] =	ssyncset.done $0x0  }
0x71: {  	[sflag:s26] =	ssyncadd.s32 $0xFFFFFC00  }
0x72: {  	[tilespmem:s30], [sflag:$0x1] =	stream.indirect.gather [hbm4b:s4+s29], $0x80, s3, s29, $0xb8;
	[tilespmem:$0x1D800] =	vst v63  }
0x73: {  	_ =	swait.ge [sflag:s31], $0x4000  }
0x74: {  	[sflag:s31] =	ssyncset.done $0x0  }
0x75: {  	[sflag:s31] =	ssyncadd.s32 $0xFFFFC000  }
0x76: {  	[spmem:s1] =	stream.indirect.scatter.add.f32 [tilespmem:s30], [sflag:$0x2], $0x80, s28, s29, $0xb8;
	[tilespmem:$0x1D800] =	vst v63  }
0x77: {  	_ = 	snop  }
0x78: {  	[tilespmem:s0], [sflag:$0x1] =	stream.indirect.gather [hbm4b:s4+s29], $0x80, s29, s29, $0xb8;
	[tilespmem:$0x1D800] =	vst v63  }
0x79: {  	_ =	swait.ge [sflag:s31], $0x4000  }
0x7a: {  	[sflag:s31] =	ssyncset.done $0x0  }
0x7b: {  	[sflag:s31] =	ssyncadd.s32 $0xFFFFC000  }
0x7c: {  	[spmem:s1] =	stream.indirect.scatter.add.f32 [tilespmem:s0], [sflag:$0x2], $0x80, s2, s29, $0xb8;
	[tilespmem:$0x1D800] =	vst v63  }
0x7d: {  	_ =	swait.ge [sflag:s7], $0x4000  }
0x7e: {  	[sflag:s7] =	ssyncset.done $0x0  }
0x7f: {  	[sflag:s7] =	ssyncadd.s32 $0xFFFFC000  }
0x80: {  	[tilespmem:s30], [sflag:$0x1] =	stream.indirect.gather [hbm4b:s4+s29], $0x80, s8, s29, $0xb8;
	[tilespmem:$0x1D800] =	vst v63  }
0x81: {  	_ =	swait.ge [sflag:s31], $0x4000  }
0x82: {  	[sflag:s31] =	ssyncset.done $0x0  }
0x83: {  	[sflag:s31] =	ssyncadd.s32 $0xFFFFC000  }
0x84: {  	[spmem:s1] =	stream.indirect.scatter.add.f32 [tilespmem:s30], [sflag:$0x2], $0x80, s21, s29, $0xb8;
	[tilespmem:$0x1D800] =	vst v63  }
0x85: {  	_ =	swait.ge [sflag:s7], $0x4000  }
0x86: {  	[sflag:s7] =	ssyncset.done $0x0  }
0x87: {  	[sflag:s7] =	ssyncadd.s32 $0xFFFFC000  }
0x88: {  	[tilespmem:s0], [sflag:$0x1] =	stream.indirect.gather [hbm4b:s4+s29], $0x80, s22, s29, $0xb8;
	[tilespmem:$0x1D800] =	vst v63  }
0x89: {  	_ =	swait.ge [sflag:s31], $0x4000  }
0x8a: {  	[sflag:s31] =	ssyncset.done $0x0  }
0x8b: {  	[sflag:s31] =	ssyncadd.s32 $0xFFFFC000  }
0x8c: {  	[spmem:s1] =	stream.indirect.scatter.add.f32 [tilespmem:s0], [sflag:$0x2], $0x80, s11, s29, $0xb8;
	[tilespmem:$0x1D800] =	vst v63  }
0x8d: {  	_ =	swait.ge [sflag:s7], $0x4000  }
0x8e: {  	[sflag:s7] =	ssyncset.done $0x0  }
0x8f: {  	[sflag:s7] =	ssyncadd.s32 $0xFFFFC000  }
0x90: {  	[tilespmem:s30], [sflag:$0x1] =	stream.indirect.gather [hbm4b:s4+s29], $0x80, s12, s29, $0xb8;
	[tilespmem:$0x1D800] =	vst v63  }
0x91: {  	_ =	swait.ge [sflag:s31], $0x4000  }
0x92: {  	[sflag:s31] =	ssyncset.done $0x0  }
0x93: {  	[sflag:s31] =	ssyncadd.s32 $0xFFFFC000  }
0x94: {  	[spmem:s1] =	stream.indirect.scatter.add.f32 [tilespmem:s30], [sflag:$0x2], $0x80, s13, s29, $0xb8;
	[tilespmem:$0x1D800] =	vst v63  }
0x95: {  	_ =	swait.ge [sflag:s7], $0x4000  }
0x96: {  	[sflag:s7] =	ssyncset.done $0x0  }
0x97: {  	[sflag:s7] =	ssyncadd.s32 $0xFFFFC000  }
0x98: {  	[tilespmem:s0], [sflag:$0x1] =	stream.indirect.gather [hbm4b:s4+s29], $0x80, s14, s29, $0xb8;
	[tilespmem:$0x1D800] =	vst v63  }
0x99: {  	_ =	swait.ge [sflag:s31], $0x4000  }
0x9a: {  	[sflag:s31] =	ssyncset.done $0x0  }
0x9b: {  	[sflag:s31] =	ssyncadd.s32 $0xFFFFC000  }
0x9c: {  	[spmem:s1] =	stream.indirect.scatter.add.f32 [tilespmem:s0], [sflag:$0x2], $0x80, s15, s29, $0xb8;
	[tilespmem:$0x1D800] =	vst v63  }
0x9d: {  	_ =	swait.ge [sflag:s7], $0x4000  }
0x9e: {  	[sflag:s7] =	ssyncset.done $0x0  }
0x9f: {  	[sflag:s7] =	ssyncadd.s32 $0xFFFFC000  }
0xa0: {  	[tilespmem:s30], [sflag:$0x1] =	stream.indirect.gather [hbm4b:s4+s29], $0x80, s16, s29, $0xb8;
	[tilespmem:$0x1D800] =	vst v63  }
0xa1: {  	_ =	swait.ge [sflag:s31], $0x4000  }
0xa2: {  	[sflag:s31] =	ssyncset.done $0x0  }
0xa3: {  	[sflag:s31] =	ssyncadd.s32 $0xFFFFC000  }
0xa4: {  	[spmem:s1] =	stream.indirect.scatter.add.f32 [tilespmem:s30], [sflag:$0x2], $0x80, s17, s29, $0xb8;
	[tilespmem:$0x1D800] =	vst v63  }
0xa5: {  	_ =	swait.ge [sflag:s7], $0x4000  }
0xa6: {  	[sflag:s7] =	ssyncset.done $0x0  }
0xa7: {  	[sflag:s7] =	ssyncadd.s32 $0xFFFFC000  }
0xa8: {  	[tilespmem:s0], [sflag:$0x1] =	stream.indirect.gather [hbm4b:s4+s29], $0x80, s18, s29, $0xb8;
	[tilespmem:$0x1D800] =	vst v63  }
0xa9: {  	_ =	swait.ge [sflag:s31], $0x4000  }
0xaa: {  	[sflag:s31] =	ssyncset.done $0x0  }
0xab: {  	[sflag:s31] =	ssyncadd.s32 $0xFFFFC000  }
0xac: {  	[spmem:s1] =	stream.indirect.scatter.add.f32 [tilespmem:s0], [sflag:$0x2], $0x80, s19, s29, $0xb8;
	[tilespmem:$0x1D800] =	vst v63  }
0xad: {  	_ =	swait.ge [sflag:s7], $0x4000  }
0xae: {  	[sflag:s7] =	ssyncset.done $0x0  }
0xaf: {  	[sflag:s7] =	ssyncadd.s32 $0xFFFFC000  }
.LBB2_21:
0xb0: {  	_ =	swait.ge [sflag:s7], $0x4000  }
0xb1: {  	s20 =	sadd.s32 $0x1, s20;
	[sflag:s7] =	ssyncset.done $0x0  }
0xb2: {  	p1 =	sne.s32 s20, s25;
	[sflag:s7] =	ssyncadd.s32 $0xFFFFC000  }
.Ltmp1:
0xb3: {  	[bflag:$0x0] =	sbarrier.arrive $0xFFFF;
	(pc) =	sbr.rel @!p1 .LBB2_22-.Ltmp1, $4  }
0xb4: {  	[hbm:s24], [sflag:s23] =	dma.local [spmem:s9], $0x2800  }
0xb5: {  	_ =	swait.ge [sflag:s26], $0x2800  }
0xb6: {  	[sflag:s26] =	ssyncset.done $0x0  }
0xb7: {  	[sflag:s26] =	ssyncadd.s32 $0xFFFFD800  }
.LBB2_1:
0xb8: {  	s9 =	sshrl.u32 s6, $0x3  }
0xb9: {  	[spmem:s9], [sflag:s23] =	dma.local [hbm:s5], $0x2800  }
.Ltmp2:
0xba: {  	_ =	swait.ge [sflag:s26], $0x2800;
	(pc) =	sbr.rel @p0 .LBB2_20-.Ltmp2, $3  }
0xbb: {  	[sflag:s26] =	ssyncset.done $0x0  }
0xbc: {  	[sflag:s26] =	ssyncadd.s32 $0xFFFFD800  }
0xbd: {  	[bflag:$0x0] =	sbarrier.arrive $0xFFFF;
	_ =	sdelay $0x1  }
0xbe: {  	s10 =	rddreg [dreg:$0x3]  }
0xbf: {  	[tilespmem:s3], [sflag:$0x3] =	stream.linear.gather [hbm4b:s10+s3], $0xC00, $0x38;
	[tilespmem:$0x1D800] =	vst v63  }
0xc0: {  	_ =	swait.ge [sflag:s26], $0xC00  }
0xc1: {  	[sflag:s26] =	ssyncset.done $0x0  }
0xc2: {  	s22 =	rddreg [dreg:$0x4];
	[sflag:s26] =	ssyncadd.s32 $0xFFFFF400  }
0xc3: {  	[tilespmem:s28], [sflag:$0x3] =	stream.linear.gather [hbm4b:s22+s3], $0xC00, $0x38;
	[tilespmem:$0x1D800] =	vst v63  }
0xc4: {  	_ =	swait.ge [sflag:s26], $0xC00  }
0xc5: {  	[sflag:s26] =	ssyncset.done $0x0  }
0xc6: {  	[sflag:s26] =	ssyncadd.s32 $0xFFFFF400  }
0xc7: {  	[tilespmem:s30], [sflag:$0x1] =	stream.indirect.gather [hbm4b:s4+s29], $0x80, s3, s29, $0xb8;
	[tilespmem:$0x1D800] =	vst v63  }
0xc8: {  	_ =	swait.ge [sflag:s31], $0x4000  }
0xc9: {  	[sflag:s31] =	ssyncset.done $0x0  }
0xca: {  	[sflag:s31] =	ssyncadd.s32 $0xFFFFC000  }
0xcb: {  	[spmem:s1] =	stream.indirect.scatter.add.f32 [tilespmem:s30], [sflag:$0x2], $0x80, s28, s29, $0xb8;
	[tilespmem:$0x1D800] =	vst v63  }
0xcc: {  	_ = 	snop  }
0xcd: {  	[tilespmem:s0], [sflag:$0x1] =	stream.indirect.gather [hbm4b:s4+s29], $0x80, s29, s29, $0xb8;
	[tilespmem:$0x1D800] =	vst v63  }
0xce: {  	_ =	swait.ge [sflag:s31], $0x4000  }
0xcf: {  	[sflag:s31] =	ssyncset.done $0x0  }
0xd0: {  	[sflag:s31] =	ssyncadd.s32 $0xFFFFC000  }
0xd1: {  	[spmem:s1] =	stream.indirect.scatter.add.f32 [tilespmem:s0], [sflag:$0x2], $0x80, s2, s29, $0xb8;
	[tilespmem:$0x1D800] =	vst v63  }
0xd2: {  	_ =	swait.ge [sflag:s7], $0x4000  }
0xd3: {  	[sflag:s7] =	ssyncset.done $0x0  }
0xd4: {  	s21 =	simm.s32 $0xFFFFD800;
	[sflag:s7] =	ssyncadd.s32 $0xFFFFC000  }
0xd5: {  	[tilespmem:s30], [sflag:$0x1] =	stream.indirect.gather [hbm4b:s4+s29], $0x80, s8, s29, $0xb8;
	[tilespmem:$0x1D800] =	vst v63  }
.LBB2_3:
0xd6: {  	_ =	swait.ge [sflag:s31], $0x4000  }
0xd7: {  	s10 =	sshra.s32 s21, $0x2;
	[sflag:s31] =	ssyncset.done $0x0  }
0xd8: {  	s22 =	sadd.s32 $0x1700, s10;
	[sflag:s31] =	ssyncadd.s32 $0xFFFFC000  }
0xd9: {  	[spmem:s1] =	stream.indirect.scatter.add.f32 [tilespmem:s30], [sflag:$0x2], $0x80, s22, s29, $0xb8;
	[tilespmem:$0x1D800] =	vst v63  }
0xda: {  	_ =	swait.ge [sflag:s7], $0x4000  }
0xdb: {  	[sflag:s7] =	ssyncset.done $0x0  }
0xdc: {  	s22 =	sadd.s32 $0xB80, s10;
	[sflag:s7] =	ssyncadd.s32 $0xFFFFC000  }
0xdd: {  	[tilespmem:s0], [sflag:$0x1] =	stream.indirect.gather [hbm4b:s4+s29], $0x80, s22, s29, $0xb8;
	[tilespmem:$0x1D800] =	vst v63  }
0xde: {  	_ =	swait.ge [sflag:s31], $0x4000  }
0xdf: {  	p1 =	seq.s32 s21, $0x0;
	[sflag:s31] =	ssyncset.done $0x0  }
.Ltmp3:
0xe0: {  	s22 =	sadd.s32 $0x1780, s10;
	[sflag:s31] =	ssyncadd.s32 $0xFFFFC000;
	(pc) =	sbr.rel @p1 .LBB2_5-.Ltmp3, $4  }
0xe1: {  	[spmem:s1] =	stream.indirect.scatter.add.f32 [tilespmem:s0], [sflag:$0x2], $0x80, s22, s29, $0xb8;
	[tilespmem:$0x1D800] =	vst v63  }
0xe2: {  	_ =	swait.ge [sflag:s7], $0x4000  }
0xe3: {  	[sflag:s7] =	ssyncset.done $0x0  }
0xe4: {  	[sflag:s7] =	ssyncadd.s32 $0xFFFFC000  }
.Ltmp4:
0xe5: {  	(pc) =	sbr.rel .LBB2_3-.Ltmp4, $3  }
0xe6: {  	_ =	sdelay $0x1  }
0xe7: {  	s10 =	sadd.s32 $0xC00, s10;
	s21 =	sadd.s32 $0x400, s21  }
0xe8: {  	[tilespmem:s30], [sflag:$0x1] =	stream.indirect.gather [hbm4b:s4+s29], $0x80, s10, s29, $0xb8;
	[tilespmem:$0x1D800] =	vst v63  }
.LBB2_5:
0xe9: {  	_ =	swait.ge [sflag:s7], $0x4000  }
0xea: {  	[sflag:s7] =	ssyncset.done $0x0  }
0xeb: {  	s10 =	rddreg [dreg:$0x5];
	[sflag:s7] =	ssyncadd.s32 $0xFFFFC000  }
0xec: {  	[tilespmem:s3], [sflag:$0x3] =	stream.linear.gather [hbm4b:s10+s3], $0xC00, $0x38;
	[tilespmem:$0x1D800] =	vst v63  }
0xed: {  	_ =	swait.ge [sflag:s26], $0xC00  }
0xee: {  	[sflag:s26] =	ssyncset.done $0x0  }
0xef: {  	s22 =	rddreg [dreg:$0x6];
	[sflag:s26] =	ssyncadd.s32 $0xFFFFF400  }
0xf0: {  	[tilespmem:s28], [sflag:$0x3] =	stream.linear.gather [hbm4b:s22+s3], $0xC00, $0x38;
	[tilespmem:$0x1D800] =	vst v63  }
0xf1: {  	_ =	swait.ge [sflag:s26], $0xC00  }
0xf2: {  	[sflag:s26] =	ssyncset.done $0x0  }
0xf3: {  	[sflag:s26] =	ssyncadd.s32 $0xFFFFF400  }
0xf4: {  	[tilespmem:s30], [sflag:$0x1] =	stream.indirect.gather [hbm4b:s4+s29], $0x80, s3, s29, $0xb8;
	[tilespmem:$0x1D800] =	vst v63  }
0xf5: {  	_ =	swait.ge [sflag:s31], $0x4000  }
0xf6: {  	[sflag:s31] =	ssyncset.done $0x0  }
0xf7: {  	[sflag:s31] =	ssyncadd.s32 $0xFFFFC000  }
0xf8: {  	[spmem:s1] =	stream.indirect.scatter.add.f32 [tilespmem:s30], [sflag:$0x2], $0x80, s28, s29, $0xb8;
	[tilespmem:$0x1D800] =	vst v63  }
0xf9: {  	_ = 	snop  }
0xfa: {  	[tilespmem:s0], [sflag:$0x1] =	stream.indirect.gather [hbm4b:s4+s29], $0x80, s29, s29, $0xb8;
	[tilespmem:$0x1D800] =	vst v63  }
0xfb: {  	_ =	swait.ge [sflag:s31], $0x4000  }
0xfc: {  	[sflag:s31] =	ssyncset.done $0x0  }
0xfd: {  	[sflag:s31] =	ssyncadd.s32 $0xFFFFC000  }
0xfe: {  	[spmem:s1] =	stream.indirect.scatter.add.f32 [tilespmem:s0], [sflag:$0x2], $0x80, s2, s29, $0xb8;
	[tilespmem:$0x1D800] =	vst v63  }
0xff: {  	_ =	swait.ge [sflag:s7], $0x4000  }
0x100: {  	[sflag:s7] =	ssyncset.done $0x0  }
0x101: {  	s21 =	simm.s32 $0xFFFFD800;
	[sflag:s7] =	ssyncadd.s32 $0xFFFFC000  }
0x102: {  	[tilespmem:s30], [sflag:$0x1] =	stream.indirect.gather [hbm4b:s4+s29], $0x80, s8, s29, $0xb8;
	[tilespmem:$0x1D800] =	vst v63  }
.LBB2_6:
0x103: {  	_ =	swait.ge [sflag:s31], $0x4000  }
0x104: {  	s10 =	sshra.s32 s21, $0x2;
	[sflag:s31] =	ssyncset.done $0x0  }
0x105: {  	s22 =	sadd.s32 $0x1700, s10;
	[sflag:s31] =	ssyncadd.s32 $0xFFFFC000  }
0x106: {  	[spmem:s1] =	stream.indirect.scatter.add.f32 [tilespmem:s30], [sflag:$0x2], $0x80, s22, s29, $0xb8;
	[tilespmem:$0x1D800] =	vst v63  }
0x107: {  	_ =	swait.ge [sflag:s7], $0x4000  }
0x108: {  	[sflag:s7] =	ssyncset.done $0x0  }
0x109: {  	s22 =	sadd.s32 $0xB80, s10;
	[sflag:s7] =	ssyncadd.s32 $0xFFFFC000  }
0x10a: {  	[tilespmem:s0], [sflag:$0x1] =	stream.indirect.gather [hbm4b:s4+s29], $0x80, s22, s29, $0xb8;
	[tilespmem:$0x1D800] =	vst v63  }
0x10b: {  	_ =	swait.ge [sflag:s31], $0x4000  }
0x10c: {  	p1 =	seq.s32 s21, $0x0;
	[sflag:s31] =	ssyncset.done $0x0  }
.Ltmp5:
0x10d: {  	s22 =	sadd.s32 $0x1780, s10;
	[sflag:s31] =	ssyncadd.s32 $0xFFFFC000;
	(pc) =	sbr.rel @p1 .LBB2_8-.Ltmp5, $4  }
0x10e: {  	[spmem:s1] =	stream.indirect.scatter.add.f32 [tilespmem:s0], [sflag:$0x2], $0x80, s22, s29, $0xb8;
	[tilespmem:$0x1D800] =	vst v63  }
0x10f: {  	_ =	swait.ge [sflag:s7], $0x4000  }
0x110: {  	[sflag:s7] =	ssyncset.done $0x0  }
0x111: {  	[sflag:s7] =	ssyncadd.s32 $0xFFFFC000  }
.Ltmp6:
0x112: {  	(pc) =	sbr.rel .LBB2_6-.Ltmp6, $3  }
0x113: {  	_ =	sdelay $0x1  }
0x114: {  	s10 =	sadd.s32 $0xC00, s10;
	s21 =	sadd.s32 $0x400, s21  }
0x115: {  	[tilespmem:s30], [sflag:$0x1] =	stream.indirect.gather [hbm4b:s4+s29], $0x80, s10, s29, $0xb8;
	[tilespmem:$0x1D800] =	vst v63  }
.LBB2_8:
0x116: {  	_ =	swait.ge [sflag:s7], $0x4000  }
0x117: {  	[sflag:s7] =	ssyncset.done $0x0  }
0x118: {  	s10 =	rddreg [dreg:$0x7];
	[sflag:s7] =	ssyncadd.s32 $0xFFFFC000  }
0x119: {  	[tilespmem:s3], [sflag:$0x3] =	stream.linear.gather [hbm4b:s10+s3], $0xC00, $0x38;
	[tilespmem:$0x1D800] =	vst v63  }
0x11a: {  	_ =	swait.ge [sflag:s26], $0xC00  }
0x11b: {  	[sflag:s26] =	ssyncset.done $0x0  }
0x11c: {  	s22 =	rddreg [dreg:$0x8];
	[sflag:s26] =	ssyncadd.s32 $0xFFFFF400  }
0x11d: {  	[tilespmem:s28], [sflag:$0x3] =	stream.linear.gather [hbm4b:s22+s3], $0xC00, $0x38;
	[tilespmem:$0x1D800] =	vst v63  }
0x11e: {  	_ =	swait.ge [sflag:s26], $0xC00  }
0x11f: {  	[sflag:s26] =	ssyncset.done $0x0  }
0x120: {  	[sflag:s26] =	ssyncadd.s32 $0xFFFFF400  }
0x121: {  	[tilespmem:s30], [sflag:$0x1] =	stream.indirect.gather [hbm4b:s4+s29], $0x80, s3, s29, $0xb8;
	[tilespmem:$0x1D800] =	vst v63  }
0x122: {  	_ =	swait.ge [sflag:s31], $0x4000  }
0x123: {  	[sflag:s31] =	ssyncset.done $0x0  }
0x124: {  	[sflag:s31] =	ssyncadd.s32 $0xFFFFC000  }
0x125: {  	[spmem:s1] =	stream.indirect.scatter.add.f32 [tilespmem:s30], [sflag:$0x2], $0x80, s28, s29, $0xb8;
	[tilespmem:$0x1D800] =	vst v63  }
0x126: {  	_ = 	snop  }
0x127: {  	[tilespmem:s0], [sflag:$0x1] =	stream.indirect.gather [hbm4b:s4+s29], $0x80, s29, s29, $0xb8;
	[tilespmem:$0x1D800] =	vst v63  }
0x128: {  	_ =	swait.ge [sflag:s31], $0x4000  }
0x129: {  	[sflag:s31] =	ssyncset.done $0x0  }
0x12a: {  	[sflag:s31] =	ssyncadd.s32 $0xFFFFC000  }
0x12b: {  	[spmem:s1] =	stream.indirect.scatter.add.f32 [tilespmem:s0], [sflag:$0x2], $0x80, s2, s29, $0xb8;
	[tilespmem:$0x1D800] =	vst v63  }
0x12c: {  	_ =	swait.ge [sflag:s7], $0x4000  }
0x12d: {  	[sflag:s7] =	ssyncset.done $0x0  }
0x12e: {  	s21 =	simm.s32 $0xFFFFD800;
	[sflag:s7] =	ssyncadd.s32 $0xFFFFC000  }
0x12f: {  	[tilespmem:s30], [sflag:$0x1] =	stream.indirect.gather [hbm4b:s4+s29], $0x80, s8, s29, $0xb8;
	[tilespmem:$0x1D800] =	vst v63  }
.LBB2_9:
0x130: {  	_ =	swait.ge [sflag:s31], $0x4000  }
0x131: {  	s10 =	sshra.s32 s21, $0x2;
	[sflag:s31] =	ssyncset.done $0x0  }
0x132: {  	s22 =	sadd.s32 $0x1700, s10;
	[sflag:s31] =	ssyncadd.s32 $0xFFFFC000  }
0x133: {  	[spmem:s1] =	stream.indirect.scatter.add.f32 [tilespmem:s30], [sflag:$0x2], $0x80, s22, s29, $0xb8;
	[tilespmem:$0x1D800] =	vst v63  }
0x134: {  	_ =	swait.ge [sflag:s7], $0x4000  }
0x135: {  	[sflag:s7] =	ssyncset.done $0x0  }
0x136: {  	s22 =	sadd.s32 $0xB80, s10;
	[sflag:s7] =	ssyncadd.s32 $0xFFFFC000  }
0x137: {  	[tilespmem:s0], [sflag:$0x1] =	stream.indirect.gather [hbm4b:s4+s29], $0x80, s22, s29, $0xb8;
	[tilespmem:$0x1D800] =	vst v63  }
0x138: {  	_ =	swait.ge [sflag:s31], $0x4000  }
0x139: {  	p1 =	seq.s32 s21, $0x0;
	[sflag:s31] =	ssyncset.done $0x0  }
.Ltmp7:
0x13a: {  	s22 =	sadd.s32 $0x1780, s10;
	[sflag:s31] =	ssyncadd.s32 $0xFFFFC000;
	(pc) =	sbr.rel @p1 .LBB2_11-.Ltmp7, $4  }
0x13b: {  	[spmem:s1] =	stream.indirect.scatter.add.f32 [tilespmem:s0], [sflag:$0x2], $0x80, s22, s29, $0xb8;
	[tilespmem:$0x1D800] =	vst v63  }
0x13c: {  	_ =	swait.ge [sflag:s7], $0x4000  }
0x13d: {  	[sflag:s7] =	ssyncset.done $0x0  }
0x13e: {  	[sflag:s7] =	ssyncadd.s32 $0xFFFFC000  }
.Ltmp8:
0x13f: {  	(pc) =	sbr.rel .LBB2_9-.Ltmp8, $3  }
0x140: {  	_ =	sdelay $0x1  }
0x141: {  	s10 =	sadd.s32 $0xC00, s10;
	s21 =	sadd.s32 $0x400, s21  }
0x142: {  	[tilespmem:s30], [sflag:$0x1] =	stream.indirect.gather [hbm4b:s4+s29], $0x80, s10, s29, $0xb8;
	[tilespmem:$0x1D800] =	vst v63  }
.LBB2_11:
0x143: {  	_ =	swait.ge [sflag:s7], $0x4000  }
0x144: {  	[sflag:s7] =	ssyncset.done $0x0  }
0x145: {  	s10 =	rddreg [dreg:$0x9];
	[sflag:s7] =	ssyncadd.s32 $0xFFFFC000  }
0x146: {  	[tilespmem:s3], [sflag:$0x3] =	stream.linear.gather [hbm4b:s10+s3], $0xC00, $0x38;
	[tilespmem:$0x1D800] =	vst v63  }
0x147: {  	_ =	swait.ge [sflag:s26], $0xC00  }
0x148: {  	[sflag:s26] =	ssyncset.done $0x0  }
0x149: {  	s22 =	rddreg [dreg:$0xa];
	[sflag:s26] =	ssyncadd.s32 $0xFFFFF400  }
0x14a: {  	[tilespmem:s28], [sflag:$0x3] =	stream.linear.gather [hbm4b:s22+s3], $0xC00, $0x38;
	[tilespmem:$0x1D800] =	vst v63  }
0x14b: {  	_ =	swait.ge [sflag:s26], $0xC00  }
0x14c: {  	[sflag:s26] =	ssyncset.done $0x0  }
0x14d: {  	[sflag:s26] =	ssyncadd.s32 $0xFFFFF400  }
0x14e: {  	[tilespmem:s30], [sflag:$0x1] =	stream.indirect.gather [hbm4b:s4+s29], $0x80, s3, s29, $0xb8;
	[tilespmem:$0x1D800] =	vst v63  }
0x14f: {  	_ =	swait.ge [sflag:s31], $0x4000  }
0x150: {  	[sflag:s31] =	ssyncset.done $0x0  }
0x151: {  	[sflag:s31] =	ssyncadd.s32 $0xFFFFC000  }
0x152: {  	[spmem:s1] =	stream.indirect.scatter.add.f32 [tilespmem:s30], [sflag:$0x2], $0x80, s28, s29, $0xb8;
	[tilespmem:$0x1D800] =	vst v63  }
0x153: {  	_ = 	snop  }
0x154: {  	[tilespmem:s0], [sflag:$0x1] =	stream.indirect.gather [hbm4b:s4+s29], $0x80, s29, s29, $0xb8;
	[tilespmem:$0x1D800] =	vst v63  }
0x155: {  	_ =	swait.ge [sflag:s31], $0x4000  }
0x156: {  	[sflag:s31] =	ssyncset.done $0x0  }
0x157: {  	[sflag:s31] =	ssyncadd.s32 $0xFFFFC000  }
0x158: {  	[spmem:s1] =	stream.indirect.scatter.add.f32 [tilespmem:s0], [sflag:$0x2], $0x80, s2, s29, $0xb8;
	[tilespmem:$0x1D800] =	vst v63  }
0x159: {  	_ =	swait.ge [sflag:s7], $0x4000  }
0x15a: {  	[sflag:s7] =	ssyncset.done $0x0  }
0x15b: {  	s21 =	simm.s32 $0xFFFFD800;
	[sflag:s7] =	ssyncadd.s32 $0xFFFFC000  }
0x15c: {  	[tilespmem:s30], [sflag:$0x1] =	stream.indirect.gather [hbm4b:s4+s29], $0x80, s8, s29, $0xb8;
	[tilespmem:$0x1D800] =	vst v63  }
.LBB2_12:
0x15d: {  	_ =	swait.ge [sflag:s31], $0x4000  }
0x15e: {  	s10 =	sshra.s32 s21, $0x2;
	[sflag:s31] =	ssyncset.done $0x0  }
0x15f: {  	s22 =	sadd.s32 $0x1700, s10;
	[sflag:s31] =	ssyncadd.s32 $0xFFFFC000  }
0x160: {  	[spmem:s1] =	stream.indirect.scatter.add.f32 [tilespmem:s30], [sflag:$0x2], $0x80, s22, s29, $0xb8;
	[tilespmem:$0x1D800] =	vst v63  }
0x161: {  	_ =	swait.ge [sflag:s7], $0x4000  }
0x162: {  	[sflag:s7] =	ssyncset.done $0x0  }
0x163: {  	s22 =	sadd.s32 $0xB80, s10;
	[sflag:s7] =	ssyncadd.s32 $0xFFFFC000  }
0x164: {  	[tilespmem:s0], [sflag:$0x1] =	stream.indirect.gather [hbm4b:s4+s29], $0x80, s22, s29, $0xb8;
	[tilespmem:$0x1D800] =	vst v63  }
0x165: {  	_ =	swait.ge [sflag:s31], $0x4000  }
0x166: {  	p1 =	seq.s32 s21, $0x0;
	[sflag:s31] =	ssyncset.done $0x0  }
.Ltmp9:
0x167: {  	s22 =	sadd.s32 $0x1780, s10;
	[sflag:s31] =	ssyncadd.s32 $0xFFFFC000;
	(pc) =	sbr.rel @p1 .LBB2_14-.Ltmp9, $4  }
0x168: {  	[spmem:s1] =	stream.indirect.scatter.add.f32 [tilespmem:s0], [sflag:$0x2], $0x80, s22, s29, $0xb8;
	[tilespmem:$0x1D800] =	vst v63  }
0x169: {  	_ =	swait.ge [sflag:s7], $0x4000  }
0x16a: {  	[sflag:s7] =	ssyncset.done $0x0  }
0x16b: {  	[sflag:s7] =	ssyncadd.s32 $0xFFFFC000  }
.Ltmp10:
0x16c: {  	(pc) =	sbr.rel .LBB2_12-.Ltmp10, $3  }
0x16d: {  	_ =	sdelay $0x1  }
0x16e: {  	s10 =	sadd.s32 $0xC00, s10;
	s21 =	sadd.s32 $0x400, s21  }
0x16f: {  	[tilespmem:s30], [sflag:$0x1] =	stream.indirect.gather [hbm4b:s4+s29], $0x80, s10, s29, $0xb8;
	[tilespmem:$0x1D800] =	vst v63  }
.LBB2_14:
0x170: {  	_ =	swait.ge [sflag:s7], $0x4000  }
0x171: {  	[sflag:s7] =	ssyncset.done $0x0  }
0x172: {  	s10 =	rddreg [dreg:$0xb];
	[sflag:s7] =	ssyncadd.s32 $0xFFFFC000  }
0x173: {  	[tilespmem:s3], [sflag:$0x3] =	stream.linear.gather [hbm4b:s10+s3], $0xC00, $0x38;
	[tilespmem:$0x1D800] =	vst v63  }
0x174: {  	_ =	swait.ge [sflag:s26], $0xC00  }
0x175: {  	[sflag:s26] =	ssyncset.done $0x0  }
0x176: {  	s22 =	rddreg [dreg:$0xc];
	[sflag:s26] =	ssyncadd.s32 $0xFFFFF400  }
0x177: {  	[tilespmem:s28], [sflag:$0x3] =	stream.linear.gather [hbm4b:s22+s3], $0xC00, $0x38;
	[tilespmem:$0x1D800] =	vst v63  }
0x178: {  	_ =	swait.ge [sflag:s26], $0xC00  }
0x179: {  	[sflag:s26] =	ssyncset.done $0x0  }
0x17a: {  	[sflag:s26] =	ssyncadd.s32 $0xFFFFF400  }
0x17b: {  	[tilespmem:s30], [sflag:$0x1] =	stream.indirect.gather [hbm4b:s4+s29], $0x80, s3, s29, $0xb8;
	[tilespmem:$0x1D800] =	vst v63  }
0x17c: {  	_ =	swait.ge [sflag:s31], $0x4000  }
0x17d: {  	[sflag:s31] =	ssyncset.done $0x0  }
0x17e: {  	[sflag:s31] =	ssyncadd.s32 $0xFFFFC000  }
0x17f: {  	[spmem:s1] =	stream.indirect.scatter.add.f32 [tilespmem:s30], [sflag:$0x2], $0x80, s28, s29, $0xb8;
	[tilespmem:$0x1D800] =	vst v63  }
0x180: {  	_ = 	snop  }
0x181: {  	[tilespmem:s0], [sflag:$0x1] =	stream.indirect.gather [hbm4b:s4+s29], $0x80, s29, s29, $0xb8;
	[tilespmem:$0x1D800] =	vst v63  }
0x182: {  	_ =	swait.ge [sflag:s31], $0x4000  }
0x183: {  	[sflag:s31] =	ssyncset.done $0x0  }
0x184: {  	[sflag:s31] =	ssyncadd.s32 $0xFFFFC000  }
0x185: {  	[spmem:s1] =	stream.indirect.scatter.add.f32 [tilespmem:s0], [sflag:$0x2], $0x80, s2, s29, $0xb8;
	[tilespmem:$0x1D800] =	vst v63  }
0x186: {  	_ =	swait.ge [sflag:s7], $0x4000  }
0x187: {  	[sflag:s7] =	ssyncset.done $0x0  }
0x188: {  	s21 =	simm.s32 $0xFFFFD800;
	[sflag:s7] =	ssyncadd.s32 $0xFFFFC000  }
0x189: {  	[tilespmem:s30], [sflag:$0x1] =	stream.indirect.gather [hbm4b:s4+s29], $0x80, s8, s29, $0xb8;
	[tilespmem:$0x1D800] =	vst v63  }
.LBB2_15:
0x18a: {  	_ =	swait.ge [sflag:s31], $0x4000  }
0x18b: {  	s10 =	sshra.s32 s21, $0x2;
	[sflag:s31] =	ssyncset.done $0x0  }
0x18c: {  	s22 =	sadd.s32 $0x1700, s10;
	[sflag:s31] =	ssyncadd.s32 $0xFFFFC000  }
0x18d: {  	[spmem:s1] =	stream.indirect.scatter.add.f32 [tilespmem:s30], [sflag:$0x2], $0x80, s22, s29, $0xb8;
	[tilespmem:$0x1D800] =	vst v63  }
0x18e: {  	_ =	swait.ge [sflag:s7], $0x4000  }
0x18f: {  	[sflag:s7] =	ssyncset.done $0x0  }
0x190: {  	s22 =	sadd.s32 $0xB80, s10;
	[sflag:s7] =	ssyncadd.s32 $0xFFFFC000  }
0x191: {  	[tilespmem:s0], [sflag:$0x1] =	stream.indirect.gather [hbm4b:s4+s29], $0x80, s22, s29, $0xb8;
	[tilespmem:$0x1D800] =	vst v63  }
0x192: {  	_ =	swait.ge [sflag:s31], $0x4000  }
0x193: {  	p1 =	seq.s32 s21, $0x0;
	[sflag:s31] =	ssyncset.done $0x0  }
.Ltmp11:
0x194: {  	s22 =	sadd.s32 $0x1780, s10;
	[sflag:s31] =	ssyncadd.s32 $0xFFFFC000;
	(pc) =	sbr.rel @p1 .LBB2_17-.Ltmp11, $4  }
0x195: {  	[spmem:s1] =	stream.indirect.scatter.add.f32 [tilespmem:s0], [sflag:$0x2], $0x80, s22, s29, $0xb8;
	[tilespmem:$0x1D800] =	vst v63  }
0x196: {  	_ =	swait.ge [sflag:s7], $0x4000  }
0x197: {  	[sflag:s7] =	ssyncset.done $0x0  }
0x198: {  	[sflag:s7] =	ssyncadd.s32 $0xFFFFC000  }
.Ltmp12:
0x199: {  	(pc) =	sbr.rel .LBB2_15-.Ltmp12, $3  }
0x19a: {  	_ =	sdelay $0x1  }
0x19b: {  	s10 =	sadd.s32 $0xC00, s10;
	s21 =	sadd.s32 $0x400, s21  }
0x19c: {  	[tilespmem:s30], [sflag:$0x1] =	stream.indirect.gather [hbm4b:s4+s29], $0x80, s10, s29, $0xb8;
	[tilespmem:$0x1D800] =	vst v63  }
.LBB2_17:
0x19d: {  	_ =	swait.ge [sflag:s7], $0x4000  }
0x19e: {  	[sflag:s7] =	ssyncset.done $0x0  }
0x19f: {  	s10 =	rddreg [dreg:$0xd];
	[sflag:s7] =	ssyncadd.s32 $0xFFFFC000  }
0x1a0: {  	[tilespmem:s3], [sflag:$0x3] =	stream.linear.gather [hbm4b:s10+s3], $0xC00, $0x38;
	[tilespmem:$0x1D800] =	vst v63  }
0x1a1: {  	_ =	swait.ge [sflag:s26], $0xC00  }
0x1a2: {  	[sflag:s26] =	ssyncset.done $0x0  }
0x1a3: {  	s22 =	rddreg [dreg:$0xe];
	[sflag:s26] =	ssyncadd.s32 $0xFFFFF400  }
0x1a4: {  	[tilespmem:s28], [sflag:$0x3] =	stream.linear.gather [hbm4b:s22+s3], $0xC00, $0x38;
	[tilespmem:$0x1D800] =	vst v63  }
0x1a5: {  	_ =	swait.ge [sflag:s26], $0xC00  }
0x1a6: {  	[sflag:s26] =	ssyncset.done $0x0  }
0x1a7: {  	[sflag:s26] =	ssyncadd.s32 $0xFFFFF400  }
0x1a8: {  	[tilespmem:s30], [sflag:$0x1] =	stream.indirect.gather [hbm4b:s4+s29], $0x80, s3, s29, $0xb8;
	[tilespmem:$0x1D800] =	vst v63  }
0x1a9: {  	_ =	swait.ge [sflag:s31], $0x4000  }
0x1aa: {  	[sflag:s31] =	ssyncset.done $0x0  }
0x1ab: {  	[sflag:s31] =	ssyncadd.s32 $0xFFFFC000  }
0x1ac: {  	[spmem:s1] =	stream.indirect.scatter.add.f32 [tilespmem:s30], [sflag:$0x2], $0x80, s28, s29, $0xb8;
	[tilespmem:$0x1D800] =	vst v63  }
0x1ad: {  	_ = 	snop  }
0x1ae: {  	[tilespmem:s0], [sflag:$0x1] =	stream.indirect.gather [hbm4b:s4+s29], $0x80, s29, s29, $0xb8;
	[tilespmem:$0x1D800] =	vst v63  }
0x1af: {  	_ =	swait.ge [sflag:s31], $0x4000  }
0x1b0: {  	[sflag:s31] =	ssyncset.done $0x0  }
0x1b1: {  	[sflag:s31] =	ssyncadd.s32 $0xFFFFC000  }
0x1b2: {  	[spmem:s1] =	stream.indirect.scatter.add.f32 [tilespmem:s0], [sflag:$0x2], $0x80, s2, s29, $0xb8;
	[tilespmem:$0x1D800] =	vst v63  }
0x1b3: {  	_ =	swait.ge [sflag:s7], $0x4000  }
0x1b4: {  	[sflag:s7] =	ssyncset.done $0x0  }
0x1b5: {  	s21 =	simm.s32 $0xFFFFD800;
	[sflag:s7] =	ssyncadd.s32 $0xFFFFC000  }
0x1b6: {  	[tilespmem:s30], [sflag:$0x1] =	stream.indirect.gather [hbm4b:s4+s29], $0x80, s8, s29, $0xb8;
	[tilespmem:$0x1D800] =	vst v63  }
.LBB2_18:
0x1b7: {  	_ =	swait.ge [sflag:s31], $0x4000  }
0x1b8: {  	s10 =	sshra.s32 s21, $0x2;
	[sflag:s31] =	ssyncset.done $0x0  }
0x1b9: {  	s22 =	sadd.s32 $0x1700, s10;
	[sflag:s31] =	ssyncadd.s32 $0xFFFFC000  }
0x1ba: {  	[spmem:s1] =	stream.indirect.scatter.add.f32 [tilespmem:s30], [sflag:$0x2], $0x80, s22, s29, $0xb8;
	[tilespmem:$0x1D800] =	vst v63  }
0x1bb: {  	_ =	swait.ge [sflag:s7], $0x4000  }
0x1bc: {  	[sflag:s7] =	ssyncset.done $0x0  }
0x1bd: {  	s22 =	sadd.s32 $0xB80, s10;
	[sflag:s7] =	ssyncadd.s32 $0xFFFFC000  }
0x1be: {  	[tilespmem:s0], [sflag:$0x1] =	stream.indirect.gather [hbm4b:s4+s29], $0x80, s22, s29, $0xb8;
	[tilespmem:$0x1D800] =	vst v63  }
0x1bf: {  	_ =	swait.ge [sflag:s31], $0x4000  }
0x1c0: {  	p1 =	seq.s32 s21, $0x0;
	[sflag:s31] =	ssyncset.done $0x0  }
.Ltmp13:
0x1c1: {  	s22 =	sadd.s32 $0x1780, s10;
	[sflag:s31] =	ssyncadd.s32 $0xFFFFC000;
	(pc) =	sbr.rel @p1 .LBB2_21-.Ltmp13, $4  }
0x1c2: {  	[spmem:s1] =	stream.indirect.scatter.add.f32 [tilespmem:s0], [sflag:$0x2], $0x80, s22, s29, $0xb8;
	[tilespmem:$0x1D800] =	vst v63  }
0x1c3: {  	_ =	swait.ge [sflag:s7], $0x4000  }
0x1c4: {  	[sflag:s7] =	ssyncset.done $0x0  }
0x1c5: {  	[sflag:s7] =	ssyncadd.s32 $0xFFFFC000  }
.Ltmp14:
0x1c6: {  	(pc) =	sbr.rel .LBB2_18-.Ltmp14, $3  }
0x1c7: {  	_ =	sdelay $0x1  }
0x1c8: {  	s10 =	sadd.s32 $0xC00, s10;
	s21 =	sadd.s32 $0x400, s21  }
0x1c9: {  	[tilespmem:s30], [sflag:$0x1] =	stream.indirect.gather [hbm4b:s4+s29], $0x80, s10, s29, $0xb8;
	[tilespmem:$0x1D800] =	vst v63  }
.LBB2_22:
0x1ca: {  	_ =	sfence.sel $0x180000  }
0x1cb: {  	[bflag:$0x0] =	sbarrier.arrive $0xFFFF  }
0x1cc: {  	_ =	strace $0x9000004A  }
0x1cd: {  	s0 =	stileid.u32;
	[bflag:$0x2] =	sbarrier.arrive $0xFFFF  }
0x1ce: {  	p0 =	sne.s32 s0, $0x0;
	s0 =	rddreg [dreg:$0x2]  }
0x1cf: {  	s0 =	sadd.s32 @!p0 $0x100000, s0  }
0x1d0: {  	[sflag:s0] =	ssyncadd.tile.s32 @!p0 $0x1;
	_ =	shalt  }
.Lfunc_end2:
_tile_overlayer_lowered:
.L_overlay_start_2:
0x1d1: {  	(tag) =	ssettag $0x2  }
0x1d2: {  	s0 =	rddreg [dreg:$0x0];
	s2 =	stileid.u32  }
0x1d3: {  	s1 =	rddreg [dreg:$0x1];
	p0 =	sne.s32 s2, $0x0  }
0x1d4: {  	s3 =	rddreg [dreg:$0x2];
	[bflag:$0x3] =	sbarrier.arrive $0xFFFF;
	s2 =	simm.s32 @!p0 $0x1C03  }
0x1d5: {  	[timem:s3], [sflag:s2] =	dma.local @!p0 [hbm:s0], s1  }
0x1d6: {  	s0 =	simm.s32 @!p0 $0x3  }
0x1d7: {  	_ =	swait.ge @!p0 [sflag:s0], s1  }
0x1d8: {  	s1 =	ssub.s32 @!p0 $0x0, s1;
	[sflag:s0] =	ssyncset.done @!p0 $0x0  }
0x1d9: {  	[sflag:s0] =	ssyncadd.s32 @!p0 s1  }
0x1da: {  	[bflag:$0x3] =	sbarrier.arrive $0xFFFF  }
0x1db: {  	_ =	shalt  }

// kernel: kernel.18.cloned.1.call-start
scs
__scs_entry_jumppad:
0x0: {  	(pc) =	sbr.rel $0x88, $3  }
0x1: {  	(tag) =	ssettag $0x0;
	lr =	simm.s32 $0x1  }
0x2: {  	[smem:$0x3F94] =	sst lr;
	_ =	strace $0xD0000000  }
0x3: {  	_ = 	snop  }
0x4: {  	_ = 	snop  }
0x5: {  	_ = 	snop  }
0x6: {  	_ = 	snop  }
0x7: {  	_ = 	snop  }
__scs_overlays_trampoline_lowered:
0x8: {  	[smem:$0x3FA3] =	sst s0  }
0x9: {  	[smem:$0x3FA4] =	sst s1  }
0xa: {  	[smem:$0x3FA5] =	sst s2  }
0xb: {  	[smem:$0x3FA6] =	sst s3  }
0xc: {  	[smem:$0x3FA7] =	sst s4  }
0xd: {  	[smem:$0x3FA8] =	sst s5  }
0xe: {  	[smem:$0x3FA9] =	sst s6  }
0xf: {  	[smem:$0x3FAA] =	sst s7  }
0x10: {  	[smem:$0x3FAB] =	sst s8  }
0x11: {  	[smem:$0x3FAC] =	sst s9;
	s0 =	simm.s32 @!p0 $0x0  }
0x12: {  	s1 =	sld [smem:$0x3F92];
	s0 =	simm.s32 @p0 $0x1  }
0x13: {  	[smem:$0x3FAD] =	sst s0;
	s0 =	simm.s32 @!p1 $0x0  }
0x14: {  	s2 =	sld [smem:$0x3F91];
	s0 =	simm.s32 @p1 $0x1  }
0x15: {  	[smem:$0x3FAE] =	sst s0;
	s0 =	simm.s32 @!p2 $0x0  }
0x16: {  	s3 =	sld [smem:$0x3FDB];
	s0 =	simm.s32 @p2 $0x1  }
0x17: {  	s4 =	simm.s32 $0x1BF5;
	[smem:$0x3FB0] =	sst s0  }
0x18: {  	s0 =	sld [smem:$0x3F93];
	_ =	swait.ge [sflag:s4], $0x0  }
0x19: {  	s7 =	sld [smem:$0x3F94]  }
0x1a: {  	s8 =	sadd.s32 $0xFFFFE003, lr  }
0x1b: {  	s9 =	sadd.s32 $0xFFFFFEF7, lr;
	s5 =	simm.s32 $0xFFFFFFFF;
	p2 =	slt.u32 s8, $0xFFFFF086  }
0x1c: {  	p1 =	slt.u32 s9, $0xF7A;
	s5 =	simm.s32 @!p2 $0x0  }
0x1d: {  	s5 =	simm.s32 @p1 $0x1;
	p0 =	seq.s32 s7, s2  }
0x1e: {  	s7 =	smul.u32 @!p0 $0xF7A, s2;
	p2 =	seq.s32 @!p0 s5, $0x0  }
0x1f: {  	s9 =	smul.u32 $0xF7A, s1;
	s8 =	simm.s32 @!p0 $0x1BF5;
	p2 =	por !p2, p0  }
0x20: {  	[sflag:s8] =	ssyncset.s32 @!p0 $0xFFFFF086;
	s6 =	sadd.s32 @!p0 s3, s7;
	s7 =	simm.s32 @!p0 $0x108  }
0x21: {  	s3 =	sadd.s32 s3, s9;
	s6 =	sadd.s32 @!p0 $0x88, s6;
	s7 =	simm.s32 @p2 $0x1082  }
0x22: {  	[simem:s7], [sflag:s8] =	dma.local @!p0 [hbm:s6], $0xF7A  }
0x23: {  	s9 =	sor.u32 $0xD0000000, s2;
	s6 =	simm.s32 $0x108;
	_ =	swait.ge @!p0 [sflag:s8], $0x0  }
0x24: {  	s3 =	sadd.s32 $0x88, s3;
	s6 =	simm.s32 @!p1 $0x1082;
	[sflag:s4] =	ssyncset.s32 $0xFFFFF086  }
0x25: {  	[simem:s6], [sflag:s4] =	dma.local [hbm:s3], $0xF7A  }
0x26: {  	[smem:$0x3F94] =	sst s1;
	(tag) =	ssettag s2;
	_ =	strace s9  }
0x27: {  	s1 =	sld [smem:$0x3FA4]  }
0x28: {  	s2 =	sld [smem:$0x3FA5]  }
0x29: {  	s4 =	sld [smem:$0x3FA7]  }
0x2a: {  	p0 =	seq.s32 s5, $0x0;
	s5 =	sld [smem:$0x3FA8]  }
0x2b: {  	s6 =	sld [smem:$0x3FA9]  }
0x2c: {  	s7 =	sld [smem:$0x3FAA]  }
0x2d: {  	s3 =	simm.s32 $0x108;
	s8 =	sld [smem:$0x3FAB]  }
0x2e: {  	s3 =	simm.s32 @!p0 $0x1082;
	s9 =	sld [smem:$0x3FAC]  }
0x2f: {  	lr =	sadd.s32 s0, s3;
	s0 =	sld [smem:$0x3FA3]  }
0x30: {  	s3 =	sld [smem:$0x3FA6]  }
0x31: {  	[smem:$0x3FAF] =	sst s10  }
0x32: {  	s10 =	sld [smem:$0x3FAD];
	_ =	sdelay $0x3  }
0x33: {  	p0 =	seq.s32 s10, $0x1;
	s10 =	sld [smem:$0x3FAF];
	_ =	sdelay $0x3  }
0x34: {  	[smem:$0x3FAF] =	sst s10  }
0x35: {  	s10 =	sld [smem:$0x3FAE];
	_ =	sdelay $0x3  }
0x36: {  	p1 =	seq.s32 s10, $0x1;
	s10 =	sld [smem:$0x3FAF];
	_ =	sdelay $0x3  }
0x37: {  	[smem:$0x3FAF] =	sst s10  }
0x38: {  	s10 =	sld [smem:$0x3FB0]  }
0x39: {  	_ = 	snop;
	(pc) =	sbr.ind lr, $3  }
0x3a: {  	_ = 	snop  }
0x3b: {  	_ = 	snop  }
0x3c: {  	p2 =	seq.s32 s10, $0x1;
	s10 =	sld [smem:$0x3FAF]  }
0x3d: {  	_ =	shalt  }
0x3e: {  	_ =	shalt  }
0x3f: {  	_ =	shalt  }
0x40: {  	_ =	shalt  }
0x41: {  	_ =	shalt  }
0x42: {  	_ =	shalt  }
0x43: {  	_ =	shalt  }
0x44: {  	_ =	shalt  }
0x45: {  	_ =	shalt  }
0x46: {  	_ =	shalt  }
0x47: {  	_ =	shalt  }
0x48: {  	_ =	shalt  }
0x49: {  	_ =	shalt  }
0x4a: {  	_ =	shalt  }
0x4b: {  	_ =	shalt  }
0x4c: {  	_ =	shalt  }
0x4d: {  	_ =	shalt  }
0x4e: {  	_ =	shalt  }
0x4f: {  	_ =	shalt  }
0x50: {  	_ =	shalt  }
0x51: {  	_ =	shalt  }
0x52: {  	_ =	shalt  }
0x53: {  	_ =	shalt  }
0x54: {  	_ =	shalt  }
0x55: {  	_ =	shalt  }
0x56: {  	_ =	shalt  }
0x57: {  	_ =	shalt  }
0x58: {  	_ =	shalt  }
0x59: {  	_ =	shalt  }
0x5a: {  	_ =	shalt  }
0x5b: {  	_ =	shalt  }
0x5c: {  	_ =	shalt  }
0x5d: {  	_ =	shalt  }
0x5e: {  	_ =	shalt  }
0x5f: {  	_ =	shalt  }
0x60: {  	_ =	shalt  }
0x61: {  	_ =	shalt  }
0x62: {  	_ =	shalt  }
0x63: {  	_ =	shalt  }
0x64: {  	_ =	shalt  }
0x65: {  	_ =	shalt  }
0x66: {  	_ =	shalt  }
0x67: {  	_ =	shalt  }
0x68: {  	_ =	shalt  }
0x69: {  	_ =	shalt  }
0x6a: {  	_ =	shalt  }
0x6b: {  	_ =	shalt  }
0x6c: {  	_ =	shalt  }
0x6d: {  	_ =	shalt  }
0x6e: {  	_ =	shalt  }
0x6f: {  	_ =	shalt  }
0x70: {  	_ =	shalt  }
0x71: {  	_ =	shalt  }
0x72: {  	_ =	shalt  }
0x73: {  	_ =	shalt  }
0x74: {  	_ =	shalt  }
0x75: {  	_ =	shalt  }
0x76: {  	_ =	shalt  }
0x77: {  	_ =	shalt  }
0x78: {  	_ =	shalt  }
0x79: {  	_ =	shalt  }
0x7a: {  	_ =	shalt  }
0x7b: {  	_ =	shalt  }
0x7c: {  	_ =	shalt  }
0x7d: {  	_ =	shalt  }
0x7e: {  	_ =	shalt  }
0x7f: {  	_ =	shalt  }
0x80: {  	_ =	shalt  }
0x81: {  	_ =	shalt  }
0x82: {  	_ =	shalt  }
0x83: {  	_ =	shalt  }
0x84: {  	_ =	shalt  }
0x85: {  	_ =	shalt  }
0x86: {  	_ =	shalt  }
0x87: {  	_ =	shalt  }
.Lfunc_end0:
.L_simem_size_0:
called_computation.2_lowered:
.L_overlay_start_0:
0x88: {  	s2 =	sld [smem:$0x3FD9]  }
0x89: {  	s3 =	sld [smem:$0x3FFE];
	_ =	sdelay $0x1  }
0x8a: {  	s1 =	srdreg.scid  }
0x8b: {  	s0 =	sand.u32 $0x1, s1  }
0x8c: {  	s16 =	sshll.u32 s0, $0xA;
	s2 =	sadd.s32 s3, s2  }
0x8d: {  	s2 =	sadd.s32 s2, s16  }
0x8e: {  	[smem:$0x3FBB] =	sst s2  }
0x8f: {  	_ = 	snop  }
0x90: {  	(tm) =	ssettm $0x1  }
0x91: {  	s17 =	sld [smem:$0x3FFB];
	_ =	sdelay $0x3  }
0x92: {  	_ =	strace s17  }
0x93: {  	s2 =	sld [smem:$0x3FFC];
	_ =	sdelay $0x3  }
0x94: {  	_ =	strace s2  }
0x95: {  	s2 =	sld [smem:$0x3FFD];
	_ =	sdelay $0x3  }
0x96: {  	_ =	strace s2  }
0x97: {  	_ =	strace $0x8FFFFFFF  }
0x98: {  	s18 =	sld [smem:$0x3FDB];
	_ =	sdelay $0x1  }
0x99: {  	s19 =	simm.s32 $_scs_section_size  }
0x9a: {  	s4 =	simm.s32 $_size__tile_overlayer_lowered;
	s5 =	simm.s32 $_tile_overlayer_lowered  }
0x9b: {  	s22 =	simm.s32 $0x1BFF;
	s21 =	sshll.u32 s5, $0x1;
	s2 =	sadd.s32 s19, s18  }
0x9c: {  	s6 =	simm.s32 $0x0;
	s20 =	sshll.u32 s4, $0x1;
	s4 =	sadd.s32 s21, s2  }
0x9d: {  	[timem:s6], [sflag:s22] =	dma.local [hbm:s4], s20  }
0x9e: {  	_ =	swait.ge [sflag:s22], s20  }
0x9f: {  	s3 =	ssub.s32 $0x0, s20;
	[sflag:s22] =	ssyncset.done $0x0  }
0xa0: {  	[sflag:s22] =	ssyncadd.s32 s3;
	_ =	sdelay $0x1  }
0xa1: {  	s23 =	simm.s32 $0x1B8B  }
0xa2: {  	_ =	swait.ge [sflag:s23], $0x1  }
0xa3: {  	[sflag:s23] =	ssyncset.done $0x0  }
0xa4: {  	s25 =	simm.s32 $0x1B8E;
	s24 =	sld [smem:$0x3FFE];
	[sflag:s23] =	ssyncadd.s32 $0xFFFFFFFF  }
0xa5: {  	s26 =	simm.s32 $execute0_lowered;
	[smem:$0x3FD2] =	sst s25  }
0xa6: {  	s4 =	sshll.u32 s26, $0x1;
	_ =	strace $0x8000004C;
	[dreg:$0x1] =	wrdreg $0xFFFFFFFF  }
0xa7: {  	s28 =	simm.s32 $_size_execute0_lowered;
	s2 =	sadd.s32 s2, s4;
	[dreg:$0x0] =	wrdreg $0x0  }
0xa8: {  	s4 =	sshll.u32 s28, $0x1;
	[dreg:$0x2] =	wrdreg s2  }
0xa9: {  	[dreg:$0x3] =	wrdreg s4  }
0xaa: {  	[dreg:$0x4] =	wrdreg $0xC0  }
0xab: {  	_ =	task [dreg:s6], $0x5FFFF  }
0xac: {  	[dreg:$0x1] =	wrdreg $0xFFFFFFFF  }
0xad: {  	[dreg:$0x0] =	wrdreg $0x60  }
0xae: {  	[dreg:$0x2] =	wrdreg s24  }
0xaf: {  	[dreg:$0x3] =	wrdreg $0x98000  }
0xb0: {  	[dreg:$0x4] =	wrdreg $0x9  }
0xb1: {  	_ =	task.clear_ibuf [dreg:s6], $0x5FFFF;
	_ =	strace $0x9000004C  }
0xb2: {  	s29 =	simm.s32 $0x9;
	_ =	strace $0x8000004E  }
0xb3: {  	_ =	swait.ge [sflag:s29], $0x1  }
0xb4: {  	[sflag:s29] =	ssyncadd.s32 $0xFFFFFFFF  }
0xb5: {  	_ =	strace $0x9000004E  }
0xb6: {  	_ =	sfence  }
0xb7: {  	s30 =	sld [smem:$0x0];
	_ =	sdelay $0x2  }
0xb8: {  	s31 =	sshll.u32 s1, $0xD;
	s1 =	sshrl.u32 s1, $0x2  }
0xb9: {  	s3 =	sand.u32 $0x4000, s31;
	s1 =	sadd.s32 s1, s30  }
0xba: {  	s0 =	sor.u32 s3, s0;
	s1 =	sshll.u32 s1, $0x11  }
0xbb: {  	s0 =	sor.u32 s1, s0  }
0xbc: {  	s0 =	sadd.s32 $0x8F2B, s0  }
0xbd: {  	[sflag:s0] =	ssyncadd.remote.s32 $0x1  }
0xbe: {  	_ =	sfence.sel $0xFFFF  }
0xbf: {  	[dreg:$0x0] =	wrdreg $0xFFFFFFFF;
	(pc) =	sbr.abs _section_cstart, $3  }
0xc0: {  	[dreg:$0x1] =	wrdreg $0xFFFFFFFF  }
0xc1: {  	_ =	task.clear_ibuf [dreg:s6], $0x2FFFF;
	_ =	strace $0x9FFFFFFF  }
0xc2: {  	(tm) =	ssettm $0x7FFFFFFF  }
0xc3: {  	_ =	shalt  }
tec
execute0_lowered:
.L_overlay_start_1:
0x0: {  	(tag) =	ssettag $0x1  }
0x1: {  	s0 =	rddreg [dreg:$0x0]  }
0x2: {  	s1 =	rddreg [dreg:$0x1];
	s3 =	simm.s32 $0x0  }
0x3: {  	s2 =	srdreg.scid;
	s14 =	stileid.u32;
	s28 =	simm.s32 $0xC00  }
0x4: {  	s29 =	simm.s32 $0x80;
	s30 =	simm.s32 $0x1800;
	s31 =	simm.s32 $0x1  }
0x5: {  	[smem:$0x7FF] =	sst s3;
	s2 =	sand.u32 $0x1, s2;
	s6 =	smul.u32 $0x2800, s14  }
0x6: {  	s4 =	sadd.s32 $0x24200, s0;
	s7 =	sadd.s32 $0x1A200, s0;
	s10 =	smul.u32 $0x50000, s14  }
0x7: {  	s9 =	sadd.s32 $0xF200, s0;
	s5 =	sadd.s32 $0x5200, s0;
	s11 =	smul.u32 $0x900, s14  }
0x8: {  	s13 =	smul.u32 $0x4800, s14;
	_ =	strace $0x8000004D;
	s20 =	ssub.s32 $0x2, s2  }
0x9: {  	s8 =	smul.u32 $0x28000, s2;
	p0 =	seq.s32 s2, $0x1;
	s12 =	sshrl.u32 s20, $0x1  }
0xa: {  	s10 =	sshrl.u32 s10, $0x2;
	s21 =	sadd.s32 s7, s11;
	s22 =	sshrl.u32 s13, $0x3  }
0xb: {  	s23 =	sadd.s32 s9, s11;
	s11 =	simm.s32 $0xD80;
	[dreg:$0x3] =	wrdreg s21  }
0xc: {  	s6 =	sadd.s32 s6, s8;
	s8 =	ssub.s32 s20, s12;
	[dreg:$0x4] =	wrdreg s23  }
0xd: {  	s24 =	sadd.s32 $0x180, s22;
	s25 =	sadd.s32 $0x300, s22;
	s16 =	sadd.s32 $0x480, s22  }
0xe: {  	s17 =	sadd.s32 $0x600, s22;
	s0 =	sadd.s32 s6, s0;
	s26 =	sadd.s32 s7, s24  }
0xf: {  	s6 =	sadd.s32 s10, s1;
	s10 =	sadd.s32 s9, s24;
	[dreg:$0x5] =	wrdreg s26  }
0x10: {  	s2 =	sadd.s32 $0x780, s22;
	s13 =	sadd.s32 s7, s25;
	[dreg:$0x6] =	wrdreg s10  }
0x11: {  	s21 =	sshll.u32 s14, $0x8;
	s15 =	sadd.s32 s9, s25;
	[dreg:$0x7] =	wrdreg s13  }
0x12: {  	s12 =	simm.s32 $0x200;
	s18 =	sadd.s32 s7, s16;
	[dreg:$0x8] =	wrdreg s15  }
0x13: {  	s19 =	sadd.s32 s7, s17;
	s20 =	sadd.s32 s9, s17;
	[dreg:$0x9] =	wrdreg s18  }
0x14: {  	s22 =	sadd.s32 s7, s2;
	s2 =	sadd.s32 s9, s2;
	[dreg:$0xb] =	wrdreg s19  }
0x15: {  	s23 =	sor.u32 $0x9000, s21;
	s25 =	sor.u32 $0x9080, s21;
	[dreg:$0xc] =	wrdreg s20  }
0x16: {  	s17 =	simm.s32 $0xF00;
	s10 =	sadd.s32 s9, s16;
	[dreg:$0xd] =	wrdreg s22  }
0x17: {  	[dreg:$0xe] =	wrdreg s2;
	s24 =	sadd.s32 s7, s23;
	s2 =	sadd.s32 s9, s23  }
0x18: {  	s7 =	sadd.s32 s7, s25;
	s26 =	sshll.u32 s14, $0x6;
	s13 =	simm.s32 $0xE00  }
0x19: {  	s14 =	simm.s32 $0x280;
	s15 =	simm.s32 $0xE80;
	[dreg:$0xa] =	wrdreg s10  }
0x1a: {  	s16 =	simm.s32 $0x300;
	s18 =	simm.s32 $0x380;
	[dreg:$0xf] =	wrdreg s24  }
.Ltmp0:
0x1b: {  	s19 =	simm.s32 $0xF80;
	[dreg:$0x10] =	wrdreg s2;
	(pc) =	sbr.rel .LBB2_1-.Ltmp0, $4  }
0x1c: {  	s20 =	simm.s32 $0x0;
	[dreg:$0x11] =	wrdreg s7;
	s2 =	sadd.s32 s9, s25  }
0x1d: {  	s23 =	sor.u32 $0x1C03, s26;
	s24 =	sadd.s32 $0x72600, s0;
	s25 =	smax.u32 s8, $0x1  }
0x1e: {  	s26 =	simm.s32 $0x3;
	s0 =	simm.s32 $0x5800;
	s7 =	simm.s32 $0x2  }
0x1f: {  	s8 =	simm.s32 $0x100;
	[dreg:$0x12] =	wrdreg s2;
	s2 =	simm.s32 $0xC80  }
.LBB2_20:
0x20: {  	s10 =	rddreg [dreg:$0xf]  }
0x21: {  	[tilespmem:s3], [sflag:$0x3] =	stream.linear.gather [hbm4b:s10+s3], $0x400, $0x38;
	[tilespmem:$0x1D800] =	vst v63  }
0x22: {  	_ =	swait.ge [sflag:s26], $0x400  }
0x23: {  	[sflag:s26] =	ssyncset.done $0x0  }
0x24: {  	s22 =	rddreg [dreg:$0x10];
	[sflag:s26] =	ssyncadd.s32 $0xFFFFFC00  }
0x25: {  	[tilespmem:s28], [sflag:$0x3] =	stream.linear.gather [hbm4b:s22+s3], $0x400, $0x38;
	[tilespmem:$0x1D800] =	vst v63  }
0x26: {  	_ =	swait.ge [sflag:s26], $0x400  }
0x27: {  	[sflag:s26] =	ssyncset.done $0x0  }
0x28: {  	[sflag:s26] =	ssyncadd.s32 $0xFFFFFC00  }
0x29: {  	[tilespmem:s30], [sflag:$0x1] =	stream.indirect.gather [hbm4b:s4+s29], $0x80, s3, s29, $0xb8;
	[tilespmem:$0x1D800] =	vst v63  }
0x2a: {  	_ =	swait.ge [sflag:s31], $0x4000  }
0x2b: {  	[sflag:s31] =	ssyncset.done $0x0  }
0x2c: {  	[sflag:s31] =	ssyncadd.s32 $0xFFFFC000  }
0x2d: {  	[spmem:s1] =	stream.indirect.scatter.add.f32 [tilespmem:s30], [sflag:$0x2], $0x80, s28, s29, $0xb8;
	[tilespmem:$0x1D800] =	vst v63  }
0x2e: {  	_ = 	snop  }
0x2f: {  	[tilespmem:s0], [sflag:$0x1] =	stream.indirect.gather [hbm4b:s4+s29], $0x80, s29, s29, $0xb8;
	[tilespmem:$0x1D800] =	vst v63  }
0x30: {  	_ =	swait.ge [sflag:s31], $0x4000  }
0x31: {  	[sflag:s31] =	ssyncset.done $0x0  }
0x32: {  	[sflag:s31] =	ssyncadd.s32 $0xFFFFC000  }
0x33: {  	[spmem:s1] =	stream.indirect.scatter.add.f32 [tilespmem:s0], [sflag:$0x2], $0x80, s2, s29, $0xb8;
	[tilespmem:$0x1D800] =	vst v63  }
0x34: {  	_ =	swait.ge [sflag:s7], $0x4000  }
0x35: {  	[sflag:s7] =	ssyncset.done $0x0  }
0x36: {  	[sflag:s7] =	ssyncadd.s32 $0xFFFFC000  }
0x37: {  	[tilespmem:s30], [sflag:$0x1] =	stream.indirect.gather [hbm4b:s4+s29], $0x80, s8, s29, $0xb8;
	[tilespmem:$0x1D800] =	vst v63  }
0x38: {  	_ =	swait.ge [sflag:s31], $0x4000  }
0x39: {  	[sflag:s31] =	ssyncset.done $0x0  }
0x3a: {  	s21 =	simm.s32 $0xD00;
	[sflag:s31] =	ssyncadd.s32 $0xFFFFC000  }
0x3b: {  	[spmem:s1] =	stream.indirect.scatter.add.f32 [tilespmem:s30], [sflag:$0x2], $0x80, s21, s29, $0xb8;
	[tilespmem:$0x1D800] =	vst v63  }
0x3c: {  	_ =	swait.ge [sflag:s7], $0x4000  }
0x3d: {  	[sflag:s7] =	ssyncset.done $0x0  }
0x3e: {  	s22 =	simm.s32 $0x180;
	[sflag:s7] =	ssyncadd.s32 $0xFFFFC000  }
0x3f: {  	[tilespmem:s0], [sflag:$0x1] =	stream.indirect.gather [hbm4b:s4+s29], $0x80, s22, s29, $0xb8;
	[tilespmem:$0x1D800] =	vst v63  }
0x40: {  	_ =	swait.ge [sflag:s31], $0x4000  }
0x41: {  	[sflag:s31] =	ssyncset.done $0x0  }
0x42: {  	[sflag:s31] =	ssyncadd.s32 $0xFFFFC000  }
0x43: {  	[spmem:s1] =	stream.indirect.scatter.add.f32 [tilespmem:s0], [sflag:$0x2], $0x80, s11, s29, $0xb8;
	[tilespmem:$0x1D800] =	vst v63  }
0x44: {  	_ =	swait.ge [sflag:s7], $0x4000  }
0x45: {  	[sflag:s7] =	ssyncset.done $0x0  }
0x46: {  	[sflag:s7] =	ssyncadd.s32 $0xFFFFC000  }
0x47: {  	[tilespmem:s30], [sflag:$0x1] =	stream.indirect.gather [hbm4b:s4+s29], $0x80, s12, s29, $0xb8;
	[tilespmem:$0x1D800] =	vst v63  }
0x48: {  	_ =	swait.ge [sflag:s31], $0x4000  }
0x49: {  	[sflag:s31] =	ssyncset.done $0x0  }
0x4a: {  	[sflag:s31] =	ssyncadd.s32 $0xFFFFC000  }
0x4b: {  	[spmem:s1] =	stream.indirect.scatter.add.f32 [tilespmem:s30], [sflag:$0x2], $0x80, s13, s29, $0xb8;
	[tilespmem:$0x1D800] =	vst v63  }
0x4c: {  	_ =	swait.ge [sflag:s7], $0x4000  }
0x4d: {  	[sflag:s7] =	ssyncset.done $0x0  }
0x4e: {  	[sflag:s7] =	ssyncadd.s32 $0xFFFFC000  }
0x4f: {  	[tilespmem:s0], [sflag:$0x1] =	stream.indirect.gather [hbm4b:s4+s29], $0x80, s14, s29, $0xb8;
	[tilespmem:$0x1D800] =	vst v63  }
0x50: {  	_ =	swait.ge [sflag:s31], $0x4000  }
0x51: {  	[sflag:s31] =	ssyncset.done $0x0  }
0x52: {  	[sflag:s31] =	ssyncadd.s32 $0xFFFFC000  }
0x53: {  	[spmem:s1] =	stream.indirect.scatter.add.f32 [tilespmem:s0], [sflag:$0x2], $0x80, s15, s29, $0xb8;
	[tilespmem:$0x1D800] =	vst v63  }
0x54: {  	_ =	swait.ge [sflag:s7], $0x4000  }
0x55: {  	[sflag:s7] =	ssyncset.done $0x0  }
0x56: {  	[sflag:s7] =	ssyncadd.s32 $0xFFFFC000  }
0x57: {  	[tilespmem:s30], [sflag:$0x1] =	stream.indirect.gather [hbm4b:s4+s29], $0x80, s16, s29, $0xb8;
	[tilespmem:$0x1D800] =	vst v63  }
0x58: {  	_ =	swait.ge [sflag:s31], $0x4000  }
0x59: {  	[sflag:s31] =	ssyncset.done $0x0  }
0x5a: {  	[sflag:s31] =	ssyncadd.s32 $0xFFFFC000  }
0x5b: {  	[spmem:s1] =	stream.indirect.scatter.add.f32 [tilespmem:s30], [sflag:$0x2], $0x80, s17, s29, $0xb8;
	[tilespmem:$0x1D800] =	vst v63  }
0x5c: {  	_ =	swait.ge [sflag:s7], $0x4000  }
0x5d: {  	[sflag:s7] =	ssyncset.done $0x0  }
0x5e: {  	[sflag:s7] =	ssyncadd.s32 $0xFFFFC000  }
0x5f: {  	[tilespmem:s0], [sflag:$0x1] =	stream.indirect.gather [hbm4b:s4+s29], $0x80, s18, s29, $0xb8;
	[tilespmem:$0x1D800] =	vst v63  }
0x60: {  	_ =	swait.ge [sflag:s31], $0x4000  }
0x61: {  	[sflag:s31] =	ssyncset.done $0x0  }
0x62: {  	[sflag:s31] =	ssyncadd.s32 $0xFFFFC000  }
0x63: {  	[spmem:s1] =	stream.indirect.scatter.add.f32 [tilespmem:s0], [sflag:$0x2], $0x80, s19, s29, $0xb8;
	[tilespmem:$0x1D800] =	vst v63  }
0x64: {  	_ =	swait.ge [sflag:s7], $0x4000  }
0x65: {  	[sflag:s7] =	ssyncset.done $0x0  }
0x66: {  	[sflag:s7] =	ssyncadd.s32 $0xFFFFC000  }
0x67: {  	_ =	swait.ge [sflag:s7], $0x4000  }
0x68: {  	[sflag:s7] =	ssyncset.done $0x0  }
0x69: {  	s10 =	rddreg [dreg:$0x11];
	[sflag:s7] =	ssyncadd.s32 $0xFFFFC000  }
0x6a: {  	[tilespmem:s3], [sflag:$0x3] =	stream.linear.gather [hbm4b:s10+s3], $0x400, $0x38;
	[tilespmem:$0x1D800] =	vst v63  }
0x6b: {  	_ =	swait.ge [sflag:s26], $0x400  }
0x6c: {  	[sflag:s26] =	ssyncset.done $0x0  }
0x6d: {  	s10 =	rddreg [dreg:$0x12];
	[sflag:s26] =	ssyncadd.s32 $0xFFFFFC00  }
0x6e: {  	[tilespmem:s28], [sflag:$0x3] =	stream.linear.gather [hbm4b:s10+s3], $0x400, $0x38;
	[tilespmem:$0x1D800] =	vst v63  }
0x6f: {  	_ =	swait.ge [sflag:s26], $0x400  }
0x70: {  	[sflag:s26] =	ssyncset.done $0x0  }
0x71: {  	[sflag:s26] =	ssyncadd.s32 $0xFFFFFC00  }
0x72: {  	[tilespmem:s30], [sflag:$0x1] =	stream.indirect.gather [hbm4b:s4+s29], $0x80, s3, s29, $0xb8;
	[tilespmem:$0x1D800] =	vst v63  }
0x73: {  	_ =	swait.ge [sflag:s31], $0x4000  }
0x74: {  	[sflag:s31] =	ssyncset.done $0x0  }
0x75: {  	[sflag:s31] =	ssyncadd.s32 $0xFFFFC000  }
0x76: {  	[spmem:s1] =	stream.indirect.scatter.add.f32 [tilespmem:s30], [sflag:$0x2], $0x80, s28, s29, $0xb8;
	[tilespmem:$0x1D800] =	vst v63  }
0x77: {  	_ = 	snop  }
0x78: {  	[tilespmem:s0], [sflag:$0x1] =	stream.indirect.gather [hbm4b:s4+s29], $0x80, s29, s29, $0xb8;
	[tilespmem:$0x1D800] =	vst v63  }
0x79: {  	_ =	swait.ge [sflag:s31], $0x4000  }
0x7a: {  	[sflag:s31] =	ssyncset.done $0x0  }
0x7b: {  	[sflag:s31] =	ssyncadd.s32 $0xFFFFC000  }
0x7c: {  	[spmem:s1] =	stream.indirect.scatter.add.f32 [tilespmem:s0], [sflag:$0x2], $0x80, s2, s29, $0xb8;
	[tilespmem:$0x1D800] =	vst v63  }
0x7d: {  	_ =	swait.ge [sflag:s7], $0x4000  }
0x7e: {  	[sflag:s7] =	ssyncset.done $0x0  }
0x7f: {  	[sflag:s7] =	ssyncadd.s32 $0xFFFFC000  }
0x80: {  	[tilespmem:s30], [sflag:$0x1] =	stream.indirect.gather [hbm4b:s4+s29], $0x80, s8, s29, $0xb8;
	[tilespmem:$0x1D800] =	vst v63  }
0x81: {  	_ =	swait.ge [sflag:s31], $0x4000  }
0x82: {  	[sflag:s31] =	ssyncset.done $0x0  }
0x83: {  	[sflag:s31] =	ssyncadd.s32 $0xFFFFC000  }
0x84: {  	[spmem:s1] =	stream.indirect.scatter.add.f32 [tilespmem:s30], [sflag:$0x2], $0x80, s21, s29, $0xb8;
	[tilespmem:$0x1D800] =	vst v63  }
0x85: {  	_ =	swait.ge [sflag:s7], $0x4000  }
0x86: {  	[sflag:s7] =	ssyncset.done $0x0  }
0x87: {  	[sflag:s7] =	ssyncadd.s32 $0xFFFFC000  }
0x88: {  	[tilespmem:s0], [sflag:$0x1] =	stream.indirect.gather [hbm4b:s4+s29], $0x80, s22, s29, $0xb8;
	[tilespmem:$0x1D800] =	vst v63  }
0x89: {  	_ =	swait.ge [sflag:s31], $0x4000  }
0x8a: {  	[sflag:s31] =	ssyncset.done $0x0  }
0x8b: {  	[sflag:s31] =	ssyncadd.s32 $0xFFFFC000  }
0x8c: {  	[spmem:s1] =	stream.indirect.scatter.add.f32 [tilespmem:s0], [sflag:$0x2], $0x80, s11, s29, $0xb8;
	[tilespmem:$0x1D800] =	vst v63  }
0x8d: {  	_ =	swait.ge [sflag:s7], $0x4000  }
0x8e: {  	[sflag:s7] =	ssyncset.done $0x0  }
0x8f: {  	[sflag:s7] =	ssyncadd.s32 $0xFFFFC000  }
0x90: {  	[tilespmem:s30], [sflag:$0x1] =	stream.indirect.gather [hbm4b:s4+s29], $0x80, s12, s29, $0xb8;
	[tilespmem:$0x1D800] =	vst v63  }
0x91: {  	_ =	swait.ge [sflag:s31], $0x4000  }
0x92: {  	[sflag:s31] =	ssyncset.done $0x0  }
0x93: {  	[sflag:s31] =	ssyncadd.s32 $0xFFFFC000  }
0x94: {  	[spmem:s1] =	stream.indirect.scatter.add.f32 [tilespmem:s30], [sflag:$0x2], $0x80, s13, s29, $0xb8;
	[tilespmem:$0x1D800] =	vst v63  }
0x95: {  	_ =	swait.ge [sflag:s7], $0x4000  }
0x96: {  	[sflag:s7] =	ssyncset.done $0x0  }
0x97: {  	[sflag:s7] =	ssyncadd.s32 $0xFFFFC000  }
0x98: {  	[tilespmem:s0], [sflag:$0x1] =	stream.indirect.gather [hbm4b:s4+s29], $0x80, s14, s29, $0xb8;
	[tilespmem:$0x1D800] =	vst v63  }
0x99: {  	_ =	swait.ge [sflag:s31], $0x4000  }
0x9a: {  	[sflag:s31] =	ssyncset.done $0x0  }
0x9b: {  	[sflag:s31] =	ssyncadd.s32 $0xFFFFC000  }
0x9c: {  	[spmem:s1] =	stream.indirect.scatter.add.f32 [tilespmem:s0], [sflag:$0x2], $0x80, s15, s29, $0xb8;
	[tilespmem:$0x1D800] =	vst v63  }
0x9d: {  	_ =	swait.ge [sflag:s7], $0x4000  }
0x9e: {  	[sflag:s7] =	ssyncset.done $0x0  }
0x9f: {  	[sflag:s7] =	ssyncadd.s32 $0xFFFFC000  }
0xa0: {  	[tilespmem:s30], [sflag:$0x1] =	stream.indirect.gather [hbm4b:s4+s29], $0x80, s16, s29, $0xb8;
	[tilespmem:$0x1D800] =	vst v63  }
0xa1: {  	_ =	swait.ge [sflag:s31], $0x4000  }
0xa2: {  	[sflag:s31] =	ssyncset.done $0x0  }
0xa3: {  	[sflag:s31] =	ssyncadd.s32 $0xFFFFC000  }
0xa4: {  	[spmem:s1] =	stream.indirect.scatter.add.f32 [tilespmem:s30], [sflag:$0x2], $0x80, s17, s29, $0xb8;
	[tilespmem:$0x1D800] =	vst v63  }
0xa5: {  	_ =	swait.ge [sflag:s7], $0x4000  }
0xa6: {  	[sflag:s7] =	ssyncset.done $0x0  }
0xa7: {  	[sflag:s7] =	ssyncadd.s32 $0xFFFFC000  }
0xa8: {  	[tilespmem:s0], [sflag:$0x1] =	stream.indirect.gather [hbm4b:s4+s29], $0x80, s18, s29, $0xb8;
	[tilespmem:$0x1D800] =	vst v63  }
0xa9: {  	_ =	swait.ge [sflag:s31], $0x4000  }
0xaa: {  	[sflag:s31] =	ssyncset.done $0x0  }
0xab: {  	[sflag:s31] =	ssyncadd.s32 $0xFFFFC000  }
0xac: {  	[spmem:s1] =	stream.indirect.scatter.add.f32 [tilespmem:s0], [sflag:$0x2], $0x80, s19, s29, $0xb8;
	[tilespmem:$0x1D800] =	vst v63  }
0xad: {  	_ =	swait.ge [sflag:s7], $0x4000  }
0xae: {  	[sflag:s7] =	ssyncset.done $0x0  }
0xaf: {  	[sflag:s7] =	ssyncadd.s32 $0xFFFFC000  }
.LBB2_21:
0xb0: {  	_ =	swait.ge [sflag:s7], $0x4000  }
0xb1: {  	s20 =	sadd.s32 $0x1, s20;
	[sflag:s7] =	ssyncset.done $0x0  }
0xb2: {  	p1 =	sne.s32 s20, s25;
	[sflag:s7] =	ssyncadd.s32 $0xFFFFC000  }
.Ltmp1:
0xb3: {  	[bflag:$0x0] =	sbarrier.arrive $0xFFFF;
	(pc) =	sbr.rel @!p1 .LBB2_22-.Ltmp1, $4  }
0xb4: {  	[hbm:s24], [sflag:s23] =	dma.local [spmem:s9], $0x2800  }
0xb5: {  	_ =	swait.ge [sflag:s26], $0x2800  }
0xb6: {  	[sflag:s26] =	ssyncset.done $0x0  }
0xb7: {  	[sflag:s26] =	ssyncadd.s32 $0xFFFFD800  }
.LBB2_1:
0xb8: {  	s9 =	sshrl.u32 s6, $0x3  }
0xb9: {  	[spmem:s9], [sflag:s23] =	dma.local [hbm:s5], $0x2800  }
.Ltmp2:
0xba: {  	_ =	swait.ge [sflag:s26], $0x2800;
	(pc) =	sbr.rel @p0 .LBB2_20-.Ltmp2, $3  }
0xbb: {  	[sflag:s26] =	ssyncset.done $0x0  }
0xbc: {  	[sflag:s26] =	ssyncadd.s32 $0xFFFFD800  }
0xbd: {  	[bflag:$0x0] =	sbarrier.arrive $0xFFFF;
	_ =	sdelay $0x1  }
0xbe: {  	s10 =	rddreg [dreg:$0x3]  }
0xbf: {  	[tilespmem:s3], [sflag:$0x3] =	stream.linear.gather [hbm4b:s10+s3], $0xC00, $0x38;
	[tilespmem:$0x1D800] =	vst v63  }
0xc0: {  	_ =	swait.ge [sflag:s26], $0xC00  }
0xc1: {  	[sflag:s26] =	ssyncset.done $0x0  }
0xc2: {  	s22 =	rddreg [dreg:$0x4];
	[sflag:s26] =	ssyncadd.s32 $0xFFFFF400  }
0xc3: {  	[tilespmem:s28], [sflag:$0x3] =	stream.linear.gather [hbm4b:s22+s3], $0xC00, $0x38;
	[tilespmem:$0x1D800] =	vst v63  }
0xc4: {  	_ =	swait.ge [sflag:s26], $0xC00  }
0xc5: {  	[sflag:s26] =	ssyncset.done $0x0  }
0xc6: {  	[sflag:s26] =	ssyncadd.s32 $0xFFFFF400  }
0xc7: {  	[tilespmem:s30], [sflag:$0x1] =	stream.indirect.gather [hbm4b:s4+s29], $0x80, s3, s29, $0xb8;
	[tilespmem:$0x1D800] =	vst v63  }
0xc8: {  	_ =	swait.ge [sflag:s31], $0x4000  }
0xc9: {  	[sflag:s31] =	ssyncset.done $0x0  }
0xca: {  	[sflag:s31] =	ssyncadd.s32 $0xFFFFC000  }
0xcb: {  	[spmem:s1] =	stream.indirect.scatter.add.f32 [tilespmem:s30], [sflag:$0x2], $0x80, s28, s29, $0xb8;
	[tilespmem:$0x1D800] =	vst v63  }
0xcc: {  	_ = 	snop  }
0xcd: {  	[tilespmem:s0], [sflag:$0x1] =	stream.indirect.gather [hbm4b:s4+s29], $0x80, s29, s29, $0xb8;
	[tilespmem:$0x1D800] =	vst v63  }
0xce: {  	_ =	swait.ge [sflag:s31], $0x4000  }
0xcf: {  	[sflag:s31] =	ssyncset.done $0x0  }
0xd0: {  	[sflag:s31] =	ssyncadd.s32 $0xFFFFC000  }
0xd1: {  	[spmem:s1] =	stream.indirect.scatter.add.f32 [tilespmem:s0], [sflag:$0x2], $0x80, s2, s29, $0xb8;
	[tilespmem:$0x1D800] =	vst v63  }
0xd2: {  	_ =	swait.ge [sflag:s7], $0x4000  }
0xd3: {  	[sflag:s7] =	ssyncset.done $0x0  }
0xd4: {  	s21 =	simm.s32 $0xFFFFD800;
	[sflag:s7] =	ssyncadd.s32 $0xFFFFC000  }
0xd5: {  	[tilespmem:s30], [sflag:$0x1] =	stream.indirect.gather [hbm4b:s4+s29], $0x80, s8, s29, $0xb8;
	[tilespmem:$0x1D800] =	vst v63  }
.LBB2_3:
0xd6: {  	_ =	swait.ge [sflag:s31], $0x4000  }
0xd7: {  	s10 =	sshra.s32 s21, $0x2;
	[sflag:s31] =	ssyncset.done $0x0  }
0xd8: {  	s22 =	sadd.s32 $0x1700, s10;
	[sflag:s31] =	ssyncadd.s32 $0xFFFFC000  }
0xd9: {  	[spmem:s1] =	stream.indirect.scatter.add.f32 [tilespmem:s30], [sflag:$0x2], $0x80, s22, s29, $0xb8;
	[tilespmem:$0x1D800] =	vst v63  }
0xda: {  	_ =	swait.ge [sflag:s7], $0x4000  }
0xdb: {  	[sflag:s7] =	ssyncset.done $0x0  }
0xdc: {  	s22 =	sadd.s32 $0xB80, s10;
	[sflag:s7] =	ssyncadd.s32 $0xFFFFC000  }
0xdd: {  	[tilespmem:s0], [sflag:$0x1] =	stream.indirect.gather [hbm4b:s4+s29], $0x80, s22, s29, $0xb8;
	[tilespmem:$0x1D800] =	vst v63  }
0xde: {  	_ =	swait.ge [sflag:s31], $0x4000  }
0xdf: {  	p1 =	seq.s32 s21, $0x0;
	[sflag:s31] =	ssyncset.done $0x0  }
.Ltmp3:
0xe0: {  	s22 =	sadd.s32 $0x1780, s10;
	[sflag:s31] =	ssyncadd.s32 $0xFFFFC000;
	(pc) =	sbr.rel @p1 .LBB2_5-.Ltmp3, $4  }
0xe1: {  	[spmem:s1] =	stream.indirect.scatter.add.f32 [tilespmem:s0], [sflag:$0x2], $0x80, s22, s29, $0xb8;
	[tilespmem:$0x1D800] =	vst v63  }
0xe2: {  	_ =	swait.ge [sflag:s7], $0x4000  }
0xe3: {  	[sflag:s7] =	ssyncset.done $0x0  }
0xe4: {  	[sflag:s7] =	ssyncadd.s32 $0xFFFFC000  }
.Ltmp4:
0xe5: {  	(pc) =	sbr.rel .LBB2_3-.Ltmp4, $3  }
0xe6: {  	_ =	sdelay $0x1  }
0xe7: {  	s10 =	sadd.s32 $0xC00, s10;
	s21 =	sadd.s32 $0x400, s21  }
0xe8: {  	[tilespmem:s30], [sflag:$0x1] =	stream.indirect.gather [hbm4b:s4+s29], $0x80, s10, s29, $0xb8;
	[tilespmem:$0x1D800] =	vst v63  }
.LBB2_5:
0xe9: {  	_ =	swait.ge [sflag:s7], $0x4000  }
0xea: {  	[sflag:s7] =	ssyncset.done $0x0  }
0xeb: {  	s10 =	rddreg [dreg:$0x5];
	[sflag:s7] =	ssyncadd.s32 $0xFFFFC000  }
0xec: {  	[tilespmem:s3], [sflag:$0x3] =	stream.linear.gather [hbm4b:s10+s3], $0xC00, $0x38;
	[tilespmem:$0x1D800] =	vst v63  }
0xed: {  	_ =	swait.ge [sflag:s26], $0xC00  }
0xee: {  	[sflag:s26] =	ssyncset.done $0x0  }
0xef: {  	s22 =	rddreg [dreg:$0x6];
	[sflag:s26] =	ssyncadd.s32 $0xFFFFF400  }
0xf0: {  	[tilespmem:s28], [sflag:$0x3] =	stream.linear.gather [hbm4b:s22+s3], $0xC00, $0x38;
	[tilespmem:$0x1D800] =	vst v63  }
0xf1: {  	_ =	swait.ge [sflag:s26], $0xC00  }
0xf2: {  	[sflag:s26] =	ssyncset.done $0x0  }
0xf3: {  	[sflag:s26] =	ssyncadd.s32 $0xFFFFF400  }
0xf4: {  	[tilespmem:s30], [sflag:$0x1] =	stream.indirect.gather [hbm4b:s4+s29], $0x80, s3, s29, $0xb8;
	[tilespmem:$0x1D800] =	vst v63  }
0xf5: {  	_ =	swait.ge [sflag:s31], $0x4000  }
0xf6: {  	[sflag:s31] =	ssyncset.done $0x0  }
0xf7: {  	[sflag:s31] =	ssyncadd.s32 $0xFFFFC000  }
0xf8: {  	[spmem:s1] =	stream.indirect.scatter.add.f32 [tilespmem:s30], [sflag:$0x2], $0x80, s28, s29, $0xb8;
	[tilespmem:$0x1D800] =	vst v63  }
0xf9: {  	_ = 	snop  }
0xfa: {  	[tilespmem:s0], [sflag:$0x1] =	stream.indirect.gather [hbm4b:s4+s29], $0x80, s29, s29, $0xb8;
	[tilespmem:$0x1D800] =	vst v63  }
0xfb: {  	_ =	swait.ge [sflag:s31], $0x4000  }
0xfc: {  	[sflag:s31] =	ssyncset.done $0x0  }
0xfd: {  	[sflag:s31] =	ssyncadd.s32 $0xFFFFC000  }
0xfe: {  	[spmem:s1] =	stream.indirect.scatter.add.f32 [tilespmem:s0], [sflag:$0x2], $0x80, s2, s29, $0xb8;
	[tilespmem:$0x1D800] =	vst v63  }
0xff: {  	_ =	swait.ge [sflag:s7], $0x4000  }
0x100: {  	[sflag:s7] =	ssyncset.done $0x0  }
0x101: {  	s21 =	simm.s32 $0xFFFFD800;
	[sflag:s7] =	ssyncadd.s32 $0xFFFFC000  }
0x102: {  	[tilespmem:s30], [sflag:$0x1] =	stream.indirect.gather [hbm4b:s4+s29], $0x80, s8, s29, $0xb8;
	[tilespmem:$0x1D800] =	vst v63  }
.LBB2_6:
0x103: {  	_ =	swait.ge [sflag:s31], $0x4000  }
0x104: {  	s10 =	sshra.s32 s21, $0x2;
	[sflag:s31] =	ssyncset.done $0x0  }
0x105: {  	s22 =	sadd.s32 $0x1700, s10;
	[sflag:s31] =	ssyncadd.s32 $0xFFFFC000  }
0x106: {  	[spmem:s1] =	stream.indirect.scatter.add.f32 [tilespmem:s30], [sflag:$0x2], $0x80, s22, s29, $0xb8;
	[tilespmem:$0x1D800] =	vst v63  }
0x107: {  	_ =	swait.ge [sflag:s7], $0x4000  }
0x108: {  	[sflag:s7] =	ssyncset.done $0x0  }
0x109: {  	s22 =	sadd.s32 $0xB80, s10;
	[sflag:s7] =	ssyncadd.s32 $0xFFFFC000  }
0x10a: {  	[tilespmem:s0], [sflag:$0x1] =	stream.indirect.gather [hbm4b:s4+s29], $0x80, s22, s29, $0xb8;
	[tilespmem:$0x1D800] =	vst v63  }
0x10b: {  	_ =	swait.ge [sflag:s31], $0x4000  }
0x10c: {  	p1 =	seq.s32 s21, $0x0;
	[sflag:s31] =	ssyncset.done $0x0  }
.Ltmp5:
0x10d: {  	s22 =	sadd.s32 $0x1780, s10;
	[sflag:s31] =	ssyncadd.s32 $0xFFFFC000;
	(pc) =	sbr.rel @p1 .LBB2_8-.Ltmp5, $4  }
0x10e: {  	[spmem:s1] =	stream.indirect.scatter.add.f32 [tilespmem:s0], [sflag:$0x2], $0x80, s22, s29, $0xb8;
	[tilespmem:$0x1D800] =	vst v63  }
0x10f: {  	_ =	swait.ge [sflag:s7], $0x4000  }
0x110: {  	[sflag:s7] =	ssyncset.done $0x0  }
0x111: {  	[sflag:s7] =	ssyncadd.s32 $0xFFFFC000  }
.Ltmp6:
0x112: {  	(pc) =	sbr.rel .LBB2_6-.Ltmp6, $3  }
0x113: {  	_ =	sdelay $0x1  }
0x114: {  	s10 =	sadd.s32 $0xC00, s10;
	s21 =	sadd.s32 $0x400, s21  }
0x115: {  	[tilespmem:s30], [sflag:$0x1] =	stream.indirect.gather [hbm4b:s4+s29], $0x80, s10, s29, $0xb8;
	[tilespmem:$0x1D800] =	vst v63  }
.LBB2_8:
0x116: {  	_ =	swait.ge [sflag:s7], $0x4000  }
0x117: {  	[sflag:s7] =	ssyncset.done $0x0  }
0x118: {  	s10 =	rddreg [dreg:$0x7];
	[sflag:s7] =	ssyncadd.s32 $0xFFFFC000  }
0x119: {  	[tilespmem:s3], [sflag:$0x3] =	stream.linear.gather [hbm4b:s10+s3], $0xC00, $0x38;
	[tilespmem:$0x1D800] =	vst v63  }
0x11a: {  	_ =	swait.ge [sflag:s26], $0xC00  }
0x11b: {  	[sflag:s26] =	ssyncset.done $0x0  }
0x11c: {  	s22 =	rddreg [dreg:$0x8];
	[sflag:s26] =	ssyncadd.s32 $0xFFFFF400  }
0x11d: {  	[tilespmem:s28], [sflag:$0x3] =	stream.linear.gather [hbm4b:s22+s3], $0xC00, $0x38;
	[tilespmem:$0x1D800] =	vst v63  }
0x11e: {  	_ =	swait.ge [sflag:s26], $0xC00  }
0x11f: {  	[sflag:s26] =	ssyncset.done $0x0  }
0x120: {  	[sflag:s26] =	ssyncadd.s32 $0xFFFFF400  }
0x121: {  	[tilespmem:s30], [sflag:$0x1] =	stream.indirect.gather [hbm4b:s4+s29], $0x80, s3, s29, $0xb8;
	[tilespmem:$0x1D800] =	vst v63  }
0x122: {  	_ =	swait.ge [sflag:s31], $0x4000  }
0x123: {  	[sflag:s31] =	ssyncset.done $0x0  }
0x124: {  	[sflag:s31] =	ssyncadd.s32 $0xFFFFC000  }
0x125: {  	[spmem:s1] =	stream.indirect.scatter.add.f32 [tilespmem:s30], [sflag:$0x2], $0x80, s28, s29, $0xb8;
	[tilespmem:$0x1D800] =	vst v63  }
0x126: {  	_ = 	snop  }
0x127: {  	[tilespmem:s0], [sflag:$0x1] =	stream.indirect.gather [hbm4b:s4+s29], $0x80, s29, s29, $0xb8;
	[tilespmem:$0x1D800] =	vst v63  }
0x128: {  	_ =	swait.ge [sflag:s31], $0x4000  }
0x129: {  	[sflag:s31] =	ssyncset.done $0x0  }
0x12a: {  	[sflag:s31] =	ssyncadd.s32 $0xFFFFC000  }
0x12b: {  	[spmem:s1] =	stream.indirect.scatter.add.f32 [tilespmem:s0], [sflag:$0x2], $0x80, s2, s29, $0xb8;
	[tilespmem:$0x1D800] =	vst v63  }
0x12c: {  	_ =	swait.ge [sflag:s7], $0x4000  }
0x12d: {  	[sflag:s7] =	ssyncset.done $0x0  }
0x12e: {  	s21 =	simm.s32 $0xFFFFD800;
	[sflag:s7] =	ssyncadd.s32 $0xFFFFC000  }
0x12f: {  	[tilespmem:s30], [sflag:$0x1] =	stream.indirect.gather [hbm4b:s4+s29], $0x80, s8, s29, $0xb8;
	[tilespmem:$0x1D800] =	vst v63  }
.LBB2_9:
0x130: {  	_ =	swait.ge [sflag:s31], $0x4000  }
0x131: {  	s10 =	sshra.s32 s21, $0x2;
	[sflag:s31] =	ssyncset.done $0x0  }
0x132: {  	s22 =	sadd.s32 $0x1700, s10;
	[sflag:s31] =	ssyncadd.s32 $0xFFFFC000  }
0x133: {  	[spmem:s1] =	stream.indirect.scatter.add.f32 [tilespmem:s30], [sflag:$0x2], $0x80, s22, s29, $0xb8;
	[tilespmem:$0x1D800] =	vst v63  }
0x134: {  	_ =	swait.ge [sflag:s7], $0x4000  }
0x135: {  	[sflag:s7] =	ssyncset.done $0x0  }
0x136: {  	s22 =	sadd.s32 $0xB80, s10;
	[sflag:s7] =	ssyncadd.s32 $0xFFFFC000  }
0x137: {  	[tilespmem:s0], [sflag:$0x1] =	stream.indirect.gather [hbm4b:s4+s29], $0x80, s22, s29, $0xb8;
	[tilespmem:$0x1D800] =	vst v63  }
0x138: {  	_ =	swait.ge [sflag:s31], $0x4000  }
0x139: {  	p1 =	seq.s32 s21, $0x0;
	[sflag:s31] =	ssyncset.done $0x0  }
.Ltmp7:
0x13a: {  	s22 =	sadd.s32 $0x1780, s10;
	[sflag:s31] =	ssyncadd.s32 $0xFFFFC000;
	(pc) =	sbr.rel @p1 .LBB2_11-.Ltmp7, $4  }
0x13b: {  	[spmem:s1] =	stream.indirect.scatter.add.f32 [tilespmem:s0], [sflag:$0x2], $0x80, s22, s29, $0xb8;
	[tilespmem:$0x1D800] =	vst v63  }
0x13c: {  	_ =	swait.ge [sflag:s7], $0x4000  }
0x13d: {  	[sflag:s7] =	ssyncset.done $0x0  }
0x13e: {  	[sflag:s7] =	ssyncadd.s32 $0xFFFFC000  }
.Ltmp8:
0x13f: {  	(pc) =	sbr.rel .LBB2_9-.Ltmp8, $3  }
0x140: {  	_ =	sdelay $0x1  }
0x141: {  	s10 =	sadd.s32 $0xC00, s10;
	s21 =	sadd.s32 $0x400, s21  }
0x142: {  	[tilespmem:s30], [sflag:$0x1] =	stream.indirect.gather [hbm4b:s4+s29], $0x80, s10, s29, $0xb8;
	[tilespmem:$0x1D800] =	vst v63  }
.LBB2_11:
0x143: {  	_ =	swait.ge [sflag:s7], $0x4000  }
0x144: {  	[sflag:s7] =	ssyncset.done $0x0  }
0x145: {  	s10 =	rddreg [dreg:$0x9];
	[sflag:s7] =	ssyncadd.s32 $0xFFFFC000  }
0x146: {  	[tilespmem:s3], [sflag:$0x3] =	stream.linear.gather [hbm4b:s10+s3], $0xC00, $0x38;
	[tilespmem:$0x1D800] =	vst v63  }
0x147: {  	_ =	swait.ge [sflag:s26], $0xC00  }
0x148: {  	[sflag:s26] =	ssyncset.done $0x0  }
0x149: {  	s22 =	rddreg [dreg:$0xa];
	[sflag:s26] =	ssyncadd.s32 $0xFFFFF400  }
0x14a: {  	[tilespmem:s28], [sflag:$0x3] =	stream.linear.gather [hbm4b:s22+s3], $0xC00, $0x38;
	[tilespmem:$0x1D800] =	vst v63  }
0x14b: {  	_ =	swait.ge [sflag:s26], $0xC00  }
0x14c: {  	[sflag:s26] =	ssyncset.done $0x0  }
0x14d: {  	[sflag:s26] =	ssyncadd.s32 $0xFFFFF400  }
0x14e: {  	[tilespmem:s30], [sflag:$0x1] =	stream.indirect.gather [hbm4b:s4+s29], $0x80, s3, s29, $0xb8;
	[tilespmem:$0x1D800] =	vst v63  }
0x14f: {  	_ =	swait.ge [sflag:s31], $0x4000  }
0x150: {  	[sflag:s31] =	ssyncset.done $0x0  }
0x151: {  	[sflag:s31] =	ssyncadd.s32 $0xFFFFC000  }
0x152: {  	[spmem:s1] =	stream.indirect.scatter.add.f32 [tilespmem:s30], [sflag:$0x2], $0x80, s28, s29, $0xb8;
	[tilespmem:$0x1D800] =	vst v63  }
0x153: {  	_ = 	snop  }
0x154: {  	[tilespmem:s0], [sflag:$0x1] =	stream.indirect.gather [hbm4b:s4+s29], $0x80, s29, s29, $0xb8;
	[tilespmem:$0x1D800] =	vst v63  }
0x155: {  	_ =	swait.ge [sflag:s31], $0x4000  }
0x156: {  	[sflag:s31] =	ssyncset.done $0x0  }
0x157: {  	[sflag:s31] =	ssyncadd.s32 $0xFFFFC000  }
0x158: {  	[spmem:s1] =	stream.indirect.scatter.add.f32 [tilespmem:s0], [sflag:$0x2], $0x80, s2, s29, $0xb8;
	[tilespmem:$0x1D800] =	vst v63  }
0x159: {  	_ =	swait.ge [sflag:s7], $0x4000  }
0x15a: {  	[sflag:s7] =	ssyncset.done $0x0  }
0x15b: {  	s21 =	simm.s32 $0xFFFFD800;
	[sflag:s7] =	ssyncadd.s32 $0xFFFFC000  }
0x15c: {  	[tilespmem:s30], [sflag:$0x1] =	stream.indirect.gather [hbm4b:s4+s29], $0x80, s8, s29, $0xb8;
	[tilespmem:$0x1D800] =	vst v63  }
.LBB2_12:
0x15d: {  	_ =	swait.ge [sflag:s31], $0x4000  }
0x15e: {  	s10 =	sshra.s32 s21, $0x2;
	[sflag:s31] =	ssyncset.done $0x0  }
0x15f: {  	s22 =	sadd.s32 $0x1700, s10;
	[sflag:s31] =	ssyncadd.s32 $0xFFFFC000  }
0x160: {  	[spmem:s1] =	stream.indirect.scatter.add.f32 [tilespmem:s30], [sflag:$0x2], $0x80, s22, s29, $0xb8;
	[tilespmem:$0x1D800] =	vst v63  }
0x161: {  	_ =	swait.ge [sflag:s7], $0x4000  }
0x162: {  	[sflag:s7] =	ssyncset.done $0x0  }
0x163: {  	s22 =	sadd.s32 $0xB80, s10;
	[sflag:s7] =	ssyncadd.s32 $0xFFFFC000  }
0x164: {  	[tilespmem:s0], [sflag:$0x1] =	stream.indirect.gather [hbm4b:s4+s29], $0x80, s22, s29, $0xb8;
	[tilespmem:$0x1D800] =	vst v63  }
0x165: {  	_ =	swait.ge [sflag:s31], $0x4000  }
0x166: {  	p1 =	seq.s32 s21, $0x0;
	[sflag:s31] =	ssyncset.done $0x0  }
.Ltmp9:
0x167: {  	s22 =	sadd.s32 $0x1780, s10;
	[sflag:s31] =	ssyncadd.s32 $0xFFFFC000;
	(pc) =	sbr.rel @p1 .LBB2_14-.Ltmp9, $4  }
0x168: {  	[spmem:s1] =	stream.indirect.scatter.add.f32 [tilespmem:s0], [sflag:$0x2], $0x80, s22, s29, $0xb8;
	[tilespmem:$0x1D800] =	vst v63  }
0x169: {  	_ =	swait.ge [sflag:s7], $0x4000  }
0x16a: {  	[sflag:s7] =	ssyncset.done $0x0  }
0x16b: {  	[sflag:s7] =	ssyncadd.s32 $0xFFFFC000  }
.Ltmp10:
0x16c: {  	(pc) =	sbr.rel .LBB2_12-.Ltmp10, $3  }
0x16d: {  	_ =	sdelay $0x1  }
0x16e: {  	s10 =	sadd.s32 $0xC00, s10;
	s21 =	sadd.s32 $0x400, s21  }
0x16f: {  	[tilespmem:s30], [sflag:$0x1] =	stream.indirect.gather [hbm4b:s4+s29], $0x80, s10, s29, $0xb8;
	[tilespmem:$0x1D800] =	vst v63  }
.LBB2_14:
0x170: {  	_ =	swait.ge [sflag:s7], $0x4000  }
0x171: {  	[sflag:s7] =	ssyncset.done $0x0  }
0x172: {  	s10 =	rddreg [dreg:$0xb];
	[sflag:s7] =	ssyncadd.s32 $0xFFFFC000  }
0x173: {  	[tilespmem:s3], [sflag:$0x3] =	stream.linear.gather [hbm4b:s10+s3], $0xC00, $0x38;
	[tilespmem:$0x1D800] =	vst v63  }
0x174: {  	_ =	swait.ge [sflag:s26], $0xC00  }
0x175: {  	[sflag:s26] =	ssyncset.done $0x0  }
0x176: {  	s22 =	rddreg [dreg:$0xc];
	[sflag:s26] =	ssyncadd.s32 $0xFFFFF400  }
0x177: {  	[tilespmem:s28], [sflag:$0x3] =	stream.linear.gather [hbm4b:s22+s3], $0xC00, $0x38;
	[tilespmem:$0x1D800] =	vst v63  }
0x178: {  	_ =	swait.ge [sflag:s26], $0xC00  }
0x179: {  	[sflag:s26] =	ssyncset.done $0x0  }
0x17a: {  	[sflag:s26] =	ssyncadd.s32 $0xFFFFF400  }
0x17b: {  	[tilespmem:s30], [sflag:$0x1] =	stream.indirect.gather [hbm4b:s4+s29], $0x80, s3, s29, $0xb8;
	[tilespmem:$0x1D800] =	vst v63  }
0x17c: {  	_ =	swait.ge [sflag:s31], $0x4000  }
0x17d: {  	[sflag:s31] =	ssyncset.done $0x0  }
0x17e: {  	[sflag:s31] =	ssyncadd.s32 $0xFFFFC000  }
0x17f: {  	[spmem:s1] =	stream.indirect.scatter.add.f32 [tilespmem:s30], [sflag:$0x2], $0x80, s28, s29, $0xb8;
	[tilespmem:$0x1D800] =	vst v63  }
0x180: {  	_ = 	snop  }
0x181: {  	[tilespmem:s0], [sflag:$0x1] =	stream.indirect.gather [hbm4b:s4+s29], $0x80, s29, s29, $0xb8;
	[tilespmem:$0x1D800] =	vst v63  }
0x182: {  	_ =	swait.ge [sflag:s31], $0x4000  }
0x183: {  	[sflag:s31] =	ssyncset.done $0x0  }
0x184: {  	[sflag:s31] =	ssyncadd.s32 $0xFFFFC000  }
0x185: {  	[spmem:s1] =	stream.indirect.scatter.add.f32 [tilespmem:s0], [sflag:$0x2], $0x80, s2, s29, $0xb8;
	[tilespmem:$0x1D800] =	vst v63  }
0x186: {  	_ =	swait.ge [sflag:s7], $0x4000  }
0x187: {  	[sflag:s7] =	ssyncset.done $0x0  }
0x188: {  	s21 =	simm.s32 $0xFFFFD800;
	[sflag:s7] =	ssyncadd.s32 $0xFFFFC000  }
0x189: {  	[tilespmem:s30], [sflag:$0x1] =	stream.indirect.gather [hbm4b:s4+s29], $0x80, s8, s29, $0xb8;
	[tilespmem:$0x1D800] =	vst v63  }
.LBB2_15:
0x18a: {  	_ =	swait.ge [sflag:s31], $0x4000  }
0x18b: {  	s10 =	sshra.s32 s21, $0x2;
	[sflag:s31] =	ssyncset.done $0x0  }
0x18c: {  	s22 =	sadd.s32 $0x1700, s10;
	[sflag:s31] =	ssyncadd.s32 $0xFFFFC000  }
0x18d: {  	[spmem:s1] =	stream.indirect.scatter.add.f32 [tilespmem:s30], [sflag:$0x2], $0x80, s22, s29, $0xb8;
	[tilespmem:$0x1D800] =	vst v63  }
0x18e: {  	_ =	swait.ge [sflag:s7], $0x4000  }
0x18f: {  	[sflag:s7] =	ssyncset.done $0x0  }
0x190: {  	s22 =	sadd.s32 $0xB80, s10;
	[sflag:s7] =	ssyncadd.s32 $0xFFFFC000  }
0x191: {  	[tilespmem:s0], [sflag:$0x1] =	stream.indirect.gather [hbm4b:s4+s29], $0x80, s22, s29, $0xb8;
	[tilespmem:$0x1D800] =	vst v63  }
0x192: {  	_ =	swait.ge [sflag:s31], $0x4000  }
0x193: {  	p1 =	seq.s32 s21, $0x0;
	[sflag:s31] =	ssyncset.done $0x0  }
.Ltmp11:
0x194: {  	s22 =	sadd.s32 $0x1780, s10;
	[sflag:s31] =	ssyncadd.s32 $0xFFFFC000;
	(pc) =	sbr.rel @p1 .LBB2_17-.Ltmp11, $4  }
0x195: {  	[spmem:s1] =	stream.indirect.scatter.add.f32 [tilespmem:s0], [sflag:$0x2], $0x80, s22, s29, $0xb8;
	[tilespmem:$0x1D800] =	vst v63  }
0x196: {  	_ =	swait.ge [sflag:s7], $0x4000  }
0x197: {  	[sflag:s7] =	ssyncset.done $0x0  }
0x198: {  	[sflag:s7] =	ssyncadd.s32 $0xFFFFC000  }
.Ltmp12:
0x199: {  	(pc) =	sbr.rel .LBB2_15-.Ltmp12, $3  }
0x19a: {  	_ =	sdelay $0x1  }
0x19b: {  	s10 =	sadd.s32 $0xC00, s10;
	s21 =	sadd.s32 $0x400, s21  }
0x19c: {  	[tilespmem:s30], [sflag:$0x1] =	stream.indirect.gather [hbm4b:s4+s29], $0x80, s10, s29, $0xb8;
	[tilespmem:$0x1D800] =	vst v63  }
.LBB2_17:
0x19d: {  	_ =	swait.ge [sflag:s7], $0x4000  }
0x19e: {  	[sflag:s7] =	ssyncset.done $0x0  }
0x19f: {  	s10 =	rddreg [dreg:$0xd];
	[sflag:s7] =	ssyncadd.s32 $0xFFFFC000  }
0x1a0: {  	[tilespmem:s3], [sflag:$0x3] =	stream.linear.gather [hbm4b:s10+s3], $0xC00, $0x38;
	[tilespmem:$0x1D800] =	vst v63  }
0x1a1: {  	_ =	swait.ge [sflag:s26], $0xC00  }
0x1a2: {  	[sflag:s26] =	ssyncset.done $0x0  }
0x1a3: {  	s22 =	rddreg [dreg:$0xe];
	[sflag:s26] =	ssyncadd.s32 $0xFFFFF400  }
0x1a4: {  	[tilespmem:s28], [sflag:$0x3] =	stream.linear.gather [hbm4b:s22+s3], $0xC00, $0x38;
	[tilespmem:$0x1D800] =	vst v63  }
0x1a5: {  	_ =	swait.ge [sflag:s26], $0xC00  }
0x1a6: {  	[sflag:s26] =	ssyncset.done $0x0  }
0x1a7: {  	[sflag:s26] =	ssyncadd.s32 $0xFFFFF400  }
0x1a8: {  	[tilespmem:s30], [sflag:$0x1] =	stream.indirect.gather [hbm4b:s4+s29], $0x80, s3, s29, $0xb8;
	[tilespmem:$0x1D800] =	vst v63  }
0x1a9: {  	_ =	swait.ge [sflag:s31], $0x4000  }
0x1aa: {  	[sflag:s31] =	ssyncset.done $0x0  }
0x1ab: {  	[sflag:s31] =	ssyncadd.s32 $0xFFFFC000  }
0x1ac: {  	[spmem:s1] =	stream.indirect.scatter.add.f32 [tilespmem:s30], [sflag:$0x2], $0x80, s28, s29, $0xb8;
	[tilespmem:$0x1D800] =	vst v63  }
0x1ad: {  	_ = 	snop  }
0x1ae: {  	[tilespmem:s0], [sflag:$0x1] =	stream.indirect.gather [hbm4b:s4+s29], $0x80, s29, s29, $0xb8;
	[tilespmem:$0x1D800] =	vst v63  }
0x1af: {  	_ =	swait.ge [sflag:s31], $0x4000  }
0x1b0: {  	[sflag:s31] =	ssyncset.done $0x0  }
0x1b1: {  	[sflag:s31] =	ssyncadd.s32 $0xFFFFC000  }
0x1b2: {  	[spmem:s1] =	stream.indirect.scatter.add.f32 [tilespmem:s0], [sflag:$0x2], $0x80, s2, s29, $0xb8;
	[tilespmem:$0x1D800] =	vst v63  }
0x1b3: {  	_ =	swait.ge [sflag:s7], $0x4000  }
0x1b4: {  	[sflag:s7] =	ssyncset.done $0x0  }
0x1b5: {  	s21 =	simm.s32 $0xFFFFD800;
	[sflag:s7] =	ssyncadd.s32 $0xFFFFC000  }
0x1b6: {  	[tilespmem:s30], [sflag:$0x1] =	stream.indirect.gather [hbm4b:s4+s29], $0x80, s8, s29, $0xb8;
	[tilespmem:$0x1D800] =	vst v63  }
.LBB2_18:
0x1b7: {  	_ =	swait.ge [sflag:s31], $0x4000  }
0x1b8: {  	s10 =	sshra.s32 s21, $0x2;
	[sflag:s31] =	ssyncset.done $0x0  }
0x1b9: {  	s22 =	sadd.s32 $0x1700, s10;
	[sflag:s31] =	ssyncadd.s32 $0xFFFFC000  }
0x1ba: {  	[spmem:s1] =	stream.indirect.scatter.add.f32 [tilespmem:s30], [sflag:$0x2], $0x80, s22, s29, $0xb8;
	[tilespmem:$0x1D800] =	vst v63  }
0x1bb: {  	_ =	swait.ge [sflag:s7], $0x4000  }
0x1bc: {  	[sflag:s7] =	ssyncset.done $0x0  }
0x1bd: {  	s22 =	sadd.s32 $0xB80, s10;
	[sflag:s7] =	ssyncadd.s32 $0xFFFFC000  }
0x1be: {  	[tilespmem:s0], [sflag:$0x1] =	stream.indirect.gather [hbm4b:s4+s29], $0x80, s22, s29, $0xb8;
	[tilespmem:$0x1D800] =	vst v63  }
0x1bf: {  	_ =	swait.ge [sflag:s31], $0x4000  }
0x1c0: {  	p1 =	seq.s32 s21, $0x0;
	[sflag:s31] =	ssyncset.done $0x0  }
.Ltmp13:
0x1c1: {  	s22 =	sadd.s32 $0x1780, s10;
	[sflag:s31] =	ssyncadd.s32 $0xFFFFC000;
	(pc) =	sbr.rel @p1 .LBB2_21-.Ltmp13, $4  }
0x1c2: {  	[spmem:s1] =	stream.indirect.scatter.add.f32 [tilespmem:s0], [sflag:$0x2], $0x80, s22, s29, $0xb8;
	[tilespmem:$0x1D800] =	vst v63  }
0x1c3: {  	_ =	swait.ge [sflag:s7], $0x4000  }
0x1c4: {  	[sflag:s7] =	ssyncset.done $0x0  }
0x1c5: {  	[sflag:s7] =	ssyncadd.s32 $0xFFFFC000  }
.Ltmp14:
0x1c6: {  	(pc) =	sbr.rel .LBB2_18-.Ltmp14, $3  }
0x1c7: {  	_ =	sdelay $0x1  }
0x1c8: {  	s10 =	sadd.s32 $0xC00, s10;
	s21 =	sadd.s32 $0x400, s21  }
0x1c9: {  	[tilespmem:s30], [sflag:$0x1] =	stream.indirect.gather [hbm4b:s4+s29], $0x80, s10, s29, $0xb8;
	[tilespmem:$0x1D800] =	vst v63  }
.LBB2_22:
0x1ca: {  	_ =	sfence.sel $0x180000  }
0x1cb: {  	[bflag:$0x0] =	sbarrier.arrive $0xFFFF  }
0x1cc: {  	_ =	strace $0x9000004D  }
0x1cd: {  	s0 =	stileid.u32;
	[bflag:$0x2] =	sbarrier.arrive $0xFFFF  }
0x1ce: {  	p0 =	sne.s32 s0, $0x0;
	s0 =	rddreg [dreg:$0x2]  }
0x1cf: {  	s0 =	sadd.s32 @!p0 $0x100000, s0  }
0x1d0: {  	[sflag:s0] =	ssyncadd.tile.s32 @!p0 $0x1;
	_ =	shalt  }
.Lfunc_end2:
_tile_overlayer_lowered:
.L_overlay_start_2:
0x1d1: {  	(tag) =	ssettag $0x2  }
0x1d2: {  	s0 =	rddreg [dreg:$0x0];
	s2 =	stileid.u32  }
0x1d3: {  	s1 =	rddreg [dreg:$0x1];
	p0 =	sne.s32 s2, $0x0  }
0x1d4: {  	s3 =	rddreg [dreg:$0x2];
	[bflag:$0x3] =	sbarrier.arrive $0xFFFF;
	s2 =	simm.s32 @!p0 $0x1C03  }
0x1d5: {  	[timem:s3], [sflag:s2] =	dma.local @!p0 [hbm:s0], s1  }
0x1d6: {  	s0 =	simm.s32 @!p0 $0x3  }
0x1d7: {  	_ =	swait.ge @!p0 [sflag:s0], s1  }
0x1d8: {  	s1 =	ssub.s32 @!p0 $0x0, s1;
	[sflag:s0] =	ssyncset.done @!p0 $0x0  }
0x1d9: {  	[sflag:s0] =	ssyncadd.s32 @!p0 s1  }
0x1da: {  	[bflag:$0x3] =	sbarrier.arrive $0xFFFF  }
0x1db: {  	_ =	shalt  }

</sc_bundles>
